<compile_context>
chip_gen: v7x
topology: tpu7x:2x2x1
jax: 0.10.2.dev20260603
libtpu: 0.0.44.dev20260713+nightly
codegen_flags: <defaults>
</compile_context>

<pallas_src>
import functools

import jax
import jax.numpy as jnp
from jax import lax
from jax.experimental import pallas as pl
from jax.experimental.pallas import tpu as pltpu
from jax.experimental.pallas import tpu_sc as plsc

N = 10000
E = 320000
NP = 10112
NTILES = 32
CH = 128
NCHUNK = 80
K = 8
NC0 = 64
NC1 = 96
TCHUNK = NTILES * NCHUNK
EP = NTILES * NCHUNK * CH
DH = 48
DO = 8
RPT = NP // 16

_mesh = plsc.VectorSubcoreMesh(core_axis_name="c", subcore_axis_name="s")
_sc_params = pltpu.CompilerParams(
    needs_layout_passes=False, use_tc_tiling_on_sc=False)


@functools.partial(
    pl.kernel,
    mesh=_mesh,
    out_type=jax.ShapeDtypeStruct((NTILES * NP,), jnp.float32),
    compiler_params=_sc_params,
    scratch_types=[
        pltpu.VMEM((NCHUNK, CH), jnp.int32),
        pltpu.VMEM((NP,), jnp.float32),
    ],
)
def _deg_kernel(dst_hbm, out_hbm, dst_v, hist_v):
    cid = lax.axis_index("c")
    sid = lax.axis_index("s")
    wid = cid * 16 + sid
    pltpu.sync_copy(dst_hbm.at[pl.ds(wid * NCHUNK, NCHUNK)], dst_v)
    zeros16 = jnp.zeros((16,), jnp.float32)

    def _zero(i, carry):
        hist_v[pl.ds(i * 16, 16)] = zeros16
        return carry

    lax.fori_loop(0, NP // 16, _zero, 0)
    ones16 = jnp.ones((16,), jnp.float32)
    groups = CH // 16

    def _count(i, carry):
        c = i // groups
        k = i % groups
        idx = dst_v[c, pl.ds(k * 16, 16)]
        plsc.addupdate_scatter(hist_v, [idx], ones16)
        return carry

    lax.fori_loop(0, NCHUNK * groups, _count, 0)
    pltpu.sync_copy(hist_v, out_hbm.at[pl.ds(wid * NP, NP)])


def _make_agg(W):
    @functools.partial(
        pl.kernel,
        mesh=_mesh,
        out_type=jax.ShapeDtypeStruct((2, NP, W), jnp.float32),
        compiler_params=_sc_params,
        scratch_types=[
            pltpu.VMEM((NC1, CH), jnp.int32),
            pltpu.VMEM((NC1, CH), jnp.int32),
            pltpu.VMEM((K, CH, W), jnp.float32),
            pltpu.VMEM((CH, W), jnp.float32),
            pltpu.VMEM_SHARED((NP, W), jnp.float32),
            pltpu.SemaphoreType.DMA,
            pltpu.SemaphoreType.DMA,
        ],
    )
    def _agg(tab_hbm, src_hbm, dst_hbm, zeros_hbm, out_hbm,
             src_v, dst_v, rows_v, zero_v, acc_sh, gsem, ssem):
        cid = lax.axis_index("c")
        sid = lax.axis_index("s")
        start = jnp.where(cid == 0, sid * NC0, 16 * NC0 + sid * NC1)
        nbatch = jnp.where(cid == 0, NC0 // K, NC1 // K)

        @pl.when(cid == 0)
        def _():
            pltpu.sync_copy(src_hbm.at[pl.ds(start, NC0)],
                            src_v.at[pl.ds(0, NC0)])
            pltpu.sync_copy(dst_hbm.at[pl.ds(start, NC0)],
                            dst_v.at[pl.ds(0, NC0)])

        @pl.when(cid == 1)
        def _():
            pltpu.sync_copy(src_hbm.at[pl.ds(start, NC1)], src_v)
            pltpu.sync_copy(dst_hbm.at[pl.ds(start, NC1)], dst_v)

        pltpu.sync_copy(zeros_hbm, zero_v)

        base = sid * RPT
        off = 0
        while off < RPT:
            n = min(CH, RPT - off)
            pltpu.sync_copy(zero_v.at[pl.ds(0, n)],
                            acc_sh.at[pl.ds(base + off, n)])
            off += n
        plsc.subcore_barrier()

        def _batch(g, carry):
            c0 = g * K
            for j in range(K):
                pltpu.async_copy(
                    tab_hbm.at[src_v.at[c0 + j]], rows_v.at[j], gsem)
            for j in range(K):
                pltpu.make_async_copy(
                    tab_hbm.at[src_v.at[c0 + j]], rows_v.at[j], gsem).wait()
            for j in range(K):
                pltpu.async_copy(
                    rows_v.at[j], acc_sh.at[dst_v.at[c0 + j]], ssem, add=True)
            for j in range(K):
                pltpu.make_async_copy(
                    rows_v.at[j], acc_sh.at[dst_v.at[c0 + j]], ssem).wait()
            return carry

        lax.fori_loop(0, nbatch, _batch, 0)
        plsc.subcore_barrier()
        pltpu.sync_copy(acc_sh.at[pl.ds(base, RPT)],
                        out_hbm.at[cid, pl.ds(base, RPT)])

    return _agg


_agg_hid = _make_agg(DH)
_agg_out = _make_agg(DO)


def _mm1_body(x_ref, w1_ref, degp_ref, hs_ref, dinv_ref):
    deg = jnp.sum(degp_ref[...], axis=1, keepdims=True) + 1.0
    dinv = lax.rsqrt(deg)
    h = jnp.dot(x_ref[...], w1_ref[...], preferred_element_type=jnp.float32)
    hs_ref[pl.ds(0, N), :] = h * dinv[:N]
    hs_ref[pl.ds(N, NP - N), :] = jnp.zeros((NP - N, DH), jnp.float32)
    dinv_ref[...] = dinv


def _mm2_body(s1_ref, hs_ref, dinv_ref, w2_ref, b1_ref, out_ref):
    s1 = s1_ref[0] + s1_ref[1]
    dinv = dinv_ref[...]
    out1 = dinv * (s1 + hs_ref[...]) + b1_ref[...]
    r = jnp.maximum(out1, 0.0)
    h2 = jnp.dot(r, w2_ref[...], preferred_element_type=jnp.float32)
    out_ref[...] = h2 * dinv


def _fin_body(s2_ref, h2s_ref, dinv_ref, b2_ref, out_ref):
    s2 = s2_ref[0] + s2_ref[1]
    o = dinv_ref[...] * (s2 + h2s_ref[...]) + b2_ref[...]
    a = o[:, 0:1]
    b = o[:, 1:2]
    m = jnp.maximum(a, b)
    lse = m + jnp.log(jnp.exp(a - m) + jnp.exp(b - m))
    out_ref[...] = o - lse


def kernel(x, edge_index, W1, b1, W2, b2):
    src = edge_index[0].astype(jnp.int32)
    dst = edge_index[1].astype(jnp.int32)
    pad = jnp.full((EP - E,), N, jnp.int32)
    srcp = jnp.concatenate([src, pad]).reshape(TCHUNK, CH)
    dstp = jnp.concatenate([dst, pad]).reshape(TCHUNK, CH)
    w1p = jnp.pad(W1, ((0, 0), (0, DH - W1.shape[1])))
    b1p = jnp.pad(b1, (0, DH - b1.shape[0]))[None, :]
    w2p = jnp.pad(W2, ((0, DH - W2.shape[0]), (0, DO - W2.shape[1])))
    b2p = jnp.pad(b2, (0, DO - b2.shape[0]))[None, :]
    z1 = jnp.zeros((CH, DH), jnp.float32)
    z2 = jnp.zeros((CH, DO), jnp.float32)

    degp = _deg_kernel(dstp)
    degp_t = degp.reshape(NTILES, NP).T

    hs, dinv = pl.pallas_call(
        _mm1_body,
        out_shape=[
            jax.ShapeDtypeStruct((NP, DH), jnp.float32),
            jax.ShapeDtypeStruct((NP, 1), jnp.float32),
        ],
    )(x, w1p, degp_t)

    s1 = _agg_hid(hs, srcp, dstp, z1)

    h2s = pl.pallas_call(
        _mm2_body,
        out_shape=jax.ShapeDtypeStruct((NP, DO), jnp.float32),
    )(s1, hs, dinv, w2p, b1p)

    s2 = _agg_out(h2s, srcp, dstp, z2)

    o = pl.pallas_call(
        _fin_body,
        out_shape=jax.ShapeDtypeStruct((NP, DO), jnp.float32),
    )(s2, h2s, dinv, b2p)

    return o[:N, :2]

# --- scband reference (transcript-rebuilt; emitter-appended) ---
"""Pipeline reference for scband-method-gcn-10393820856553 (READ-ONLY COPY).

The authoritative reference and input builder live on the scoring server;
editing this copy changes nothing except your own understanding.
"""

import jax, jax.numpy as jnp
import numpy as np

N_NODES = 10000
N_EDGES = 320000
D_IN = 128
D_HID = 35
D_OUT = 2


def _gcn_conv(x, edge_index, W, b):
    num_nodes = x.shape[0]
    src = edge_index[0]
    dst = edge_index[1]
    # add self-loops (GCNConv default)
    loop = jnp.arange(num_nodes, dtype=src.dtype)
    src = jnp.concatenate([src, loop])
    dst = jnp.concatenate([dst, loop])
    # symmetric normalization D^{-1/2} A_hat D^{-1/2}
    deg = jnp.zeros((num_nodes,), dtype=x.dtype).at[dst].add(1.0)
    dinv = jnp.where(deg > 0, deg ** -0.5, 0.0)
    norm = dinv[src] * dinv[dst]
    h = x @ W
    msg = h[src] * norm[:, None]
    out = jnp.zeros((num_nodes, W.shape[1]), dtype=x.dtype).at[dst].add(msg)
    return out + b


def setup_inputs(seed: int = 0) -> dict:
    key = jax.random.key(seed)
    k1, k2, k3, k4, k5 = jax.random.split(key, 5)
    x = jax.random.normal(k1, (N_NODES, D_IN), dtype=jnp.float32)
    edge_index = jax.random.randint(k2, (2, N_EDGES), 0, N_NODES, dtype=jnp.int64)
    s1 = (1.0 / D_IN) ** 0.5
    s2 = (1.0 / D_HID) ** 0.5
    W1 = jax.random.uniform(k3, (D_IN, D_HID), minval=-s1, maxval=s1, dtype=jnp.float32)
    b1 = jnp.zeros((D_HID,), dtype=jnp.float32)
    W2 = jax.random.uniform(k4, (D_HID, D_OUT), minval=-s2, maxval=s2, dtype=jnp.float32)
    b2 = jnp.zeros((D_OUT,), dtype=jnp.float32)
    return {"x": x, "edge_index": edge_index, "W1": W1, "b1": b1, "W2": W2, "b2": b2}


def reference(x, edge_index, W1, b1, W2, b2):
    h = _gcn_conv(x, edge_index, W1, b1)
    h = jax.nn.relu(h)
    # dropout is identity in eval mode
    out = _gcn_conv(h, edge_index, W2, b2)
    return jax.nn.log_softmax(out, axis=1)

if __name__ == "__main__":
    import jax
    _d = setup_inputs()
    print(jax.jit(kernel)(*tuple(_d.values())))

</pallas_src>

<mosaic_0001>
#map = affine_map<(d0, d1) -> (0, 0)>
#map1 = affine_map<(d0, d1) -> (0, 0, 0)>
module attributes {stable_mosaic.version = 14 : i64} {
  func.func @_agg(%arg0: i32, %arg1: i32, %arg2: memref<10112x48xf32, #tpu.memory_space<hbm>>, %arg3: memref<2560x128xi32, #tpu.memory_space<hbm>>, %arg4: memref<2560x128xi32, #tpu.memory_space<hbm>>, %arg5: memref<128x48xf32, #tpu.memory_space<hbm>>, %arg6: memref<2x10112x48xf32, #tpu.memory_space<hbm>>, %arg7: memref<96x128xi32, #tpu.memory_space<vmem>>, %arg8: memref<96x128xi32, #tpu.memory_space<vmem>>, %arg9: memref<8x128x48xf32, #tpu.memory_space<vmem>>, %arg10: memref<128x48xf32, #tpu.memory_space<vmem>>, %arg11: memref<10112x48xf32, #tpu.memory_space<vmem_shared>>, %arg12: memref<!tpu.dma_semaphore, #tpu.memory_space<semaphore_mem>>, %arg13: memref<!tpu.dma_semaphore, #tpu.memory_space<semaphore_mem>>) attributes {dimension_semantics = [#tpu.dimension_semantics<core_parallel>, #tpu.dimension_semantics<subcore_parallel>], iteration_bounds = array<i64: 2, 16>, scalar_prefetch = 0 : i64, scratch_operands = 7 : i64, tpu.core_type = #tpu.core_type<sc_vector_subcore>, window_params = [{transform_indices = #map}, {transform_indices = #map}, {transform_indices = #map}, {transform_indices = #map}, {transform_indices = #map1}]} {
    %eq3A = arith.constant 0 : i32
    %eq3A_0 = arith.cmpi eq, %arg0, %eq3A : i32
    %mul3A = arith.constant 64 : i32
    %mul3A_1 = arith.muli %arg1, %mul3A : i32
    %mul3A_2 = arith.constant 96 : i32
    %mul3A_3 = arith.muli %arg1, %mul3A_2 : i32
    %add3A = arith.constant 1024 : i32
    %add3A_4 = arith.addi %add3A, %mul3A_3 : i32
    %select_n3A = arith.select %eq3A_0, %mul3A_1, %add3A_4 : i32
    %eq3A_5 = arith.constant 0 : i32
    %eq3A_6 = arith.cmpi eq, %arg0, %eq3A_5 : i32
    %jit3A = arith.constant 8 : i32
    %jit3A_7 = arith.constant 12 : i32
    %select_n3A_8 = arith.select %eq3A_6, %jit3A, %jit3A_7 : i32
    %eq3A_9 = arith.constant 0 : i32
    %eq3A_10 = arith.cmpi eq, %arg0, %eq3A_9 : i32
    %convert_element_type3A = arith.extui %eq3A_10 : i1 to i32
    %cond3A = arith.constant 0 : i32
    %cond3A_11 = arith.cmpi ne, %convert_element_type3A, %cond3A : i32
    scf.if %cond3A_11 {
      "tpu.region"() ({
        %run_scoped3A = tpu.sem_alloc : memref<!tpu.dma_semaphore, #tpu.memory_space<semaphore_mem>>
        %dma_start3A = arith.constant 0 : i32
        %dma_start3A_39 = arith.constant 0 : i32
        %dma_start3A_40 = tpu.memref_slice %arg7[%dma_start3A, %dma_start3A_39] : memref<96x128xi32, #tpu.memory_space<vmem>> -> memref<64x128xi32, #tpu.memory_space<vmem>>
        %dma_start3A_41 = arith.constant 0 : i32
        %dma_start3A_42 = tpu.memref_slice %arg3[%select_n3A, %dma_start3A_41] : memref<2560x128xi32, #tpu.memory_space<hbm>> -> memref<64x128xi32, #tpu.memory_space<hbm>>
        %dma_start3A_43 = arith.constant 0 : i32
        %dma_start3A_44 = arith.constant 0 : i32
        %dma_start3A_45 = tpu.memref_slice %arg7[%dma_start3A_43, %dma_start3A_44] : memref<96x128xi32, #tpu.memory_space<vmem>> -> memref<64x128xi32, #tpu.memory_space<vmem>>
        %dma_start3A_46 = arith.constant 0 : i32
        %dma_start3A_47 = tpu.memref_slice %arg3[%select_n3A, %dma_start3A_46] : memref<2560x128xi32, #tpu.memory_space<hbm>> -> memref<64x128xi32, #tpu.memory_space<hbm>>
        tpu.enqueue_dma source(%dma_start3A_47 : memref<64x128xi32, #tpu.memory_space<hbm>>) target(%dma_start3A_45 : memref<64x128xi32, #tpu.memory_space<vmem>>) target_semaphore(%run_scoped3A : memref<!tpu.dma_semaphore, #tpu.memory_space<semaphore_mem>>)
        %dma_wait3A = arith.constant 0 : i32
        %dma_wait3A_48 = arith.constant 0 : i32
        %dma_wait3A_49 = tpu.memref_slice %arg7[%dma_wait3A, %dma_wait3A_48] : memref<96x128xi32, #tpu.memory_space<vmem>> -> memref<64x128xi32, #tpu.memory_space<vmem>>
        %dma_wait3A_50 = arith.constant 0 : i32
        %dma_wait3A_51 = tpu.memref_slice %arg3[%select_n3A, %dma_wait3A_50] : memref<2560x128xi32, #tpu.memory_space<hbm>> -> memref<64x128xi32, #tpu.memory_space<hbm>>
        %dma_wait3A_52 = arith.constant 0 : i32
        %dma_wait3A_53 = arith.constant 0 : i32
        %dma_wait3A_54 = tpu.memref_slice %arg7[%dma_wait3A_52, %dma_wait3A_53] : memref<96x128xi32, #tpu.memory_space<vmem>> -> memref<64x128xi32, #tpu.memory_space<vmem>>
        %dma_wait3A_55 = arith.constant 0 : i32
        %dma_wait3A_56 = tpu.memref_slice %arg3[%select_n3A, %dma_wait3A_55] : memref<2560x128xi32, #tpu.memory_space<hbm>> -> memref<64x128xi32, #tpu.memory_space<hbm>>
        tpu.wait_dma2 semaphore(%run_scoped3A : memref<!tpu.dma_semaphore, #tpu.memory_space<semaphore_mem>>) src(%dma_wait3A_56 : memref<64x128xi32, #tpu.memory_space<hbm>>) dst(%dma_wait3A_54 : memref<64x128xi32, #tpu.memory_space<vmem>>)
        tpu.yield
      }) : () -> ()
      "tpu.region"() ({
        %run_scoped3A = tpu.sem_alloc : memref<!tpu.dma_semaphore, #tpu.memory_space<semaphore_mem>>
        %dma_start3A = arith.constant 0 : i32
        %dma_start3A_39 = arith.constant 0 : i32
        %dma_start3A_40 = tpu.memref_slice %arg8[%dma_start3A, %dma_start3A_39] : memref<96x128xi32, #tpu.memory_space<vmem>> -> memref<64x128xi32, #tpu.memory_space<vmem>>
        %dma_start3A_41 = arith.constant 0 : i32
        %dma_start3A_42 = tpu.memref_slice %arg4[%select_n3A, %dma_start3A_41] : memref<2560x128xi32, #tpu.memory_space<hbm>> -> memref<64x128xi32, #tpu.memory_space<hbm>>
        %dma_start3A_43 = arith.constant 0 : i32
        %dma_start3A_44 = arith.constant 0 : i32
        %dma_start3A_45 = tpu.memref_slice %arg8[%dma_start3A_43, %dma_start3A_44] : memref<96x128xi32, #tpu.memory_space<vmem>> -> memref<64x128xi32, #tpu.memory_space<vmem>>
        %dma_start3A_46 = arith.constant 0 : i32
        %dma_start3A_47 = tpu.memref_slice %arg4[%select_n3A, %dma_start3A_46] : memref<2560x128xi32, #tpu.memory_space<hbm>> -> memref<64x128xi32, #tpu.memory_space<hbm>>
        tpu.enqueue_dma source(%dma_start3A_47 : memref<64x128xi32, #tpu.memory_space<hbm>>) target(%dma_start3A_45 : memref<64x128xi32, #tpu.memory_space<vmem>>) target_semaphore(%run_scoped3A : memref<!tpu.dma_semaphore, #tpu.memory_space<semaphore_mem>>)
        %dma_wait3A = arith.constant 0 : i32
        %dma_wait3A_48 = arith.constant 0 : i32
        %dma_wait3A_49 = tpu.memref_slice %arg8[%dma_wait3A, %dma_wait3A_48] : memref<96x128xi32, #tpu.memory_space<vmem>> -> memref<64x128xi32, #tpu.memory_space<vmem>>
        %dma_wait3A_50 = arith.constant 0 : i32
        %dma_wait3A_51 = tpu.memref_slice %arg4[%select_n3A, %dma_wait3A_50] : memref<2560x128xi32, #tpu.memory_space<hbm>> -> memref<64x128xi32, #tpu.memory_space<hbm>>
        %dma_wait3A_52 = arith.constant 0 : i32
        %dma_wait3A_53 = arith.constant 0 : i32
        %dma_wait3A_54 = tpu.memref_slice %arg8[%dma_wait3A_52, %dma_wait3A_53] : memref<96x128xi32, #tpu.memory_space<vmem>> -> memref<64x128xi32, #tpu.memory_space<vmem>>
        %dma_wait3A_55 = arith.constant 0 : i32
        %dma_wait3A_56 = tpu.memref_slice %arg4[%select_n3A, %dma_wait3A_55] : memref<2560x128xi32, #tpu.memory_space<hbm>> -> memref<64x128xi32, #tpu.memory_space<hbm>>
        tpu.wait_dma2 semaphore(%run_scoped3A : memref<!tpu.dma_semaphore, #tpu.memory_space<semaphore_mem>>) src(%dma_wait3A_56 : memref<64x128xi32, #tpu.memory_space<hbm>>) dst(%dma_wait3A_54 : memref<64x128xi32, #tpu.memory_space<vmem>>)
        tpu.yield
      }) : () -> ()
    } else {
    }
    %eq3A_12 = arith.constant 1 : i32
    %eq3A_13 = arith.cmpi eq, %arg0, %eq3A_12 : i32
    %convert_element_type3A_14 = arith.extui %eq3A_13 : i1 to i32
    %cond3A_15 = arith.constant 0 : i32
    %cond3A_16 = arith.cmpi ne, %convert_element_type3A_14, %cond3A_15 : i32
    scf.if %cond3A_16 {
      "tpu.region"() ({
        %run_scoped3A = tpu.sem_alloc : memref<!tpu.dma_semaphore, #tpu.memory_space<semaphore_mem>>
        %dma_start3A = arith.constant 0 : i32
        %dma_start3A_39 = tpu.memref_slice %arg3[%select_n3A, %dma_start3A] : memref<2560x128xi32, #tpu.memory_space<hbm>> -> memref<96x128xi32, #tpu.memory_space<hbm>>
        %dma_start3A_40 = arith.constant 0 : i32
        %dma_start3A_41 = tpu.memref_slice %arg3[%select_n3A, %dma_start3A_40] : memref<2560x128xi32, #tpu.memory_space<hbm>> -> memref<96x128xi32, #tpu.memory_space<hbm>>
        tpu.enqueue_dma source(%dma_start3A_41 : memref<96x128xi32, #tpu.memory_space<hbm>>) target(%arg7 : memref<96x128xi32, #tpu.memory_space<vmem>>) target_semaphore(%run_scoped3A : memref<!tpu.dma_semaphore, #tpu.memory_space<semaphore_mem>>)
        %dma_wait3A = arith.constant 0 : i32
        %dma_wait3A_42 = tpu.memref_slice %arg3[%select_n3A, %dma_wait3A] : memref<2560x128xi32, #tpu.memory_space<hbm>> -> memref<96x128xi32, #tpu.memory_space<hbm>>
        %dma_wait3A_43 = arith.constant 0 : i32
        %dma_wait3A_44 = tpu.memref_slice %arg3[%select_n3A, %dma_wait3A_43] : memref<2560x128xi32, #tpu.memory_space<hbm>> -> memref<96x128xi32, #tpu.memory_space<hbm>>
        tpu.wait_dma2 semaphore(%run_scoped3A : memref<!tpu.dma_semaphore, #tpu.memory_space<semaphore_mem>>) src(%dma_wait3A_44 : memref<96x128xi32, #tpu.memory_space<hbm>>) dst(%arg7 : memref<96x128xi32, #tpu.memory_space<vmem>>)
        tpu.yield
      }) : () -> ()
      "tpu.region"() ({
        %run_scoped3A = tpu.sem_alloc : memref<!tpu.dma_semaphore, #tpu.memory_space<semaphore_mem>>
        %dma_start3A = arith.constant 0 : i32
        %dma_start3A_39 = tpu.memref_slice %arg4[%select_n3A, %dma_start3A] : memref<2560x128xi32, #tpu.memory_space<hbm>> -> memref<96x128xi32, #tpu.memory_space<hbm>>
        %dma_start3A_40 = arith.constant 0 : i32
        %dma_start3A_41 = tpu.memref_slice %arg4[%select_n3A, %dma_start3A_40] : memref<2560x128xi32, #tpu.memory_space<hbm>> -> memref<96x128xi32, #tpu.memory_space<hbm>>
        tpu.enqueue_dma source(%dma_start3A_41 : memref<96x128xi32, #tpu.memory_space<hbm>>) target(%arg8 : memref<96x128xi32, #tpu.memory_space<vmem>>) target_semaphore(%run_scoped3A : memref<!tpu.dma_semaphore, #tpu.memory_space<semaphore_mem>>)
        %dma_wait3A = arith.constant 0 : i32
        %dma_wait3A_42 = tpu.memref_slice %arg4[%select_n3A, %dma_wait3A] : memref<2560x128xi32, #tpu.memory_space<hbm>> -> memref<96x128xi32, #tpu.memory_space<hbm>>
        %dma_wait3A_43 = arith.constant 0 : i32
        %dma_wait3A_44 = tpu.memref_slice %arg4[%select_n3A, %dma_wait3A_43] : memref<2560x128xi32, #tpu.memory_space<hbm>> -> memref<96x128xi32, #tpu.memory_space<hbm>>
        tpu.wait_dma2 semaphore(%run_scoped3A : memref<!tpu.dma_semaphore, #tpu.memory_space<semaphore_mem>>) src(%dma_wait3A_44 : memref<96x128xi32, #tpu.memory_space<hbm>>) dst(%arg8 : memref<96x128xi32, #tpu.memory_space<vmem>>)
        tpu.yield
      }) : () -> ()
    } else {
    }
    "tpu.region"() ({
      %run_scoped3A = tpu.sem_alloc : memref<!tpu.dma_semaphore, #tpu.memory_space<semaphore_mem>>
      tpu.enqueue_dma source(%arg5 : memref<128x48xf32, #tpu.memory_space<hbm>>) target(%arg10 : memref<128x48xf32, #tpu.memory_space<vmem>>) target_semaphore(%run_scoped3A : memref<!tpu.dma_semaphore, #tpu.memory_space<semaphore_mem>>)
      tpu.wait_dma2 semaphore(%run_scoped3A : memref<!tpu.dma_semaphore, #tpu.memory_space<semaphore_mem>>) src(%arg5 : memref<128x48xf32, #tpu.memory_space<hbm>>) dst(%arg10 : memref<128x48xf32, #tpu.memory_space<vmem>>)
      tpu.yield
    }) : () -> ()
    %mul3A_17 = arith.constant 632 : i32
    %mul3A_18 = arith.muli %arg1, %mul3A_17 : i32
    %add3A_19 = arith.constant 0 : i32
    %add3A_20 = arith.addi %mul3A_18, %add3A_19 : i32
    "tpu.region"() ({
      %run_scoped3A = tpu.sem_alloc : memref<!tpu.dma_semaphore, #tpu.memory_space<semaphore_mem>>
      %dma_start3A = arith.constant 0 : i32
      %dma_start3A_39 = arith.constant 0 : i32
      %dma_start3A_40 = tpu.memref_slice %arg10[%dma_start3A, %dma_start3A_39] : memref<128x48xf32, #tpu.memory_space<vmem>> -> memref<128x48xf32, #tpu.memory_space<vmem>>
      %dma_start3A_41 = arith.constant 0 : i32
      %dma_start3A_42 = tpu.memref_slice %arg11[%add3A_20, %dma_start3A_41] : memref<10112x48xf32, #tpu.memory_space<vmem_shared>> -> memref<128x48xf32, #tpu.memory_space<vmem_shared>>
      %dma_start3A_43 = arith.constant 0 : i32
      %dma_start3A_44 = tpu.memref_slice %arg11[%add3A_20, %dma_start3A_43] : memref<10112x48xf32, #tpu.memory_space<vmem_shared>> -> memref<128x48xf32, #tpu.memory_space<vmem_shared>>
      %dma_start3A_45 = arith.constant 0 : i32
      %dma_start3A_46 = arith.constant 0 : i32
      %dma_start3A_47 = tpu.memref_slice %arg10[%dma_start3A_45, %dma_start3A_46] : memref<128x48xf32, #tpu.memory_space<vmem>> -> memref<128x48xf32, #tpu.memory_space<vmem>>
      tpu.enqueue_dma source(%dma_start3A_47 : memref<128x48xf32, #tpu.memory_space<vmem>>) target(%dma_start3A_44 : memref<128x48xf32, #tpu.memory_space<vmem_shared>>) target_semaphore(%run_scoped3A : memref<!tpu.dma_semaphore, #tpu.memory_space<semaphore_mem>>)
      %dma_wait3A = arith.constant 0 : i32
      %dma_wait3A_48 = arith.constant 0 : i32
      %dma_wait3A_49 = tpu.memref_slice %arg10[%dma_wait3A, %dma_wait3A_48] : memref<128x48xf32, #tpu.memory_space<vmem>> -> memref<128x48xf32, #tpu.memory_space<vmem>>
      %dma_wait3A_50 = arith.constant 0 : i32
      %dma_wait3A_51 = tpu.memref_slice %arg11[%add3A_20, %dma_wait3A_50] : memref<10112x48xf32, #tpu.memory_space<vmem_shared>> -> memref<128x48xf32, #tpu.memory_space<vmem_shared>>
      %dma_wait3A_52 = arith.constant 0 : i32
      %dma_wait3A_53 = tpu.memref_slice %arg11[%add3A_20, %dma_wait3A_52] : memref<10112x48xf32, #tpu.memory_space<vmem_shared>> -> memref<128x48xf32, #tpu.memory_space<vmem_shared>>
      %dma_wait3A_54 = arith.constant 0 : i32
      %dma_wait3A_55 = arith.constant 0 : i32
      %dma_wait3A_56 = tpu.memref_slice %arg10[%dma_wait3A_54, %dma_wait3A_55] : memref<128x48xf32, #tpu.memory_space<vmem>> -> memref<128x48xf32, #tpu.memory_space<vmem>>
      tpu.wait_dma2 semaphore(%run_scoped3A : memref<!tpu.dma_semaphore, #tpu.memory_space<semaphore_mem>>) src(%dma_wait3A_56 : memref<128x48xf32, #tpu.memory_space<vmem>>) dst(%dma_wait3A_53 : memref<128x48xf32, #tpu.memory_space<vmem_shared>>)
      tpu.yield
    }) : () -> ()
    %add3A_21 = arith.constant 128 : i32
    %add3A_22 = arith.addi %mul3A_18, %add3A_21 : i32
    "tpu.region"() ({
      %run_scoped3A = tpu.sem_alloc : memref<!tpu.dma_semaphore, #tpu.memory_space<semaphore_mem>>
      %dma_start3A = arith.constant 0 : i32
      %dma_start3A_39 = arith.constant 0 : i32
      %dma_start3A_40 = tpu.memref_slice %arg10[%dma_start3A, %dma_start3A_39] : memref<128x48xf32, #tpu.memory_space<vmem>> -> memref<128x48xf32, #tpu.memory_space<vmem>>
      %dma_start3A_41 = arith.constant 0 : i32
      %dma_start3A_42 = tpu.memref_slice %arg11[%add3A_22, %dma_start3A_41] : memref<10112x48xf32, #tpu.memory_space<vmem_shared>> -> memref<128x48xf32, #tpu.memory_space<vmem_shared>>
      %dma_start3A_43 = arith.constant 0 : i32
      %dma_start3A_44 = tpu.memref_slice %arg11[%add3A_22, %dma_start3A_43] : memref<10112x48xf32, #tpu.memory_space<vmem_shared>> -> memref<128x48xf32, #tpu.memory_space<vmem_shared>>
      %dma_start3A_45 = arith.constant 0 : i32
      %dma_start3A_46 = arith.constant 0 : i32
      %dma_start3A_47 = tpu.memref_slice %arg10[%dma_start3A_45, %dma_start3A_46] : memref<128x48xf32, #tpu.memory_space<vmem>> -> memref<128x48xf32, #tpu.memory_space<vmem>>
      tpu.enqueue_dma source(%dma_start3A_47 : memref<128x48xf32, #tpu.memory_space<vmem>>) target(%dma_start3A_44 : memref<128x48xf32, #tpu.memory_space<vmem_shared>>) target_semaphore(%run_scoped3A : memref<!tpu.dma_semaphore, #tpu.memory_space<semaphore_mem>>)
      %dma_wait3A = arith.constant 0 : i32
      %dma_wait3A_48 = arith.constant 0 : i32
      %dma_wait3A_49 = tpu.memref_slice %arg10[%dma_wait3A, %dma_wait3A_48] : memref<128x48xf32, #tpu.memory_space<vmem>> -> memref<128x48xf32, #tpu.memory_space<vmem>>
      %dma_wait3A_50 = arith.constant 0 : i32
      %dma_wait3A_51 = tpu.memref_slice %arg11[%add3A_22, %dma_wait3A_50] : memref<10112x48xf32, #tpu.memory_space<vmem_shared>> -> memref<128x48xf32, #tpu.memory_space<vmem_shared>>
      %dma_wait3A_52 = arith.constant 0 : i32
      %dma_wait3A_53 = tpu.memref_slice %arg11[%add3A_22, %dma_wait3A_52] : memref<10112x48xf32, #tpu.memory_space<vmem_shared>> -> memref<128x48xf32, #tpu.memory_space<vmem_shared>>
      %dma_wait3A_54 = arith.constant 0 : i32
      %dma_wait3A_55 = arith.constant 0 : i32
      %dma_wait3A_56 = tpu.memref_slice %arg10[%dma_wait3A_54, %dma_wait3A_55] : memref<128x48xf32, #tpu.memory_space<vmem>> -> memref<128x48xf32, #tpu.memory_space<vmem>>
      tpu.wait_dma2 semaphore(%run_scoped3A : memref<!tpu.dma_semaphore, #tpu.memory_space<semaphore_mem>>) src(%dma_wait3A_56 : memref<128x48xf32, #tpu.memory_space<vmem>>) dst(%dma_wait3A_53 : memref<128x48xf32, #tpu.memory_space<vmem_shared>>)
      tpu.yield
    }) : () -> ()
    %add3A_23 = arith.constant 256 : i32
    %add3A_24 = arith.addi %mul3A_18, %add3A_23 : i32
    "tpu.region"() ({
      %run_scoped3A = tpu.sem_alloc : memref<!tpu.dma_semaphore, #tpu.memory_space<semaphore_mem>>
      %dma_start3A = arith.constant 0 : i32
      %dma_start3A_39 = arith.constant 0 : i32
      %dma_start3A_40 = tpu.memref_slice %arg10[%dma_start3A, %dma_start3A_39] : memref<128x48xf32, #tpu.memory_space<vmem>> -> memref<128x48xf32, #tpu.memory_space<vmem>>
      %dma_start3A_41 = arith.constant 0 : i32
      %dma_start3A_42 = tpu.memref_slice %arg11[%add3A_24, %dma_start3A_41] : memref<10112x48xf32, #tpu.memory_space<vmem_shared>> -> memref<128x48xf32, #tpu.memory_space<vmem_shared>>
      %dma_start3A_43 = arith.constant 0 : i32
      %dma_start3A_44 = tpu.memref_slice %arg11[%add3A_24, %dma_start3A_43] : memref<10112x48xf32, #tpu.memory_space<vmem_shared>> -> memref<128x48xf32, #tpu.memory_space<vmem_shared>>
      %dma_start3A_45 = arith.constant 0 : i32
      %dma_start3A_46 = arith.constant 0 : i32
      %dma_start3A_47 = tpu.memref_slice %arg10[%dma_start3A_45, %dma_start3A_46] : memref<128x48xf32, #tpu.memory_space<vmem>> -> memref<128x48xf32, #tpu.memory_space<vmem>>
      tpu.enqueue_dma source(%dma_start3A_47 : memref<128x48xf32, #tpu.memory_space<vmem>>) target(%dma_start3A_44 : memref<128x48xf32, #tpu.memory_space<vmem_shared>>) target_semaphore(%run_scoped3A : memref<!tpu.dma_semaphore, #tpu.memory_space<semaphore_mem>>)
      %dma_wait3A = arith.constant 0 : i32
      %dma_wait3A_48 = arith.constant 0 : i32
      %dma_wait3A_49 = tpu.memref_slice %arg10[%dma_wait3A, %dma_wait3A_48] : memref<128x48xf32, #tpu.memory_space<vmem>> -> memref<128x48xf32, #tpu.memory_space<vmem>>
      %dma_wait3A_50 = arith.constant 0 : i32
      %dma_wait3A_51 = tpu.memref_slice %arg11[%add3A_24, %dma_wait3A_50] : memref<10112x48xf32, #tpu.memory_space<vmem_shared>> -> memref<128x48xf32, #tpu.memory_space<vmem_shared>>
      %dma_wait3A_52 = arith.constant 0 : i32
      %dma_wait3A_53 = tpu.memref_slice %arg11[%add3A_24, %dma_wait3A_52] : memref<10112x48xf32, #tpu.memory_space<vmem_shared>> -> memref<128x48xf32, #tpu.memory_space<vmem_shared>>
      %dma_wait3A_54 = arith.constant 0 : i32
      %dma_wait3A_55 = arith.constant 0 : i32
      %dma_wait3A_56 = tpu.memref_slice %arg10[%dma_wait3A_54, %dma_wait3A_55] : memref<128x48xf32, #tpu.memory_space<vmem>> -> memref<128x48xf32, #tpu.memory_space<vmem>>
      tpu.wait_dma2 semaphore(%run_scoped3A : memref<!tpu.dma_semaphore, #tpu.memory_space<semaphore_mem>>) src(%dma_wait3A_56 : memref<128x48xf32, #tpu.memory_space<vmem>>) dst(%dma_wait3A_53 : memref<128x48xf32, #tpu.memory_space<vmem_shared>>)
      tpu.yield
    }) : () -> ()
    %add3A_25 = arith.constant 384 : i32
    %add3A_26 = arith.addi %mul3A_18, %add3A_25 : i32
    "tpu.region"() ({
      %run_scoped3A = tpu.sem_alloc : memref<!tpu.dma_semaphore, #tpu.memory_space<semaphore_mem>>
      %dma_start3A = arith.constant 0 : i32
      %dma_start3A_39 = arith.constant 0 : i32
      %dma_start3A_40 = tpu.memref_slice %arg10[%dma_start3A, %dma_start3A_39] : memref<128x48xf32, #tpu.memory_space<vmem>> -> memref<128x48xf32, #tpu.memory_space<vmem>>
      %dma_start3A_41 = arith.constant 0 : i32
      %dma_start3A_42 = tpu.memref_slice %arg11[%add3A_26, %dma_start3A_41] : memref<10112x48xf32, #tpu.memory_space<vmem_shared>> -> memref<128x48xf32, #tpu.memory_space<vmem_shared>>
      %dma_start3A_43 = arith.constant 0 : i32
      %dma_start3A_44 = tpu.memref_slice %arg11[%add3A_26, %dma_start3A_43] : memref<10112x48xf32, #tpu.memory_space<vmem_shared>> -> memref<128x48xf32, #tpu.memory_space<vmem_shared>>
      %dma_start3A_45 = arith.constant 0 : i32
      %dma_start3A_46 = arith.constant 0 : i32
      %dma_start3A_47 = tpu.memref_slice %arg10[%dma_start3A_45, %dma_start3A_46] : memref<128x48xf32, #tpu.memory_space<vmem>> -> memref<128x48xf32, #tpu.memory_space<vmem>>
      tpu.enqueue_dma source(%dma_start3A_47 : memref<128x48xf32, #tpu.memory_space<vmem>>) target(%dma_start3A_44 : memref<128x48xf32, #tpu.memory_space<vmem_shared>>) target_semaphore(%run_scoped3A : memref<!tpu.dma_semaphore, #tpu.memory_space<semaphore_mem>>)
      %dma_wait3A = arith.constant 0 : i32
      %dma_wait3A_48 = arith.constant 0 : i32
      %dma_wait3A_49 = tpu.memref_slice %arg10[%dma_wait3A, %dma_wait3A_48] : memref<128x48xf32, #tpu.memory_space<vmem>> -> memref<128x48xf32, #tpu.memory_space<vmem>>
      %dma_wait3A_50 = arith.constant 0 : i32
      %dma_wait3A_51 = tpu.memref_slice %arg11[%add3A_26, %dma_wait3A_50] : memref<10112x48xf32, #tpu.memory_space<vmem_shared>> -> memref<128x48xf32, #tpu.memory_space<vmem_shared>>
      %dma_wait3A_52 = arith.constant 0 : i32
      %dma_wait3A_53 = tpu.memref_slice %arg11[%add3A_26, %dma_wait3A_52] : memref<10112x48xf32, #tpu.memory_space<vmem_shared>> -> memref<128x48xf32, #tpu.memory_space<vmem_shared>>
      %dma_wait3A_54 = arith.constant 0 : i32
      %dma_wait3A_55 = arith.constant 0 : i32
      %dma_wait3A_56 = tpu.memref_slice %arg10[%dma_wait3A_54, %dma_wait3A_55] : memref<128x48xf32, #tpu.memory_space<vmem>> -> memref<128x48xf32, #tpu.memory_space<vmem>>
      tpu.wait_dma2 semaphore(%run_scoped3A : memref<!tpu.dma_semaphore, #tpu.memory_space<semaphore_mem>>) src(%dma_wait3A_56 : memref<128x48xf32, #tpu.memory_space<vmem>>) dst(%dma_wait3A_53 : memref<128x48xf32, #tpu.memory_space<vmem_shared>>)
      tpu.yield
    }) : () -> ()
    %add3A_27 = arith.constant 512 : i32
    %add3A_28 = arith.addi %mul3A_18, %add3A_27 : i32
    "tpu.region"() ({
      %run_scoped3A = tpu.sem_alloc : memref<!tpu.dma_semaphore, #tpu.memory_space<semaphore_mem>>
      %dma_start3A = arith.constant 0 : i32
      %dma_start3A_39 = arith.constant 0 : i32
      %dma_start3A_40 = tpu.memref_slice %arg10[%dma_start3A, %dma_start3A_39] : memref<128x48xf32, #tpu.memory_space<vmem>> -> memref<120x48xf32, #tpu.memory_space<vmem>>
      %dma_start3A_41 = arith.constant 0 : i32
      %dma_start3A_42 = tpu.memref_slice %arg11[%add3A_28, %dma_start3A_41] : memref<10112x48xf32, #tpu.memory_space<vmem_shared>> -> memref<120x48xf32, #tpu.memory_space<vmem_shared>>
      %dma_start3A_43 = arith.constant 0 : i32
      %dma_start3A_44 = tpu.memref_slice %arg11[%add3A_28, %dma_start3A_43] : memref<10112x48xf32, #tpu.memory_space<vmem_shared>> -> memref<120x48xf32, #tpu.memory_space<vmem_shared>>
      %dma_start3A_45 = arith.constant 0 : i32
      %dma_start3A_46 = arith.constant 0 : i32
      %dma_start3A_47 = tpu.memref_slice %arg10[%dma_start3A_45, %dma_start3A_46] : memref<128x48xf32, #tpu.memory_space<vmem>> -> memref<120x48xf32, #tpu.memory_space<vmem>>
      tpu.enqueue_dma source(%dma_start3A_47 : memref<120x48xf32, #tpu.memory_space<vmem>>) target(%dma_start3A_44 : memref<120x48xf32, #tpu.memory_space<vmem_shared>>) target_semaphore(%run_scoped3A : memref<!tpu.dma_semaphore, #tpu.memory_space<semaphore_mem>>)
      %dma_wait3A = arith.constant 0 : i32
      %dma_wait3A_48 = arith.constant 0 : i32
      %dma_wait3A_49 = tpu.memref_slice %arg10[%dma_wait3A, %dma_wait3A_48] : memref<128x48xf32, #tpu.memory_space<vmem>> -> memref<120x48xf32, #tpu.memory_space<vmem>>
      %dma_wait3A_50 = arith.constant 0 : i32
      %dma_wait3A_51 = tpu.memref_slice %arg11[%add3A_28, %dma_wait3A_50] : memref<10112x48xf32, #tpu.memory_space<vmem_shared>> -> memref<120x48xf32, #tpu.memory_space<vmem_shared>>
      %dma_wait3A_52 = arith.constant 0 : i32
      %dma_wait3A_53 = tpu.memref_slice %arg11[%add3A_28, %dma_wait3A_52] : memref<10112x48xf32, #tpu.memory_space<vmem_shared>> -> memref<120x48xf32, #tpu.memory_space<vmem_shared>>
      %dma_wait3A_54 = arith.constant 0 : i32
      %dma_wait3A_55 = arith.constant 0 : i32
      %dma_wait3A_56 = tpu.memref_slice %arg10[%dma_wait3A_54, %dma_wait3A_55] : memref<128x48xf32, #tpu.memory_space<vmem>> -> memref<120x48xf32, #tpu.memory_space<vmem>>
      tpu.wait_dma2 semaphore(%run_scoped3A : memref<!tpu.dma_semaphore, #tpu.memory_space<semaphore_mem>>) src(%dma_wait3A_56 : memref<120x48xf32, #tpu.memory_space<vmem>>) dst(%dma_wait3A_53 : memref<120x48xf32, #tpu.memory_space<vmem_shared>>)
      tpu.yield
    }) : () -> ()
    %barrier3A = arith.constant 0 : index
    tpu.barrier barrier_id(%barrier3A)
    %while3A = arith.constant 0 : i32
    %while3A_29 = arith.constant 0 : i32
    %while3A_30 = arith.subi %select_n3A_8, %while3A_29 : i32
    %while3A_31 = arith.addi %while3A_29, %while3A_30 : i32
    %while3A_32 = arith.constant 1 : i32
    %while3A_33 = arith.divsi %while3A_30, %while3A_32 : i32
    %while3A_34 = arith.muli %while3A_33, %while3A_32 : i32
    %while3A_35 = arith.addi %while3A_29, %while3A_34 : i32
    %while3A_36 = arith.constant 1 : i32
    scf.for %while3A_39 = %while3A_29 to %while3A_35 step %while3A_36  : i32 {
      %mul3A_40 = arith.constant 8 : i32
      %mul3A_41 = arith.muli %while3A_39, %mul3A_40 : i32
      %add3A_42 = arith.constant 0 : i32
      %add3A_43 = arith.addi %mul3A_41, %add3A_42 : i32
      %dma_start3A = arith.constant 0 : i32
      %dma_start3A_44 = arith.constant 0 : i32
      %dma_start3A_45 = arith.constant 0 : i32
      %dma_start3A_46 = tpu.memref_slice %arg9[%dma_start3A, %dma_start3A_44, %dma_start3A_45] : memref<8x128x48xf32, #tpu.memory_space<vmem>> -> memref<1x128x48xf32, #tpu.memory_space<vmem>>
      %dma_start3A_47 = tpu.memref_squeeze %dma_start3A_46 : memref<1x128x48xf32, #tpu.memory_space<vmem>> -> memref<128x48xf32, #tpu.memory_space<vmem>>
      %dma_start3A_48 = arith.constant 0 : i32
      %dma_start3A_49 = tpu.memref_slice %arg7[%add3A_43, %dma_start3A_48] : memref<96x128xi32, #tpu.memory_space<vmem>> -> memref<1x128xi32, #tpu.memory_space<vmem>>
      %dma_start3A_50 = tpu.memref_squeeze %dma_start3A_49 : memref<1x128xi32, #tpu.memory_space<vmem>> -> memref<128xi32, #tpu.memory_space<vmem>>
      %dma_start3A_51 = arith.constant 0 : i32
      %dma_start3A_52 = arith.constant 0 : i32
      %dma_start3A_53 = tpu.memref_slice %arg2[%dma_start3A_51, %dma_start3A_52] : memref<10112x48xf32, #tpu.memory_space<hbm>> -> memref<10112x48xf32, #tpu.memory_space<hbm>>
      tpu.enqueue_indirect_dma source(%dma_start3A_53 : memref<10112x48xf32, #tpu.memory_space<hbm>>) target(%dma_start3A_47 : memref<128x48xf32, #tpu.memory_space<vmem>>) offsets(%dma_start3A_50 : memref<128xi32, #tpu.memory_space<vmem>>) semaphore(%arg12 : memref<!tpu.dma_semaphore, #tpu.memory_space<semaphore_mem>>)
      %add3A_54 = arith.constant 1 : i32
      %add3A_55 = arith.addi %mul3A_41, %add3A_54 : i32
      %dma_start3A_56 = arith.constant 1 : i32
      %dma_start3A_57 = arith.constant 0 : i32
      %dma_start3A_58 = arith.constant 0 : i32
      %dma_start3A_59 = tpu.memref_slice %arg9[%dma_start3A_56, %dma_start3A_57, %dma_start3A_58] : memref<8x128x48xf32, #tpu.memory_space<vmem>> -> memref<1x128x48xf32, #tpu.memory_space<vmem>>
      %dma_start3A_60 = tpu.memref_squeeze %dma_start3A_59 : memref<1x128x48xf32, #tpu.memory_space<vmem>> -> memref<128x48xf32, #tpu.memory_space<vmem>>
      %dma_start3A_61 = arith.constant 0 : i32
      %dma_start3A_62 = tpu.memref_slice %arg7[%add3A_55, %dma_start3A_61] : memref<96x128xi32, #tpu.memory_space<vmem>> -> memref<1x128xi32, #tpu.memory_space<vmem>>
      %dma_start3A_63 = tpu.memref_squeeze %dma_start3A_62 : memref<1x128xi32, #tpu.memory_space<vmem>> -> memref<128xi32, #tpu.memory_space<vmem>>
      %dma_start3A_64 = arith.constant 0 : i32
      %dma_start3A_65 = arith.constant 0 : i32
      %dma_start3A_66 = tpu.memref_slice %arg2[%dma_start3A_64, %dma_start3A_65] : memref<10112x48xf32, #tpu.memory_space<hbm>> -> memref<10112x48xf32, #tpu.memory_space<hbm>>
      tpu.enqueue_indirect_dma source(%dma_start3A_66 : memref<10112x48xf32, #tpu.memory_space<hbm>>) target(%dma_start3A_60 : memref<128x48xf32, #tpu.memory_space<vmem>>) offsets(%dma_start3A_63 : memref<128xi32, #tpu.memory_space<vmem>>) semaphore(%arg12 : memref<!tpu.dma_semaphore, #tpu.memory_space<semaphore_mem>>)
      %add3A_67 = arith.constant 2 : i32
      %add3A_68 = arith.addi %mul3A_41, %add3A_67 : i32
      %dma_start3A_69 = arith.constant 2 : i32
      %dma_start3A_70 = arith.constant 0 : i32
      %dma_start3A_71 = arith.constant 0 : i32
      %dma_start3A_72 = tpu.memref_slice %arg9[%dma_start3A_69, %dma_start3A_70, %dma_start3A_71] : memref<8x128x48xf32, #tpu.memory_space<vmem>> -> memref<1x128x48xf32, #tpu.memory_space<vmem>>
      %dma_start3A_73 = tpu.memref_squeeze %dma_start3A_72 : memref<1x128x48xf32, #tpu.memory_space<vmem>> -> memref<128x48xf32, #tpu.memory_space<vmem>>
      %dma_start3A_74 = arith.constant 0 : i32
      %dma_start3A_75 = tpu.memref_slice %arg7[%add3A_68, %dma_start3A_74] : memref<96x128xi32, #tpu.memory_space<vmem>> -> memref<1x128xi32, #tpu.memory_space<vmem>>
      %dma_start3A_76 = tpu.memref_squeeze %dma_start3A_75 : memref<1x128xi32, #tpu.memory_space<vmem>> -> memref<128xi32, #tpu.memory_space<vmem>>
      %dma_start3A_77 = arith.constant 0 : i32
      %dma_start3A_78 = arith.constant 0 : i32
      %dma_start3A_79 = tpu.memref_slice %arg2[%dma_start3A_77, %dma_start3A_78] : memref<10112x48xf32, #tpu.memory_space<hbm>> -> memref<10112x48xf32, #tpu.memory_space<hbm>>
      tpu.enqueue_indirect_dma source(%dma_start3A_79 : memref<10112x48xf32, #tpu.memory_space<hbm>>) target(%dma_start3A_73 : memref<128x48xf32, #tpu.memory_space<vmem>>) offsets(%dma_start3A_76 : memref<128xi32, #tpu.memory_space<vmem>>) semaphore(%arg12 : memref<!tpu.dma_semaphore, #tpu.memory_space<semaphore_mem>>)
      %add3A_80 = arith.constant 3 : i32
      %add3A_81 = arith.addi %mul3A_41, %add3A_80 : i32
      %dma_start3A_82 = arith.constant 3 : i32
      %dma_start3A_83 = arith.constant 0 : i32
      %dma_start3A_84 = arith.constant 0 : i32
      %dma_start3A_85 = tpu.memref_slice %arg9[%dma_start3A_82, %dma_start3A_83, %dma_start3A_84] : memref<8x128x48xf32, #tpu.memory_space<vmem>> -> memref<1x128x48xf32, #tpu.memory_space<vmem>>
      %dma_start3A_86 = tpu.memref_squeeze %dma_start3A_85 : memref<1x128x48xf32, #tpu.memory_space<vmem>> -> memref<128x48xf32, #tpu.memory_space<vmem>>
      %dma_start3A_87 = arith.constant 0 : i32
      %dma_start3A_88 = tpu.memref_slice %arg7[%add3A_81, %dma_start3A_87] : memref<96x128xi32, #tpu.memory_space<vmem>> -> memref<1x128xi32, #tpu.memory_space<vmem>>
      %dma_start3A_89 = tpu.memref_squeeze %dma_start3A_88 : memref<1x128xi32, #tpu.memory_space<vmem>> -> memref<128xi32, #tpu.memory_space<vmem>>
      %dma_start3A_90 = arith.constant 0 : i32
      %dma_start3A_91 = arith.constant 0 : i32
      %dma_start3A_92 = tpu.memref_slice %arg2[%dma_start3A_90, %dma_start3A_91] : memref<10112x48xf32, #tpu.memory_space<hbm>> -> memref<10112x48xf32, #tpu.memory_space<hbm>>
      tpu.enqueue_indirect_dma source(%dma_start3A_92 : memref<10112x48xf32, #tpu.memory_space<hbm>>) target(%dma_start3A_86 : memref<128x48xf32, #tpu.memory_space<vmem>>) offsets(%dma_start3A_89 : memref<128xi32, #tpu.memory_space<vmem>>) semaphore(%arg12 : memref<!tpu.dma_semaphore, #tpu.memory_space<semaphore_mem>>)
      %add3A_93 = arith.constant 4 : i32
      %add3A_94 = arith.addi %mul3A_41, %add3A_93 : i32
      %dma_start3A_95 = arith.constant 4 : i32
      %dma_start3A_96 = arith.constant 0 : i32
      %dma_start3A_97 = arith.constant 0 : i32
      %dma_start3A_98 = tpu.memref_slice %arg9[%dma_start3A_95, %dma_start3A_96, %dma_start3A_97] : memref<8x128x48xf32, #tpu.memory_space<vmem>> -> memref<1x128x48xf32, #tpu.memory_space<vmem>>
      %dma_start3A_99 = tpu.memref_squeeze %dma_start3A_98 : memref<1x128x48xf32, #tpu.memory_space<vmem>> -> memref<128x48xf32, #tpu.memory_space<vmem>>
      %dma_start3A_100 = arith.constant 0 : i32
      %dma_start3A_101 = tpu.memref_slice %arg7[%add3A_94, %dma_start3A_100] : memref<96x128xi32, #tpu.memory_space<vmem>> -> memref<1x128xi32, #tpu.memory_space<vmem>>
      %dma_start3A_102 = tpu.memref_squeeze %dma_start3A_101 : memref<1x128xi32, #tpu.memory_space<vmem>> -> memref<128xi32, #tpu.memory_space<vmem>>
      %dma_start3A_103 = arith.constant 0 : i32
      %dma_start3A_104 = arith.constant 0 : i32
      %dma_start3A_105 = tpu.memref_slice %arg2[%dma_start3A_103, %dma_start3A_104] : memref<10112x48xf32, #tpu.memory_space<hbm>> -> memref<10112x48xf32, #tpu.memory_space<hbm>>
      tpu.enqueue_indirect_dma source(%dma_start3A_105 : memref<10112x48xf32, #tpu.memory_space<hbm>>) target(%dma_start3A_99 : memref<128x48xf32, #tpu.memory_space<vmem>>) offsets(%dma_start3A_102 : memref<128xi32, #tpu.memory_space<vmem>>) semaphore(%arg12 : memref<!tpu.dma_semaphore, #tpu.memory_space<semaphore_mem>>)
      %add3A_106 = arith.constant 5 : i32
      %add3A_107 = arith.addi %mul3A_41, %add3A_106 : i32
      %dma_start3A_108 = arith.constant 5 : i32
      %dma_start3A_109 = arith.constant 0 : i32
      %dma_start3A_110 = arith.constant 0 : i32
      %dma_start3A_111 = tpu.memref_slice %arg9[%dma_start3A_108, %dma_start3A_109, %dma_start3A_110] : memref<8x128x48xf32, #tpu.memory_space<vmem>> -> memref<1x128x48xf32, #tpu.memory_space<vmem>>
      %dma_start3A_112 = tpu.memref_squeeze %dma_start3A_111 : memref<1x128x48xf32, #tpu.memory_space<vmem>> -> memref<128x48xf32, #tpu.memory_space<vmem>>
      %dma_start3A_113 = arith.constant 0 : i32
      %dma_start3A_114 = tpu.memref_slice %arg7[%add3A_107, %dma_start3A_113] : memref<96x128xi32, #tpu.memory_space<vmem>> -> memref<1x128xi32, #tpu.memory_space<vmem>>
      %dma_start3A_115 = tpu.memref_squeeze %dma_start3A_114 : memref<1x128xi32, #tpu.memory_space<vmem>> -> memref<128xi32, #tpu.memory_space<vmem>>
      %dma_start3A_116 = arith.constant 0 : i32
      %dma_start3A_117 = arith.constant 0 : i32
      %dma_start3A_118 = tpu.memref_slice %arg2[%dma_start3A_116, %dma_start3A_117] : memref<10112x48xf32, #tpu.memory_space<hbm>> -> memref<10112x48xf32, #tpu.memory_space<hbm>>
      tpu.enqueue_indirect_dma source(%dma_start3A_118 : memref<10112x48xf32, #tpu.memory_space<hbm>>) target(%dma_start3A_112 : memref<128x48xf32, #tpu.memory_space<vmem>>) offsets(%dma_start3A_115 : memref<128xi32, #tpu.memory_space<vmem>>) semaphore(%arg12 : memref<!tpu.dma_semaphore, #tpu.memory_space<semaphore_mem>>)
      %add3A_119 = arith.constant 6 : i32
      %add3A_120 = arith.addi %mul3A_41, %add3A_119 : i32
      %dma_start3A_121 = arith.constant 6 : i32
      %dma_start3A_122 = arith.constant 0 : i32
      %dma_start3A_123 = arith.constant 0 : i32
      %dma_start3A_124 = tpu.memref_slice %arg9[%dma_start3A_121, %dma_start3A_122, %dma_start3A_123] : memref<8x128x48xf32, #tpu.memory_space<vmem>> -> memref<1x128x48xf32, #tpu.memory_space<vmem>>
      %dma_start3A_125 = tpu.memref_squeeze %dma_start3A_124 : memref<1x128x48xf32, #tpu.memory_space<vmem>> -> memref<128x48xf32, #tpu.memory_space<vmem>>
      %dma_start3A_126 = arith.constant 0 : i32
      %dma_start3A_127 = tpu.memref_slice %arg7[%add3A_120, %dma_start3A_126] : memref<96x128xi32, #tpu.memory_space<vmem>> -> memref<1x128xi32, #tpu.memory_space<vmem>>
      %dma_start3A_128 = tpu.memref_squeeze %dma_start3A_127 : memref<1x128xi32, #tpu.memory_space<vmem>> -> memref<128xi32, #tpu.memory_space<vmem>>
      %dma_start3A_129 = arith.constant 0 : i32
      %dma_start3A_130 = arith.constant 0 : i32
      %dma_start3A_131 = tpu.memref_slice %arg2[%dma_start3A_129, %dma_start3A_130] : memref<10112x48xf32, #tpu.memory_space<hbm>> -> memref<10112x48xf32, #tpu.memory_space<hbm>>
      tpu.enqueue_indirect_dma source(%dma_start3A_131 : memref<10112x48xf32, #tpu.memory_space<hbm>>) target(%dma_start3A_125 : memref<128x48xf32, #tpu.memory_space<vmem>>) offsets(%dma_start3A_128 : memref<128xi32, #tpu.memory_space<vmem>>) semaphore(%arg12 : memref<!tpu.dma_semaphore, #tpu.memory_space<semaphore_mem>>)
      %add3A_132 = arith.constant 7 : i32
      %add3A_133 = arith.addi %mul3A_41, %add3A_132 : i32
      %dma_start3A_134 = arith.constant 7 : i32
      %dma_start3A_135 = arith.constant 0 : i32
      %dma_start3A_136 = arith.constant 0 : i32
      %dma_start3A_137 = tpu.memref_slice %arg9[%dma_start3A_134, %dma_start3A_135, %dma_start3A_136] : memref<8x128x48xf32, #tpu.memory_space<vmem>> -> memref<1x128x48xf32, #tpu.memory_space<vmem>>
      %dma_start3A_138 = tpu.memref_squeeze %dma_start3A_137 : memref<1x128x48xf32, #tpu.memory_space<vmem>> -> memref<128x48xf32, #tpu.memory_space<vmem>>
      %dma_start3A_139 = arith.constant 0 : i32
      %dma_start3A_140 = tpu.memref_slice %arg7[%add3A_133, %dma_start3A_139] : memref<96x128xi32, #tpu.memory_space<vmem>> -> memref<1x128xi32, #tpu.memory_space<vmem>>
      %dma_start3A_141 = tpu.memref_squeeze %dma_start3A_140 : memref<1x128xi32, #tpu.memory_space<vmem>> -> memref<128xi32, #tpu.memory_space<vmem>>
      %dma_start3A_142 = arith.constant 0 : i32
      %dma_start3A_143 = arith.constant 0 : i32
      %dma_start3A_144 = tpu.memref_slice %arg2[%dma_start3A_142, %dma_start3A_143] : memref<10112x48xf32, #tpu.memory_space<hbm>> -> memref<10112x48xf32, #tpu.memory_space<hbm>>
      tpu.enqueue_indirect_dma source(%dma_start3A_144 : memref<10112x48xf32, #tpu.memory_space<hbm>>) target(%dma_start3A_138 : memref<128x48xf32, #tpu.memory_space<vmem>>) offsets(%dma_start3A_141 : memref<128xi32, #tpu.memory_space<vmem>>) semaphore(%arg12 : memref<!tpu.dma_semaphore, #tpu.memory_space<semaphore_mem>>)
      %add3A_145 = arith.constant 0 : i32
      %add3A_146 = arith.addi %mul3A_41, %add3A_145 : i32
      %dma_wait3A = arith.constant 0 : i32
      %dma_wait3A_147 = arith.constant 0 : i32
      %dma_wait3A_148 = arith.constant 0 : i32
      %dma_wait3A_149 = tpu.memref_slice %arg9[%dma_wait3A, %dma_wait3A_147, %dma_wait3A_148] : memref<8x128x48xf32, #tpu.memory_space<vmem>> -> memref<1x128x48xf32, #tpu.memory_space<vmem>>
      %dma_wait3A_150 = tpu.memref_squeeze %dma_wait3A_149 : memref<1x128x48xf32, #tpu.memory_space<vmem>> -> memref<128x48xf32, #tpu.memory_space<vmem>>
      %dma_wait3A_151 = arith.constant 0 : i32
      %dma_wait3A_152 = tpu.memref_slice %arg7[%add3A_146, %dma_wait3A_151] : memref<96x128xi32, #tpu.memory_space<vmem>> -> memref<1x128xi32, #tpu.memory_space<vmem>>
      %dma_wait3A_153 = tpu.memref_squeeze %dma_wait3A_152 : memref<1x128xi32, #tpu.memory_space<vmem>> -> memref<128xi32, #tpu.memory_space<vmem>>
      %dma_wait3A_154 = arith.constant 0 : i32
      %dma_wait3A_155 = arith.constant 0 : i32
      %dma_wait3A_156 = tpu.memref_slice %arg2[%dma_wait3A_154, %dma_wait3A_155] : memref<10112x48xf32, #tpu.memory_space<hbm>> -> memref<10112x48xf32, #tpu.memory_space<hbm>>
      tpu.wait_indirect_dma semaphore(%arg12 : memref<!tpu.dma_semaphore, #tpu.memory_space<semaphore_mem>>) src(%dma_wait3A_156 : memref<10112x48xf32, #tpu.memory_space<hbm>>) dst(%dma_wait3A_150 : memref<128x48xf32, #tpu.memory_space<vmem>>)
      %add3A_157 = arith.constant 1 : i32
      %add3A_158 = arith.addi %mul3A_41, %add3A_157 : i32
      %dma_wait3A_159 = arith.constant 1 : i32
      %dma_wait3A_160 = arith.constant 0 : i32
      %dma_wait3A_161 = arith.constant 0 : i32
      %dma_wait3A_162 = tpu.memref_slice %arg9[%dma_wait3A_159, %dma_wait3A_160, %dma_wait3A_161] : memref<8x128x48xf32, #tpu.memory_space<vmem>> -> memref<1x128x48xf32, #tpu.memory_space<vmem>>
      %dma_wait3A_163 = tpu.memref_squeeze %dma_wait3A_162 : memref<1x128x48xf32, #tpu.memory_space<vmem>> -> memref<128x48xf32, #tpu.memory_space<vmem>>
      %dma_wait3A_164 = arith.constant 0 : i32
      %dma_wait3A_165 = tpu.memref_slice %arg7[%add3A_158, %dma_wait3A_164] : memref<96x128xi32, #tpu.memory_space<vmem>> -> memref<1x128xi32, #tpu.memory_space<vmem>>
      %dma_wait3A_166 = tpu.memref_squeeze %dma_wait3A_165 : memref<1x128xi32, #tpu.memory_space<vmem>> -> memref<128xi32, #tpu.memory_space<vmem>>
      %dma_wait3A_167 = arith.constant 0 : i32
      %dma_wait3A_168 = arith.constant 0 : i32
      %dma_wait3A_169 = tpu.memref_slice %arg2[%dma_wait3A_167, %dma_wait3A_168] : memref<10112x48xf32, #tpu.memory_space<hbm>> -> memref<10112x48xf32, #tpu.memory_space<hbm>>
      tpu.wait_indirect_dma semaphore(%arg12 : memref<!tpu.dma_semaphore, #tpu.memory_space<semaphore_mem>>) src(%dma_wait3A_169 : memref<10112x48xf32, #tpu.memory_space<hbm>>) dst(%dma_wait3A_163 : memref<128x48xf32, #tpu.memory_space<vmem>>)
      %add3A_170 = arith.constant 2 : i32
      %add3A_171 = arith.addi %mul3A_41, %add3A_170 : i32
      %dma_wait3A_172 = arith.constant 2 : i32
      %dma_wait3A_173 = arith.constant 0 : i32
      %dma_wait3A_174 = arith.constant 0 : i32
      %dma_wait3A_175 = tpu.memref_slice %arg9[%dma_wait3A_172, %dma_wait3A_173, %dma_wait3A_174] : memref<8x128x48xf32, #tpu.memory_space<vmem>> -> memref<1x128x48xf32, #tpu.memory_space<vmem>>
      %dma_wait3A_176 = tpu.memref_squeeze %dma_wait3A_175 : memref<1x128x48xf32, #tpu.memory_space<vmem>> -> memref<128x48xf32, #tpu.memory_space<vmem>>
      %dma_wait3A_177 = arith.constant 0 : i32
      %dma_wait3A_178 = tpu.memref_slice %arg7[%add3A_171, %dma_wait3A_177] : memref<96x128xi32, #tpu.memory_space<vmem>> -> memref<1x128xi32, #tpu.memory_space<vmem>>
      %dma_wait3A_179 = tpu.memref_squeeze %dma_wait3A_178 : memref<1x128xi32, #tpu.memory_space<vmem>> -> memref<128xi32, #tpu.memory_space<vmem>>
      %dma_wait3A_180 = arith.constant 0 : i32
      %dma_wait3A_181 = arith.constant 0 : i32
      %dma_wait3A_182 = tpu.memref_slice %arg2[%dma_wait3A_180, %dma_wait3A_181] : memref<10112x48xf32, #tpu.memory_space<hbm>> -> memref<10112x48xf32, #tpu.memory_space<hbm>>
      tpu.wait_indirect_dma semaphore(%arg12 : memref<!tpu.dma_semaphore, #tpu.memory_space<semaphore_mem>>) src(%dma_wait3A_182 : memref<10112x48xf32, #tpu.memory_space<hbm>>) dst(%dma_wait3A_176 : memref<128x48xf32, #tpu.memory_space<vmem>>)
      %add3A_183 = arith.constant 3 : i32
      %add3A_184 = arith.addi %mul3A_41, %add3A_183 : i32
      %dma_wait3A_185 = arith.constant 3 : i32
      %dma_wait3A_186 = arith.constant 0 : i32
      %dma_wait3A_187 = arith.constant 0 : i32
      %dma_wait3A_188 = tpu.memref_slice %arg9[%dma_wait3A_185, %dma_wait3A_186, %dma_wait3A_187] : memref<8x128x48xf32, #tpu.memory_space<vmem>> -> memref<1x128x48xf32, #tpu.memory_space<vmem>>
      %dma_wait3A_189 = tpu.memref_squeeze %dma_wait3A_188 : memref<1x128x48xf32, #tpu.memory_space<vmem>> -> memref<128x48xf32, #tpu.memory_space<vmem>>
      %dma_wait3A_190 = arith.constant 0 : i32
      %dma_wait3A_191 = tpu.memref_slice %arg7[%add3A_184, %dma_wait3A_190] : memref<96x128xi32, #tpu.memory_space<vmem>> -> memref<1x128xi32, #tpu.memory_space<vmem>>
      %dma_wait3A_192 = tpu.memref_squeeze %dma_wait3A_191 : memref<1x128xi32, #tpu.memory_space<vmem>> -> memref<128xi32, #tpu.memory_space<vmem>>
      %dma_wait3A_193 = arith.constant 0 : i32
      %dma_wait3A_194 = arith.constant 0 : i32
      %dma_wait3A_195 = tpu.memref_slice %arg2[%dma_wait3A_193, %dma_wait3A_194] : memref<10112x48xf32, #tpu.memory_space<hbm>> -> memref<10112x48xf32, #tpu.memory_space<hbm>>
      tpu.wait_indirect_dma semaphore(%arg12 : memref<!tpu.dma_semaphore, #tpu.memory_space<semaphore_mem>>) src(%dma_wait3A_195 : memref<10112x48xf32, #tpu.memory_space<hbm>>) dst(%dma_wait3A_189 : memref<128x48xf32, #tpu.memory_space<vmem>>)
      %add3A_196 = arith.constant 4 : i32
      %add3A_197 = arith.addi %mul3A_41, %add3A_196 : i32
      %dma_wait3A_198 = arith.constant 4 : i32
      %dma_wait3A_199 = arith.constant 0 : i32
      %dma_wait3A_200 = arith.constant 0 : i32
      %dma_wait3A_201 = tpu.memref_slice %arg9[%dma_wait3A_198, %dma_wait3A_199, %dma_wait3A_200] : memref<8x128x48xf32, #tpu.memory_space<vmem>> -> memref<1x128x48xf32, #tpu.memory_space<vmem>>
      %dma_wait3A_202 = tpu.memref_squeeze %dma_wait3A_201 : memref<1x128x48xf32, #tpu.memory_space<vmem>> -> memref<128x48xf32, #tpu.memory_space<vmem>>
      %dma_wait3A_203 = arith.constant 0 : i32
      %dma_wait3A_204 = tpu.memref_slice %arg7[%add3A_197, %dma_wait3A_203] : memref<96x128xi32, #tpu.memory_space<vmem>> -> memref<1x128xi32, #tpu.memory_space<vmem>>
      %dma_wait3A_205 = tpu.memref_squeeze %dma_wait3A_204 : memref<1x128xi32, #tpu.memory_space<vmem>> -> memref<128xi32, #tpu.memory_space<vmem>>
      %dma_wait3A_206 = arith.constant 0 : i32
      %dma_wait3A_207 = arith.constant 0 : i32
      %dma_wait3A_208 = tpu.memref_slice %arg2[%dma_wait3A_206, %dma_wait3A_207] : memref<10112x48xf32, #tpu.memory_space<hbm>> -> memref<10112x48xf32, #tpu.memory_space<hbm>>
      tpu.wait_indirect_dma semaphore(%arg12 : memref<!tpu.dma_semaphore, #tpu.memory_space<semaphore_mem>>) src(%dma_wait3A_208 : memref<10112x48xf32, #tpu.memory_space<hbm>>) dst(%dma_wait3A_202 : memref<128x48xf32, #tpu.memory_space<vmem>>)
      %add3A_209 = arith.constant 5 : i32
      %add3A_210 = arith.addi %mul3A_41, %add3A_209 : i32
      %dma_wait3A_211 = arith.constant 5 : i32
      %dma_wait3A_212 = arith.constant 0 : i32
      %dma_wait3A_213 = arith.constant 0 : i32
      %dma_wait3A_214 = tpu.memref_slice %arg9[%dma_wait3A_211, %dma_wait3A_212, %dma_wait3A_213] : memref<8x128x48xf32, #tpu.memory_space<vmem>> -> memref<1x128x48xf32, #tpu.memory_space<vmem>>
      %dma_wait3A_215 = tpu.memref_squeeze %dma_wait3A_214 : memref<1x128x48xf32, #tpu.memory_space<vmem>> -> memref<128x48xf32, #tpu.memory_space<vmem>>
      %dma_wait3A_216 = arith.constant 0 : i32
      %dma_wait3A_217 = tpu.memref_slice %arg7[%add3A_210, %dma_wait3A_216] : memref<96x128xi32, #tpu.memory_space<vmem>> -> memref<1x128xi32, #tpu.memory_space<vmem>>
      %dma_wait3A_218 = tpu.memref_squeeze %dma_wait3A_217 : memref<1x128xi32, #tpu.memory_space<vmem>> -> memref<128xi32, #tpu.memory_space<vmem>>
      %dma_wait3A_219 = arith.constant 0 : i32
      %dma_wait3A_220 = arith.constant 0 : i32
      %dma_wait3A_221 = tpu.memref_slice %arg2[%dma_wait3A_219, %dma_wait3A_220] : memref<10112x48xf32, #tpu.memory_space<hbm>> -> memref<10112x48xf32, #tpu.memory_space<hbm>>
      tpu.wait_indirect_dma semaphore(%arg12 : memref<!tpu.dma_semaphore, #tpu.memory_space<semaphore_mem>>) src(%dma_wait3A_221 : memref<10112x48xf32, #tpu.memory_space<hbm>>) dst(%dma_wait3A_215 : memref<128x48xf32, #tpu.memory_space<vmem>>)
      %add3A_222 = arith.constant 6 : i32
      %add3A_223 = arith.addi %mul3A_41, %add3A_222 : i32
      %dma_wait3A_224 = arith.constant 6 : i32
      %dma_wait3A_225 = arith.constant 0 : i32
      %dma_wait3A_226 = arith.constant 0 : i32
      %dma_wait3A_227 = tpu.memref_slice %arg9[%dma_wait3A_224, %dma_wait3A_225, %dma_wait3A_226] : memref<8x128x48xf32, #tpu.memory_space<vmem>> -> memref<1x128x48xf32, #tpu.memory_space<vmem>>
      %dma_wait3A_228 = tpu.memref_squeeze %dma_wait3A_227 : memref<1x128x48xf32, #tpu.memory_space<vmem>> -> memref<128x48xf32, #tpu.memory_space<vmem>>
      %dma_wait3A_229 = arith.constant 0 : i32
      %dma_wait3A_230 = tpu.memref_slice %arg7[%add3A_223, %dma_wait3A_229] : memref<96x128xi32, #tpu.memory_space<vmem>> -> memref<1x128xi32, #tpu.memory_space<vmem>>
      %dma_wait3A_231 = tpu.memref_squeeze %dma_wait3A_230 : memref<1x128xi32, #tpu.memory_space<vmem>> -> memref<128xi32, #tpu.memory_space<vmem>>
      %dma_wait3A_232 = arith.constant 0 : i32
      %dma_wait3A_233 = arith.constant 0 : i32
      %dma_wait3A_234 = tpu.memref_slice %arg2[%dma_wait3A_232, %dma_wait3A_233] : memref<10112x48xf32, #tpu.memory_space<hbm>> -> memref<10112x48xf32, #tpu.memory_space<hbm>>
      tpu.wait_indirect_dma semaphore(%arg12 : memref<!tpu.dma_semaphore, #tpu.memory_space<semaphore_mem>>) src(%dma_wait3A_234 : memref<10112x48xf32, #tpu.memory_space<hbm>>) dst(%dma_wait3A_228 : memref<128x48xf32, #tpu.memory_space<vmem>>)
      %add3A_235 = arith.constant 7 : i32
      %add3A_236 = arith.addi %mul3A_41, %add3A_235 : i32
      %dma_wait3A_237 = arith.constant 7 : i32
      %dma_wait3A_238 = arith.constant 0 : i32
      %dma_wait3A_239 = arith.constant 0 : i32
      %dma_wait3A_240 = tpu.memref_slice %arg9[%dma_wait3A_237, %dma_wait3A_238, %dma_wait3A_239] : memref<8x128x48xf32, #tpu.memory_space<vmem>> -> memref<1x128x48xf32, #tpu.memory_space<vmem>>
      %dma_wait3A_241 = tpu.memref_squeeze %dma_wait3A_240 : memref<1x128x48xf32, #tpu.memory_space<vmem>> -> memref<128x48xf32, #tpu.memory_space<vmem>>
      %dma_wait3A_242 = arith.constant 0 : i32
      %dma_wait3A_243 = tpu.memref_slice %arg7[%add3A_236, %dma_wait3A_242] : memref<96x128xi32, #tpu.memory_space<vmem>> -> memref<1x128xi32, #tpu.memory_space<vmem>>
      %dma_wait3A_244 = tpu.memref_squeeze %dma_wait3A_243 : memref<1x128xi32, #tpu.memory_space<vmem>> -> memref<128xi32, #tpu.memory_space<vmem>>
      %dma_wait3A_245 = arith.constant 0 : i32
      %dma_wait3A_246 = arith.constant 0 : i32
      %dma_wait3A_247 = tpu.memref_slice %arg2[%dma_wait3A_245, %dma_wait3A_246] : memref<10112x48xf32, #tpu.memory_space<hbm>> -> memref<10112x48xf32, #tpu.memory_space<hbm>>
      tpu.wait_indirect_dma semaphore(%arg12 : memref<!tpu.dma_semaphore, #tpu.memory_space<semaphore_mem>>) src(%dma_wait3A_247 : memref<10112x48xf32, #tpu.memory_space<hbm>>) dst(%dma_wait3A_241 : memref<128x48xf32, #tpu.memory_space<vmem>>)
      %add3A_248 = arith.constant 0 : i32
      %add3A_249 = arith.addi %mul3A_41, %add3A_248 : i32
      %dma_start3A_250 = arith.constant 0 : i32
      %dma_start3A_251 = arith.constant 0 : i32
      %dma_start3A_252 = arith.constant 0 : i32
      %dma_start3A_253 = tpu.memref_slice %arg9[%dma_start3A_250, %dma_start3A_251, %dma_start3A_252] : memref<8x128x48xf32, #tpu.memory_space<vmem>> -> memref<1x128x48xf32, #tpu.memory_space<vmem>>
      %dma_start3A_254 = tpu.memref_squeeze %dma_start3A_253 : memref<1x128x48xf32, #tpu.memory_space<vmem>> -> memref<128x48xf32, #tpu.memory_space<vmem>>
      %dma_start3A_255 = arith.constant 0 : i32
      %dma_start3A_256 = tpu.memref_slice %arg8[%add3A_249, %dma_start3A_255] : memref<96x128xi32, #tpu.memory_space<vmem>> -> memref<1x128xi32, #tpu.memory_space<vmem>>
      %dma_start3A_257 = tpu.memref_squeeze %dma_start3A_256 : memref<1x128xi32, #tpu.memory_space<vmem>> -> memref<128xi32, #tpu.memory_space<vmem>>
      %dma_start3A_258 = arith.constant 0 : i32
      %dma_start3A_259 = arith.constant 0 : i32
      %dma_start3A_260 = tpu.memref_slice %arg11[%dma_start3A_258, %dma_start3A_259] : memref<10112x48xf32, #tpu.memory_space<vmem_shared>> -> memref<10112x48xf32, #tpu.memory_space<vmem_shared>>
      tpu.enqueue_indirect_dma source(%dma_start3A_254 : memref<128x48xf32, #tpu.memory_space<vmem>>) target(%dma_start3A_260 : memref<10112x48xf32, #tpu.memory_space<vmem_shared>>) offsets(%dma_start3A_257 : memref<128xi32, #tpu.memory_space<vmem>>) semaphore(%arg13 : memref<!tpu.dma_semaphore, #tpu.memory_space<semaphore_mem>>) {add = true}
      %add3A_261 = arith.constant 1 : i32
      %add3A_262 = arith.addi %mul3A_41, %add3A_261 : i32
      %dma_start3A_263 = arith.constant 1 : i32
      %dma_start3A_264 = arith.constant 0 : i32
      %dma_start3A_265 = arith.constant 0 : i32
      %dma_start3A_266 = tpu.memref_slice %arg9[%dma_start3A_263, %dma_start3A_264, %dma_start3A_265] : memref<8x128x48xf32, #tpu.memory_space<vmem>> -> memref<1x128x48xf32, #tpu.memory_space<vmem>>
      %dma_start3A_267 = tpu.memref_squeeze %dma_start3A_266 : memref<1x128x48xf32, #tpu.memory_space<vmem>> -> memref<128x48xf32, #tpu.memory_space<vmem>>
      %dma_start3A_268 = arith.constant 0 : i32
      %dma_start3A_269 = tpu.memref_slice %arg8[%add3A_262, %dma_start3A_268] : memref<96x128xi32, #tpu.memory_space<vmem>> -> memref<1x128xi32, #tpu.memory_space<vmem>>
      %dma_start3A_270 = tpu.memref_squeeze %dma_start3A_269 : memref<1x128xi32, #tpu.memory_space<vmem>> -> memref<128xi32, #tpu.memory_space<vmem>>
      %dma_start3A_271 = arith.constant 0 : i32
      %dma_start3A_272 = arith.constant 0 : i32
      %dma_start3A_273 = tpu.memref_slice %arg11[%dma_start3A_271, %dma_start3A_272] : memref<10112x48xf32, #tpu.memory_space<vmem_shared>> -> memref<10112x48xf32, #tpu.memory_space<vmem_shared>>
      tpu.enqueue_indirect_dma source(%dma_start3A_267 : memref<128x48xf32, #tpu.memory_space<vmem>>) target(%dma_start3A_273 : memref<10112x48xf32, #tpu.memory_space<vmem_shared>>) offsets(%dma_start3A_270 : memref<128xi32, #tpu.memory_space<vmem>>) semaphore(%arg13 : memref<!tpu.dma_semaphore, #tpu.memory_space<semaphore_mem>>) {add = true}
      %add3A_274 = arith.constant 2 : i32
      %add3A_275 = arith.addi %mul3A_41, %add3A_274 : i32
      %dma_start3A_276 = arith.constant 2 : i32
      %dma_start3A_277 = arith.constant 0 : i32
      %dma_start3A_278 = arith.constant 0 : i32
      %dma_start3A_279 = tpu.memref_slice %arg9[%dma_start3A_276, %dma_start3A_277, %dma_start3A_278] : memref<8x128x48xf32, #tpu.memory_space<vmem>> -> memref<1x128x48xf32, #tpu.memory_space<vmem>>
      %dma_start3A_280 = tpu.memref_squeeze %dma_start3A_279 : memref<1x128x48xf32, #tpu.memory_space<vmem>> -> memref<128x48xf32, #tpu.memory_space<vmem>>
      %dma_start3A_281 = arith.constant 0 : i32
      %dma_start3A_282 = tpu.memref_slice %arg8[%add3A_275, %dma_start3A_281] : memref<96x128xi32, #tpu.memory_space<vmem>> -> memref<1x128xi32, #tpu.memory_space<vmem>>
      %dma_start3A_283 = tpu.memref_squeeze %dma_start3A_282 : memref<1x128xi32, #tpu.memory_space<vmem>> -> memref<128xi32, #tpu.memory_space<vmem>>
      %dma_start3A_284 = arith.constant 0 : i32
      %dma_start3A_285 = arith.constant 0 : i32
      %dma_start3A_286 = tpu.memref_slice %arg11[%dma_start3A_284, %dma_start3A_285] : memref<10112x48xf32, #tpu.memory_space<vmem_shared>> -> memref<10112x48xf32, #tpu.memory_space<vmem_shared>>
      tpu.enqueue_indirect_dma source(%dma_start3A_280 : memref<128x48xf32, #tpu.memory_space<vmem>>) target(%dma_start3A_286 : memref<10112x48xf32, #tpu.memory_space<vmem_shared>>) offsets(%dma_start3A_283 : memref<128xi32, #tpu.memory_space<vmem>>) semaphore(%arg13 : memref<!tpu.dma_semaphore, #tpu.memory_space<semaphore_mem>>) {add = true}
      %add3A_287 = arith.constant 3 : i32
      %add3A_288 = arith.addi %mul3A_41, %add3A_287 : i32
      %dma_start3A_289 = arith.constant 3 : i32
      %dma_start3A_290 = arith.constant 0 : i32
      %dma_start3A_291 = arith.constant 0 : i32
      %dma_start3A_292 = tpu.memref_slice %arg9[%dma_start3A_289, %dma_start3A_290, %dma_start3A_291] : memref<8x128x48xf32, #tpu.memory_space<vmem>> -> memref<1x128x48xf32, #tpu.memory_space<vmem>>
      %dma_start3A_293 = tpu.memref_squeeze %dma_start3A_292 : memref<1x128x48xf32, #tpu.memory_space<vmem>> -> memref<128x48xf32, #tpu.memory_space<vmem>>
      %dma_start3A_294 = arith.constant 0 : i32
      %dma_start3A_295 = tpu.memref_slice %arg8[%add3A_288, %dma_start3A_294] : memref<96x128xi32, #tpu.memory_space<vmem>> -> memref<1x128xi32, #tpu.memory_space<vmem>>
      %dma_start3A_296 = tpu.memref_squeeze %dma_start3A_295 : memref<1x128xi32, #tpu.memory_space<vmem>> -> memref<128xi32, #tpu.memory_space<vmem>>
      %dma_start3A_297 = arith.constant 0 : i32
      %dma_start3A_298 = arith.constant 0 : i32
      %dma_start3A_299 = tpu.memref_slice %arg11[%dma_start3A_297, %dma_start3A_298] : memref<10112x48xf32, #tpu.memory_space<vmem_shared>> -> memref<10112x48xf32, #tpu.memory_space<vmem_shared>>
      tpu.enqueue_indirect_dma source(%dma_start3A_293 : memref<128x48xf32, #tpu.memory_space<vmem>>) target(%dma_start3A_299 : memref<10112x48xf32, #tpu.memory_space<vmem_shared>>) offsets(%dma_start3A_296 : memref<128xi32, #tpu.memory_space<vmem>>) semaphore(%arg13 : memref<!tpu.dma_semaphore, #tpu.memory_space<semaphore_mem>>) {add = true}
      %add3A_300 = arith.constant 4 : i32
      %add3A_301 = arith.addi %mul3A_41, %add3A_300 : i32
      %dma_start3A_302 = arith.constant 4 : i32
      %dma_start3A_303 = arith.constant 0 : i32
      %dma_start3A_304 = arith.constant 0 : i32
      %dma_start3A_305 = tpu.memref_slice %arg9[%dma_start3A_302, %dma_start3A_303, %dma_start3A_304] : memref<8x128x48xf32, #tpu.memory_space<vmem>> -> memref<1x128x48xf32, #tpu.memory_space<vmem>>
      %dma_start3A_306 = tpu.memref_squeeze %dma_start3A_305 : memref<1x128x48xf32, #tpu.memory_space<vmem>> -> memref<128x48xf32, #tpu.memory_space<vmem>>
      %dma_start3A_307 = arith.constant 0 : i32
      %dma_start3A_308 = tpu.memref_slice %arg8[%add3A_301, %dma_start3A_307] : memref<96x128xi32, #tpu.memory_space<vmem>> -> memref<1x128xi32, #tpu.memory_space<vmem>>
      %dma_start3A_309 = tpu.memref_squeeze %dma_start3A_308 : memref<1x128xi32, #tpu.memory_space<vmem>> -> memref<128xi32, #tpu.memory_space<vmem>>
      %dma_start3A_310 = arith.constant 0 : i32
      %dma_start3A_311 = arith.constant 0 : i32
      %dma_start3A_312 = tpu.memref_slice %arg11[%dma_start3A_310, %dma_start3A_311] : memref<10112x48xf32, #tpu.memory_space<vmem_shared>> -> memref<10112x48xf32, #tpu.memory_space<vmem_shared>>
      tpu.enqueue_indirect_dma source(%dma_start3A_306 : memref<128x48xf32, #tpu.memory_space<vmem>>) target(%dma_start3A_312 : memref<10112x48xf32, #tpu.memory_space<vmem_shared>>) offsets(%dma_start3A_309 : memref<128xi32, #tpu.memory_space<vmem>>) semaphore(%arg13 : memref<!tpu.dma_semaphore, #tpu.memory_space<semaphore_mem>>) {add = true}
      %add3A_313 = arith.constant 5 : i32
      %add3A_314 = arith.addi %mul3A_41, %add3A_313 : i32
      %dma_start3A_315 = arith.constant 5 : i32
      %dma_start3A_316 = arith.constant 0 : i32
      %dma_start3A_317 = arith.constant 0 : i32
      %dma_start3A_318 = tpu.memref_slice %arg9[%dma_start3A_315, %dma_start3A_316, %dma_start3A_317] : memref<8x128x48xf32, #tpu.memory_space<vmem>> -> memref<1x128x48xf32, #tpu.memory_space<vmem>>
      %dma_start3A_319 = tpu.memref_squeeze %dma_start3A_318 : memref<1x128x48xf32, #tpu.memory_space<vmem>> -> memref<128x48xf32, #tpu.memory_space<vmem>>
      %dma_start3A_320 = arith.constant 0 : i32
      %dma_start3A_321 = tpu.memref_slice %arg8[%add3A_314, %dma_start3A_320] : memref<96x128xi32, #tpu.memory_space<vmem>> -> memref<1x128xi32, #tpu.memory_space<vmem>>
      %dma_start3A_322 = tpu.memref_squeeze %dma_start3A_321 : memref<1x128xi32, #tpu.memory_space<vmem>> -> memref<128xi32, #tpu.memory_space<vmem>>
      %dma_start3A_323 = arith.constant 0 : i32
      %dma_start3A_324 = arith.constant 0 : i32
      %dma_start3A_325 = tpu.memref_slice %arg11[%dma_start3A_323, %dma_start3A_324] : memref<10112x48xf32, #tpu.memory_space<vmem_shared>> -> memref<10112x48xf32, #tpu.memory_space<vmem_shared>>
      tpu.enqueue_indirect_dma source(%dma_start3A_319 : memref<128x48xf32, #tpu.memory_space<vmem>>) target(%dma_start3A_325 : memref<10112x48xf32, #tpu.memory_space<vmem_shared>>) offsets(%dma_start3A_322 : memref<128xi32, #tpu.memory_space<vmem>>) semaphore(%arg13 : memref<!tpu.dma_semaphore, #tpu.memory_space<semaphore_mem>>) {add = true}
      %add3A_326 = arith.constant 6 : i32
      %add3A_327 = arith.addi %mul3A_41, %add3A_326 : i32
      %dma_start3A_328 = arith.constant 6 : i32
      %dma_start3A_329 = arith.constant 0 : i32
      %dma_start3A_330 = arith.constant 0 : i32
      %dma_start3A_331 = tpu.memref_slice %arg9[%dma_start3A_328, %dma_start3A_329, %dma_start3A_330] : memref<8x128x48xf32, #tpu.memory_space<vmem>> -> memref<1x128x48xf32, #tpu.memory_space<vmem>>
      %dma_start3A_332 = tpu.memref_squeeze %dma_start3A_331 : memref<1x128x48xf32, #tpu.memory_space<vmem>> -> memref<128x48xf32, #tpu.memory_space<vmem>>
      %dma_start3A_333 = arith.constant 0 : i32
      %dma_start3A_334 = tpu.memref_slice %arg8[%add3A_327, %dma_start3A_333] : memref<96x128xi32, #tpu.memory_space<vmem>> -> memref<1x128xi32, #tpu.memory_space<vmem>>
      %dma_start3A_335 = tpu.memref_squeeze %dma_start3A_334 : memref<1x128xi32, #tpu.memory_space<vmem>> -> memref<128xi32, #tpu.memory_space<vmem>>
      %dma_start3A_336 = arith.constant 0 : i32
      %dma_start3A_337 = arith.constant 0 : i32
      %dma_start3A_338 = tpu.memref_slice %arg11[%dma_start3A_336, %dma_start3A_337] : memref<10112x48xf32, #tpu.memory_space<vmem_shared>> -> memref<10112x48xf32, #tpu.memory_space<vmem_shared>>
      tpu.enqueue_indirect_dma source(%dma_start3A_332 : memref<128x48xf32, #tpu.memory_space<vmem>>) target(%dma_start3A_338 : memref<10112x48xf32, #tpu.memory_space<vmem_shared>>) offsets(%dma_start3A_335 : memref<128xi32, #tpu.memory_space<vmem>>) semaphore(%arg13 : memref<!tpu.dma_semaphore, #tpu.memory_space<semaphore_mem>>) {add = true}
      %add3A_339 = arith.constant 7 : i32
      %add3A_340 = arith.addi %mul3A_41, %add3A_339 : i32
      %dma_start3A_341 = arith.constant 7 : i32
      %dma_start3A_342 = arith.constant 0 : i32
      %dma_start3A_343 = arith.constant 0 : i32
      %dma_start3A_344 = tpu.memref_slice %arg9[%dma_start3A_341, %dma_start3A_342, %dma_start3A_343] : memref<8x128x48xf32, #tpu.memory_space<vmem>> -> memref<1x128x48xf32, #tpu.memory_space<vmem>>
      %dma_start3A_345 = tpu.memref_squeeze %dma_start3A_344 : memref<1x128x48xf32, #tpu.memory_space<vmem>> -> memref<128x48xf32, #tpu.memory_space<vmem>>
      %dma_start3A_346 = arith.constant 0 : i32
      %dma_start3A_347 = tpu.memref_slice %arg8[%add3A_340, %dma_start3A_346] : memref<96x128xi32, #tpu.memory_space<vmem>> -> memref<1x128xi32, #tpu.memory_space<vmem>>
      %dma_start3A_348 = tpu.memref_squeeze %dma_start3A_347 : memref<1x128xi32, #tpu.memory_space<vmem>> -> memref<128xi32, #tpu.memory_space<vmem>>
      %dma_start3A_349 = arith.constant 0 : i32
      %dma_start3A_350 = arith.constant 0 : i32
      %dma_start3A_351 = tpu.memref_slice %arg11[%dma_start3A_349, %dma_start3A_350] : memref<10112x48xf32, #tpu.memory_space<vmem_shared>> -> memref<10112x48xf32, #tpu.memory_space<vmem_shared>>
      tpu.enqueue_indirect_dma source(%dma_start3A_345 : memref<128x48xf32, #tpu.memory_space<vmem>>) target(%dma_start3A_351 : memref<10112x48xf32, #tpu.memory_space<vmem_shared>>) offsets(%dma_start3A_348 : memref<128xi32, #tpu.memory_space<vmem>>) semaphore(%arg13 : memref<!tpu.dma_semaphore, #tpu.memory_space<semaphore_mem>>) {add = true}
      %add3A_352 = arith.constant 0 : i32
      %add3A_353 = arith.addi %mul3A_41, %add3A_352 : i32
      %dma_wait3A_354 = arith.constant 0 : i32
      %dma_wait3A_355 = arith.constant 0 : i32
      %dma_wait3A_356 = arith.constant 0 : i32
      %dma_wait3A_357 = tpu.memref_slice %arg9[%dma_wait3A_354, %dma_wait3A_355, %dma_wait3A_356] : memref<8x128x48xf32, #tpu.memory_space<vmem>> -> memref<1x128x48xf32, #tpu.memory_space<vmem>>
      %dma_wait3A_358 = tpu.memref_squeeze %dma_wait3A_357 : memref<1x128x48xf32, #tpu.memory_space<vmem>> -> memref<128x48xf32, #tpu.memory_space<vmem>>
      %dma_wait3A_359 = arith.constant 0 : i32
      %dma_wait3A_360 = tpu.memref_slice %arg8[%add3A_353, %dma_wait3A_359] : memref<96x128xi32, #tpu.memory_space<vmem>> -> memref<1x128xi32, #tpu.memory_space<vmem>>
      %dma_wait3A_361 = tpu.memref_squeeze %dma_wait3A_360 : memref<1x128xi32, #tpu.memory_space<vmem>> -> memref<128xi32, #tpu.memory_space<vmem>>
      %dma_wait3A_362 = arith.constant 0 : i32
      %dma_wait3A_363 = arith.constant 0 : i32
      %dma_wait3A_364 = tpu.memref_slice %arg11[%dma_wait3A_362, %dma_wait3A_363] : memref<10112x48xf32, #tpu.memory_space<vmem_shared>> -> memref<10112x48xf32, #tpu.memory_space<vmem_shared>>
      tpu.wait_indirect_dma semaphore(%arg13 : memref<!tpu.dma_semaphore, #tpu.memory_space<semaphore_mem>>) src(%dma_wait3A_358 : memref<128x48xf32, #tpu.memory_space<vmem>>) dst(%dma_wait3A_364 : memref<10112x48xf32, #tpu.memory_space<vmem_shared>>)
      %add3A_365 = arith.constant 1 : i32
      %add3A_366 = arith.addi %mul3A_41, %add3A_365 : i32
      %dma_wait3A_367 = arith.constant 1 : i32
      %dma_wait3A_368 = arith.constant 0 : i32
      %dma_wait3A_369 = arith.constant 0 : i32
      %dma_wait3A_370 = tpu.memref_slice %arg9[%dma_wait3A_367, %dma_wait3A_368, %dma_wait3A_369] : memref<8x128x48xf32, #tpu.memory_space<vmem>> -> memref<1x128x48xf32, #tpu.memory_space<vmem>>
      %dma_wait3A_371 = tpu.memref_squeeze %dma_wait3A_370 : memref<1x128x48xf32, #tpu.memory_space<vmem>> -> memref<128x48xf32, #tpu.memory_space<vmem>>
      %dma_wait3A_372 = arith.constant 0 : i32
      %dma_wait3A_373 = tpu.memref_slice %arg8[%add3A_366, %dma_wait3A_372] : memref<96x128xi32, #tpu.memory_space<vmem>> -> memref<1x128xi32, #tpu.memory_space<vmem>>
      %dma_wait3A_374 = tpu.memref_squeeze %dma_wait3A_373 : memref<1x128xi32, #tpu.memory_space<vmem>> -> memref<128xi32, #tpu.memory_space<vmem>>
      %dma_wait3A_375 = arith.constant 0 : i32
      %dma_wait3A_376 = arith.constant 0 : i32
      %dma_wait3A_377 = tpu.memref_slice %arg11[%dma_wait3A_375, %dma_wait3A_376] : memref<10112x48xf32, #tpu.memory_space<vmem_shared>> -> memref<10112x48xf32, #tpu.memory_space<vmem_shared>>
      tpu.wait_indirect_dma semaphore(%arg13 : memref<!tpu.dma_semaphore, #tpu.memory_space<semaphore_mem>>) src(%dma_wait3A_371 : memref<128x48xf32, #tpu.memory_space<vmem>>) dst(%dma_wait3A_377 : memref<10112x48xf32, #tpu.memory_space<vmem_shared>>)
      %add3A_378 = arith.constant 2 : i32
      %add3A_379 = arith.addi %mul3A_41, %add3A_378 : i32
      %dma_wait3A_380 = arith.constant 2 : i32
      %dma_wait3A_381 = arith.constant 0 : i32
      %dma_wait3A_382 = arith.constant 0 : i32
      %dma_wait3A_383 = tpu.memref_slice %arg9[%dma_wait3A_380, %dma_wait3A_381, %dma_wait3A_382] : memref<8x128x48xf32, #tpu.memory_space<vmem>> -> memref<1x128x48xf32, #tpu.memory_space<vmem>>
      %dma_wait3A_384 = tpu.memref_squeeze %dma_wait3A_383 : memref<1x128x48xf32, #tpu.memory_space<vmem>> -> memref<128x48xf32, #tpu.memory_space<vmem>>
      %dma_wait3A_385 = arith.constant 0 : i32
      %dma_wait3A_386 = tpu.memref_slice %arg8[%add3A_379, %dma_wait3A_385] : memref<96x128xi32, #tpu.memory_space<vmem>> -> memref<1x128xi32, #tpu.memory_space<vmem>>
      %dma_wait3A_387 = tpu.memref_squeeze %dma_wait3A_386 : memref<1x128xi32, #tpu.memory_space<vmem>> -> memref<128xi32, #tpu.memory_space<vmem>>
      %dma_wait3A_388 = arith.constant 0 : i32
      %dma_wait3A_389 = arith.constant 0 : i32
      %dma_wait3A_390 = tpu.memref_slice %arg11[%dma_wait3A_388, %dma_wait3A_389] : memref<10112x48xf32, #tpu.memory_space<vmem_shared>> -> memref<10112x48xf32, #tpu.memory_space<vmem_shared>>
      tpu.wait_indirect_dma semaphore(%arg13 : memref<!tpu.dma_semaphore, #tpu.memory_space<semaphore_mem>>) src(%dma_wait3A_384 : memref<128x48xf32, #tpu.memory_space<vmem>>) dst(%dma_wait3A_390 : memref<10112x48xf32, #tpu.memory_space<vmem_shared>>)
      %add3A_391 = arith.constant 3 : i32
      %add3A_392 = arith.addi %mul3A_41, %add3A_391 : i32
      %dma_wait3A_393 = arith.constant 3 : i32
      %dma_wait3A_394 = arith.constant 0 : i32
      %dma_wait3A_395 = arith.constant 0 : i32
      %dma_wait3A_396 = tpu.memref_slice %arg9[%dma_wait3A_393, %dma_wait3A_394, %dma_wait3A_395] : memref<8x128x48xf32, #tpu.memory_space<vmem>> -> memref<1x128x48xf32, #tpu.memory_space<vmem>>
      %dma_wait3A_397 = tpu.memref_squeeze %dma_wait3A_396 : memref<1x128x48xf32, #tpu.memory_space<vmem>> -> memref<128x48xf32, #tpu.memory_space<vmem>>
      %dma_wait3A_398 = arith.constant 0 : i32
      %dma_wait3A_399 = tpu.memref_slice %arg8[%add3A_392, %dma_wait3A_398] : memref<96x128xi32, #tpu.memory_space<vmem>> -> memref<1x128xi32, #tpu.memory_space<vmem>>
      %dma_wait3A_400 = tpu.memref_squeeze %dma_wait3A_399 : memref<1x128xi32, #tpu.memory_space<vmem>> -> memref<128xi32, #tpu.memory_space<vmem>>
      %dma_wait3A_401 = arith.constant 0 : i32
      %dma_wait3A_402 = arith.constant 0 : i32
      %dma_wait3A_403 = tpu.memref_slice %arg11[%dma_wait3A_401, %dma_wait3A_402] : memref<10112x48xf32, #tpu.memory_space<vmem_shared>> -> memref<10112x48xf32, #tpu.memory_space<vmem_shared>>
      tpu.wait_indirect_dma semaphore(%arg13 : memref<!tpu.dma_semaphore, #tpu.memory_space<semaphore_mem>>) src(%dma_wait3A_397 : memref<128x48xf32, #tpu.memory_space<vmem>>) dst(%dma_wait3A_403 : memref<10112x48xf32, #tpu.memory_space<vmem_shared>>)
      %add3A_404 = arith.constant 4 : i32
      %add3A_405 = arith.addi %mul3A_41, %add3A_404 : i32
      %dma_wait3A_406 = arith.constant 4 : i32
      %dma_wait3A_407 = arith.constant 0 : i32
      %dma_wait3A_408 = arith.constant 0 : i32
      %dma_wait3A_409 = tpu.memref_slice %arg9[%dma_wait3A_406, %dma_wait3A_407, %dma_wait3A_408] : memref<8x128x48xf32, #tpu.memory_space<vmem>> -> memref<1x128x48xf32, #tpu.memory_space<vmem>>
      %dma_wait3A_410 = tpu.memref_squeeze %dma_wait3A_409 : memref<1x128x48xf32, #tpu.memory_space<vmem>> -> memref<128x48xf32, #tpu.memory_space<vmem>>
      %dma_wait3A_411 = arith.constant 0 : i32
      %dma_wait3A_412 = tpu.memref_slice %arg8[%add3A_405, %dma_wait3A_411] : memref<96x128xi32, #tpu.memory_space<vmem>> -> memref<1x128xi32, #tpu.memory_space<vmem>>
      %dma_wait3A_413 = tpu.memref_squeeze %dma_wait3A_412 : memref<1x128xi32, #tpu.memory_space<vmem>> -> memref<128xi32, #tpu.memory_space<vmem>>
      %dma_wait3A_414 = arith.constant 0 : i32
      %dma_wait3A_415 = arith.constant 0 : i32
      %dma_wait3A_416 = tpu.memref_slice %arg11[%dma_wait3A_414, %dma_wait3A_415] : memref<10112x48xf32, #tpu.memory_space<vmem_shared>> -> memref<10112x48xf32, #tpu.memory_space<vmem_shared>>
      tpu.wait_indirect_dma semaphore(%arg13 : memref<!tpu.dma_semaphore, #tpu.memory_space<semaphore_mem>>) src(%dma_wait3A_410 : memref<128x48xf32, #tpu.memory_space<vmem>>) dst(%dma_wait3A_416 : memref<10112x48xf32, #tpu.memory_space<vmem_shared>>)
      %add3A_417 = arith.constant 5 : i32
      %add3A_418 = arith.addi %mul3A_41, %add3A_417 : i32
      %dma_wait3A_419 = arith.constant 5 : i32
      %dma_wait3A_420 = arith.constant 0 : i32
      %dma_wait3A_421 = arith.constant 0 : i32
      %dma_wait3A_422 = tpu.memref_slice %arg9[%dma_wait3A_419, %dma_wait3A_420, %dma_wait3A_421] : memref<8x128x48xf32, #tpu.memory_space<vmem>> -> memref<1x128x48xf32, #tpu.memory_space<vmem>>
      %dma_wait3A_423 = tpu.memref_squeeze %dma_wait3A_422 : memref<1x128x48xf32, #tpu.memory_space<vmem>> -> memref<128x48xf32, #tpu.memory_space<vmem>>
      %dma_wait3A_424 = arith.constant 0 : i32
      %dma_wait3A_425 = tpu.memref_slice %arg8[%add3A_418, %dma_wait3A_424] : memref<96x128xi32, #tpu.memory_space<vmem>> -> memref<1x128xi32, #tpu.memory_space<vmem>>
      %dma_wait3A_426 = tpu.memref_squeeze %dma_wait3A_425 : memref<1x128xi32, #tpu.memory_space<vmem>> -> memref<128xi32, #tpu.memory_space<vmem>>
      %dma_wait3A_427 = arith.constant 0 : i32
      %dma_wait3A_428 = arith.constant 0 : i32
      %dma_wait3A_429 = tpu.memref_slice %arg11[%dma_wait3A_427, %dma_wait3A_428] : memref<10112x48xf32, #tpu.memory_space<vmem_shared>> -> memref<10112x48xf32, #tpu.memory_space<vmem_shared>>
      tpu.wait_indirect_dma semaphore(%arg13 : memref<!tpu.dma_semaphore, #tpu.memory_space<semaphore_mem>>) src(%dma_wait3A_423 : memref<128x48xf32, #tpu.memory_space<vmem>>) dst(%dma_wait3A_429 : memref<10112x48xf32, #tpu.memory_space<vmem_shared>>)
      %add3A_430 = arith.constant 6 : i32
      %add3A_431 = arith.addi %mul3A_41, %add3A_430 : i32
      %dma_wait3A_432 = arith.constant 6 : i32
      %dma_wait3A_433 = arith.constant 0 : i32
      %dma_wait3A_434 = arith.constant 0 : i32
      %dma_wait3A_435 = tpu.memref_slice %arg9[%dma_wait3A_432, %dma_wait3A_433, %dma_wait3A_434] : memref<8x128x48xf32, #tpu.memory_space<vmem>> -> memref<1x128x48xf32, #tpu.memory_space<vmem>>
      %dma_wait3A_436 = tpu.memref_squeeze %dma_wait3A_435 : memref<1x128x48xf32, #tpu.memory_space<vmem>> -> memref<128x48xf32, #tpu.memory_space<vmem>>
      %dma_wait3A_437 = arith.constant 0 : i32
      %dma_wait3A_438 = tpu.memref_slice %arg8[%add3A_431, %dma_wait3A_437] : memref<96x128xi32, #tpu.memory_space<vmem>> -> memref<1x128xi32, #tpu.memory_space<vmem>>
      %dma_wait3A_439 = tpu.memref_squeeze %dma_wait3A_438 : memref<1x128xi32, #tpu.memory_space<vmem>> -> memref<128xi32, #tpu.memory_space<vmem>>
      %dma_wait3A_440 = arith.constant 0 : i32
      %dma_wait3A_441 = arith.constant 0 : i32
      %dma_wait3A_442 = tpu.memref_slice %arg11[%dma_wait3A_440, %dma_wait3A_441] : memref<10112x48xf32, #tpu.memory_space<vmem_shared>> -> memref<10112x48xf32, #tpu.memory_space<vmem_shared>>
      tpu.wait_indirect_dma semaphore(%arg13 : memref<!tpu.dma_semaphore, #tpu.memory_space<semaphore_mem>>) src(%dma_wait3A_436 : memref<128x48xf32, #tpu.memory_space<vmem>>) dst(%dma_wait3A_442 : memref<10112x48xf32, #tpu.memory_space<vmem_shared>>)
      %add3A_443 = arith.constant 7 : i32
      %add3A_444 = arith.addi %mul3A_41, %add3A_443 : i32
      %dma_wait3A_445 = arith.constant 7 : i32
      %dma_wait3A_446 = arith.constant 0 : i32
      %dma_wait3A_447 = arith.constant 0 : i32
      %dma_wait3A_448 = tpu.memref_slice %arg9[%dma_wait3A_445, %dma_wait3A_446, %dma_wait3A_447] : memref<8x128x48xf32, #tpu.memory_space<vmem>> -> memref<1x128x48xf32, #tpu.memory_space<vmem>>
      %dma_wait3A_449 = tpu.memref_squeeze %dma_wait3A_448 : memref<1x128x48xf32, #tpu.memory_space<vmem>> -> memref<128x48xf32, #tpu.memory_space<vmem>>
      %dma_wait3A_450 = arith.constant 0 : i32
      %dma_wait3A_451 = tpu.memref_slice %arg8[%add3A_444, %dma_wait3A_450] : memref<96x128xi32, #tpu.memory_space<vmem>> -> memref<1x128xi32, #tpu.memory_space<vmem>>
      %dma_wait3A_452 = tpu.memref_squeeze %dma_wait3A_451 : memref<1x128xi32, #tpu.memory_space<vmem>> -> memref<128xi32, #tpu.memory_space<vmem>>
      %dma_wait3A_453 = arith.constant 0 : i32
      %dma_wait3A_454 = arith.constant 0 : i32
      %dma_wait3A_455 = tpu.memref_slice %arg11[%dma_wait3A_453, %dma_wait3A_454] : memref<10112x48xf32, #tpu.memory_space<vmem_shared>> -> memref<10112x48xf32, #tpu.memory_space<vmem_shared>>
      tpu.wait_indirect_dma semaphore(%arg13 : memref<!tpu.dma_semaphore, #tpu.memory_space<semaphore_mem>>) src(%dma_wait3A_449 : memref<128x48xf32, #tpu.memory_space<vmem>>) dst(%dma_wait3A_455 : memref<10112x48xf32, #tpu.memory_space<vmem_shared>>)
    }
    %while3A_37 = arith.constant 1 : i32
    scf.for %while3A_39 = %while3A_35 to %while3A_31 step %while3A_37  : i32 {
      %mul3A_40 = arith.constant 8 : i32
      %mul3A_41 = arith.muli %while3A_39, %mul3A_40 : i32
      %add3A_42 = arith.constant 0 : i32
      %add3A_43 = arith.addi %mul3A_41, %add3A_42 : i32
      %dma_start3A = arith.constant 0 : i32
      %dma_start3A_44 = arith.constant 0 : i32
      %dma_start3A_45 = arith.constant 0 : i32
      %dma_start3A_46 = tpu.memref_slice %arg9[%dma_start3A, %dma_start3A_44, %dma_start3A_45] : memref<8x128x48xf32, #tpu.memory_space<vmem>> -> memref<1x128x48xf32, #tpu.memory_space<vmem>>
      %dma_start3A_47 = tpu.memref_squeeze %dma_start3A_46 : memref<1x128x48xf32, #tpu.memory_space<vmem>> -> memref<128x48xf32, #tpu.memory_space<vmem>>
      %dma_start3A_48 = arith.constant 0 : i32
      %dma_start3A_49 = tpu.memref_slice %arg7[%add3A_43, %dma_start3A_48] : memref<96x128xi32, #tpu.memory_space<vmem>> -> memref<1x128xi32, #tpu.memory_space<vmem>>
      %dma_start3A_50 = tpu.memref_squeeze %dma_start3A_49 : memref<1x128xi32, #tpu.memory_space<vmem>> -> memref<128xi32, #tpu.memory_space<vmem>>
      %dma_start3A_51 = arith.constant 0 : i32
      %dma_start3A_52 = arith.constant 0 : i32
      %dma_start3A_53 = tpu.memref_slice %arg2[%dma_start3A_51, %dma_start3A_52] : memref<10112x48xf32, #tpu.memory_space<hbm>> -> memref<10112x48xf32, #tpu.memory_space<hbm>>
      tpu.enqueue_indirect_dma source(%dma_start3A_53 : memref<10112x48xf32, #tpu.memory_space<hbm>>) target(%dma_start3A_47 : memref<128x48xf32, #tpu.memory_space<vmem>>) offsets(%dma_start3A_50 : memref<128xi32, #tpu.memory_space<vmem>>) semaphore(%arg12 : memref<!tpu.dma_semaphore, #tpu.memory_space<semaphore_mem>>)
      %add3A_54 = arith.constant 1 : i32
      %add3A_55 = arith.addi %mul3A_41, %add3A_54 : i32
      %dma_start3A_56 = arith.constant 1 : i32
      %dma_start3A_57 = arith.constant 0 : i32
      %dma_start3A_58 = arith.constant 0 : i32
      %dma_start3A_59 = tpu.memref_slice %arg9[%dma_start3A_56, %dma_start3A_57, %dma_start3A_58] : memref<8x128x48xf32, #tpu.memory_space<vmem>> -> memref<1x128x48xf32, #tpu.memory_space<vmem>>
      %dma_start3A_60 = tpu.memref_squeeze %dma_start3A_59 : memref<1x128x48xf32, #tpu.memory_space<vmem>> -> memref<128x48xf32, #tpu.memory_space<vmem>>
      %dma_start3A_61 = arith.constant 0 : i32
      %dma_start3A_62 = tpu.memref_slice %arg7[%add3A_55, %dma_start3A_61] : memref<96x128xi32, #tpu.memory_space<vmem>> -> memref<1x128xi32, #tpu.memory_space<vmem>>
      %dma_start3A_63 = tpu.memref_squeeze %dma_start3A_62 : memref<1x128xi32, #tpu.memory_space<vmem>> -> memref<128xi32, #tpu.memory_space<vmem>>
      %dma_start3A_64 = arith.constant 0 : i32
      %dma_start3A_65 = arith.constant 0 : i32
      %dma_start3A_66 = tpu.memref_slice %arg2[%dma_start3A_64, %dma_start3A_65] : memref<10112x48xf32, #tpu.memory_space<hbm>> -> memref<10112x48xf32, #tpu.memory_space<hbm>>
      tpu.enqueue_indirect_dma source(%dma_start3A_66 : memref<10112x48xf32, #tpu.memory_space<hbm>>) target(%dma_start3A_60 : memref<128x48xf32, #tpu.memory_space<vmem>>) offsets(%dma_start3A_63 : memref<128xi32, #tpu.memory_space<vmem>>) semaphore(%arg12 : memref<!tpu.dma_semaphore, #tpu.memory_space<semaphore_mem>>)
      %add3A_67 = arith.constant 2 : i32
      %add3A_68 = arith.addi %mul3A_41, %add3A_67 : i32
      %dma_start3A_69 = arith.constant 2 : i32
      %dma_start3A_70 = arith.constant 0 : i32
      %dma_start3A_71 = arith.constant 0 : i32
      %dma_start3A_72 = tpu.memref_slice %arg9[%dma_start3A_69, %dma_start3A_70, %dma_start3A_71] : memref<8x128x48xf32, #tpu.memory_space<vmem>> -> memref<1x128x48xf32, #tpu.memory_space<vmem>>
      %dma_start3A_73 = tpu.memref_squeeze %dma_start3A_72 : memref<1x128x48xf32, #tpu.memory_space<vmem>> -> memref<128x48xf32, #tpu.memory_space<vmem>>
      %dma_start3A_74 = arith.constant 0 : i32
      %dma_start3A_75 = tpu.memref_slice %arg7[%add3A_68, %dma_start3A_74] : memref<96x128xi32, #tpu.memory_space<vmem>> -> memref<1x128xi32, #tpu.memory_space<vmem>>
      %dma_start3A_76 = tpu.memref_squeeze %dma_start3A_75 : memref<1x128xi32, #tpu.memory_space<vmem>> -> memref<128xi32, #tpu.memory_space<vmem>>
      %dma_start3A_77 = arith.constant 0 : i32
      %dma_start3A_78 = arith.constant 0 : i32
      %dma_start3A_79 = tpu.memref_slice %arg2[%dma_start3A_77, %dma_start3A_78] : memref<10112x48xf32, #tpu.memory_space<hbm>> -> memref<10112x48xf32, #tpu.memory_space<hbm>>
      tpu.enqueue_indirect_dma source(%dma_start3A_79 : memref<10112x48xf32, #tpu.memory_space<hbm>>) target(%dma_start3A_73 : memref<128x48xf32, #tpu.memory_space<vmem>>) offsets(%dma_start3A_76 : memref<128xi32, #tpu.memory_space<vmem>>) semaphore(%arg12 : memref<!tpu.dma_semaphore, #tpu.memory_space<semaphore_mem>>)
      %add3A_80 = arith.constant 3 : i32
      %add3A_81 = arith.addi %mul3A_41, %add3A_80 : i32
      %dma_start3A_82 = arith.constant 3 : i32
      %dma_start3A_83 = arith.constant 0 : i32
      %dma_start3A_84 = arith.constant 0 : i32
      %dma_start3A_85 = tpu.memref_slice %arg9[%dma_start3A_82, %dma_start3A_83, %dma_start3A_84] : memref<8x128x48xf32, #tpu.memory_space<vmem>> -> memref<1x128x48xf32, #tpu.memory_space<vmem>>
      %dma_start3A_86 = tpu.memref_squeeze %dma_start3A_85 : memref<1x128x48xf32, #tpu.memory_space<vmem>> -> memref<128x48xf32, #tpu.memory_space<vmem>>
      %dma_start3A_87 = arith.constant 0 : i32
      %dma_start3A_88 = tpu.memref_slice %arg7[%add3A_81, %dma_start3A_87] : memref<96x128xi32, #tpu.memory_space<vmem>> -> memref<1x128xi32, #tpu.memory_space<vmem>>
      %dma_start3A_89 = tpu.memref_squeeze %dma_start3A_88 : memref<1x128xi32, #tpu.memory_space<vmem>> -> memref<128xi32, #tpu.memory_space<vmem>>
      %dma_start3A_90 = arith.constant 0 : i32
      %dma_start3A_91 = arith.constant 0 : i32
      %dma_start3A_92 = tpu.memref_slice %arg2[%dma_start3A_90, %dma_start3A_91] : memref<10112x48xf32, #tpu.memory_space<hbm>> -> memref<10112x48xf32, #tpu.memory_space<hbm>>
      tpu.enqueue_indirect_dma source(%dma_start3A_92 : memref<10112x48xf32, #tpu.memory_space<hbm>>) target(%dma_start3A_86 : memref<128x48xf32, #tpu.memory_space<vmem>>) offsets(%dma_start3A_89 : memref<128xi32, #tpu.memory_space<vmem>>) semaphore(%arg12 : memref<!tpu.dma_semaphore, #tpu.memory_space<semaphore_mem>>)
      %add3A_93 = arith.constant 4 : i32
      %add3A_94 = arith.addi %mul3A_41, %add3A_93 : i32
      %dma_start3A_95 = arith.constant 4 : i32
      %dma_start3A_96 = arith.constant 0 : i32
      %dma_start3A_97 = arith.constant 0 : i32
      %dma_start3A_98 = tpu.memref_slice %arg9[%dma_start3A_95, %dma_start3A_96, %dma_start3A_97] : memref<8x128x48xf32, #tpu.memory_space<vmem>> -> memref<1x128x48xf32, #tpu.memory_space<vmem>>
      %dma_start3A_99 = tpu.memref_squeeze %dma_start3A_98 : memref<1x128x48xf32, #tpu.memory_space<vmem>> -> memref<128x48xf32, #tpu.memory_space<vmem>>
      %dma_start3A_100 = arith.constant 0 : i32
      %dma_start3A_101 = tpu.memref_slice %arg7[%add3A_94, %dma_start3A_100] : memref<96x128xi32, #tpu.memory_space<vmem>> -> memref<1x128xi32, #tpu.memory_space<vmem>>
      %dma_start3A_102 = tpu.memref_squeeze %dma_start3A_101 : memref<1x128xi32, #tpu.memory_space<vmem>> -> memref<128xi32, #tpu.memory_space<vmem>>
      %dma_start3A_103 = arith.constant 0 : i32
      %dma_start3A_104 = arith.constant 0 : i32
      %dma_start3A_105 = tpu.memref_slice %arg2[%dma_start3A_103, %dma_start3A_104] : memref<10112x48xf32, #tpu.memory_space<hbm>> -> memref<10112x48xf32, #tpu.memory_space<hbm>>
      tpu.enqueue_indirect_dma source(%dma_start3A_105 : memref<10112x48xf32, #tpu.memory_space<hbm>>) target(%dma_start3A_99 : memref<128x48xf32, #tpu.memory_space<vmem>>) offsets(%dma_start3A_102 : memref<128xi32, #tpu.memory_space<vmem>>) semaphore(%arg12 : memref<!tpu.dma_semaphore, #tpu.memory_space<semaphore_mem>>)
      %add3A_106 = arith.constant 5 : i32
      %add3A_107 = arith.addi %mul3A_41, %add3A_106 : i32
      %dma_start3A_108 = arith.constant 5 : i32
      %dma_start3A_109 = arith.constant 0 : i32
      %dma_start3A_110 = arith.constant 0 : i32
      %dma_start3A_111 = tpu.memref_slice %arg9[%dma_start3A_108, %dma_start3A_109, %dma_start3A_110] : memref<8x128x48xf32, #tpu.memory_space<vmem>> -> memref<1x128x48xf32, #tpu.memory_space<vmem>>
      %dma_start3A_112 = tpu.memref_squeeze %dma_start3A_111 : memref<1x128x48xf32, #tpu.memory_space<vmem>> -> memref<128x48xf32, #tpu.memory_space<vmem>>
      %dma_start3A_113 = arith.constant 0 : i32
      %dma_start3A_114 = tpu.memref_slice %arg7[%add3A_107, %dma_start3A_113] : memref<96x128xi32, #tpu.memory_space<vmem>> -> memref<1x128xi32, #tpu.memory_space<vmem>>
      %dma_start3A_115 = tpu.memref_squeeze %dma_start3A_114 : memref<1x128xi32, #tpu.memory_space<vmem>> -> memref<128xi32, #tpu.memory_space<vmem>>
      %dma_start3A_116 = arith.constant 0 : i32
      %dma_start3A_117 = arith.constant 0 : i32
      %dma_start3A_118 = tpu.memref_slice %arg2[%dma_start3A_116, %dma_start3A_117] : memref<10112x48xf32, #tpu.memory_space<hbm>> -> memref<10112x48xf32, #tpu.memory_space<hbm>>
      tpu.enqueue_indirect_dma source(%dma_start3A_118 : memref<10112x48xf32, #tpu.memory_space<hbm>>) target(%dma_start3A_112 : memref<128x48xf32, #tpu.memory_space<vmem>>) offsets(%dma_start3A_115 : memref<128xi32, #tpu.memory_space<vmem>>) semaphore(%arg12 : memref<!tpu.dma_semaphore, #tpu.memory_space<semaphore_mem>>)
      %add3A_119 = arith.constant 6 : i32
      %add3A_120 = arith.addi %mul3A_41, %add3A_119 : i32
      %dma_start3A_121 = arith.constant 6 : i32
      %dma_start3A_122 = arith.constant 0 : i32
      %dma_start3A_123 = arith.constant 0 : i32
      %dma_start3A_124 = tpu.memref_slice %arg9[%dma_start3A_121, %dma_start3A_122, %dma_start3A_123] : memref<8x128x48xf32, #tpu.memory_space<vmem>> -> memref<1x128x48xf32, #tpu.memory_space<vmem>>
      %dma_start3A_125 = tpu.memref_squeeze %dma_start3A_124 : memref<1x128x48xf32, #tpu.memory_space<vmem>> -> memref<128x48xf32, #tpu.memory_space<vmem>>
      %dma_start3A_126 = arith.constant 0 : i32
      %dma_start3A_127 = tpu.memref_slice %arg7[%add3A_120, %dma_start3A_126] : memref<96x128xi32, #tpu.memory_space<vmem>> -> memref<1x128xi32, #tpu.memory_space<vmem>>
      %dma_start3A_128 = tpu.memref_squeeze %dma_start3A_127 : memref<1x128xi32, #tpu.memory_space<vmem>> -> memref<128xi32, #tpu.memory_space<vmem>>
      %dma_start3A_129 = arith.constant 0 : i32
      %dma_start3A_130 = arith.constant 0 : i32
      %dma_start3A_131 = tpu.memref_slice %arg2[%dma_start3A_129, %dma_start3A_130] : memref<10112x48xf32, #tpu.memory_space<hbm>> -> memref<10112x48xf32, #tpu.memory_space<hbm>>
      tpu.enqueue_indirect_dma source(%dma_start3A_131 : memref<10112x48xf32, #tpu.memory_space<hbm>>) target(%dma_start3A_125 : memref<128x48xf32, #tpu.memory_space<vmem>>) offsets(%dma_start3A_128 : memref<128xi32, #tpu.memory_space<vmem>>) semaphore(%arg12 : memref<!tpu.dma_semaphore, #tpu.memory_space<semaphore_mem>>)
      %add3A_132 = arith.constant 7 : i32
      %add3A_133 = arith.addi %mul3A_41, %add3A_132 : i32
      %dma_start3A_134 = arith.constant 7 : i32
      %dma_start3A_135 = arith.constant 0 : i32
      %dma_start3A_136 = arith.constant 0 : i32
      %dma_start3A_137 = tpu.memref_slice %arg9[%dma_start3A_134, %dma_start3A_135, %dma_start3A_136] : memref<8x128x48xf32, #tpu.memory_space<vmem>> -> memref<1x128x48xf32, #tpu.memory_space<vmem>>
      %dma_start3A_138 = tpu.memref_squeeze %dma_start3A_137 : memref<1x128x48xf32, #tpu.memory_space<vmem>> -> memref<128x48xf32, #tpu.memory_space<vmem>>
      %dma_start3A_139 = arith.constant 0 : i32
      %dma_start3A_140 = tpu.memref_slice %arg7[%add3A_133, %dma_start3A_139] : memref<96x128xi32, #tpu.memory_space<vmem>> -> memref<1x128xi32, #tpu.memory_space<vmem>>
      %dma_start3A_141 = tpu.memref_squeeze %dma_start3A_140 : memref<1x128xi32, #tpu.memory_space<vmem>> -> memref<128xi32, #tpu.memory_space<vmem>>
      %dma_start3A_142 = arith.constant 0 : i32
      %dma_start3A_143 = arith.constant 0 : i32
      %dma_start3A_144 = tpu.memref_slice %arg2[%dma_start3A_142, %dma_start3A_143] : memref<10112x48xf32, #tpu.memory_space<hbm>> -> memref<10112x48xf32, #tpu.memory_space<hbm>>
      tpu.enqueue_indirect_dma source(%dma_start3A_144 : memref<10112x48xf32, #tpu.memory_space<hbm>>) target(%dma_start3A_138 : memref<128x48xf32, #tpu.memory_space<vmem>>) offsets(%dma_start3A_141 : memref<128xi32, #tpu.memory_space<vmem>>) semaphore(%arg12 : memref<!tpu.dma_semaphore, #tpu.memory_space<semaphore_mem>>)
      %add3A_145 = arith.constant 0 : i32
      %add3A_146 = arith.addi %mul3A_41, %add3A_145 : i32
      %dma_wait3A = arith.constant 0 : i32
      %dma_wait3A_147 = arith.constant 0 : i32
      %dma_wait3A_148 = arith.constant 0 : i32
      %dma_wait3A_149 = tpu.memref_slice %arg9[%dma_wait3A, %dma_wait3A_147, %dma_wait3A_148] : memref<8x128x48xf32, #tpu.memory_space<vmem>> -> memref<1x128x48xf32, #tpu.memory_space<vmem>>
      %dma_wait3A_150 = tpu.memref_squeeze %dma_wait3A_149 : memref<1x128x48xf32, #tpu.memory_space<vmem>> -> memref<128x48xf32, #tpu.memory_space<vmem>>
      %dma_wait3A_151 = arith.constant 0 : i32
      %dma_wait3A_152 = tpu.memref_slice %arg7[%add3A_146, %dma_wait3A_151] : memref<96x128xi32, #tpu.memory_space<vmem>> -> memref<1x128xi32, #tpu.memory_space<vmem>>
      %dma_wait3A_153 = tpu.memref_squeeze %dma_wait3A_152 : memref<1x128xi32, #tpu.memory_space<vmem>> -> memref<128xi32, #tpu.memory_space<vmem>>
      %dma_wait3A_154 = arith.constant 0 : i32
      %dma_wait3A_155 = arith.constant 0 : i32
      %dma_wait3A_156 = tpu.memref_slice %arg2[%dma_wait3A_154, %dma_wait3A_155] : memref<10112x48xf32, #tpu.memory_space<hbm>> -> memref<10112x48xf32, #tpu.memory_space<hbm>>
      tpu.wait_indirect_dma semaphore(%arg12 : memref<!tpu.dma_semaphore, #tpu.memory_space<semaphore_mem>>) src(%dma_wait3A_156 : memref<10112x48xf32, #tpu.memory_space<hbm>>) dst(%dma_wait3A_150 : memref<128x48xf32, #tpu.memory_space<vmem>>)
      %add3A_157 = arith.constant 1 : i32
      %add3A_158 = arith.addi %mul3A_41, %add3A_157 : i32
      %dma_wait3A_159 = arith.constant 1 : i32
      %dma_wait3A_160 = arith.constant 0 : i32
      %dma_wait3A_161 = arith.constant 0 : i32
      %dma_wait3A_162 = tpu.memref_slice %arg9[%dma_wait3A_159, %dma_wait3A_160, %dma_wait3A_161] : memref<8x128x48xf32, #tpu.memory_space<vmem>> -> memref<1x128x48xf32, #tpu.memory_space<vmem>>
      %dma_wait3A_163 = tpu.memref_squeeze %dma_wait3A_162 : memref<1x128x48xf32, #tpu.memory_space<vmem>> -> memref<128x48xf32, #tpu.memory_space<vmem>>
      %dma_wait3A_164 = arith.constant 0 : i32
      %dma_wait3A_165 = tpu.memref_slice %arg7[%add3A_158, %dma_wait3A_164] : memref<96x128xi32, #tpu.memory_space<vmem>> -> memref<1x128xi32, #tpu.memory_space<vmem>>
      %dma_wait3A_166 = tpu.memref_squeeze %dma_wait3A_165 : memref<1x128xi32, #tpu.memory_space<vmem>> -> memref<128xi32, #tpu.memory_space<vmem>>
      %dma_wait3A_167 = arith.constant 0 : i32
      %dma_wait3A_168 = arith.constant 0 : i32
      %dma_wait3A_169 = tpu.memref_slice %arg2[%dma_wait3A_167, %dma_wait3A_168] : memref<10112x48xf32, #tpu.memory_space<hbm>> -> memref<10112x48xf32, #tpu.memory_space<hbm>>
      tpu.wait_indirect_dma semaphore(%arg12 : memref<!tpu.dma_semaphore, #tpu.memory_space<semaphore_mem>>) src(%dma_wait3A_169 : memref<10112x48xf32, #tpu.memory_space<hbm>>) dst(%dma_wait3A_163 : memref<128x48xf32, #tpu.memory_space<vmem>>)
      %add3A_170 = arith.constant 2 : i32
      %add3A_171 = arith.addi %mul3A_41, %add3A_170 : i32
      %dma_wait3A_172 = arith.constant 2 : i32
      %dma_wait3A_173 = arith.constant 0 : i32
      %dma_wait3A_174 = arith.constant 0 : i32
      %dma_wait3A_175 = tpu.memref_slice %arg9[%dma_wait3A_172, %dma_wait3A_173, %dma_wait3A_174] : memref<8x128x48xf32, #tpu.memory_space<vmem>> -> memref<1x128x48xf32, #tpu.memory_space<vmem>>
      %dma_wait3A_176 = tpu.memref_squeeze %dma_wait3A_175 : memref<1x128x48xf32, #tpu.memory_space<vmem>> -> memref<128x48xf32, #tpu.memory_space<vmem>>
      %dma_wait3A_177 = arith.constant 0 : i32
      %dma_wait3A_178 = tpu.memref_slice %arg7[%add3A_171, %dma_wait3A_177] : memref<96x128xi32, #tpu.memory_space<vmem>> -> memref<1x128xi32, #tpu.memory_space<vmem>>
      %dma_wait3A_179 = tpu.memref_squeeze %dma_wait3A_178 : memref<1x128xi32, #tpu.memory_space<vmem>> -> memref<128xi32, #tpu.memory_space<vmem>>
      %dma_wait3A_180 = arith.constant 0 : i32
      %dma_wait3A_181 = arith.constant 0 : i32
      %dma_wait3A_182 = tpu.memref_slice %arg2[%dma_wait3A_180, %dma_wait3A_181] : memref<10112x48xf32, #tpu.memory_space<hbm>> -> memref<10112x48xf32, #tpu.memory_space<hbm>>
      tpu.wait_indirect_dma semaphore(%arg12 : memref<!tpu.dma_semaphore, #tpu.memory_space<semaphore_mem>>) src(%dma_wait3A_182 : memref<10112x48xf32, #tpu.memory_space<hbm>>) dst(%dma_wait3A_176 : memref<128x48xf32, #tpu.memory_space<vmem>>)
      %add3A_183 = arith.constant 3 : i32
      %add3A_184 = arith.addi %mul3A_41, %add3A_183 : i32
      %dma_wait3A_185 = arith.constant 3 : i32
      %dma_wait3A_186 = arith.constant 0 : i32
      %dma_wait3A_187 = arith.constant 0 : i32
      %dma_wait3A_188 = tpu.memref_slice %arg9[%dma_wait3A_185, %dma_wait3A_186, %dma_wait3A_187] : memref<8x128x48xf32, #tpu.memory_space<vmem>> -> memref<1x128x48xf32, #tpu.memory_space<vmem>>
      %dma_wait3A_189 = tpu.memref_squeeze %dma_wait3A_188 : memref<1x128x48xf32, #tpu.memory_space<vmem>> -> memref<128x48xf32, #tpu.memory_space<vmem>>
      %dma_wait3A_190 = arith.constant 0 : i32
      %dma_wait3A_191 = tpu.memref_slice %arg7[%add3A_184, %dma_wait3A_190] : memref<96x128xi32, #tpu.memory_space<vmem>> -> memref<1x128xi32, #tpu.memory_space<vmem>>
      %dma_wait3A_192 = tpu.memref_squeeze %dma_wait3A_191 : memref<1x128xi32, #tpu.memory_space<vmem>> -> memref<128xi32, #tpu.memory_space<vmem>>
      %dma_wait3A_193 = arith.constant 0 : i32
      %dma_wait3A_194 = arith.constant 0 : i32
      %dma_wait3A_195 = tpu.memref_slice %arg2[%dma_wait3A_193, %dma_wait3A_194] : memref<10112x48xf32, #tpu.memory_space<hbm>> -> memref<10112x48xf32, #tpu.memory_space<hbm>>
      tpu.wait_indirect_dma semaphore(%arg12 : memref<!tpu.dma_semaphore, #tpu.memory_space<semaphore_mem>>) src(%dma_wait3A_195 : memref<10112x48xf32, #tpu.memory_space<hbm>>) dst(%dma_wait3A_189 : memref<128x48xf32, #tpu.memory_space<vmem>>)
      %add3A_196 = arith.constant 4 : i32
      %add3A_197 = arith.addi %mul3A_41, %add3A_196 : i32
      %dma_wait3A_198 = arith.constant 4 : i32
      %dma_wait3A_199 = arith.constant 0 : i32
      %dma_wait3A_200 = arith.constant 0 : i32
      %dma_wait3A_201 = tpu.memref_slice %arg9[%dma_wait3A_198, %dma_wait3A_199, %dma_wait3A_200] : memref<8x128x48xf32, #tpu.memory_space<vmem>> -> memref<1x128x48xf32, #tpu.memory_space<vmem>>
      %dma_wait3A_202 = tpu.memref_squeeze %dma_wait3A_201 : memref<1x128x48xf32, #tpu.memory_space<vmem>> -> memref<128x48xf32, #tpu.memory_space<vmem>>
      %dma_wait3A_203 = arith.constant 0 : i32
      %dma_wait3A_204 = tpu.memref_slice %arg7[%add3A_197, %dma_wait3A_203] : memref<96x128xi32, #tpu.memory_space<vmem>> -> memref<1x128xi32, #tpu.memory_space<vmem>>
      %dma_wait3A_205 = tpu.memref_squeeze %dma_wait3A_204 : memref<1x128xi32, #tpu.memory_space<vmem>> -> memref<128xi32, #tpu.memory_space<vmem>>
      %dma_wait3A_206 = arith.constant 0 : i32
      %dma_wait3A_207 = arith.constant 0 : i32
      %dma_wait3A_208 = tpu.memref_slice %arg2[%dma_wait3A_206, %dma_wait3A_207] : memref<10112x48xf32, #tpu.memory_space<hbm>> -> memref<10112x48xf32, #tpu.memory_space<hbm>>
      tpu.wait_indirect_dma semaphore(%arg12 : memref<!tpu.dma_semaphore, #tpu.memory_space<semaphore_mem>>) src(%dma_wait3A_208 : memref<10112x48xf32, #tpu.memory_space<hbm>>) dst(%dma_wait3A_202 : memref<128x48xf32, #tpu.memory_space<vmem>>)
      %add3A_209 = arith.constant 5 : i32
      %add3A_210 = arith.addi %mul3A_41, %add3A_209 : i32
      %dma_wait3A_211 = arith.constant 5 : i32
      %dma_wait3A_212 = arith.constant 0 : i32
      %dma_wait3A_213 = arith.constant 0 : i32
      %dma_wait3A_214 = tpu.memref_slice %arg9[%dma_wait3A_211, %dma_wait3A_212, %dma_wait3A_213] : memref<8x128x48xf32, #tpu.memory_space<vmem>> -> memref<1x128x48xf32, #tpu.memory_space<vmem>>
      %dma_wait3A_215 = tpu.memref_squeeze %dma_wait3A_214 : memref<1x128x48xf32, #tpu.memory_space<vmem>> -> memref<128x48xf32, #tpu.memory_space<vmem>>
      %dma_wait3A_216 = arith.constant 0 : i32
      %dma_wait3A_217 = tpu.memref_slice %arg7[%add3A_210, %dma_wait3A_216] : memref<96x128xi32, #tpu.memory_space<vmem>> -> memref<1x128xi32, #tpu.memory_space<vmem>>
      %dma_wait3A_218 = tpu.memref_squeeze %dma_wait3A_217 : memref<1x128xi32, #tpu.memory_space<vmem>> -> memref<128xi32, #tpu.memory_space<vmem>>
      %dma_wait3A_219 = arith.constant 0 : i32
      %dma_wait3A_220 = arith.constant 0 : i32
      %dma_wait3A_221 = tpu.memref_slice %arg2[%dma_wait3A_219, %dma_wait3A_220] : memref<10112x48xf32, #tpu.memory_space<hbm>> -> memref<10112x48xf32, #tpu.memory_space<hbm>>
      tpu.wait_indirect_dma semaphore(%arg12 : memref<!tpu.dma_semaphore, #tpu.memory_space<semaphore_mem>>) src(%dma_wait3A_221 : memref<10112x48xf32, #tpu.memory_space<hbm>>) dst(%dma_wait3A_215 : memref<128x48xf32, #tpu.memory_space<vmem>>)
      %add3A_222 = arith.constant 6 : i32
      %add3A_223 = arith.addi %mul3A_41, %add3A_222 : i32
      %dma_wait3A_224 = arith.constant 6 : i32
      %dma_wait3A_225 = arith.constant 0 : i32
      %dma_wait3A_226 = arith.constant 0 : i32
      %dma_wait3A_227 = tpu.memref_slice %arg9[%dma_wait3A_224, %dma_wait3A_225, %dma_wait3A_226] : memref<8x128x48xf32, #tpu.memory_space<vmem>> -> memref<1x128x48xf32, #tpu.memory_space<vmem>>
      %dma_wait3A_228 = tpu.memref_squeeze %dma_wait3A_227 : memref<1x128x48xf32, #tpu.memory_space<vmem>> -> memref<128x48xf32, #tpu.memory_space<vmem>>
      %dma_wait3A_229 = arith.constant 0 : i32
      %dma_wait3A_230 = tpu.memref_slice %arg7[%add3A_223, %dma_wait3A_229] : memref<96x128xi32, #tpu.memory_space<vmem>> -> memref<1x128xi32, #tpu.memory_space<vmem>>
      %dma_wait3A_231 = tpu.memref_squeeze %dma_wait3A_230 : memref<1x128xi32, #tpu.memory_space<vmem>> -> memref<128xi32, #tpu.memory_space<vmem>>
      %dma_wait3A_232 = arith.constant 0 : i32
      %dma_wait3A_233 = arith.constant 0 : i32
      %dma_wait3A_234 = tpu.memref_slice %arg2[%dma_wait3A_232, %dma_wait3A_233] : memref<10112x48xf32, #tpu.memory_space<hbm>> -> memref<10112x48xf32, #tpu.memory_space<hbm>>
      tpu.wait_indirect_dma semaphore(%arg12 : memref<!tpu.dma_semaphore, #tpu.memory_space<semaphore_mem>>) src(%dma_wait3A_234 : memref<10112x48xf32, #tpu.memory_space<hbm>>) dst(%dma_wait3A_228 : memref<128x48xf32, #tpu.memory_space<vmem>>)
      %add3A_235 = arith.constant 7 : i32
      %add3A_236 = arith.addi %mul3A_41, %add3A_235 : i32
      %dma_wait3A_237 = arith.constant 7 : i32
      %dma_wait3A_238 = arith.constant 0 : i32
      %dma_wait3A_239 = arith.constant 0 : i32
      %dma_wait3A_240 = tpu.memref_slice %arg9[%dma_wait3A_237, %dma_wait3A_238, %dma_wait3A_239] : memref<8x128x48xf32, #tpu.memory_space<vmem>> -> memref<1x128x48xf32, #tpu.memory_space<vmem>>
      %dma_wait3A_241 = tpu.memref_squeeze %dma_wait3A_240 : memref<1x128x48xf32, #tpu.memory_space<vmem>> -> memref<128x48xf32, #tpu.memory_space<vmem>>
      %dma_wait3A_242 = arith.constant 0 : i32
      %dma_wait3A_243 = tpu.memref_slice %arg7[%add3A_236, %dma_wait3A_242] : memref<96x128xi32, #tpu.memory_space<vmem>> -> memref<1x128xi32, #tpu.memory_space<vmem>>
      %dma_wait3A_244 = tpu.memref_squeeze %dma_wait3A_243 : memref<1x128xi32, #tpu.memory_space<vmem>> -> memref<128xi32, #tpu.memory_space<vmem>>
      %dma_wait3A_245 = arith.constant 0 : i32
      %dma_wait3A_246 = arith.constant 0 : i32
      %dma_wait3A_247 = tpu.memref_slice %arg2[%dma_wait3A_245, %dma_wait3A_246] : memref<10112x48xf32, #tpu.memory_space<hbm>> -> memref<10112x48xf32, #tpu.memory_space<hbm>>
      tpu.wait_indirect_dma semaphore(%arg12 : memref<!tpu.dma_semaphore, #tpu.memory_space<semaphore_mem>>) src(%dma_wait3A_247 : memref<10112x48xf32, #tpu.memory_space<hbm>>) dst(%dma_wait3A_241 : memref<128x48xf32, #tpu.memory_space<vmem>>)
      %add3A_248 = arith.constant 0 : i32
      %add3A_249 = arith.addi %mul3A_41, %add3A_248 : i32
      %dma_start3A_250 = arith.constant 0 : i32
      %dma_start3A_251 = arith.constant 0 : i32
      %dma_start3A_252 = arith.constant 0 : i32
      %dma_start3A_253 = tpu.memref_slice %arg9[%dma_start3A_250, %dma_start3A_251, %dma_start3A_252] : memref<8x128x48xf32, #tpu.memory_space<vmem>> -> memref<1x128x48xf32, #tpu.memory_space<vmem>>
      %dma_start3A_254 = tpu.memref_squeeze %dma_start3A_253 : memref<1x128x48xf32, #tpu.memory_space<vmem>> -> memref<128x48xf32, #tpu.memory_space<vmem>>
      %dma_start3A_255 = arith.constant 0 : i32
      %dma_start3A_256 = tpu.memref_slice %arg8[%add3A_249, %dma_start3A_255] : memref<96x128xi32, #tpu.memory_space<vmem>> -> memref<1x128xi32, #tpu.memory_space<vmem>>
      %dma_start3A_257 = tpu.memref_squeeze %dma_start3A_256 : memref<1x128xi32, #tpu.memory_space<vmem>> -> memref<128xi32, #tpu.memory_space<vmem>>
      %dma_start3A_258 = arith.constant 0 : i32
      %dma_start3A_259 = arith.constant 0 : i32
      %dma_start3A_260 = tpu.memref_slice %arg11[%dma_start3A_258, %dma_start3A_259] : memref<10112x48xf32, #tpu.memory_space<vmem_shared>> -> memref<10112x48xf32, #tpu.memory_space<vmem_shared>>
      tpu.enqueue_indirect_dma source(%dma_start3A_254 : memref<128x48xf32, #tpu.memory_space<vmem>>) target(%dma_start3A_260 : memref<10112x48xf32, #tpu.memory_space<vmem_shared>>) offsets(%dma_start3A_257 : memref<128xi32, #tpu.memory_space<vmem>>) semaphore(%arg13 : memref<!tpu.dma_semaphore, #tpu.memory_space<semaphore_mem>>) {add = true}
      %add3A_261 = arith.constant 1 : i32
      %add3A_262 = arith.addi %mul3A_41, %add3A_261 : i32
      %dma_start3A_263 = arith.constant 1 : i32
      %dma_start3A_264 = arith.constant 0 : i32
      %dma_start3A_265 = arith.constant 0 : i32
      %dma_start3A_266 = tpu.memref_slice %arg9[%dma_start3A_263, %dma_start3A_264, %dma_start3A_265] : memref<8x128x48xf32, #tpu.memory_space<vmem>> -> memref<1x128x48xf32, #tpu.memory_space<vmem>>
      %dma_start3A_267 = tpu.memref_squeeze %dma_start3A_266 : memref<1x128x48xf32, #tpu.memory_space<vmem>> -> memref<128x48xf32, #tpu.memory_space<vmem>>
      %dma_start3A_268 = arith.constant 0 : i32
      %dma_start3A_269 = tpu.memref_slice %arg8[%add3A_262, %dma_start3A_268] : memref<96x128xi32, #tpu.memory_space<vmem>> -> memref<1x128xi32, #tpu.memory_space<vmem>>
      %dma_start3A_270 = tpu.memref_squeeze %dma_start3A_269 : memref<1x128xi32, #tpu.memory_space<vmem>> -> memref<128xi32, #tpu.memory_space<vmem>>
      %dma_start3A_271 = arith.constant 0 : i32
      %dma_start3A_272 = arith.constant 0 : i32
      %dma_start3A_273 = tpu.memref_slice %arg11[%dma_start3A_271, %dma_start3A_272] : memref<10112x48xf32, #tpu.memory_space<vmem_shared>> -> memref<10112x48xf32, #tpu.memory_space<vmem_shared>>
      tpu.enqueue_indirect_dma source(%dma_start3A_267 : memref<128x48xf32, #tpu.memory_space<vmem>>) target(%dma_start3A_273 : memref<10112x48xf32, #tpu.memory_space<vmem_shared>>) offsets(%dma_start3A_270 : memref<128xi32, #tpu.memory_space<vmem>>) semaphore(%arg13 : memref<!tpu.dma_semaphore, #tpu.memory_space<semaphore_mem>>) {add = true}
      %add3A_274 = arith.constant 2 : i32
      %add3A_275 = arith.addi %mul3A_41, %add3A_274 : i32
      %dma_start3A_276 = arith.constant 2 : i32
      %dma_start3A_277 = arith.constant 0 : i32
      %dma_start3A_278 = arith.constant 0 : i32
      %dma_start3A_279 = tpu.memref_slice %arg9[%dma_start3A_276, %dma_start3A_277, %dma_start3A_278] : memref<8x128x48xf32, #tpu.memory_space<vmem>> -> memref<1x128x48xf32, #tpu.memory_space<vmem>>
      %dma_start3A_280 = tpu.memref_squeeze %dma_start3A_279 : memref<1x128x48xf32, #tpu.memory_space<vmem>> -> memref<128x48xf32, #tpu.memory_space<vmem>>
      %dma_start3A_281 = arith.constant 0 : i32
      %dma_start3A_282 = tpu.memref_slice %arg8[%add3A_275, %dma_start3A_281] : memref<96x128xi32, #tpu.memory_space<vmem>> -> memref<1x128xi32, #tpu.memory_space<vmem>>
      %dma_start3A_283 = tpu.memref_squeeze %dma_start3A_282 : memref<1x128xi32, #tpu.memory_space<vmem>> -> memref<128xi32, #tpu.memory_space<vmem>>
      %dma_start3A_284 = arith.constant 0 : i32
      %dma_start3A_285 = arith.constant 0 : i32
      %dma_start3A_286 = tpu.memref_slice %arg11[%dma_start3A_284, %dma_start3A_285] : memref<10112x48xf32, #tpu.memory_space<vmem_shared>> -> memref<10112x48xf32, #tpu.memory_space<vmem_shared>>
      tpu.enqueue_indirect_dma source(%dma_start3A_280 : memref<128x48xf32, #tpu.memory_space<vmem>>) target(%dma_start3A_286 : memref<10112x48xf32, #tpu.memory_space<vmem_shared>>) offsets(%dma_start3A_283 : memref<128xi32, #tpu.memory_space<vmem>>) semaphore(%arg13 : memref<!tpu.dma_semaphore, #tpu.memory_space<semaphore_mem>>) {add = true}
      %add3A_287 = arith.constant 3 : i32
      %add3A_288 = arith.addi %mul3A_41, %add3A_287 : i32
      %dma_start3A_289 = arith.constant 3 : i32
      %dma_start3A_290 = arith.constant 0 : i32
      %dma_start3A_291 = arith.constant 0 : i32
      %dma_start3A_292 = tpu.memref_slice %arg9[%dma_start3A_289, %dma_start3A_290, %dma_start3A_291] : memref<8x128x48xf32, #tpu.memory_space<vmem>> -> memref<1x128x48xf32, #tpu.memory_space<vmem>>
      %dma_start3A_293 = tpu.memref_squeeze %dma_start3A_292 : memref<1x128x48xf32, #tpu.memory_space<vmem>> -> memref<128x48xf32, #tpu.memory_space<vmem>>
      %dma_start3A_294 = arith.constant 0 : i32
      %dma_start3A_295 = tpu.memref_slice %arg8[%add3A_288, %dma_start3A_294] : memref<96x128xi32, #tpu.memory_space<vmem>> -> memref<1x128xi32, #tpu.memory_space<vmem>>
      %dma_start3A_296 = tpu.memref_squeeze %dma_start3A_295 : memref<1x128xi32, #tpu.memory_space<vmem>> -> memref<128xi32, #tpu.memory_space<vmem>>
      %dma_start3A_297 = arith.constant 0 : i32
      %dma_start3A_298 = arith.constant 0 : i32
      %dma_start3A_299 = tpu.memref_slice %arg11[%dma_start3A_297, %dma_start3A_298] : memref<10112x48xf32, #tpu.memory_space<vmem_shared>> -> memref<10112x48xf32, #tpu.memory_space<vmem_shared>>
      tpu.enqueue_indirect_dma source(%dma_start3A_293 : memref<128x48xf32, #tpu.memory_space<vmem>>) target(%dma_start3A_299 : memref<10112x48xf32, #tpu.memory_space<vmem_shared>>) offsets(%dma_start3A_296 : memref<128xi32, #tpu.memory_space<vmem>>) semaphore(%arg13 : memref<!tpu.dma_semaphore, #tpu.memory_space<semaphore_mem>>) {add = true}
      %add3A_300 = arith.constant 4 : i32
      %add3A_301 = arith.addi %mul3A_41, %add3A_300 : i32
      %dma_start3A_302 = arith.constant 4 : i32
      %dma_start3A_303 = arith.constant 0 : i32
      %dma_start3A_304 = arith.constant 0 : i32
      %dma_start3A_305 = tpu.memref_slice %arg9[%dma_start3A_302, %dma_start3A_303, %dma_start3A_304] : memref<8x128x48xf32, #tpu.memory_space<vmem>> -> memref<1x128x48xf32, #tpu.memory_space<vmem>>
      %dma_start3A_306 = tpu.memref_squeeze %dma_start3A_305 : memref<1x128x48xf32, #tpu.memory_space<vmem>> -> memref<128x48xf32, #tpu.memory_space<vmem>>
      %dma_start3A_307 = arith.constant 0 : i32
      %dma_start3A_308 = tpu.memref_slice %arg8[%add3A_301, %dma_start3A_307] : memref<96x128xi32, #tpu.memory_space<vmem>> -> memref<1x128xi32, #tpu.memory_space<vmem>>
      %dma_start3A_309 = tpu.memref_squeeze %dma_start3A_308 : memref<1x128xi32, #tpu.memory_space<vmem>> -> memref<128xi32, #tpu.memory_space<vmem>>
      %dma_start3A_310 = arith.constant 0 : i32
      %dma_start3A_311 = arith.constant 0 : i32
      %dma_start3A_312 = tpu.memref_slice %arg11[%dma_start3A_310, %dma_start3A_311] : memref<10112x48xf32, #tpu.memory_space<vmem_shared>> -> memref<10112x48xf32, #tpu.memory_space<vmem_shared>>
      tpu.enqueue_indirect_dma source(%dma_start3A_306 : memref<128x48xf32, #tpu.memory_space<vmem>>) target(%dma_start3A_312 : memref<10112x48xf32, #tpu.memory_space<vmem_shared>>) offsets(%dma_start3A_309 : memref<128xi32, #tpu.memory_space<vmem>>) semaphore(%arg13 : memref<!tpu.dma_semaphore, #tpu.memory_space<semaphore_mem>>) {add = true}
      %add3A_313 = arith.constant 5 : i32
      %add3A_314 = arith.addi %mul3A_41, %add3A_313 : i32
      %dma_start3A_315 = arith.constant 5 : i32
      %dma_start3A_316 = arith.constant 0 : i32
      %dma_start3A_317 = arith.constant 0 : i32
      %dma_start3A_318 = tpu.memref_slice %arg9[%dma_start3A_315, %dma_start3A_316, %dma_start3A_317] : memref<8x128x48xf32, #tpu.memory_space<vmem>> -> memref<1x128x48xf32, #tpu.memory_space<vmem>>
      %dma_start3A_319 = tpu.memref_squeeze %dma_start3A_318 : memref<1x128x48xf32, #tpu.memory_space<vmem>> -> memref<128x48xf32, #tpu.memory_space<vmem>>
      %dma_start3A_320 = arith.constant 0 : i32
      %dma_start3A_321 = tpu.memref_slice %arg8[%add3A_314, %dma_start3A_320] : memref<96x128xi32, #tpu.memory_space<vmem>> -> memref<1x128xi32, #tpu.memory_space<vmem>>
      %dma_start3A_322 = tpu.memref_squeeze %dma_start3A_321 : memref<1x128xi32, #tpu.memory_space<vmem>> -> memref<128xi32, #tpu.memory_space<vmem>>
      %dma_start3A_323 = arith.constant 0 : i32
      %dma_start3A_324 = arith.constant 0 : i32
      %dma_start3A_325 = tpu.memref_slice %arg11[%dma_start3A_323, %dma_start3A_324] : memref<10112x48xf32, #tpu.memory_space<vmem_shared>> -> memref<10112x48xf32, #tpu.memory_space<vmem_shared>>
      tpu.enqueue_indirect_dma source(%dma_start3A_319 : memref<128x48xf32, #tpu.memory_space<vmem>>) target(%dma_start3A_325 : memref<10112x48xf32, #tpu.memory_space<vmem_shared>>) offsets(%dma_start3A_322 : memref<128xi32, #tpu.memory_space<vmem>>) semaphore(%arg13 : memref<!tpu.dma_semaphore, #tpu.memory_space<semaphore_mem>>) {add = true}
      %add3A_326 = arith.constant 6 : i32
      %add3A_327 = arith.addi %mul3A_41, %add3A_326 : i32
      %dma_start3A_328 = arith.constant 6 : i32
      %dma_start3A_329 = arith.constant 0 : i32
      %dma_start3A_330 = arith.constant 0 : i32
      %dma_start3A_331 = tpu.memref_slice %arg9[%dma_start3A_328, %dma_start3A_329, %dma_start3A_330] : memref<8x128x48xf32, #tpu.memory_space<vmem>> -> memref<1x128x48xf32, #tpu.memory_space<vmem>>
      %dma_start3A_332 = tpu.memref_squeeze %dma_start3A_331 : memref<1x128x48xf32, #tpu.memory_space<vmem>> -> memref<128x48xf32, #tpu.memory_space<vmem>>
      %dma_start3A_333 = arith.constant 0 : i32
      %dma_start3A_334 = tpu.memref_slice %arg8[%add3A_327, %dma_start3A_333] : memref<96x128xi32, #tpu.memory_space<vmem>> -> memref<1x128xi32, #tpu.memory_space<vmem>>
      %dma_start3A_335 = tpu.memref_squeeze %dma_start3A_334 : memref<1x128xi32, #tpu.memory_space<vmem>> -> memref<128xi32, #tpu.memory_space<vmem>>
      %dma_start3A_336 = arith.constant 0 : i32
      %dma_start3A_337 = arith.constant 0 : i32
      %dma_start3A_338 = tpu.memref_slice %arg11[%dma_start3A_336, %dma_start3A_337] : memref<10112x48xf32, #tpu.memory_space<vmem_shared>> -> memref<10112x48xf32, #tpu.memory_space<vmem_shared>>
      tpu.enqueue_indirect_dma source(%dma_start3A_332 : memref<128x48xf32, #tpu.memory_space<vmem>>) target(%dma_start3A_338 : memref<10112x48xf32, #tpu.memory_space<vmem_shared>>) offsets(%dma_start3A_335 : memref<128xi32, #tpu.memory_space<vmem>>) semaphore(%arg13 : memref<!tpu.dma_semaphore, #tpu.memory_space<semaphore_mem>>) {add = true}
      %add3A_339 = arith.constant 7 : i32
      %add3A_340 = arith.addi %mul3A_41, %add3A_339 : i32
      %dma_start3A_341 = arith.constant 7 : i32
      %dma_start3A_342 = arith.constant 0 : i32
      %dma_start3A_343 = arith.constant 0 : i32
      %dma_start3A_344 = tpu.memref_slice %arg9[%dma_start3A_341, %dma_start3A_342, %dma_start3A_343] : memref<8x128x48xf32, #tpu.memory_space<vmem>> -> memref<1x128x48xf32, #tpu.memory_space<vmem>>
      %dma_start3A_345 = tpu.memref_squeeze %dma_start3A_344 : memref<1x128x48xf32, #tpu.memory_space<vmem>> -> memref<128x48xf32, #tpu.memory_space<vmem>>
      %dma_start3A_346 = arith.constant 0 : i32
      %dma_start3A_347 = tpu.memref_slice %arg8[%add3A_340, %dma_start3A_346] : memref<96x128xi32, #tpu.memory_space<vmem>> -> memref<1x128xi32, #tpu.memory_space<vmem>>
      %dma_start3A_348 = tpu.memref_squeeze %dma_start3A_347 : memref<1x128xi32, #tpu.memory_space<vmem>> -> memref<128xi32, #tpu.memory_space<vmem>>
      %dma_start3A_349 = arith.constant 0 : i32
      %dma_start3A_350 = arith.constant 0 : i32
      %dma_start3A_351 = tpu.memref_slice %arg11[%dma_start3A_349, %dma_start3A_350] : memref<10112x48xf32, #tpu.memory_space<vmem_shared>> -> memref<10112x48xf32, #tpu.memory_space<vmem_shared>>
      tpu.enqueue_indirect_dma source(%dma_start3A_345 : memref<128x48xf32, #tpu.memory_space<vmem>>) target(%dma_start3A_351 : memref<10112x48xf32, #tpu.memory_space<vmem_shared>>) offsets(%dma_start3A_348 : memref<128xi32, #tpu.memory_space<vmem>>) semaphore(%arg13 : memref<!tpu.dma_semaphore, #tpu.memory_space<semaphore_mem>>) {add = true}
      %add3A_352 = arith.constant 0 : i32
      %add3A_353 = arith.addi %mul3A_41, %add3A_352 : i32
      %dma_wait3A_354 = arith.constant 0 : i32
      %dma_wait3A_355 = arith.constant 0 : i32
      %dma_wait3A_356 = arith.constant 0 : i32
      %dma_wait3A_357 = tpu.memref_slice %arg9[%dma_wait3A_354, %dma_wait3A_355, %dma_wait3A_356] : memref<8x128x48xf32, #tpu.memory_space<vmem>> -> memref<1x128x48xf32, #tpu.memory_space<vmem>>
      %dma_wait3A_358 = tpu.memref_squeeze %dma_wait3A_357 : memref<1x128x48xf32, #tpu.memory_space<vmem>> -> memref<128x48xf32, #tpu.memory_space<vmem>>
      %dma_wait3A_359 = arith.constant 0 : i32
      %dma_wait3A_360 = tpu.memref_slice %arg8[%add3A_353, %dma_wait3A_359] : memref<96x128xi32, #tpu.memory_space<vmem>> -> memref<1x128xi32, #tpu.memory_space<vmem>>
      %dma_wait3A_361 = tpu.memref_squeeze %dma_wait3A_360 : memref<1x128xi32, #tpu.memory_space<vmem>> -> memref<128xi32, #tpu.memory_space<vmem>>
      %dma_wait3A_362 = arith.constant 0 : i32
      %dma_wait3A_363 = arith.constant 0 : i32
      %dma_wait3A_364 = tpu.memref_slice %arg11[%dma_wait3A_362, %dma_wait3A_363] : memref<10112x48xf32, #tpu.memory_space<vmem_shared>> -> memref<10112x48xf32, #tpu.memory_space<vmem_shared>>
      tpu.wait_indirect_dma semaphore(%arg13 : memref<!tpu.dma_semaphore, #tpu.memory_space<semaphore_mem>>) src(%dma_wait3A_358 : memref<128x48xf32, #tpu.memory_space<vmem>>) dst(%dma_wait3A_364 : memref<10112x48xf32, #tpu.memory_space<vmem_shared>>)
      %add3A_365 = arith.constant 1 : i32
      %add3A_366 = arith.addi %mul3A_41, %add3A_365 : i32
      %dma_wait3A_367 = arith.constant 1 : i32
      %dma_wait3A_368 = arith.constant 0 : i32
      %dma_wait3A_369 = arith.constant 0 : i32
      %dma_wait3A_370 = tpu.memref_slice %arg9[%dma_wait3A_367, %dma_wait3A_368, %dma_wait3A_369] : memref<8x128x48xf32, #tpu.memory_space<vmem>> -> memref<1x128x48xf32, #tpu.memory_space<vmem>>
      %dma_wait3A_371 = tpu.memref_squeeze %dma_wait3A_370 : memref<1x128x48xf32, #tpu.memory_space<vmem>> -> memref<128x48xf32, #tpu.memory_space<vmem>>
      %dma_wait3A_372 = arith.constant 0 : i32
      %dma_wait3A_373 = tpu.memref_slice %arg8[%add3A_366, %dma_wait3A_372] : memref<96x128xi32, #tpu.memory_space<vmem>> -> memref<1x128xi32, #tpu.memory_space<vmem>>
      %dma_wait3A_374 = tpu.memref_squeeze %dma_wait3A_373 : memref<1x128xi32, #tpu.memory_space<vmem>> -> memref<128xi32, #tpu.memory_space<vmem>>
      %dma_wait3A_375 = arith.constant 0 : i32
      %dma_wait3A_376 = arith.constant 0 : i32
      %dma_wait3A_377 = tpu.memref_slice %arg11[%dma_wait3A_375, %dma_wait3A_376] : memref<10112x48xf32, #tpu.memory_space<vmem_shared>> -> memref<10112x48xf32, #tpu.memory_space<vmem_shared>>
      tpu.wait_indirect_dma semaphore(%arg13 : memref<!tpu.dma_semaphore, #tpu.memory_space<semaphore_mem>>) src(%dma_wait3A_371 : memref<128x48xf32, #tpu.memory_space<vmem>>) dst(%dma_wait3A_377 : memref<10112x48xf32, #tpu.memory_space<vmem_shared>>)
      %add3A_378 = arith.constant 2 : i32
      %add3A_379 = arith.addi %mul3A_41, %add3A_378 : i32
      %dma_wait3A_380 = arith.constant 2 : i32
      %dma_wait3A_381 = arith.constant 0 : i32
      %dma_wait3A_382 = arith.constant 0 : i32
      %dma_wait3A_383 = tpu.memref_slice %arg9[%dma_wait3A_380, %dma_wait3A_381, %dma_wait3A_382] : memref<8x128x48xf32, #tpu.memory_space<vmem>> -> memref<1x128x48xf32, #tpu.memory_space<vmem>>
      %dma_wait3A_384 = tpu.memref_squeeze %dma_wait3A_383 : memref<1x128x48xf32, #tpu.memory_space<vmem>> -> memref<128x48xf32, #tpu.memory_space<vmem>>
      %dma_wait3A_385 = arith.constant 0 : i32
      %dma_wait3A_386 = tpu.memref_slice %arg8[%add3A_379, %dma_wait3A_385] : memref<96x128xi32, #tpu.memory_space<vmem>> -> memref<1x128xi32, #tpu.memory_space<vmem>>
      %dma_wait3A_387 = tpu.memref_squeeze %dma_wait3A_386 : memref<1x128xi32, #tpu.memory_space<vmem>> -> memref<128xi32, #tpu.memory_space<vmem>>
      %dma_wait3A_388 = arith.constant 0 : i32
      %dma_wait3A_389 = arith.constant 0 : i32
      %dma_wait3A_390 = tpu.memref_slice %arg11[%dma_wait3A_388, %dma_wait3A_389] : memref<10112x48xf32, #tpu.memory_space<vmem_shared>> -> memref<10112x48xf32, #tpu.memory_space<vmem_shared>>
      tpu.wait_indirect_dma semaphore(%arg13 : memref<!tpu.dma_semaphore, #tpu.memory_space<semaphore_mem>>) src(%dma_wait3A_384 : memref<128x48xf32, #tpu.memory_space<vmem>>) dst(%dma_wait3A_390 : memref<10112x48xf32, #tpu.memory_space<vmem_shared>>)
      %add3A_391 = arith.constant 3 : i32
      %add3A_392 = arith.addi %mul3A_41, %add3A_391 : i32
      %dma_wait3A_393 = arith.constant 3 : i32
      %dma_wait3A_394 = arith.constant 0 : i32
      %dma_wait3A_395 = arith.constant 0 : i32
      %dma_wait3A_396 = tpu.memref_slice %arg9[%dma_wait3A_393, %dma_wait3A_394, %dma_wait3A_395] : memref<8x128x48xf32, #tpu.memory_space<vmem>> -> memref<1x128x48xf32, #tpu.memory_space<vmem>>
      %dma_wait3A_397 = tpu.memref_squeeze %dma_wait3A_396 : memref<1x128x48xf32, #tpu.memory_space<vmem>> -> memref<128x48xf32, #tpu.memory_space<vmem>>
      %dma_wait3A_398 = arith.constant 0 : i32
      %dma_wait3A_399 = tpu.memref_slice %arg8[%add3A_392, %dma_wait3A_398] : memref<96x128xi32, #tpu.memory_space<vmem>> -> memref<1x128xi32, #tpu.memory_space<vmem>>
      %dma_wait3A_400 = tpu.memref_squeeze %dma_wait3A_399 : memref<1x128xi32, #tpu.memory_space<vmem>> -> memref<128xi32, #tpu.memory_space<vmem>>
      %dma_wait3A_401 = arith.constant 0 : i32
      %dma_wait3A_402 = arith.constant 0 : i32
      %dma_wait3A_403 = tpu.memref_slice %arg11[%dma_wait3A_401, %dma_wait3A_402] : memref<10112x48xf32, #tpu.memory_space<vmem_shared>> -> memref<10112x48xf32, #tpu.memory_space<vmem_shared>>
      tpu.wait_indirect_dma semaphore(%arg13 : memref<!tpu.dma_semaphore, #tpu.memory_space<semaphore_mem>>) src(%dma_wait3A_397 : memref<128x48xf32, #tpu.memory_space<vmem>>) dst(%dma_wait3A_403 : memref<10112x48xf32, #tpu.memory_space<vmem_shared>>)
      %add3A_404 = arith.constant 4 : i32
      %add3A_405 = arith.addi %mul3A_41, %add3A_404 : i32
      %dma_wait3A_406 = arith.constant 4 : i32
      %dma_wait3A_407 = arith.constant 0 : i32
      %dma_wait3A_408 = arith.constant 0 : i32
      %dma_wait3A_409 = tpu.memref_slice %arg9[%dma_wait3A_406, %dma_wait3A_407, %dma_wait3A_408] : memref<8x128x48xf32, #tpu.memory_space<vmem>> -> memref<1x128x48xf32, #tpu.memory_space<vmem>>
      %dma_wait3A_410 = tpu.memref_squeeze %dma_wait3A_409 : memref<1x128x48xf32, #tpu.memory_space<vmem>> -> memref<128x48xf32, #tpu.memory_space<vmem>>
      %dma_wait3A_411 = arith.constant 0 : i32
      %dma_wait3A_412 = tpu.memref_slice %arg8[%add3A_405, %dma_wait3A_411] : memref<96x128xi32, #tpu.memory_space<vmem>> -> memref<1x128xi32, #tpu.memory_space<vmem>>
      %dma_wait3A_413 = tpu.memref_squeeze %dma_wait3A_412 : memref<1x128xi32, #tpu.memory_space<vmem>> -> memref<128xi32, #tpu.memory_space<vmem>>
      %dma_wait3A_414 = arith.constant 0 : i32
      %dma_wait3A_415 = arith.constant 0 : i32
      %dma_wait3A_416 = tpu.memref_slice %arg11[%dma_wait3A_414, %dma_wait3A_415] : memref<10112x48xf32, #tpu.memory_space<vmem_shared>> -> memref<10112x48xf32, #tpu.memory_space<vmem_shared>>
      tpu.wait_indirect_dma semaphore(%arg13 : memref<!tpu.dma_semaphore, #tpu.memory_space<semaphore_mem>>) src(%dma_wait3A_410 : memref<128x48xf32, #tpu.memory_space<vmem>>) dst(%dma_wait3A_416 : memref<10112x48xf32, #tpu.memory_space<vmem_shared>>)
      %add3A_417 = arith.constant 5 : i32
      %add3A_418 = arith.addi %mul3A_41, %add3A_417 : i32
      %dma_wait3A_419 = arith.constant 5 : i32
      %dma_wait3A_420 = arith.constant 0 : i32
      %dma_wait3A_421 = arith.constant 0 : i32
      %dma_wait3A_422 = tpu.memref_slice %arg9[%dma_wait3A_419, %dma_wait3A_420, %dma_wait3A_421] : memref<8x128x48xf32, #tpu.memory_space<vmem>> -> memref<1x128x48xf32, #tpu.memory_space<vmem>>
      %dma_wait3A_423 = tpu.memref_squeeze %dma_wait3A_422 : memref<1x128x48xf32, #tpu.memory_space<vmem>> -> memref<128x48xf32, #tpu.memory_space<vmem>>
      %dma_wait3A_424 = arith.constant 0 : i32
      %dma_wait3A_425 = tpu.memref_slice %arg8[%add3A_418, %dma_wait3A_424] : memref<96x128xi32, #tpu.memory_space<vmem>> -> memref<1x128xi32, #tpu.memory_space<vmem>>
      %dma_wait3A_426 = tpu.memref_squeeze %dma_wait3A_425 : memref<1x128xi32, #tpu.memory_space<vmem>> -> memref<128xi32, #tpu.memory_space<vmem>>
      %dma_wait3A_427 = arith.constant 0 : i32
      %dma_wait3A_428 = arith.constant 0 : i32
      %dma_wait3A_429 = tpu.memref_slice %arg11[%dma_wait3A_427, %dma_wait3A_428] : memref<10112x48xf32, #tpu.memory_space<vmem_shared>> -> memref<10112x48xf32, #tpu.memory_space<vmem_shared>>
      tpu.wait_indirect_dma semaphore(%arg13 : memref<!tpu.dma_semaphore, #tpu.memory_space<semaphore_mem>>) src(%dma_wait3A_423 : memref<128x48xf32, #tpu.memory_space<vmem>>) dst(%dma_wait3A_429 : memref<10112x48xf32, #tpu.memory_space<vmem_shared>>)
      %add3A_430 = arith.constant 6 : i32
      %add3A_431 = arith.addi %mul3A_41, %add3A_430 : i32
      %dma_wait3A_432 = arith.constant 6 : i32
      %dma_wait3A_433 = arith.constant 0 : i32
      %dma_wait3A_434 = arith.constant 0 : i32
      %dma_wait3A_435 = tpu.memref_slice %arg9[%dma_wait3A_432, %dma_wait3A_433, %dma_wait3A_434] : memref<8x128x48xf32, #tpu.memory_space<vmem>> -> memref<1x128x48xf32, #tpu.memory_space<vmem>>
      %dma_wait3A_436 = tpu.memref_squeeze %dma_wait3A_435 : memref<1x128x48xf32, #tpu.memory_space<vmem>> -> memref<128x48xf32, #tpu.memory_space<vmem>>
      %dma_wait3A_437 = arith.constant 0 : i32
      %dma_wait3A_438 = tpu.memref_slice %arg8[%add3A_431, %dma_wait3A_437] : memref<96x128xi32, #tpu.memory_space<vmem>> -> memref<1x128xi32, #tpu.memory_space<vmem>>
      %dma_wait3A_439 = tpu.memref_squeeze %dma_wait3A_438 : memref<1x128xi32, #tpu.memory_space<vmem>> -> memref<128xi32, #tpu.memory_space<vmem>>
      %dma_wait3A_440 = arith.constant 0 : i32
      %dma_wait3A_441 = arith.constant 0 : i32
      %dma_wait3A_442 = tpu.memref_slice %arg11[%dma_wait3A_440, %dma_wait3A_441] : memref<10112x48xf32, #tpu.memory_space<vmem_shared>> -> memref<10112x48xf32, #tpu.memory_space<vmem_shared>>
      tpu.wait_indirect_dma semaphore(%arg13 : memref<!tpu.dma_semaphore, #tpu.memory_space<semaphore_mem>>) src(%dma_wait3A_436 : memref<128x48xf32, #tpu.memory_space<vmem>>) dst(%dma_wait3A_442 : memref<10112x48xf32, #tpu.memory_space<vmem_shared>>)
      %add3A_443 = arith.constant 7 : i32
      %add3A_444 = arith.addi %mul3A_41, %add3A_443 : i32
      %dma_wait3A_445 = arith.constant 7 : i32
      %dma_wait3A_446 = arith.constant 0 : i32
      %dma_wait3A_447 = arith.constant 0 : i32
      %dma_wait3A_448 = tpu.memref_slice %arg9[%dma_wait3A_445, %dma_wait3A_446, %dma_wait3A_447] : memref<8x128x48xf32, #tpu.memory_space<vmem>> -> memref<1x128x48xf32, #tpu.memory_space<vmem>>
      %dma_wait3A_449 = tpu.memref_squeeze %dma_wait3A_448 : memref<1x128x48xf32, #tpu.memory_space<vmem>> -> memref<128x48xf32, #tpu.memory_space<vmem>>
      %dma_wait3A_450 = arith.constant 0 : i32
      %dma_wait3A_451 = tpu.memref_slice %arg8[%add3A_444, %dma_wait3A_450] : memref<96x128xi32, #tpu.memory_space<vmem>> -> memref<1x128xi32, #tpu.memory_space<vmem>>
      %dma_wait3A_452 = tpu.memref_squeeze %dma_wait3A_451 : memref<1x128xi32, #tpu.memory_space<vmem>> -> memref<128xi32, #tpu.memory_space<vmem>>
      %dma_wait3A_453 = arith.constant 0 : i32
      %dma_wait3A_454 = arith.constant 0 : i32
      %dma_wait3A_455 = tpu.memref_slice %arg11[%dma_wait3A_453, %dma_wait3A_454] : memref<10112x48xf32, #tpu.memory_space<vmem_shared>> -> memref<10112x48xf32, #tpu.memory_space<vmem_shared>>
      tpu.wait_indirect_dma semaphore(%arg13 : memref<!tpu.dma_semaphore, #tpu.memory_space<semaphore_mem>>) src(%dma_wait3A_449 : memref<128x48xf32, #tpu.memory_space<vmem>>) dst(%dma_wait3A_455 : memref<10112x48xf32, #tpu.memory_space<vmem_shared>>)
    }
    %barrier3A_38 = arith.constant 0 : index
    tpu.barrier barrier_id(%barrier3A_38)
    "tpu.region"() ({
      %run_scoped3A = tpu.sem_alloc : memref<!tpu.dma_semaphore, #tpu.memory_space<semaphore_mem>>
      %dma_start3A = arith.constant 0 : i32
      %dma_start3A_39 = tpu.memref_slice %arg6[%arg0, %mul3A_18, %dma_start3A] : memref<2x10112x48xf32, #tpu.memory_space<hbm>> -> memref<1x632x48xf32, #tpu.memory_space<hbm>>
      %dma_start3A_40 = tpu.memref_squeeze %dma_start3A_39 : memref<1x632x48xf32, #tpu.memory_space<hbm>> -> memref<632x48xf32, #tpu.memory_space<hbm>>
      %dma_start3A_41 = arith.constant 0 : i32
      %dma_start3A_42 = tpu.memref_slice %arg11[%mul3A_18, %dma_start3A_41] : memref<10112x48xf32, #tpu.memory_space<vmem_shared>> -> memref<632x48xf32, #tpu.memory_space<vmem_shared>>
      tpu.enqueue_dma source(%dma_start3A_42 : memref<632x48xf32, #tpu.memory_space<vmem_shared>>) target(%dma_start3A_40 : memref<632x48xf32, #tpu.memory_space<hbm>>) target_semaphore(%run_scoped3A : memref<!tpu.dma_semaphore, #tpu.memory_space<semaphore_mem>>)
      %dma_wait3A = arith.constant 0 : i32
      %dma_wait3A_43 = tpu.memref_slice %arg6[%arg0, %mul3A_18, %dma_wait3A] : memref<2x10112x48xf32, #tpu.memory_space<hbm>> -> memref<1x632x48xf32, #tpu.memory_space<hbm>>
      %dma_wait3A_44 = tpu.memref_squeeze %dma_wait3A_43 : memref<1x632x48xf32, #tpu.memory_space<hbm>> -> memref<632x48xf32, #tpu.memory_space<hbm>>
      %dma_wait3A_45 = arith.constant 0 : i32
      %dma_wait3A_46 = tpu.memref_slice %arg11[%mul3A_18, %dma_wait3A_45] : memref<10112x48xf32, #tpu.memory_space<vmem_shared>> -> memref<632x48xf32, #tpu.memory_space<vmem_shared>>
      tpu.wait_dma2 semaphore(%run_scoped3A : memref<!tpu.dma_semaphore, #tpu.memory_space<semaphore_mem>>) src(%dma_wait3A_46 : memref<632x48xf32, #tpu.memory_space<vmem_shared>>) dst(%dma_wait3A_44 : memref<632x48xf32, #tpu.memory_space<hbm>>)
      tpu.yield
    }) : () -> ()
    return
  }
}

#map = affine_map<(d0, d1) -> (0, 0)>
#map1 = affine_map<(d0, d1) -> (0)>
module attributes {stable_mosaic.version = 14 : i64} {
  func.func @_deg_kernel(%arg0: i32, %arg1: i32, %arg2: memref<2560x128xi32, #tpu.memory_space<hbm>>, %arg3: memref<323584xf32, #tpu.memory_space<hbm>>, %arg4: memref<80x128xi32, #tpu.memory_space<vmem>>, %arg5: memref<10112xf32, #tpu.memory_space<vmem>>) attributes {dimension_semantics = [#tpu.dimension_semantics<core_parallel>, #tpu.dimension_semantics<subcore_parallel>], iteration_bounds = array<i64: 2, 16>, scalar_prefetch = 0 : i64, scratch_operands = 2 : i64, tpu.core_type = #tpu.core_type<sc_vector_subcore>, window_params = [{transform_indices = #map}, {transform_indices = #map1}]} {
    %mul3A = arith.constant 16 : i32
    %mul3A_0 = arith.muli %arg0, %mul3A : i32
    %add3A = arith.addi %mul3A_0, %arg1 : i32
    %mul3A_1 = arith.constant 80 : i32
    %mul3A_2 = arith.muli %add3A, %mul3A_1 : i32
    "tpu.region"() ({
      %run_scoped3A = tpu.sem_alloc : memref<!tpu.dma_semaphore, #tpu.memory_space<semaphore_mem>>
      %dma_start3A = arith.constant 0 : i32
      %dma_start3A_19 = tpu.memref_slice %arg2[%mul3A_2, %dma_start3A] : memref<2560x128xi32, #tpu.memory_space<hbm>> -> memref<80x128xi32, #tpu.memory_space<hbm>>
      %dma_start3A_20 = arith.constant 0 : i32
      %dma_start3A_21 = tpu.memref_slice %arg2[%mul3A_2, %dma_start3A_20] : memref<2560x128xi32, #tpu.memory_space<hbm>> -> memref<80x128xi32, #tpu.memory_space<hbm>>
      tpu.enqueue_dma source(%dma_start3A_21 : memref<80x128xi32, #tpu.memory_space<hbm>>) target(%arg4 : memref<80x128xi32, #tpu.memory_space<vmem>>) target_semaphore(%run_scoped3A : memref<!tpu.dma_semaphore, #tpu.memory_space<semaphore_mem>>)
      %dma_wait3A = arith.constant 0 : i32
      %dma_wait3A_22 = tpu.memref_slice %arg2[%mul3A_2, %dma_wait3A] : memref<2560x128xi32, #tpu.memory_space<hbm>> -> memref<80x128xi32, #tpu.memory_space<hbm>>
      %dma_wait3A_23 = arith.constant 0 : i32
      %dma_wait3A_24 = tpu.memref_slice %arg2[%mul3A_2, %dma_wait3A_23] : memref<2560x128xi32, #tpu.memory_space<hbm>> -> memref<80x128xi32, #tpu.memory_space<hbm>>
      tpu.wait_dma2 semaphore(%run_scoped3A : memref<!tpu.dma_semaphore, #tpu.memory_space<semaphore_mem>>) src(%dma_wait3A_24 : memref<80x128xi32, #tpu.memory_space<hbm>>) dst(%arg4 : memref<80x128xi32, #tpu.memory_space<vmem>>)
      tpu.yield
    }) : () -> ()
    %broadcast_in_dim3A = arith.constant 0.000000e+00 : f32
    %broadcast_in_dim3A_3 = vector.broadcast %broadcast_in_dim3A : f32 to vector<16xf32>
    %scan3A = arith.constant 0 : i32
    %scan3A_4 = arith.constant 0 : i32
    %scan3A_5 = arith.constant 632 : i32
    %scan3A_6 = arith.addi %scan3A_4, %scan3A_5 : i32
    %scan3A_7 = arith.constant 1 : i32
    scf.for %scan3A_19 = %scan3A_4 to %scan3A_6 step %scan3A_7  : i32 {
      %mul3A_20 = arith.constant 16 : i32
      %mul3A_21 = arith.muli %scan3A_19, %mul3A_20 : i32
      %swap3A = arith.index_cast %mul3A_21 : i32 to index
      %swap3A_22 = tpu.vector_load %arg5[%swap3A] {strides = array<i32>} : memref<10112xf32, #tpu.memory_space<vmem>>, vector<16xf32>,
      tpu.vector_store %arg5[%swap3A], %broadcast_in_dim3A_3 {strides = array<i32>} : memref<10112xf32, #tpu.memory_space<vmem>>, vector<16xf32>,
    }
    %scan3A_8 = arith.constant 632 : i32
    %broadcast_in_dim3A_9 = arith.constant 1.000000e+00 : f32
    %broadcast_in_dim3A_10 = vector.broadcast %broadcast_in_dim3A_9 : f32 to vector<16xf32>
    %scan3A_11 = arith.constant 0 : i32
    %scan3A_12 = arith.constant 0 : i32
    %scan3A_13 = arith.constant 640 : i32
    %scan3A_14 = arith.addi %scan3A_12, %scan3A_13 : i32
    %scan3A_15 = arith.constant 1 : i32
    scf.for %scan3A_19 = %scan3A_12 to %scan3A_14 step %scan3A_15  : i32 {
      %jit3A = arith.constant 8 : i32
      %div3A = arith.divsi %scan3A_19, %jit3A : i32
      %sign3A = arith.constant 0 : i32
      %sign3A_20 = arith.cmpi sgt, %scan3A_19, %sign3A : i32
      %sign3A_21 = arith.extui %sign3A_20 : i1 to i32
      %sign3A_22 = arith.constant 0 : i32
      %sign3A_23 = arith.cmpi slt, %scan3A_19, %sign3A_22 : i32
      %sign3A_24 = arith.extui %sign3A_23 : i1 to i32
      %sign3A_25 = arith.subi %sign3A_21, %sign3A_24 : i32
      %sign3A_26 = arith.constant 0 : i32
      %sign3A_27 = arith.cmpi sgt, %jit3A, %sign3A_26 : i32
      %sign3A_28 = arith.extui %sign3A_27 : i1 to i32
      %sign3A_29 = arith.constant 0 : i32
      %sign3A_30 = arith.cmpi slt, %jit3A, %sign3A_29 : i32
      %sign3A_31 = arith.extui %sign3A_30 : i1 to i32
      %sign3A_32 = arith.subi %sign3A_28, %sign3A_31 : i32
      %ne3A = arith.cmpi ne, %sign3A_25, %sign3A_32 : i32
      %rem3A = arith.remsi %scan3A_19, %jit3A : i32
      %ne3A_33 = arith.constant 0 : i32
      %ne3A_34 = arith.cmpi ne, %rem3A, %ne3A_33 : i32
      %and3A = arith.andi %ne3A, %ne3A_34 : i1
      %sub3A = arith.constant 1 : i32
      %sub3A_35 = arith.subi %div3A, %sub3A : i32
      %select_n3A = arith.select %and3A, %sub3A_35, %div3A : i32
      %jit3A_36 = arith.constant 8 : i32
      %eq3A = arith.constant 0 : i32
      %eq3A_37 = arith.cmpi eq, %jit3A_36, %eq3A : i32
      %jit3A_38 = arith.constant 1 : i32
      %select_n3A_39 = arith.select %eq3A_37, %jit3A_38, %jit3A_36 : i32
      %rem3A_40 = arith.remsi %scan3A_19, %select_n3A_39 : i32
      %ne3A_41 = arith.constant 0 : i32
      %ne3A_42 = arith.cmpi ne, %rem3A_40, %ne3A_41 : i32
      %lt3A = arith.constant 0 : i32
      %lt3A_43 = arith.cmpi slt, %rem3A_40, %lt3A : i32
      %lt3A_44 = arith.constant 0 : i32
      %lt3A_45 = arith.cmpi slt, %select_n3A_39, %lt3A_44 : i32
      %ne3A_46 = arith.xori %lt3A_43, %lt3A_45 : i1
      %and3A_47 = arith.andi %ne3A_46, %ne3A_42 : i1
      %add3A_48 = arith.addi %rem3A_40, %select_n3A_39 : i32
      %select_n3A_49 = arith.select %and3A_47, %add3A_48, %rem3A_40 : i32
      %mul3A_50 = arith.constant 16 : i32
      %mul3A_51 = arith.muli %select_n3A_49, %mul3A_50 : i32
      %get3A = arith.index_cast %select_n3A : i32 to index
      %get3A_52 = arith.index_cast %mul3A_51 : i32 to index
      %get3A_53 = tpu.vector_load %arg4[%get3A, %get3A_52] {strides = array<i32>} : memref<80x128xi32, #tpu.memory_space<vmem>>, vector<16xi32>,
      tpu.vector_store_idx %arg5[%get3A_53], %broadcast_in_dim3A_10 {add = true} : memref<10112xf32, #tpu.memory_space<vmem>>[vector<16xi32>], vector<16xf32>,
    }
    %scan3A_16 = arith.constant 640 : i32
    %mul3A_17 = arith.constant 10112 : i32
    %mul3A_18 = arith.muli %add3A, %mul3A_17 : i32
    "tpu.region"() ({
      %run_scoped3A = tpu.sem_alloc : memref<!tpu.dma_semaphore, #tpu.memory_space<semaphore_mem>>
      %dma_start3A = tpu.memref_slice %arg3[%mul3A_18] : memref<323584xf32, #tpu.memory_space<hbm>> -> memref<10112xf32, #tpu.memory_space<hbm>>
      %dma_start3A_19 = tpu.memref_slice %arg3[%mul3A_18] : memref<323584xf32, #tpu.memory_space<hbm>> -> memref<10112xf32, #tpu.memory_space<hbm>>
      tpu.enqueue_dma source(%arg5 : memref<10112xf32, #tpu.memory_space<vmem>>) target(%dma_start3A_19 : memref<10112xf32, #tpu.memory_space<hbm>>) target_semaphore(%run_scoped3A : memref<!tpu.dma_semaphore, #tpu.memory_space<semaphore_mem>>)
      %dma_wait3A = tpu.memref_slice %arg3[%mul3A_18] : memref<323584xf32, #tpu.memory_space<hbm>> -> memref<10112xf32, #tpu.memory_space<hbm>>
      %dma_wait3A_20 = tpu.memref_slice %arg3[%mul3A_18] : memref<323584xf32, #tpu.memory_space<hbm>> -> memref<10112xf32, #tpu.memory_space<hbm>>
      tpu.wait_dma2 semaphore(%run_scoped3A : memref<!tpu.dma_semaphore, #tpu.memory_space<semaphore_mem>>) src(%arg5 : memref<10112xf32, #tpu.memory_space<vmem>>) dst(%dma_wait3A_20 : memref<10112xf32, #tpu.memory_space<hbm>>)
      tpu.yield
    }) : () -> ()
    return
  }
}

#map = affine_map<(d0, d1) -> (0, 0)>
#map1 = affine_map<(d0, d1) -> (0, 0, 0)>
module attributes {stable_mosaic.version = 14 : i64} {
  func.func @_agg(%arg0: i32, %arg1: i32, %arg2: memref<10112x8xf32, #tpu.memory_space<hbm>>, %arg3: memref<2560x128xi32, #tpu.memory_space<hbm>>, %arg4: memref<2560x128xi32, #tpu.memory_space<hbm>>, %arg5: memref<128x8xf32, #tpu.memory_space<hbm>>, %arg6: memref<2x10112x8xf32, #tpu.memory_space<hbm>>, %arg7: memref<96x128xi32, #tpu.memory_space<vmem>>, %arg8: memref<96x128xi32, #tpu.memory_space<vmem>>, %arg9: memref<8x128x8xf32, #tpu.memory_space<vmem>>, %arg10: memref<128x8xf32, #tpu.memory_space<vmem>>, %arg11: memref<10112x8xf32, #tpu.memory_space<vmem_shared>>, %arg12: memref<!tpu.dma_semaphore, #tpu.memory_space<semaphore_mem>>, %arg13: memref<!tpu.dma_semaphore, #tpu.memory_space<semaphore_mem>>) attributes {dimension_semantics = [#tpu.dimension_semantics<core_parallel>, #tpu.dimension_semantics<subcore_parallel>], iteration_bounds = array<i64: 2, 16>, scalar_prefetch = 0 : i64, scratch_operands = 7 : i64, tpu.core_type = #tpu.core_type<sc_vector_subcore>, window_params = [{transform_indices = #map}, {transform_indices = #map}, {transform_indices = #map}, {transform_indices = #map}, {transform_indices = #map1}]} {
    %eq3A = arith.constant 0 : i32
    %eq3A_0 = arith.cmpi eq, %arg0, %eq3A : i32
    %mul3A = arith.constant 64 : i32
    %mul3A_1 = arith.muli %arg1, %mul3A : i32
    %mul3A_2 = arith.constant 96 : i32
    %mul3A_3 = arith.muli %arg1, %mul3A_2 : i32
    %add3A = arith.constant 1024 : i32
    %add3A_4 = arith.addi %add3A, %mul3A_3 : i32
    %select_n3A = arith.select %eq3A_0, %mul3A_1, %add3A_4 : i32
    %eq3A_5 = arith.constant 0 : i32
    %eq3A_6 = arith.cmpi eq, %arg0, %eq3A_5 : i32
    %jit3A = arith.constant 8 : i32
    %jit3A_7 = arith.constant 12 : i32
    %select_n3A_8 = arith.select %eq3A_6, %jit3A, %jit3A_7 : i32
    %eq3A_9 = arith.constant 0 : i32
    %eq3A_10 = arith.cmpi eq, %arg0, %eq3A_9 : i32
    %convert_element_type3A = arith.extui %eq3A_10 : i1 to i32
    %cond3A = arith.constant 0 : i32
    %cond3A_11 = arith.cmpi ne, %convert_element_type3A, %cond3A : i32
    scf.if %cond3A_11 {
      "tpu.region"() ({
        %run_scoped3A = tpu.sem_alloc : memref<!tpu.dma_semaphore, #tpu.memory_space<semaphore_mem>>
        %dma_start3A = arith.constant 0 : i32
        %dma_start3A_39 = arith.constant 0 : i32
        %dma_start3A_40 = tpu.memref_slice %arg7[%dma_start3A, %dma_start3A_39] : memref<96x128xi32, #tpu.memory_space<vmem>> -> memref<64x128xi32, #tpu.memory_space<vmem>>
        %dma_start3A_41 = arith.constant 0 : i32
        %dma_start3A_42 = tpu.memref_slice %arg3[%select_n3A, %dma_start3A_41] : memref<2560x128xi32, #tpu.memory_space<hbm>> -> memref<64x128xi32, #tpu.memory_space<hbm>>
        %dma_start3A_43 = arith.constant 0 : i32
        %dma_start3A_44 = arith.constant 0 : i32
        %dma_start3A_45 = tpu.memref_slice %arg7[%dma_start3A_43, %dma_start3A_44] : memref<96x128xi32, #tpu.memory_space<vmem>> -> memref<64x128xi32, #tpu.memory_space<vmem>>
        %dma_start3A_46 = arith.constant 0 : i32
        %dma_start3A_47 = tpu.memref_slice %arg3[%select_n3A, %dma_start3A_46] : memref<2560x128xi32, #tpu.memory_space<hbm>> -> memref<64x128xi32, #tpu.memory_space<hbm>>
        tpu.enqueue_dma source(%dma_start3A_47 : memref<64x128xi32, #tpu.memory_space<hbm>>) target(%dma_start3A_45 : memref<64x128xi32, #tpu.memory_space<vmem>>) target_semaphore(%run_scoped3A : memref<!tpu.dma_semaphore, #tpu.memory_space<semaphore_mem>>)
        %dma_wait3A = arith.constant 0 : i32
        %dma_wait3A_48 = arith.constant 0 : i32
        %dma_wait3A_49 = tpu.memref_slice %arg7[%dma_wait3A, %dma_wait3A_48] : memref<96x128xi32, #tpu.memory_space<vmem>> -> memref<64x128xi32, #tpu.memory_space<vmem>>
        %dma_wait3A_50 = arith.constant 0 : i32
        %dma_wait3A_51 = tpu.memref_slice %arg3[%select_n3A, %dma_wait3A_50] : memref<2560x128xi32, #tpu.memory_space<hbm>> -> memref<64x128xi32, #tpu.memory_space<hbm>>
        %dma_wait3A_52 = arith.constant 0 : i32
        %dma_wait3A_53 = arith.constant 0 : i32
        %dma_wait3A_54 = tpu.memref_slice %arg7[%dma_wait3A_52, %dma_wait3A_53] : memref<96x128xi32, #tpu.memory_space<vmem>> -> memref<64x128xi32, #tpu.memory_space<vmem>>
        %dma_wait3A_55 = arith.constant 0 : i32
        %dma_wait3A_56 = tpu.memref_slice %arg3[%select_n3A, %dma_wait3A_55] : memref<2560x128xi32, #tpu.memory_space<hbm>> -> memref<64x128xi32, #tpu.memory_space<hbm>>
        tpu.wait_dma2 semaphore(%run_scoped3A : memref<!tpu.dma_semaphore, #tpu.memory_space<semaphore_mem>>) src(%dma_wait3A_56 : memref<64x128xi32, #tpu.memory_space<hbm>>) dst(%dma_wait3A_54 : memref<64x128xi32, #tpu.memory_space<vmem>>)
        tpu.yield
      }) : () -> ()
      "tpu.region"() ({
        %run_scoped3A = tpu.sem_alloc : memref<!tpu.dma_semaphore, #tpu.memory_space<semaphore_mem>>
        %dma_start3A = arith.constant 0 : i32
        %dma_start3A_39 = arith.constant 0 : i32
        %dma_start3A_40 = tpu.memref_slice %arg8[%dma_start3A, %dma_start3A_39] : memref<96x128xi32, #tpu.memory_space<vmem>> -> memref<64x128xi32, #tpu.memory_space<vmem>>
        %dma_start3A_41 = arith.constant 0 : i32
        %dma_start3A_42 = tpu.memref_slice %arg4[%select_n3A, %dma_start3A_41] : memref<2560x128xi32, #tpu.memory_space<hbm>> -> memref<64x128xi32, #tpu.memory_space<hbm>>
        %dma_start3A_43 = arith.constant 0 : i32
        %dma_start3A_44 = arith.constant 0 : i32
        %dma_start3A_45 = tpu.memref_slice %arg8[%dma_start3A_43, %dma_start3A_44] : memref<96x128xi32, #tpu.memory_space<vmem>> -> memref<64x128xi32, #tpu.memory_space<vmem>>
        %dma_start3A_46 = arith.constant 0 : i32
        %dma_start3A_47 = tpu.memref_slice %arg4[%select_n3A, %dma_start3A_46] : memref<2560x128xi32, #tpu.memory_space<hbm>> -> memref<64x128xi32, #tpu.memory_space<hbm>>
        tpu.enqueue_dma source(%dma_start3A_47 : memref<64x128xi32, #tpu.memory_space<hbm>>) target(%dma_start3A_45 : memref<64x128xi32, #tpu.memory_space<vmem>>) target_semaphore(%run_scoped3A : memref<!tpu.dma_semaphore, #tpu.memory_space<semaphore_mem>>)
        %dma_wait3A = arith.constant 0 : i32
        %dma_wait3A_48 = arith.constant 0 : i32
        %dma_wait3A_49 = tpu.memref_slice %arg8[%dma_wait3A, %dma_wait3A_48] : memref<96x128xi32, #tpu.memory_space<vmem>> -> memref<64x128xi32, #tpu.memory_space<vmem>>
        %dma_wait3A_50 = arith.constant 0 : i32
        %dma_wait3A_51 = tpu.memref_slice %arg4[%select_n3A, %dma_wait3A_50] : memref<2560x128xi32, #tpu.memory_space<hbm>> -> memref<64x128xi32, #tpu.memory_space<hbm>>
        %dma_wait3A_52 = arith.constant 0 : i32
        %dma_wait3A_53 = arith.constant 0 : i32
        %dma_wait3A_54 = tpu.memref_slice %arg8[%dma_wait3A_52, %dma_wait3A_53] : memref<96x128xi32, #tpu.memory_space<vmem>> -> memref<64x128xi32, #tpu.memory_space<vmem>>
        %dma_wait3A_55 = arith.constant 0 : i32
        %dma_wait3A_56 = tpu.memref_slice %arg4[%select_n3A, %dma_wait3A_55] : memref<2560x128xi32, #tpu.memory_space<hbm>> -> memref<64x128xi32, #tpu.memory_space<hbm>>
        tpu.wait_dma2 semaphore(%run_scoped3A : memref<!tpu.dma_semaphore, #tpu.memory_space<semaphore_mem>>) src(%dma_wait3A_56 : memref<64x128xi32, #tpu.memory_space<hbm>>) dst(%dma_wait3A_54 : memref<64x128xi32, #tpu.memory_space<vmem>>)
        tpu.yield
      }) : () -> ()
    } else {
    }
    %eq3A_12 = arith.constant 1 : i32
    %eq3A_13 = arith.cmpi eq, %arg0, %eq3A_12 : i32
    %convert_element_type3A_14 = arith.extui %eq3A_13 : i1 to i32
    %cond3A_15 = arith.constant 0 : i32
    %cond3A_16 = arith.cmpi ne, %convert_element_type3A_14, %cond3A_15 : i32
    scf.if %cond3A_16 {
      "tpu.region"() ({
        %run_scoped3A = tpu.sem_alloc : memref<!tpu.dma_semaphore, #tpu.memory_space<semaphore_mem>>
        %dma_start3A = arith.constant 0 : i32
        %dma_start3A_39 = tpu.memref_slice %arg3[%select_n3A, %dma_start3A] : memref<2560x128xi32, #tpu.memory_space<hbm>> -> memref<96x128xi32, #tpu.memory_space<hbm>>
        %dma_start3A_40 = arith.constant 0 : i32
        %dma_start3A_41 = tpu.memref_slice %arg3[%select_n3A, %dma_start3A_40] : memref<2560x128xi32, #tpu.memory_space<hbm>> -> memref<96x128xi32, #tpu.memory_space<hbm>>
        tpu.enqueue_dma source(%dma_start3A_41 : memref<96x128xi32, #tpu.memory_space<hbm>>) target(%arg7 : memref<96x128xi32, #tpu.memory_space<vmem>>) target_semaphore(%run_scoped3A : memref<!tpu.dma_semaphore, #tpu.memory_space<semaphore_mem>>)
        %dma_wait3A = arith.constant 0 : i32
        %dma_wait3A_42 = tpu.memref_slice %arg3[%select_n3A, %dma_wait3A] : memref<2560x128xi32, #tpu.memory_space<hbm>> -> memref<96x128xi32, #tpu.memory_space<hbm>>
        %dma_wait3A_43 = arith.constant 0 : i32
        %dma_wait3A_44 = tpu.memref_slice %arg3[%select_n3A, %dma_wait3A_43] : memref<2560x128xi32, #tpu.memory_space<hbm>> -> memref<96x128xi32, #tpu.memory_space<hbm>>
        tpu.wait_dma2 semaphore(%run_scoped3A : memref<!tpu.dma_semaphore, #tpu.memory_space<semaphore_mem>>) src(%dma_wait3A_44 : memref<96x128xi32, #tpu.memory_space<hbm>>) dst(%arg7 : memref<96x128xi32, #tpu.memory_space<vmem>>)
        tpu.yield
      }) : () -> ()
      "tpu.region"() ({
        %run_scoped3A = tpu.sem_alloc : memref<!tpu.dma_semaphore, #tpu.memory_space<semaphore_mem>>
        %dma_start3A = arith.constant 0 : i32
        %dma_start3A_39 = tpu.memref_slice %arg4[%select_n3A, %dma_start3A] : memref<2560x128xi32, #tpu.memory_space<hbm>> -> memref<96x128xi32, #tpu.memory_space<hbm>>
        %dma_start3A_40 = arith.constant 0 : i32
        %dma_start3A_41 = tpu.memref_slice %arg4[%select_n3A, %dma_start3A_40] : memref<2560x128xi32, #tpu.memory_space<hbm>> -> memref<96x128xi32, #tpu.memory_space<hbm>>
        tpu.enqueue_dma source(%dma_start3A_41 : memref<96x128xi32, #tpu.memory_space<hbm>>) target(%arg8 : memref<96x128xi32, #tpu.memory_space<vmem>>) target_semaphore(%run_scoped3A : memref<!tpu.dma_semaphore, #tpu.memory_space<semaphore_mem>>)
        %dma_wait3A = arith.constant 0 : i32
        %dma_wait3A_42 = tpu.memref_slice %arg4[%select_n3A, %dma_wait3A] : memref<2560x128xi32, #tpu.memory_space<hbm>> -> memref<96x128xi32, #tpu.memory_space<hbm>>
        %dma_wait3A_43 = arith.constant 0 : i32
        %dma_wait3A_44 = tpu.memref_slice %arg4[%select_n3A, %dma_wait3A_43] : memref<2560x128xi32, #tpu.memory_space<hbm>> -> memref<96x128xi32, #tpu.memory_space<hbm>>
        tpu.wait_dma2 semaphore(%run_scoped3A : memref<!tpu.dma_semaphore, #tpu.memory_space<semaphore_mem>>) src(%dma_wait3A_44 : memref<96x128xi32, #tpu.memory_space<hbm>>) dst(%arg8 : memref<96x128xi32, #tpu.memory_space<vmem>>)
        tpu.yield
      }) : () -> ()
    } else {
    }
    "tpu.region"() ({
      %run_scoped3A = tpu.sem_alloc : memref<!tpu.dma_semaphore, #tpu.memory_space<semaphore_mem>>
      tpu.enqueue_dma source(%arg5 : memref<128x8xf32, #tpu.memory_space<hbm>>) target(%arg10 : memref<128x8xf32, #tpu.memory_space<vmem>>) target_semaphore(%run_scoped3A : memref<!tpu.dma_semaphore, #tpu.memory_space<semaphore_mem>>)
      tpu.wait_dma2 semaphore(%run_scoped3A : memref<!tpu.dma_semaphore, #tpu.memory_space<semaphore_mem>>) src(%arg5 : memref<128x8xf32, #tpu.memory_space<hbm>>) dst(%arg10 : memref<128x8xf32, #tpu.memory_space<vmem>>)
      tpu.yield
    }) : () -> ()
    %mul3A_17 = arith.constant 632 : i32
    %mul3A_18 = arith.muli %arg1, %mul3A_17 : i32
    %add3A_19 = arith.constant 0 : i32
    %add3A_20 = arith.addi %mul3A_18, %add3A_19 : i32
    "tpu.region"() ({
      %run_scoped3A = tpu.sem_alloc : memref<!tpu.dma_semaphore, #tpu.memory_space<semaphore_mem>>
      %dma_start3A = arith.constant 0 : i32
      %dma_start3A_39 = arith.constant 0 : i32
      %dma_start3A_40 = tpu.memref_slice %arg10[%dma_start3A, %dma_start3A_39] : memref<128x8xf32, #tpu.memory_space<vmem>> -> memref<128x8xf32, #tpu.memory_space<vmem>>
      %dma_start3A_41 = arith.constant 0 : i32
      %dma_start3A_42 = tpu.memref_slice %arg11[%add3A_20, %dma_start3A_41] : memref<10112x8xf32, #tpu.memory_space<vmem_shared>> -> memref<128x8xf32, #tpu.memory_space<vmem_shared>>
      %dma_start3A_43 = arith.constant 0 : i32
      %dma_start3A_44 = tpu.memref_slice %arg11[%add3A_20, %dma_start3A_43] : memref<10112x8xf32, #tpu.memory_space<vmem_shared>> -> memref<128x8xf32, #tpu.memory_space<vmem_shared>>
      %dma_start3A_45 = arith.constant 0 : i32
      %dma_start3A_46 = arith.constant 0 : i32
      %dma_start3A_47 = tpu.memref_slice %arg10[%dma_start3A_45, %dma_start3A_46] : memref<128x8xf32, #tpu.memory_space<vmem>> -> memref<128x8xf32, #tpu.memory_space<vmem>>
      tpu.enqueue_dma source(%dma_start3A_47 : memref<128x8xf32, #tpu.memory_space<vmem>>) target(%dma_start3A_44 : memref<128x8xf32, #tpu.memory_space<vmem_shared>>) target_semaphore(%run_scoped3A : memref<!tpu.dma_semaphore, #tpu.memory_space<semaphore_mem>>)
      %dma_wait3A = arith.constant 0 : i32
      %dma_wait3A_48 = arith.constant 0 : i32
      %dma_wait3A_49 = tpu.memref_slice %arg10[%dma_wait3A, %dma_wait3A_48] : memref<128x8xf32, #tpu.memory_space<vmem>> -> memref<128x8xf32, #tpu.memory_space<vmem>>
      %dma_wait3A_50 = arith.constant 0 : i32
      %dma_wait3A_51 = tpu.memref_slice %arg11[%add3A_20, %dma_wait3A_50] : memref<10112x8xf32, #tpu.memory_space<vmem_shared>> -> memref<128x8xf32, #tpu.memory_space<vmem_shared>>
      %dma_wait3A_52 = arith.constant 0 : i32
      %dma_wait3A_53 = tpu.memref_slice %arg11[%add3A_20, %dma_wait3A_52] : memref<10112x8xf32, #tpu.memory_space<vmem_shared>> -> memref<128x8xf32, #tpu.memory_space<vmem_shared>>
      %dma_wait3A_54 = arith.constant 0 : i32
      %dma_wait3A_55 = arith.constant 0 : i32
      %dma_wait3A_56 = tpu.memref_slice %arg10[%dma_wait3A_54, %dma_wait3A_55] : memref<128x8xf32, #tpu.memory_space<vmem>> -> memref<128x8xf32, #tpu.memory_space<vmem>>
      tpu.wait_dma2 semaphore(%run_scoped3A : memref<!tpu.dma_semaphore, #tpu.memory_space<semaphore_mem>>) src(%dma_wait3A_56 : memref<128x8xf32, #tpu.memory_space<vmem>>) dst(%dma_wait3A_53 : memref<128x8xf32, #tpu.memory_space<vmem_shared>>)
      tpu.yield
    }) : () -> ()
    %add3A_21 = arith.constant 128 : i32
    %add3A_22 = arith.addi %mul3A_18, %add3A_21 : i32
    "tpu.region"() ({
      %run_scoped3A = tpu.sem_alloc : memref<!tpu.dma_semaphore, #tpu.memory_space<semaphore_mem>>
      %dma_start3A = arith.constant 0 : i32
      %dma_start3A_39 = arith.constant 0 : i32
      %dma_start3A_40 = tpu.memref_slice %arg10[%dma_start3A, %dma_start3A_39] : memref<128x8xf32, #tpu.memory_space<vmem>> -> memref<128x8xf32, #tpu.memory_space<vmem>>
      %dma_start3A_41 = arith.constant 0 : i32
      %dma_start3A_42 = tpu.memref_slice %arg11[%add3A_22, %dma_start3A_41] : memref<10112x8xf32, #tpu.memory_space<vmem_shared>> -> memref<128x8xf32, #tpu.memory_space<vmem_shared>>
      %dma_start3A_43 = arith.constant 0 : i32
      %dma_start3A_44 = tpu.memref_slice %arg11[%add3A_22, %dma_start3A_43] : memref<10112x8xf32, #tpu.memory_space<vmem_shared>> -> memref<128x8xf32, #tpu.memory_space<vmem_shared>>
      %dma_start3A_45 = arith.constant 0 : i32
      %dma_start3A_46 = arith.constant 0 : i32
      %dma_start3A_47 = tpu.memref_slice %arg10[%dma_start3A_45, %dma_start3A_46] : memref<128x8xf32, #tpu.memory_space<vmem>> -> memref<128x8xf32, #tpu.memory_space<vmem>>
      tpu.enqueue_dma source(%dma_start3A_47 : memref<128x8xf32, #tpu.memory_space<vmem>>) target(%dma_start3A_44 : memref<128x8xf32, #tpu.memory_space<vmem_shared>>) target_semaphore(%run_scoped3A : memref<!tpu.dma_semaphore, #tpu.memory_space<semaphore_mem>>)
      %dma_wait3A = arith.constant 0 : i32
      %dma_wait3A_48 = arith.constant 0 : i32
      %dma_wait3A_49 = tpu.memref_slice %arg10[%dma_wait3A, %dma_wait3A_48] : memref<128x8xf32, #tpu.memory_space<vmem>> -> memref<128x8xf32, #tpu.memory_space<vmem>>
      %dma_wait3A_50 = arith.constant 0 : i32
      %dma_wait3A_51 = tpu.memref_slice %arg11[%add3A_22, %dma_wait3A_50] : memref<10112x8xf32, #tpu.memory_space<vmem_shared>> -> memref<128x8xf32, #tpu.memory_space<vmem_shared>>
      %dma_wait3A_52 = arith.constant 0 : i32
      %dma_wait3A_53 = tpu.memref_slice %arg11[%add3A_22, %dma_wait3A_52] : memref<10112x8xf32, #tpu.memory_space<vmem_shared>> -> memref<128x8xf32, #tpu.memory_space<vmem_shared>>
      %dma_wait3A_54 = arith.constant 0 : i32
      %dma_wait3A_55 = arith.constant 0 : i32
      %dma_wait3A_56 = tpu.memref_slice %arg10[%dma_wait3A_54, %dma_wait3A_55] : memref<128x8xf32, #tpu.memory_space<vmem>> -> memref<128x8xf32, #tpu.memory_space<vmem>>
      tpu.wait_dma2 semaphore(%run_scoped3A : memref<!tpu.dma_semaphore, #tpu.memory_space<semaphore_mem>>) src(%dma_wait3A_56 : memref<128x8xf32, #tpu.memory_space<vmem>>) dst(%dma_wait3A_53 : memref<128x8xf32, #tpu.memory_space<vmem_shared>>)
      tpu.yield
    }) : () -> ()
    %add3A_23 = arith.constant 256 : i32
    %add3A_24 = arith.addi %mul3A_18, %add3A_23 : i32
    "tpu.region"() ({
      %run_scoped3A = tpu.sem_alloc : memref<!tpu.dma_semaphore, #tpu.memory_space<semaphore_mem>>
      %dma_start3A = arith.constant 0 : i32
      %dma_start3A_39 = arith.constant 0 : i32
      %dma_start3A_40 = tpu.memref_slice %arg10[%dma_start3A, %dma_start3A_39] : memref<128x8xf32, #tpu.memory_space<vmem>> -> memref<128x8xf32, #tpu.memory_space<vmem>>
      %dma_start3A_41 = arith.constant 0 : i32
      %dma_start3A_42 = tpu.memref_slice %arg11[%add3A_24, %dma_start3A_41] : memref<10112x8xf32, #tpu.memory_space<vmem_shared>> -> memref<128x8xf32, #tpu.memory_space<vmem_shared>>
      %dma_start3A_43 = arith.constant 0 : i32
      %dma_start3A_44 = tpu.memref_slice %arg11[%add3A_24, %dma_start3A_43] : memref<10112x8xf32, #tpu.memory_space<vmem_shared>> -> memref<128x8xf32, #tpu.memory_space<vmem_shared>>
      %dma_start3A_45 = arith.constant 0 : i32
      %dma_start3A_46 = arith.constant 0 : i32
      %dma_start3A_47 = tpu.memref_slice %arg10[%dma_start3A_45, %dma_start3A_46] : memref<128x8xf32, #tpu.memory_space<vmem>> -> memref<128x8xf32, #tpu.memory_space<vmem>>
      tpu.enqueue_dma source(%dma_start3A_47 : memref<128x8xf32, #tpu.memory_space<vmem>>) target(%dma_start3A_44 : memref<128x8xf32, #tpu.memory_space<vmem_shared>>) target_semaphore(%run_scoped3A : memref<!tpu.dma_semaphore, #tpu.memory_space<semaphore_mem>>)
      %dma_wait3A = arith.constant 0 : i32
      %dma_wait3A_48 = arith.constant 0 : i32
      %dma_wait3A_49 = tpu.memref_slice %arg10[%dma_wait3A, %dma_wait3A_48] : memref<128x8xf32, #tpu.memory_space<vmem>> -> memref<128x8xf32, #tpu.memory_space<vmem>>
      %dma_wait3A_50 = arith.constant 0 : i32
      %dma_wait3A_51 = tpu.memref_slice %arg11[%add3A_24, %dma_wait3A_50] : memref<10112x8xf32, #tpu.memory_space<vmem_shared>> -> memref<128x8xf32, #tpu.memory_space<vmem_shared>>
      %dma_wait3A_52 = arith.constant 0 : i32
      %dma_wait3A_53 = tpu.memref_slice %arg11[%add3A_24, %dma_wait3A_52] : memref<10112x8xf32, #tpu.memory_space<vmem_shared>> -> memref<128x8xf32, #tpu.memory_space<vmem_shared>>
      %dma_wait3A_54 = arith.constant 0 : i32
      %dma_wait3A_55 = arith.constant 0 : i32
      %dma_wait3A_56 = tpu.memref_slice %arg10[%dma_wait3A_54, %dma_wait3A_55] : memref<128x8xf32, #tpu.memory_space<vmem>> -> memref<128x8xf32, #tpu.memory_space<vmem>>
      tpu.wait_dma2 semaphore(%run_scoped3A : memref<!tpu.dma_semaphore, #tpu.memory_space<semaphore_mem>>) src(%dma_wait3A_56 : memref<128x8xf32, #tpu.memory_space<vmem>>) dst(%dma_wait3A_53 : memref<128x8xf32, #tpu.memory_space<vmem_shared>>)
      tpu.yield
    }) : () -> ()
    %add3A_25 = arith.constant 384 : i32
    %add3A_26 = arith.addi %mul3A_18, %add3A_25 : i32
    "tpu.region"() ({
      %run_scoped3A = tpu.sem_alloc : memref<!tpu.dma_semaphore, #tpu.memory_space<semaphore_mem>>
      %dma_start3A = arith.constant 0 : i32
      %dma_start3A_39 = arith.constant 0 : i32
      %dma_start3A_40 = tpu.memref_slice %arg10[%dma_start3A, %dma_start3A_39] : memref<128x8xf32, #tpu.memory_space<vmem>> -> memref<128x8xf32, #tpu.memory_space<vmem>>
      %dma_start3A_41 = arith.constant 0 : i32
      %dma_start3A_42 = tpu.memref_slice %arg11[%add3A_26, %dma_start3A_41] : memref<10112x8xf32, #tpu.memory_space<vmem_shared>> -> memref<128x8xf32, #tpu.memory_space<vmem_shared>>
      %dma_start3A_43 = arith.constant 0 : i32
      %dma_start3A_44 = tpu.memref_slice %arg11[%add3A_26, %dma_start3A_43] : memref<10112x8xf32, #tpu.memory_space<vmem_shared>> -> memref<128x8xf32, #tpu.memory_space<vmem_shared>>
      %dma_start3A_45 = arith.constant 0 : i32
      %dma_start3A_46 = arith.constant 0 : i32
      %dma_start3A_47 = tpu.memref_slice %arg10[%dma_start3A_45, %dma_start3A_46] : memref<128x8xf32, #tpu.memory_space<vmem>> -> memref<128x8xf32, #tpu.memory_space<vmem>>
      tpu.enqueue_dma source(%dma_start3A_47 : memref<128x8xf32, #tpu.memory_space<vmem>>) target(%dma_start3A_44 : memref<128x8xf32, #tpu.memory_space<vmem_shared>>) target_semaphore(%run_scoped3A : memref<!tpu.dma_semaphore, #tpu.memory_space<semaphore_mem>>)
      %dma_wait3A = arith.constant 0 : i32
      %dma_wait3A_48 = arith.constant 0 : i32
      %dma_wait3A_49 = tpu.memref_slice %arg10[%dma_wait3A, %dma_wait3A_48] : memref<128x8xf32, #tpu.memory_space<vmem>> -> memref<128x8xf32, #tpu.memory_space<vmem>>
      %dma_wait3A_50 = arith.constant 0 : i32
      %dma_wait3A_51 = tpu.memref_slice %arg11[%add3A_26, %dma_wait3A_50] : memref<10112x8xf32, #tpu.memory_space<vmem_shared>> -> memref<128x8xf32, #tpu.memory_space<vmem_shared>>
      %dma_wait3A_52 = arith.constant 0 : i32
      %dma_wait3A_53 = tpu.memref_slice %arg11[%add3A_26, %dma_wait3A_52] : memref<10112x8xf32, #tpu.memory_space<vmem_shared>> -> memref<128x8xf32, #tpu.memory_space<vmem_shared>>
      %dma_wait3A_54 = arith.constant 0 : i32
      %dma_wait3A_55 = arith.constant 0 : i32
      %dma_wait3A_56 = tpu.memref_slice %arg10[%dma_wait3A_54, %dma_wait3A_55] : memref<128x8xf32, #tpu.memory_space<vmem>> -> memref<128x8xf32, #tpu.memory_space<vmem>>
      tpu.wait_dma2 semaphore(%run_scoped3A : memref<!tpu.dma_semaphore, #tpu.memory_space<semaphore_mem>>) src(%dma_wait3A_56 : memref<128x8xf32, #tpu.memory_space<vmem>>) dst(%dma_wait3A_53 : memref<128x8xf32, #tpu.memory_space<vmem_shared>>)
      tpu.yield
    }) : () -> ()
    %add3A_27 = arith.constant 512 : i32
    %add3A_28 = arith.addi %mul3A_18, %add3A_27 : i32
    "tpu.region"() ({
      %run_scoped3A = tpu.sem_alloc : memref<!tpu.dma_semaphore, #tpu.memory_space<semaphore_mem>>
      %dma_start3A = arith.constant 0 : i32
      %dma_start3A_39 = arith.constant 0 : i32
      %dma_start3A_40 = tpu.memref_slice %arg10[%dma_start3A, %dma_start3A_39] : memref<128x8xf32, #tpu.memory_space<vmem>> -> memref<120x8xf32, #tpu.memory_space<vmem>>
      %dma_start3A_41 = arith.constant 0 : i32
      %dma_start3A_42 = tpu.memref_slice %arg11[%add3A_28, %dma_start3A_41] : memref<10112x8xf32, #tpu.memory_space<vmem_shared>> -> memref<120x8xf32, #tpu.memory_space<vmem_shared>>
      %dma_start3A_43 = arith.constant 0 : i32
      %dma_start3A_44 = tpu.memref_slice %arg11[%add3A_28, %dma_start3A_43] : memref<10112x8xf32, #tpu.memory_space<vmem_shared>> -> memref<120x8xf32, #tpu.memory_space<vmem_shared>>
      %dma_start3A_45 = arith.constant 0 : i32
      %dma_start3A_46 = arith.constant 0 : i32
      %dma_start3A_47 = tpu.memref_slice %arg10[%dma_start3A_45, %dma_start3A_46] : memref<128x8xf32, #tpu.memory_space<vmem>> -> memref<120x8xf32, #tpu.memory_space<vmem>>
      tpu.enqueue_dma source(%dma_start3A_47 : memref<120x8xf32, #tpu.memory_space<vmem>>) target(%dma_start3A_44 : memref<120x8xf32, #tpu.memory_space<vmem_shared>>) target_semaphore(%run_scoped3A : memref<!tpu.dma_semaphore, #tpu.memory_space<semaphore_mem>>)
      %dma_wait3A = arith.constant 0 : i32
      %dma_wait3A_48 = arith.constant 0 : i32
      %dma_wait3A_49 = tpu.memref_slice %arg10[%dma_wait3A, %dma_wait3A_48] : memref<128x8xf32, #tpu.memory_space<vmem>> -> memref<120x8xf32, #tpu.memory_space<vmem>>
      %dma_wait3A_50 = arith.constant 0 : i32
      %dma_wait3A_51 = tpu.memref_slice %arg11[%add3A_28, %dma_wait3A_50] : memref<10112x8xf32, #tpu.memory_space<vmem_shared>> -> memref<120x8xf32, #tpu.memory_space<vmem_shared>>
      %dma_wait3A_52 = arith.constant 0 : i32
      %dma_wait3A_53 = tpu.memref_slice %arg11[%add3A_28, %dma_wait3A_52] : memref<10112x8xf32, #tpu.memory_space<vmem_shared>> -> memref<120x8xf32, #tpu.memory_space<vmem_shared>>
      %dma_wait3A_54 = arith.constant 0 : i32
      %dma_wait3A_55 = arith.constant 0 : i32
      %dma_wait3A_56 = tpu.memref_slice %arg10[%dma_wait3A_54, %dma_wait3A_55] : memref<128x8xf32, #tpu.memory_space<vmem>> -> memref<120x8xf32, #tpu.memory_space<vmem>>
      tpu.wait_dma2 semaphore(%run_scoped3A : memref<!tpu.dma_semaphore, #tpu.memory_space<semaphore_mem>>) src(%dma_wait3A_56 : memref<120x8xf32, #tpu.memory_space<vmem>>) dst(%dma_wait3A_53 : memref<120x8xf32, #tpu.memory_space<vmem_shared>>)
      tpu.yield
    }) : () -> ()
    %barrier3A = arith.constant 0 : index
    tpu.barrier barrier_id(%barrier3A)
    %while3A = arith.constant 0 : i32
    %while3A_29 = arith.constant 0 : i32
    %while3A_30 = arith.subi %select_n3A_8, %while3A_29 : i32
    %while3A_31 = arith.addi %while3A_29, %while3A_30 : i32
    %while3A_32 = arith.constant 1 : i32
    %while3A_33 = arith.divsi %while3A_30, %while3A_32 : i32
    %while3A_34 = arith.muli %while3A_33, %while3A_32 : i32
    %while3A_35 = arith.addi %while3A_29, %while3A_34 : i32
    %while3A_36 = arith.constant 1 : i32
    scf.for %while3A_39 = %while3A_29 to %while3A_35 step %while3A_36  : i32 {
      %mul3A_40 = arith.constant 8 : i32
      %mul3A_41 = arith.muli %while3A_39, %mul3A_40 : i32
      %add3A_42 = arith.constant 0 : i32
      %add3A_43 = arith.addi %mul3A_41, %add3A_42 : i32
      %dma_start3A = arith.constant 0 : i32
      %dma_start3A_44 = arith.constant 0 : i32
      %dma_start3A_45 = arith.constant 0 : i32
      %dma_start3A_46 = tpu.memref_slice %arg9[%dma_start3A, %dma_start3A_44, %dma_start3A_45] : memref<8x128x8xf32, #tpu.memory_space<vmem>> -> memref<1x128x8xf32, #tpu.memory_space<vmem>>
      %dma_start3A_47 = tpu.memref_squeeze %dma_start3A_46 : memref<1x128x8xf32, #tpu.memory_space<vmem>> -> memref<128x8xf32, #tpu.memory_space<vmem>>
      %dma_start3A_48 = arith.constant 0 : i32
      %dma_start3A_49 = tpu.memref_slice %arg7[%add3A_43, %dma_start3A_48] : memref<96x128xi32, #tpu.memory_space<vmem>> -> memref<1x128xi32, #tpu.memory_space<vmem>>
      %dma_start3A_50 = tpu.memref_squeeze %dma_start3A_49 : memref<1x128xi32, #tpu.memory_space<vmem>> -> memref<128xi32, #tpu.memory_space<vmem>>
      %dma_start3A_51 = arith.constant 0 : i32
      %dma_start3A_52 = arith.constant 0 : i32
      %dma_start3A_53 = tpu.memref_slice %arg2[%dma_start3A_51, %dma_start3A_52] : memref<10112x8xf32, #tpu.memory_space<hbm>> -> memref<10112x8xf32, #tpu.memory_space<hbm>>
      tpu.enqueue_indirect_dma source(%dma_start3A_53 : memref<10112x8xf32, #tpu.memory_space<hbm>>) target(%dma_start3A_47 : memref<128x8xf32, #tpu.memory_space<vmem>>) offsets(%dma_start3A_50 : memref<128xi32, #tpu.memory_space<vmem>>) semaphore(%arg12 : memref<!tpu.dma_semaphore, #tpu.memory_space<semaphore_mem>>)
      %add3A_54 = arith.constant 1 : i32
      %add3A_55 = arith.addi %mul3A_41, %add3A_54 : i32
      %dma_start3A_56 = arith.constant 1 : i32
      %dma_start3A_57 = arith.constant 0 : i32
      %dma_start3A_58 = arith.constant 0 : i32
      %dma_start3A_59 = tpu.memref_slice %arg9[%dma_start3A_56, %dma_start3A_57, %dma_start3A_58] : memref<8x128x8xf32, #tpu.memory_space<vmem>> -> memref<1x128x8xf32, #tpu.memory_space<vmem>>
      %dma_start3A_60 = tpu.memref_squeeze %dma_start3A_59 : memref<1x128x8xf32, #tpu.memory_space<vmem>> -> memref<128x8xf32, #tpu.memory_space<vmem>>
      %dma_start3A_61 = arith.constant 0 : i32
      %dma_start3A_62 = tpu.memref_slice %arg7[%add3A_55, %dma_start3A_61] : memref<96x128xi32, #tpu.memory_space<vmem>> -> memref<1x128xi32, #tpu.memory_space<vmem>>
      %dma_start3A_63 = tpu.memref_squeeze %dma_start3A_62 : memref<1x128xi32, #tpu.memory_space<vmem>> -> memref<128xi32, #tpu.memory_space<vmem>>
      %dma_start3A_64 = arith.constant 0 : i32
      %dma_start3A_65 = arith.constant 0 : i32
      %dma_start3A_66 = tpu.memref_slice %arg2[%dma_start3A_64, %dma_start3A_65] : memref<10112x8xf32, #tpu.memory_space<hbm>> -> memref<10112x8xf32, #tpu.memory_space<hbm>>
      tpu.enqueue_indirect_dma source(%dma_start3A_66 : memref<10112x8xf32, #tpu.memory_space<hbm>>) target(%dma_start3A_60 : memref<128x8xf32, #tpu.memory_space<vmem>>) offsets(%dma_start3A_63 : memref<128xi32, #tpu.memory_space<vmem>>) semaphore(%arg12 : memref<!tpu.dma_semaphore, #tpu.memory_space<semaphore_mem>>)
      %add3A_67 = arith.constant 2 : i32
      %add3A_68 = arith.addi %mul3A_41, %add3A_67 : i32
      %dma_start3A_69 = arith.constant 2 : i32
      %dma_start3A_70 = arith.constant 0 : i32
      %dma_start3A_71 = arith.constant 0 : i32
      %dma_start3A_72 = tpu.memref_slice %arg9[%dma_start3A_69, %dma_start3A_70, %dma_start3A_71] : memref<8x128x8xf32, #tpu.memory_space<vmem>> -> memref<1x128x8xf32, #tpu.memory_space<vmem>>
      %dma_start3A_73 = tpu.memref_squeeze %dma_start3A_72 : memref<1x128x8xf32, #tpu.memory_space<vmem>> -> memref<128x8xf32, #tpu.memory_space<vmem>>
      %dma_start3A_74 = arith.constant 0 : i32
      %dma_start3A_75 = tpu.memref_slice %arg7[%add3A_68, %dma_start3A_74] : memref<96x128xi32, #tpu.memory_space<vmem>> -> memref<1x128xi32, #tpu.memory_space<vmem>>
      %dma_start3A_76 = tpu.memref_squeeze %dma_start3A_75 : memref<1x128xi32, #tpu.memory_space<vmem>> -> memref<128xi32, #tpu.memory_space<vmem>>
      %dma_start3A_77 = arith.constant 0 : i32
      %dma_start3A_78 = arith.constant 0 : i32
      %dma_start3A_79 = tpu.memref_slice %arg2[%dma_start3A_77, %dma_start3A_78] : memref<10112x8xf32, #tpu.memory_space<hbm>> -> memref<10112x8xf32, #tpu.memory_space<hbm>>
      tpu.enqueue_indirect_dma source(%dma_start3A_79 : memref<10112x8xf32, #tpu.memory_space<hbm>>) target(%dma_start3A_73 : memref<128x8xf32, #tpu.memory_space<vmem>>) offsets(%dma_start3A_76 : memref<128xi32, #tpu.memory_space<vmem>>) semaphore(%arg12 : memref<!tpu.dma_semaphore, #tpu.memory_space<semaphore_mem>>)
      %add3A_80 = arith.constant 3 : i32
      %add3A_81 = arith.addi %mul3A_41, %add3A_80 : i32
      %dma_start3A_82 = arith.constant 3 : i32
      %dma_start3A_83 = arith.constant 0 : i32
      %dma_start3A_84 = arith.constant 0 : i32
      %dma_start3A_85 = tpu.memref_slice %arg9[%dma_start3A_82, %dma_start3A_83, %dma_start3A_84] : memref<8x128x8xf32, #tpu.memory_space<vmem>> -> memref<1x128x8xf32, #tpu.memory_space<vmem>>
      %dma_start3A_86 = tpu.memref_squeeze %dma_start3A_85 : memref<1x128x8xf32, #tpu.memory_space<vmem>> -> memref<128x8xf32, #tpu.memory_space<vmem>>
      %dma_start3A_87 = arith.constant 0 : i32
      %dma_start3A_88 = tpu.memref_slice %arg7[%add3A_81, %dma_start3A_87] : memref<96x128xi32, #tpu.memory_space<vmem>> -> memref<1x128xi32, #tpu.memory_space<vmem>>
      %dma_start3A_89 = tpu.memref_squeeze %dma_start3A_88 : memref<1x128xi32, #tpu.memory_space<vmem>> -> memref<128xi32, #tpu.memory_space<vmem>>
      %dma_start3A_90 = arith.constant 0 : i32
      %dma_start3A_91 = arith.constant 0 : i32
      %dma_start3A_92 = tpu.memref_slice %arg2[%dma_start3A_90, %dma_start3A_91] : memref<10112x8xf32, #tpu.memory_space<hbm>> -> memref<10112x8xf32, #tpu.memory_space<hbm>>
      tpu.enqueue_indirect_dma source(%dma_start3A_92 : memref<10112x8xf32, #tpu.memory_space<hbm>>) target(%dma_start3A_86 : memref<128x8xf32, #tpu.memory_space<vmem>>) offsets(%dma_start3A_89 : memref<128xi32, #tpu.memory_space<vmem>>) semaphore(%arg12 : memref<!tpu.dma_semaphore, #tpu.memory_space<semaphore_mem>>)
      %add3A_93 = arith.constant 4 : i32
      %add3A_94 = arith.addi %mul3A_41, %add3A_93 : i32
      %dma_start3A_95 = arith.constant 4 : i32
      %dma_start3A_96 = arith.constant 0 : i32
      %dma_start3A_97 = arith.constant 0 : i32
      %dma_start3A_98 = tpu.memref_slice %arg9[%dma_start3A_95, %dma_start3A_96, %dma_start3A_97] : memref<8x128x8xf32, #tpu.memory_space<vmem>> -> memref<1x128x8xf32, #tpu.memory_space<vmem>>
      %dma_start3A_99 = tpu.memref_squeeze %dma_start3A_98 : memref<1x128x8xf32, #tpu.memory_space<vmem>> -> memref<128x8xf32, #tpu.memory_space<vmem>>
      %dma_start3A_100 = arith.constant 0 : i32
      %dma_start3A_101 = tpu.memref_slice %arg7[%add3A_94, %dma_start3A_100] : memref<96x128xi32, #tpu.memory_space<vmem>> -> memref<1x128xi32, #tpu.memory_space<vmem>>
      %dma_start3A_102 = tpu.memref_squeeze %dma_start3A_101 : memref<1x128xi32, #tpu.memory_space<vmem>> -> memref<128xi32, #tpu.memory_space<vmem>>
      %dma_start3A_103 = arith.constant 0 : i32
      %dma_start3A_104 = arith.constant 0 : i32
      %dma_start3A_105 = tpu.memref_slice %arg2[%dma_start3A_103, %dma_start3A_104] : memref<10112x8xf32, #tpu.memory_space<hbm>> -> memref<10112x8xf32, #tpu.memory_space<hbm>>
      tpu.enqueue_indirect_dma source(%dma_start3A_105 : memref<10112x8xf32, #tpu.memory_space<hbm>>) target(%dma_start3A_99 : memref<128x8xf32, #tpu.memory_space<vmem>>) offsets(%dma_start3A_102 : memref<128xi32, #tpu.memory_space<vmem>>) semaphore(%arg12 : memref<!tpu.dma_semaphore, #tpu.memory_space<semaphore_mem>>)
      %add3A_106 = arith.constant 5 : i32
      %add3A_107 = arith.addi %mul3A_41, %add3A_106 : i32
      %dma_start3A_108 = arith.constant 5 : i32
      %dma_start3A_109 = arith.constant 0 : i32
      %dma_start3A_110 = arith.constant 0 : i32
      %dma_start3A_111 = tpu.memref_slice %arg9[%dma_start3A_108, %dma_start3A_109, %dma_start3A_110] : memref<8x128x8xf32, #tpu.memory_space<vmem>> -> memref<1x128x8xf32, #tpu.memory_space<vmem>>
      %dma_start3A_112 = tpu.memref_squeeze %dma_start3A_111 : memref<1x128x8xf32, #tpu.memory_space<vmem>> -> memref<128x8xf32, #tpu.memory_space<vmem>>
      %dma_start3A_113 = arith.constant 0 : i32
      %dma_start3A_114 = tpu.memref_slice %arg7[%add3A_107, %dma_start3A_113] : memref<96x128xi32, #tpu.memory_space<vmem>> -> memref<1x128xi32, #tpu.memory_space<vmem>>
      %dma_start3A_115 = tpu.memref_squeeze %dma_start3A_114 : memref<1x128xi32, #tpu.memory_space<vmem>> -> memref<128xi32, #tpu.memory_space<vmem>>
      %dma_start3A_116 = arith.constant 0 : i32
      %dma_start3A_117 = arith.constant 0 : i32
      %dma_start3A_118 = tpu.memref_slice %arg2[%dma_start3A_116, %dma_start3A_117] : memref<10112x8xf32, #tpu.memory_space<hbm>> -> memref<10112x8xf32, #tpu.memory_space<hbm>>
      tpu.enqueue_indirect_dma source(%dma_start3A_118 : memref<10112x8xf32, #tpu.memory_space<hbm>>) target(%dma_start3A_112 : memref<128x8xf32, #tpu.memory_space<vmem>>) offsets(%dma_start3A_115 : memref<128xi32, #tpu.memory_space<vmem>>) semaphore(%arg12 : memref<!tpu.dma_semaphore, #tpu.memory_space<semaphore_mem>>)
      %add3A_119 = arith.constant 6 : i32
      %add3A_120 = arith.addi %mul3A_41, %add3A_119 : i32
      %dma_start3A_121 = arith.constant 6 : i32
      %dma_start3A_122 = arith.constant 0 : i32
      %dma_start3A_123 = arith.constant 0 : i32
      %dma_start3A_124 = tpu.memref_slice %arg9[%dma_start3A_121, %dma_start3A_122, %dma_start3A_123] : memref<8x128x8xf32, #tpu.memory_space<vmem>> -> memref<1x128x8xf32, #tpu.memory_space<vmem>>
      %dma_start3A_125 = tpu.memref_squeeze %dma_start3A_124 : memref<1x128x8xf32, #tpu.memory_space<vmem>> -> memref<128x8xf32, #tpu.memory_space<vmem>>
      %dma_start3A_126 = arith.constant 0 : i32
      %dma_start3A_127 = tpu.memref_slice %arg7[%add3A_120, %dma_start3A_126] : memref<96x128xi32, #tpu.memory_space<vmem>> -> memref<1x128xi32, #tpu.memory_space<vmem>>
      %dma_start3A_128 = tpu.memref_squeeze %dma_start3A_127 : memref<1x128xi32, #tpu.memory_space<vmem>> -> memref<128xi32, #tpu.memory_space<vmem>>
      %dma_start3A_129 = arith.constant 0 : i32
      %dma_start3A_130 = arith.constant 0 : i32
      %dma_start3A_131 = tpu.memref_slice %arg2[%dma_start3A_129, %dma_start3A_130] : memref<10112x8xf32, #tpu.memory_space<hbm>> -> memref<10112x8xf32, #tpu.memory_space<hbm>>
      tpu.enqueue_indirect_dma source(%dma_start3A_131 : memref<10112x8xf32, #tpu.memory_space<hbm>>) target(%dma_start3A_125 : memref<128x8xf32, #tpu.memory_space<vmem>>) offsets(%dma_start3A_128 : memref<128xi32, #tpu.memory_space<vmem>>) semaphore(%arg12 : memref<!tpu.dma_semaphore, #tpu.memory_space<semaphore_mem>>)
      %add3A_132 = arith.constant 7 : i32
      %add3A_133 = arith.addi %mul3A_41, %add3A_132 : i32
      %dma_start3A_134 = arith.constant 7 : i32
      %dma_start3A_135 = arith.constant 0 : i32
      %dma_start3A_136 = arith.constant 0 : i32
      %dma_start3A_137 = tpu.memref_slice %arg9[%dma_start3A_134, %dma_start3A_135, %dma_start3A_136] : memref<8x128x8xf32, #tpu.memory_space<vmem>> -> memref<1x128x8xf32, #tpu.memory_space<vmem>>
      %dma_start3A_138 = tpu.memref_squeeze %dma_start3A_137 : memref<1x128x8xf32, #tpu.memory_space<vmem>> -> memref<128x8xf32, #tpu.memory_space<vmem>>
      %dma_start3A_139 = arith.constant 0 : i32
      %dma_start3A_140 = tpu.memref_slice %arg7[%add3A_133, %dma_start3A_139] : memref<96x128xi32, #tpu.memory_space<vmem>> -> memref<1x128xi32, #tpu.memory_space<vmem>>
      %dma_start3A_141 = tpu.memref_squeeze %dma_start3A_140 : memref<1x128xi32, #tpu.memory_space<vmem>> -> memref<128xi32, #tpu.memory_space<vmem>>
      %dma_start3A_142 = arith.constant 0 : i32
      %dma_start3A_143 = arith.constant 0 : i32
      %dma_start3A_144 = tpu.memref_slice %arg2[%dma_start3A_142, %dma_start3A_143] : memref<10112x8xf32, #tpu.memory_space<hbm>> -> memref<10112x8xf32, #tpu.memory_space<hbm>>
      tpu.enqueue_indirect_dma source(%dma_start3A_144 : memref<10112x8xf32, #tpu.memory_space<hbm>>) target(%dma_start3A_138 : memref<128x8xf32, #tpu.memory_space<vmem>>) offsets(%dma_start3A_141 : memref<128xi32, #tpu.memory_space<vmem>>) semaphore(%arg12 : memref<!tpu.dma_semaphore, #tpu.memory_space<semaphore_mem>>)
      %add3A_145 = arith.constant 0 : i32
      %add3A_146 = arith.addi %mul3A_41, %add3A_145 : i32
      %dma_wait3A = arith.constant 0 : i32
      %dma_wait3A_147 = arith.constant 0 : i32
      %dma_wait3A_148 = arith.constant 0 : i32
      %dma_wait3A_149 = tpu.memref_slice %arg9[%dma_wait3A, %dma_wait3A_147, %dma_wait3A_148] : memref<8x128x8xf32, #tpu.memory_space<vmem>> -> memref<1x128x8xf32, #tpu.memory_space<vmem>>
      %dma_wait3A_150 = tpu.memref_squeeze %dma_wait3A_149 : memref<1x128x8xf32, #tpu.memory_space<vmem>> -> memref<128x8xf32, #tpu.memory_space<vmem>>
      %dma_wait3A_151 = arith.constant 0 : i32
      %dma_wait3A_152 = tpu.memref_slice %arg7[%add3A_146, %dma_wait3A_151] : memref<96x128xi32, #tpu.memory_space<vmem>> -> memref<1x128xi32, #tpu.memory_space<vmem>>
      %dma_wait3A_153 = tpu.memref_squeeze %dma_wait3A_152 : memref<1x128xi32, #tpu.memory_space<vmem>> -> memref<128xi32, #tpu.memory_space<vmem>>
      %dma_wait3A_154 = arith.constant 0 : i32
      %dma_wait3A_155 = arith.constant 0 : i32
      %dma_wait3A_156 = tpu.memref_slice %arg2[%dma_wait3A_154, %dma_wait3A_155] : memref<10112x8xf32, #tpu.memory_space<hbm>> -> memref<10112x8xf32, #tpu.memory_space<hbm>>
      tpu.wait_indirect_dma semaphore(%arg12 : memref<!tpu.dma_semaphore, #tpu.memory_space<semaphore_mem>>) src(%dma_wait3A_156 : memref<10112x8xf32, #tpu.memory_space<hbm>>) dst(%dma_wait3A_150 : memref<128x8xf32, #tpu.memory_space<vmem>>)
      %add3A_157 = arith.constant 1 : i32
      %add3A_158 = arith.addi %mul3A_41, %add3A_157 : i32
      %dma_wait3A_159 = arith.constant 1 : i32
      %dma_wait3A_160 = arith.constant 0 : i32
      %dma_wait3A_161 = arith.constant 0 : i32
      %dma_wait3A_162 = tpu.memref_slice %arg9[%dma_wait3A_159, %dma_wait3A_160, %dma_wait3A_161] : memref<8x128x8xf32, #tpu.memory_space<vmem>> -> memref<1x128x8xf32, #tpu.memory_space<vmem>>
      %dma_wait3A_163 = tpu.memref_squeeze %dma_wait3A_162 : memref<1x128x8xf32, #tpu.memory_space<vmem>> -> memref<128x8xf32, #tpu.memory_space<vmem>>
      %dma_wait3A_164 = arith.constant 0 : i32
      %dma_wait3A_165 = tpu.memref_slice %arg7[%add3A_158, %dma_wait3A_164] : memref<96x128xi32, #tpu.memory_space<vmem>> -> memref<1x128xi32, #tpu.memory_space<vmem>>
      %dma_wait3A_166 = tpu.memref_squeeze %dma_wait3A_165 : memref<1x128xi32, #tpu.memory_space<vmem>> -> memref<128xi32, #tpu.memory_space<vmem>>
      %dma_wait3A_167 = arith.constant 0 : i32
      %dma_wait3A_168 = arith.constant 0 : i32
      %dma_wait3A_169 = tpu.memref_slice %arg2[%dma_wait3A_167, %dma_wait3A_168] : memref<10112x8xf32, #tpu.memory_space<hbm>> -> memref<10112x8xf32, #tpu.memory_space<hbm>>
      tpu.wait_indirect_dma semaphore(%arg12 : memref<!tpu.dma_semaphore, #tpu.memory_space<semaphore_mem>>) src(%dma_wait3A_169 : memref<10112x8xf32, #tpu.memory_space<hbm>>) dst(%dma_wait3A_163 : memref<128x8xf32, #tpu.memory_space<vmem>>)
      %add3A_170 = arith.constant 2 : i32
      %add3A_171 = arith.addi %mul3A_41, %add3A_170 : i32
      %dma_wait3A_172 = arith.constant 2 : i32
      %dma_wait3A_173 = arith.constant 0 : i32
      %dma_wait3A_174 = arith.constant 0 : i32
      %dma_wait3A_175 = tpu.memref_slice %arg9[%dma_wait3A_172, %dma_wait3A_173, %dma_wait3A_174] : memref<8x128x8xf32, #tpu.memory_space<vmem>> -> memref<1x128x8xf32, #tpu.memory_space<vmem>>
      %dma_wait3A_176 = tpu.memref_squeeze %dma_wait3A_175 : memref<1x128x8xf32, #tpu.memory_space<vmem>> -> memref<128x8xf32, #tpu.memory_space<vmem>>
      %dma_wait3A_177 = arith.constant 0 : i32
      %dma_wait3A_178 = tpu.memref_slice %arg7[%add3A_171, %dma_wait3A_177] : memref<96x128xi32, #tpu.memory_space<vmem>> -> memref<1x128xi32, #tpu.memory_space<vmem>>
      %dma_wait3A_179 = tpu.memref_squeeze %dma_wait3A_178 : memref<1x128xi32, #tpu.memory_space<vmem>> -> memref<128xi32, #tpu.memory_space<vmem>>
      %dma_wait3A_180 = arith.constant 0 : i32
      %dma_wait3A_181 = arith.constant 0 : i32
      %dma_wait3A_182 = tpu.memref_slice %arg2[%dma_wait3A_180, %dma_wait3A_181] : memref<10112x8xf32, #tpu.memory_space<hbm>> -> memref<10112x8xf32, #tpu.memory_space<hbm>>
      tpu.wait_indirect_dma semaphore(%arg12 : memref<!tpu.dma_semaphore, #tpu.memory_space<semaphore_mem>>) src(%dma_wait3A_182 : memref<10112x8xf32, #tpu.memory_space<hbm>>) dst(%dma_wait3A_176 : memref<128x8xf32, #tpu.memory_space<vmem>>)
      %add3A_183 = arith.constant 3 : i32
      %add3A_184 = arith.addi %mul3A_41, %add3A_183 : i32
      %dma_wait3A_185 = arith.constant 3 : i32
      %dma_wait3A_186 = arith.constant 0 : i32
      %dma_wait3A_187 = arith.constant 0 : i32
      %dma_wait3A_188 = tpu.memref_slice %arg9[%dma_wait3A_185, %dma_wait3A_186, %dma_wait3A_187] : memref<8x128x8xf32, #tpu.memory_space<vmem>> -> memref<1x128x8xf32, #tpu.memory_space<vmem>>
      %dma_wait3A_189 = tpu.memref_squeeze %dma_wait3A_188 : memref<1x128x8xf32, #tpu.memory_space<vmem>> -> memref<128x8xf32, #tpu.memory_space<vmem>>
      %dma_wait3A_190 = arith.constant 0 : i32
      %dma_wait3A_191 = tpu.memref_slice %arg7[%add3A_184, %dma_wait3A_190] : memref<96x128xi32, #tpu.memory_space<vmem>> -> memref<1x128xi32, #tpu.memory_space<vmem>>
      %dma_wait3A_192 = tpu.memref_squeeze %dma_wait3A_191 : memref<1x128xi32, #tpu.memory_space<vmem>> -> memref<128xi32, #tpu.memory_space<vmem>>
      %dma_wait3A_193 = arith.constant 0 : i32
      %dma_wait3A_194 = arith.constant 0 : i32
      %dma_wait3A_195 = tpu.memref_slice %arg2[%dma_wait3A_193, %dma_wait3A_194] : memref<10112x8xf32, #tpu.memory_space<hbm>> -> memref<10112x8xf32, #tpu.memory_space<hbm>>
      tpu.wait_indirect_dma semaphore(%arg12 : memref<!tpu.dma_semaphore, #tpu.memory_space<semaphore_mem>>) src(%dma_wait3A_195 : memref<10112x8xf32, #tpu.memory_space<hbm>>) dst(%dma_wait3A_189 : memref<128x8xf32, #tpu.memory_space<vmem>>)
      %add3A_196 = arith.constant 4 : i32
      %add3A_197 = arith.addi %mul3A_41, %add3A_196 : i32
      %dma_wait3A_198 = arith.constant 4 : i32
      %dma_wait3A_199 = arith.constant 0 : i32
      %dma_wait3A_200 = arith.constant 0 : i32
      %dma_wait3A_201 = tpu.memref_slice %arg9[%dma_wait3A_198, %dma_wait3A_199, %dma_wait3A_200] : memref<8x128x8xf32, #tpu.memory_space<vmem>> -> memref<1x128x8xf32, #tpu.memory_space<vmem>>
      %dma_wait3A_202 = tpu.memref_squeeze %dma_wait3A_201 : memref<1x128x8xf32, #tpu.memory_space<vmem>> -> memref<128x8xf32, #tpu.memory_space<vmem>>
      %dma_wait3A_203 = arith.constant 0 : i32
      %dma_wait3A_204 = tpu.memref_slice %arg7[%add3A_197, %dma_wait3A_203] : memref<96x128xi32, #tpu.memory_space<vmem>> -> memref<1x128xi32, #tpu.memory_space<vmem>>
      %dma_wait3A_205 = tpu.memref_squeeze %dma_wait3A_204 : memref<1x128xi32, #tpu.memory_space<vmem>> -> memref<128xi32, #tpu.memory_space<vmem>>
      %dma_wait3A_206 = arith.constant 0 : i32
      %dma_wait3A_207 = arith.constant 0 : i32
      %dma_wait3A_208 = tpu.memref_slice %arg2[%dma_wait3A_206, %dma_wait3A_207] : memref<10112x8xf32, #tpu.memory_space<hbm>> -> memref<10112x8xf32, #tpu.memory_space<hbm>>
      tpu.wait_indirect_dma semaphore(%arg12 : memref<!tpu.dma_semaphore, #tpu.memory_space<semaphore_mem>>) src(%dma_wait3A_208 : memref<10112x8xf32, #tpu.memory_space<hbm>>) dst(%dma_wait3A_202 : memref<128x8xf32, #tpu.memory_space<vmem>>)
      %add3A_209 = arith.constant 5 : i32
      %add3A_210 = arith.addi %mul3A_41, %add3A_209 : i32
      %dma_wait3A_211 = arith.constant 5 : i32
      %dma_wait3A_212 = arith.constant 0 : i32
      %dma_wait3A_213 = arith.constant 0 : i32
      %dma_wait3A_214 = tpu.memref_slice %arg9[%dma_wait3A_211, %dma_wait3A_212, %dma_wait3A_213] : memref<8x128x8xf32, #tpu.memory_space<vmem>> -> memref<1x128x8xf32, #tpu.memory_space<vmem>>
      %dma_wait3A_215 = tpu.memref_squeeze %dma_wait3A_214 : memref<1x128x8xf32, #tpu.memory_space<vmem>> -> memref<128x8xf32, #tpu.memory_space<vmem>>
      %dma_wait3A_216 = arith.constant 0 : i32
      %dma_wait3A_217 = tpu.memref_slice %arg7[%add3A_210, %dma_wait3A_216] : memref<96x128xi32, #tpu.memory_space<vmem>> -> memref<1x128xi32, #tpu.memory_space<vmem>>
      %dma_wait3A_218 = tpu.memref_squeeze %dma_wait3A_217 : memref<1x128xi32, #tpu.memory_space<vmem>> -> memref<128xi32, #tpu.memory_space<vmem>>
      %dma_wait3A_219 = arith.constant 0 : i32
      %dma_wait3A_220 = arith.constant 0 : i32
      %dma_wait3A_221 = tpu.memref_slice %arg2[%dma_wait3A_219, %dma_wait3A_220] : memref<10112x8xf32, #tpu.memory_space<hbm>> -> memref<10112x8xf32, #tpu.memory_space<hbm>>
      tpu.wait_indirect_dma semaphore(%arg12 : memref<!tpu.dma_semaphore, #tpu.memory_space<semaphore_mem>>) src(%dma_wait3A_221 : memref<10112x8xf32, #tpu.memory_space<hbm>>) dst(%dma_wait3A_215 : memref<128x8xf32, #tpu.memory_space<vmem>>)
      %add3A_222 = arith.constant 6 : i32
      %add3A_223 = arith.addi %mul3A_41, %add3A_222 : i32
      %dma_wait3A_224 = arith.constant 6 : i32
      %dma_wait3A_225 = arith.constant 0 : i32
      %dma_wait3A_226 = arith.constant 0 : i32
      %dma_wait3A_227 = tpu.memref_slice %arg9[%dma_wait3A_224, %dma_wait3A_225, %dma_wait3A_226] : memref<8x128x8xf32, #tpu.memory_space<vmem>> -> memref<1x128x8xf32, #tpu.memory_space<vmem>>
      %dma_wait3A_228 = tpu.memref_squeeze %dma_wait3A_227 : memref<1x128x8xf32, #tpu.memory_space<vmem>> -> memref<128x8xf32, #tpu.memory_space<vmem>>
      %dma_wait3A_229 = arith.constant 0 : i32
      %dma_wait3A_230 = tpu.memref_slice %arg7[%add3A_223, %dma_wait3A_229] : memref<96x128xi32, #tpu.memory_space<vmem>> -> memref<1x128xi32, #tpu.memory_space<vmem>>
      %dma_wait3A_231 = tpu.memref_squeeze %dma_wait3A_230 : memref<1x128xi32, #tpu.memory_space<vmem>> -> memref<128xi32, #tpu.memory_space<vmem>>
      %dma_wait3A_232 = arith.constant 0 : i32
      %dma_wait3A_233 = arith.constant 0 : i32
      %dma_wait3A_234 = tpu.memref_slice %arg2[%dma_wait3A_232, %dma_wait3A_233] : memref<10112x8xf32, #tpu.memory_space<hbm>> -> memref<10112x8xf32, #tpu.memory_space<hbm>>
      tpu.wait_indirect_dma semaphore(%arg12 : memref<!tpu.dma_semaphore, #tpu.memory_space<semaphore_mem>>) src(%dma_wait3A_234 : memref<10112x8xf32, #tpu.memory_space<hbm>>) dst(%dma_wait3A_228 : memref<128x8xf32, #tpu.memory_space<vmem>>)
      %add3A_235 = arith.constant 7 : i32
      %add3A_236 = arith.addi %mul3A_41, %add3A_235 : i32
      %dma_wait3A_237 = arith.constant 7 : i32
      %dma_wait3A_238 = arith.constant 0 : i32
      %dma_wait3A_239 = arith.constant 0 : i32
      %dma_wait3A_240 = tpu.memref_slice %arg9[%dma_wait3A_237, %dma_wait3A_238, %dma_wait3A_239] : memref<8x128x8xf32, #tpu.memory_space<vmem>> -> memref<1x128x8xf32, #tpu.memory_space<vmem>>
      %dma_wait3A_241 = tpu.memref_squeeze %dma_wait3A_240 : memref<1x128x8xf32, #tpu.memory_space<vmem>> -> memref<128x8xf32, #tpu.memory_space<vmem>>
      %dma_wait3A_242 = arith.constant 0 : i32
      %dma_wait3A_243 = tpu.memref_slice %arg7[%add3A_236, %dma_wait3A_242] : memref<96x128xi32, #tpu.memory_space<vmem>> -> memref<1x128xi32, #tpu.memory_space<vmem>>
      %dma_wait3A_244 = tpu.memref_squeeze %dma_wait3A_243 : memref<1x128xi32, #tpu.memory_space<vmem>> -> memref<128xi32, #tpu.memory_space<vmem>>
      %dma_wait3A_245 = arith.constant 0 : i32
      %dma_wait3A_246 = arith.constant 0 : i32
      %dma_wait3A_247 = tpu.memref_slice %arg2[%dma_wait3A_245, %dma_wait3A_246] : memref<10112x8xf32, #tpu.memory_space<hbm>> -> memref<10112x8xf32, #tpu.memory_space<hbm>>
      tpu.wait_indirect_dma semaphore(%arg12 : memref<!tpu.dma_semaphore, #tpu.memory_space<semaphore_mem>>) src(%dma_wait3A_247 : memref<10112x8xf32, #tpu.memory_space<hbm>>) dst(%dma_wait3A_241 : memref<128x8xf32, #tpu.memory_space<vmem>>)
      %add3A_248 = arith.constant 0 : i32
      %add3A_249 = arith.addi %mul3A_41, %add3A_248 : i32
      %dma_start3A_250 = arith.constant 0 : i32
      %dma_start3A_251 = arith.constant 0 : i32
      %dma_start3A_252 = arith.constant 0 : i32
      %dma_start3A_253 = tpu.memref_slice %arg9[%dma_start3A_250, %dma_start3A_251, %dma_start3A_252] : memref<8x128x8xf32, #tpu.memory_space<vmem>> -> memref<1x128x8xf32, #tpu.memory_space<vmem>>
      %dma_start3A_254 = tpu.memref_squeeze %dma_start3A_253 : memref<1x128x8xf32, #tpu.memory_space<vmem>> -> memref<128x8xf32, #tpu.memory_space<vmem>>
      %dma_start3A_255 = arith.constant 0 : i32
      %dma_start3A_256 = tpu.memref_slice %arg8[%add3A_249, %dma_start3A_255] : memref<96x128xi32, #tpu.memory_space<vmem>> -> memref<1x128xi32, #tpu.memory_space<vmem>>
      %dma_start3A_257 = tpu.memref_squeeze %dma_start3A_256 : memref<1x128xi32, #tpu.memory_space<vmem>> -> memref<128xi32, #tpu.memory_space<vmem>>
      %dma_start3A_258 = arith.constant 0 : i32
      %dma_start3A_259 = arith.constant 0 : i32
      %dma_start3A_260 = tpu.memref_slice %arg11[%dma_start3A_258, %dma_start3A_259] : memref<10112x8xf32, #tpu.memory_space<vmem_shared>> -> memref<10112x8xf32, #tpu.memory_space<vmem_shared>>
      tpu.enqueue_indirect_dma source(%dma_start3A_254 : memref<128x8xf32, #tpu.memory_space<vmem>>) target(%dma_start3A_260 : memref<10112x8xf32, #tpu.memory_space<vmem_shared>>) offsets(%dma_start3A_257 : memref<128xi32, #tpu.memory_space<vmem>>) semaphore(%arg13 : memref<!tpu.dma_semaphore, #tpu.memory_space<semaphore_mem>>) {add = true}
      %add3A_261 = arith.constant 1 : i32
      %add3A_262 = arith.addi %mul3A_41, %add3A_261 : i32
      %dma_start3A_263 = arith.constant 1 : i32
      %dma_start3A_264 = arith.constant 0 : i32
      %dma_start3A_265 = arith.constant 0 : i32
      %dma_start3A_266 = tpu.memref_slice %arg9[%dma_start3A_263, %dma_start3A_264, %dma_start3A_265] : memref<8x128x8xf32, #tpu.memory_space<vmem>> -> memref<1x128x8xf32, #tpu.memory_space<vmem>>
      %dma_start3A_267 = tpu.memref_squeeze %dma_start3A_266 : memref<1x128x8xf32, #tpu.memory_space<vmem>> -> memref<128x8xf32, #tpu.memory_space<vmem>>
      %dma_start3A_268 = arith.constant 0 : i32
      %dma_start3A_269 = tpu.memref_slice %arg8[%add3A_262, %dma_start3A_268] : memref<96x128xi32, #tpu.memory_space<vmem>> -> memref<1x128xi32, #tpu.memory_space<vmem>>
      %dma_start3A_270 = tpu.memref_squeeze %dma_start3A_269 : memref<1x128xi32, #tpu.memory_space<vmem>> -> memref<128xi32, #tpu.memory_space<vmem>>
      %dma_start3A_271 = arith.constant 0 : i32
      %dma_start3A_272 = arith.constant 0 : i32
      %dma_start3A_273 = tpu.memref_slice %arg11[%dma_start3A_271, %dma_start3A_272] : memref<10112x8xf32, #tpu.memory_space<vmem_shared>> -> memref<10112x8xf32, #tpu.memory_space<vmem_shared>>
      tpu.enqueue_indirect_dma source(%dma_start3A_267 : memref<128x8xf32, #tpu.memory_space<vmem>>) target(%dma_start3A_273 : memref<10112x8xf32, #tpu.memory_space<vmem_shared>>) offsets(%dma_start3A_270 : memref<128xi32, #tpu.memory_space<vmem>>) semaphore(%arg13 : memref<!tpu.dma_semaphore, #tpu.memory_space<semaphore_mem>>) {add = true}
      %add3A_274 = arith.constant 2 : i32
      %add3A_275 = arith.addi %mul3A_41, %add3A_274 : i32
      %dma_start3A_276 = arith.constant 2 : i32
      %dma_start3A_277 = arith.constant 0 : i32
      %dma_start3A_278 = arith.constant 0 : i32
      %dma_start3A_279 = tpu.memref_slice %arg9[%dma_start3A_276, %dma_start3A_277, %dma_start3A_278] : memref<8x128x8xf32, #tpu.memory_space<vmem>> -> memref<1x128x8xf32, #tpu.memory_space<vmem>>
      %dma_start3A_280 = tpu.memref_squeeze %dma_start3A_279 : memref<1x128x8xf32, #tpu.memory_space<vmem>> -> memref<128x8xf32, #tpu.memory_space<vmem>>
      %dma_start3A_281 = arith.constant 0 : i32
      %dma_start3A_282 = tpu.memref_slice %arg8[%add3A_275, %dma_start3A_281] : memref<96x128xi32, #tpu.memory_space<vmem>> -> memref<1x128xi32, #tpu.memory_space<vmem>>
      %dma_start3A_283 = tpu.memref_squeeze %dma_start3A_282 : memref<1x128xi32, #tpu.memory_space<vmem>> -> memref<128xi32, #tpu.memory_space<vmem>>
      %dma_start3A_284 = arith.constant 0 : i32
      %dma_start3A_285 = arith.constant 0 : i32
      %dma_start3A_286 = tpu.memref_slice %arg11[%dma_start3A_284, %dma_start3A_285] : memref<10112x8xf32, #tpu.memory_space<vmem_shared>> -> memref<10112x8xf32, #tpu.memory_space<vmem_shared>>
      tpu.enqueue_indirect_dma source(%dma_start3A_280 : memref<128x8xf32, #tpu.memory_space<vmem>>) target(%dma_start3A_286 : memref<10112x8xf32, #tpu.memory_space<vmem_shared>>) offsets(%dma_start3A_283 : memref<128xi32, #tpu.memory_space<vmem>>) semaphore(%arg13 : memref<!tpu.dma_semaphore, #tpu.memory_space<semaphore_mem>>) {add = true}
      %add3A_287 = arith.constant 3 : i32
      %add3A_288 = arith.addi %mul3A_41, %add3A_287 : i32
      %dma_start3A_289 = arith.constant 3 : i32
      %dma_start3A_290 = arith.constant 0 : i32
      %dma_start3A_291 = arith.constant 0 : i32
      %dma_start3A_292 = tpu.memref_slice %arg9[%dma_start3A_289, %dma_start3A_290, %dma_start3A_291] : memref<8x128x8xf32, #tpu.memory_space<vmem>> -> memref<1x128x8xf32, #tpu.memory_space<vmem>>
      %dma_start3A_293 = tpu.memref_squeeze %dma_start3A_292 : memref<1x128x8xf32, #tpu.memory_space<vmem>> -> memref<128x8xf32, #tpu.memory_space<vmem>>
      %dma_start3A_294 = arith.constant 0 : i32
      %dma_start3A_295 = tpu.memref_slice %arg8[%add3A_288, %dma_start3A_294] : memref<96x128xi32, #tpu.memory_space<vmem>> -> memref<1x128xi32, #tpu.memory_space<vmem>>
      %dma_start3A_296 = tpu.memref_squeeze %dma_start3A_295 : memref<1x128xi32, #tpu.memory_space<vmem>> -> memref<128xi32, #tpu.memory_space<vmem>>
      %dma_start3A_297 = arith.constant 0 : i32
      %dma_start3A_298 = arith.constant 0 : i32
      %dma_start3A_299 = tpu.memref_slice %arg11[%dma_start3A_297, %dma_start3A_298] : memref<10112x8xf32, #tpu.memory_space<vmem_shared>> -> memref<10112x8xf32, #tpu.memory_space<vmem_shared>>
      tpu.enqueue_indirect_dma source(%dma_start3A_293 : memref<128x8xf32, #tpu.memory_space<vmem>>) target(%dma_start3A_299 : memref<10112x8xf32, #tpu.memory_space<vmem_shared>>) offsets(%dma_start3A_296 : memref<128xi32, #tpu.memory_space<vmem>>) semaphore(%arg13 : memref<!tpu.dma_semaphore, #tpu.memory_space<semaphore_mem>>) {add = true}
      %add3A_300 = arith.constant 4 : i32
      %add3A_301 = arith.addi %mul3A_41, %add3A_300 : i32
      %dma_start3A_302 = arith.constant 4 : i32
      %dma_start3A_303 = arith.constant 0 : i32
      %dma_start3A_304 = arith.constant 0 : i32
      %dma_start3A_305 = tpu.memref_slice %arg9[%dma_start3A_302, %dma_start3A_303, %dma_start3A_304] : memref<8x128x8xf32, #tpu.memory_space<vmem>> -> memref<1x128x8xf32, #tpu.memory_space<vmem>>
      %dma_start3A_306 = tpu.memref_squeeze %dma_start3A_305 : memref<1x128x8xf32, #tpu.memory_space<vmem>> -> memref<128x8xf32, #tpu.memory_space<vmem>>
      %dma_start3A_307 = arith.constant 0 : i32
      %dma_start3A_308 = tpu.memref_slice %arg8[%add3A_301, %dma_start3A_307] : memref<96x128xi32, #tpu.memory_space<vmem>> -> memref<1x128xi32, #tpu.memory_space<vmem>>
      %dma_start3A_309 = tpu.memref_squeeze %dma_start3A_308 : memref<1x128xi32, #tpu.memory_space<vmem>> -> memref<128xi32, #tpu.memory_space<vmem>>
      %dma_start3A_310 = arith.constant 0 : i32
      %dma_start3A_311 = arith.constant 0 : i32
      %dma_start3A_312 = tpu.memref_slice %arg11[%dma_start3A_310, %dma_start3A_311] : memref<10112x8xf32, #tpu.memory_space<vmem_shared>> -> memref<10112x8xf32, #tpu.memory_space<vmem_shared>>
      tpu.enqueue_indirect_dma source(%dma_start3A_306 : memref<128x8xf32, #tpu.memory_space<vmem>>) target(%dma_start3A_312 : memref<10112x8xf32, #tpu.memory_space<vmem_shared>>) offsets(%dma_start3A_309 : memref<128xi32, #tpu.memory_space<vmem>>) semaphore(%arg13 : memref<!tpu.dma_semaphore, #tpu.memory_space<semaphore_mem>>) {add = true}
      %add3A_313 = arith.constant 5 : i32
      %add3A_314 = arith.addi %mul3A_41, %add3A_313 : i32
      %dma_start3A_315 = arith.constant 5 : i32
      %dma_start3A_316 = arith.constant 0 : i32
      %dma_start3A_317 = arith.constant 0 : i32
      %dma_start3A_318 = tpu.memref_slice %arg9[%dma_start3A_315, %dma_start3A_316, %dma_start3A_317] : memref<8x128x8xf32, #tpu.memory_space<vmem>> -> memref<1x128x8xf32, #tpu.memory_space<vmem>>
      %dma_start3A_319 = tpu.memref_squeeze %dma_start3A_318 : memref<1x128x8xf32, #tpu.memory_space<vmem>> -> memref<128x8xf32, #tpu.memory_space<vmem>>
      %dma_start3A_320 = arith.constant 0 : i32
      %dma_start3A_321 = tpu.memref_slice %arg8[%add3A_314, %dma_start3A_320] : memref<96x128xi32, #tpu.memory_space<vmem>> -> memref<1x128xi32, #tpu.memory_space<vmem>>
      %dma_start3A_322 = tpu.memref_squeeze %dma_start3A_321 : memref<1x128xi32, #tpu.memory_space<vmem>> -> memref<128xi32, #tpu.memory_space<vmem>>
      %dma_start3A_323 = arith.constant 0 : i32
      %dma_start3A_324 = arith.constant 0 : i32
      %dma_start3A_325 = tpu.memref_slice %arg11[%dma_start3A_323, %dma_start3A_324] : memref<10112x8xf32, #tpu.memory_space<vmem_shared>> -> memref<10112x8xf32, #tpu.memory_space<vmem_shared>>
      tpu.enqueue_indirect_dma source(%dma_start3A_319 : memref<128x8xf32, #tpu.memory_space<vmem>>) target(%dma_start3A_325 : memref<10112x8xf32, #tpu.memory_space<vmem_shared>>) offsets(%dma_start3A_322 : memref<128xi32, #tpu.memory_space<vmem>>) semaphore(%arg13 : memref<!tpu.dma_semaphore, #tpu.memory_space<semaphore_mem>>) {add = true}
      %add3A_326 = arith.constant 6 : i32
      %add3A_327 = arith.addi %mul3A_41, %add3A_326 : i32
      %dma_start3A_328 = arith.constant 6 : i32
      %dma_start3A_329 = arith.constant 0 : i32
      %dma_start3A_330 = arith.constant 0 : i32
      %dma_start3A_331 = tpu.memref_slice %arg9[%dma_start3A_328, %dma_start3A_329, %dma_start3A_330] : memref<8x128x8xf32, #tpu.memory_space<vmem>> -> memref<1x128x8xf32, #tpu.memory_space<vmem>>
      %dma_start3A_332 = tpu.memref_squeeze %dma_start3A_331 : memref<1x128x8xf32, #tpu.memory_space<vmem>> -> memref<128x8xf32, #tpu.memory_space<vmem>>
      %dma_start3A_333 = arith.constant 0 : i32
      %dma_start3A_334 = tpu.memref_slice %arg8[%add3A_327, %dma_start3A_333] : memref<96x128xi32, #tpu.memory_space<vmem>> -> memref<1x128xi32, #tpu.memory_space<vmem>>
      %dma_start3A_335 = tpu.memref_squeeze %dma_start3A_334 : memref<1x128xi32, #tpu.memory_space<vmem>> -> memref<128xi32, #tpu.memory_space<vmem>>
      %dma_start3A_336 = arith.constant 0 : i32
      %dma_start3A_337 = arith.constant 0 : i32
      %dma_start3A_338 = tpu.memref_slice %arg11[%dma_start3A_336, %dma_start3A_337] : memref<10112x8xf32, #tpu.memory_space<vmem_shared>> -> memref<10112x8xf32, #tpu.memory_space<vmem_shared>>
      tpu.enqueue_indirect_dma source(%dma_start3A_332 : memref<128x8xf32, #tpu.memory_space<vmem>>) target(%dma_start3A_338 : memref<10112x8xf32, #tpu.memory_space<vmem_shared>>) offsets(%dma_start3A_335 : memref<128xi32, #tpu.memory_space<vmem>>) semaphore(%arg13 : memref<!tpu.dma_semaphore, #tpu.memory_space<semaphore_mem>>) {add = true}
      %add3A_339 = arith.constant 7 : i32
      %add3A_340 = arith.addi %mul3A_41, %add3A_339 : i32
      %dma_start3A_341 = arith.constant 7 : i32
      %dma_start3A_342 = arith.constant 0 : i32
      %dma_start3A_343 = arith.constant 0 : i32
      %dma_start3A_344 = tpu.memref_slice %arg9[%dma_start3A_341, %dma_start3A_342, %dma_start3A_343] : memref<8x128x8xf32, #tpu.memory_space<vmem>> -> memref<1x128x8xf32, #tpu.memory_space<vmem>>
      %dma_start3A_345 = tpu.memref_squeeze %dma_start3A_344 : memref<1x128x8xf32, #tpu.memory_space<vmem>> -> memref<128x8xf32, #tpu.memory_space<vmem>>
      %dma_start3A_346 = arith.constant 0 : i32
      %dma_start3A_347 = tpu.memref_slice %arg8[%add3A_340, %dma_start3A_346] : memref<96x128xi32, #tpu.memory_space<vmem>> -> memref<1x128xi32, #tpu.memory_space<vmem>>
      %dma_start3A_348 = tpu.memref_squeeze %dma_start3A_347 : memref<1x128xi32, #tpu.memory_space<vmem>> -> memref<128xi32, #tpu.memory_space<vmem>>
      %dma_start3A_349 = arith.constant 0 : i32
      %dma_start3A_350 = arith.constant 0 : i32
      %dma_start3A_351 = tpu.memref_slice %arg11[%dma_start3A_349, %dma_start3A_350] : memref<10112x8xf32, #tpu.memory_space<vmem_shared>> -> memref<10112x8xf32, #tpu.memory_space<vmem_shared>>
      tpu.enqueue_indirect_dma source(%dma_start3A_345 : memref<128x8xf32, #tpu.memory_space<vmem>>) target(%dma_start3A_351 : memref<10112x8xf32, #tpu.memory_space<vmem_shared>>) offsets(%dma_start3A_348 : memref<128xi32, #tpu.memory_space<vmem>>) semaphore(%arg13 : memref<!tpu.dma_semaphore, #tpu.memory_space<semaphore_mem>>) {add = true}
      %add3A_352 = arith.constant 0 : i32
      %add3A_353 = arith.addi %mul3A_41, %add3A_352 : i32
      %dma_wait3A_354 = arith.constant 0 : i32
      %dma_wait3A_355 = arith.constant 0 : i32
      %dma_wait3A_356 = arith.constant 0 : i32
      %dma_wait3A_357 = tpu.memref_slice %arg9[%dma_wait3A_354, %dma_wait3A_355, %dma_wait3A_356] : memref<8x128x8xf32, #tpu.memory_space<vmem>> -> memref<1x128x8xf32, #tpu.memory_space<vmem>>
      %dma_wait3A_358 = tpu.memref_squeeze %dma_wait3A_357 : memref<1x128x8xf32, #tpu.memory_space<vmem>> -> memref<128x8xf32, #tpu.memory_space<vmem>>
      %dma_wait3A_359 = arith.constant 0 : i32
      %dma_wait3A_360 = tpu.memref_slice %arg8[%add3A_353, %dma_wait3A_359] : memref<96x128xi32, #tpu.memory_space<vmem>> -> memref<1x128xi32, #tpu.memory_space<vmem>>
      %dma_wait3A_361 = tpu.memref_squeeze %dma_wait3A_360 : memref<1x128xi32, #tpu.memory_space<vmem>> -> memref<128xi32, #tpu.memory_space<vmem>>
      %dma_wait3A_362 = arith.constant 0 : i32
      %dma_wait3A_363 = arith.constant 0 : i32
      %dma_wait3A_364 = tpu.memref_slice %arg11[%dma_wait3A_362, %dma_wait3A_363] : memref<10112x8xf32, #tpu.memory_space<vmem_shared>> -> memref<10112x8xf32, #tpu.memory_space<vmem_shared>>
      tpu.wait_indirect_dma semaphore(%arg13 : memref<!tpu.dma_semaphore, #tpu.memory_space<semaphore_mem>>) src(%dma_wait3A_358 : memref<128x8xf32, #tpu.memory_space<vmem>>) dst(%dma_wait3A_364 : memref<10112x8xf32, #tpu.memory_space<vmem_shared>>)
      %add3A_365 = arith.constant 1 : i32
      %add3A_366 = arith.addi %mul3A_41, %add3A_365 : i32
      %dma_wait3A_367 = arith.constant 1 : i32
      %dma_wait3A_368 = arith.constant 0 : i32
      %dma_wait3A_369 = arith.constant 0 : i32
      %dma_wait3A_370 = tpu.memref_slice %arg9[%dma_wait3A_367, %dma_wait3A_368, %dma_wait3A_369] : memref<8x128x8xf32, #tpu.memory_space<vmem>> -> memref<1x128x8xf32, #tpu.memory_space<vmem>>
      %dma_wait3A_371 = tpu.memref_squeeze %dma_wait3A_370 : memref<1x128x8xf32, #tpu.memory_space<vmem>> -> memref<128x8xf32, #tpu.memory_space<vmem>>
      %dma_wait3A_372 = arith.constant 0 : i32
      %dma_wait3A_373 = tpu.memref_slice %arg8[%add3A_366, %dma_wait3A_372] : memref<96x128xi32, #tpu.memory_space<vmem>> -> memref<1x128xi32, #tpu.memory_space<vmem>>
      %dma_wait3A_374 = tpu.memref_squeeze %dma_wait3A_373 : memref<1x128xi32, #tpu.memory_space<vmem>> -> memref<128xi32, #tpu.memory_space<vmem>>
      %dma_wait3A_375 = arith.constant 0 : i32
      %dma_wait3A_376 = arith.constant 0 : i32
      %dma_wait3A_377 = tpu.memref_slice %arg11[%dma_wait3A_375, %dma_wait3A_376] : memref<10112x8xf32, #tpu.memory_space<vmem_shared>> -> memref<10112x8xf32, #tpu.memory_space<vmem_shared>>
      tpu.wait_indirect_dma semaphore(%arg13 : memref<!tpu.dma_semaphore, #tpu.memory_space<semaphore_mem>>) src(%dma_wait3A_371 : memref<128x8xf32, #tpu.memory_space<vmem>>) dst(%dma_wait3A_377 : memref<10112x8xf32, #tpu.memory_space<vmem_shared>>)
      %add3A_378 = arith.constant 2 : i32
      %add3A_379 = arith.addi %mul3A_41, %add3A_378 : i32
      %dma_wait3A_380 = arith.constant 2 : i32
      %dma_wait3A_381 = arith.constant 0 : i32
      %dma_wait3A_382 = arith.constant 0 : i32
      %dma_wait3A_383 = tpu.memref_slice %arg9[%dma_wait3A_380, %dma_wait3A_381, %dma_wait3A_382] : memref<8x128x8xf32, #tpu.memory_space<vmem>> -> memref<1x128x8xf32, #tpu.memory_space<vmem>>
      %dma_wait3A_384 = tpu.memref_squeeze %dma_wait3A_383 : memref<1x128x8xf32, #tpu.memory_space<vmem>> -> memref<128x8xf32, #tpu.memory_space<vmem>>
      %dma_wait3A_385 = arith.constant 0 : i32
      %dma_wait3A_386 = tpu.memref_slice %arg8[%add3A_379, %dma_wait3A_385] : memref<96x128xi32, #tpu.memory_space<vmem>> -> memref<1x128xi32, #tpu.memory_space<vmem>>
      %dma_wait3A_387 = tpu.memref_squeeze %dma_wait3A_386 : memref<1x128xi32, #tpu.memory_space<vmem>> -> memref<128xi32, #tpu.memory_space<vmem>>
      %dma_wait3A_388 = arith.constant 0 : i32
      %dma_wait3A_389 = arith.constant 0 : i32
      %dma_wait3A_390 = tpu.memref_slice %arg11[%dma_wait3A_388, %dma_wait3A_389] : memref<10112x8xf32, #tpu.memory_space<vmem_shared>> -> memref<10112x8xf32, #tpu.memory_space<vmem_shared>>
      tpu.wait_indirect_dma semaphore(%arg13 : memref<!tpu.dma_semaphore, #tpu.memory_space<semaphore_mem>>) src(%dma_wait3A_384 : memref<128x8xf32, #tpu.memory_space<vmem>>) dst(%dma_wait3A_390 : memref<10112x8xf32, #tpu.memory_space<vmem_shared>>)
      %add3A_391 = arith.constant 3 : i32
      %add3A_392 = arith.addi %mul3A_41, %add3A_391 : i32
      %dma_wait3A_393 = arith.constant 3 : i32
      %dma_wait3A_394 = arith.constant 0 : i32
      %dma_wait3A_395 = arith.constant 0 : i32
      %dma_wait3A_396 = tpu.memref_slice %arg9[%dma_wait3A_393, %dma_wait3A_394, %dma_wait3A_395] : memref<8x128x8xf32, #tpu.memory_space<vmem>> -> memref<1x128x8xf32, #tpu.memory_space<vmem>>
      %dma_wait3A_397 = tpu.memref_squeeze %dma_wait3A_396 : memref<1x128x8xf32, #tpu.memory_space<vmem>> -> memref<128x8xf32, #tpu.memory_space<vmem>>
      %dma_wait3A_398 = arith.constant 0 : i32
      %dma_wait3A_399 = tpu.memref_slice %arg8[%add3A_392, %dma_wait3A_398] : memref<96x128xi32, #tpu.memory_space<vmem>> -> memref<1x128xi32, #tpu.memory_space<vmem>>
      %dma_wait3A_400 = tpu.memref_squeeze %dma_wait3A_399 : memref<1x128xi32, #tpu.memory_space<vmem>> -> memref<128xi32, #tpu.memory_space<vmem>>
      %dma_wait3A_401 = arith.constant 0 : i32
      %dma_wait3A_402 = arith.constant 0 : i32
      %dma_wait3A_403 = tpu.memref_slice %arg11[%dma_wait3A_401, %dma_wait3A_402] : memref<10112x8xf32, #tpu.memory_space<vmem_shared>> -> memref<10112x8xf32, #tpu.memory_space<vmem_shared>>
      tpu.wait_indirect_dma semaphore(%arg13 : memref<!tpu.dma_semaphore, #tpu.memory_space<semaphore_mem>>) src(%dma_wait3A_397 : memref<128x8xf32, #tpu.memory_space<vmem>>) dst(%dma_wait3A_403 : memref<10112x8xf32, #tpu.memory_space<vmem_shared>>)
      %add3A_404 = arith.constant 4 : i32
      %add3A_405 = arith.addi %mul3A_41, %add3A_404 : i32
      %dma_wait3A_406 = arith.constant 4 : i32
      %dma_wait3A_407 = arith.constant 0 : i32
      %dma_wait3A_408 = arith.constant 0 : i32
      %dma_wait3A_409 = tpu.memref_slice %arg9[%dma_wait3A_406, %dma_wait3A_407, %dma_wait3A_408] : memref<8x128x8xf32, #tpu.memory_space<vmem>> -> memref<1x128x8xf32, #tpu.memory_space<vmem>>
      %dma_wait3A_410 = tpu.memref_squeeze %dma_wait3A_409 : memref<1x128x8xf32, #tpu.memory_space<vmem>> -> memref<128x8xf32, #tpu.memory_space<vmem>>
      %dma_wait3A_411 = arith.constant 0 : i32
      %dma_wait3A_412 = tpu.memref_slice %arg8[%add3A_405, %dma_wait3A_411] : memref<96x128xi32, #tpu.memory_space<vmem>> -> memref<1x128xi32, #tpu.memory_space<vmem>>
      %dma_wait3A_413 = tpu.memref_squeeze %dma_wait3A_412 : memref<1x128xi32, #tpu.memory_space<vmem>> -> memref<128xi32, #tpu.memory_space<vmem>>
      %dma_wait3A_414 = arith.constant 0 : i32
      %dma_wait3A_415 = arith.constant 0 : i32
      %dma_wait3A_416 = tpu.memref_slice %arg11[%dma_wait3A_414, %dma_wait3A_415] : memref<10112x8xf32, #tpu.memory_space<vmem_shared>> -> memref<10112x8xf32, #tpu.memory_space<vmem_shared>>
      tpu.wait_indirect_dma semaphore(%arg13 : memref<!tpu.dma_semaphore, #tpu.memory_space<semaphore_mem>>) src(%dma_wait3A_410 : memref<128x8xf32, #tpu.memory_space<vmem>>) dst(%dma_wait3A_416 : memref<10112x8xf32, #tpu.memory_space<vmem_shared>>)
      %add3A_417 = arith.constant 5 : i32
      %add3A_418 = arith.addi %mul3A_41, %add3A_417 : i32
      %dma_wait3A_419 = arith.constant 5 : i32
      %dma_wait3A_420 = arith.constant 0 : i32
      %dma_wait3A_421 = arith.constant 0 : i32
      %dma_wait3A_422 = tpu.memref_slice %arg9[%dma_wait3A_419, %dma_wait3A_420, %dma_wait3A_421] : memref<8x128x8xf32, #tpu.memory_space<vmem>> -> memref<1x128x8xf32, #tpu.memory_space<vmem>>
      %dma_wait3A_423 = tpu.memref_squeeze %dma_wait3A_422 : memref<1x128x8xf32, #tpu.memory_space<vmem>> -> memref<128x8xf32, #tpu.memory_space<vmem>>
      %dma_wait3A_424 = arith.constant 0 : i32
      %dma_wait3A_425 = tpu.memref_slice %arg8[%add3A_418, %dma_wait3A_424] : memref<96x128xi32, #tpu.memory_space<vmem>> -> memref<1x128xi32, #tpu.memory_space<vmem>>
      %dma_wait3A_426 = tpu.memref_squeeze %dma_wait3A_425 : memref<1x128xi32, #tpu.memory_space<vmem>> -> memref<128xi32, #tpu.memory_space<vmem>>
      %dma_wait3A_427 = arith.constant 0 : i32
      %dma_wait3A_428 = arith.constant 0 : i32
      %dma_wait3A_429 = tpu.memref_slice %arg11[%dma_wait3A_427, %dma_wait3A_428] : memref<10112x8xf32, #tpu.memory_space<vmem_shared>> -> memref<10112x8xf32, #tpu.memory_space<vmem_shared>>
      tpu.wait_indirect_dma semaphore(%arg13 : memref<!tpu.dma_semaphore, #tpu.memory_space<semaphore_mem>>) src(%dma_wait3A_423 : memref<128x8xf32, #tpu.memory_space<vmem>>) dst(%dma_wait3A_429 : memref<10112x8xf32, #tpu.memory_space<vmem_shared>>)
      %add3A_430 = arith.constant 6 : i32
      %add3A_431 = arith.addi %mul3A_41, %add3A_430 : i32
      %dma_wait3A_432 = arith.constant 6 : i32
      %dma_wait3A_433 = arith.constant 0 : i32
      %dma_wait3A_434 = arith.constant 0 : i32
      %dma_wait3A_435 = tpu.memref_slice %arg9[%dma_wait3A_432, %dma_wait3A_433, %dma_wait3A_434] : memref<8x128x8xf32, #tpu.memory_space<vmem>> -> memref<1x128x8xf32, #tpu.memory_space<vmem>>
      %dma_wait3A_436 = tpu.memref_squeeze %dma_wait3A_435 : memref<1x128x8xf32, #tpu.memory_space<vmem>> -> memref<128x8xf32, #tpu.memory_space<vmem>>
      %dma_wait3A_437 = arith.constant 0 : i32
      %dma_wait3A_438 = tpu.memref_slice %arg8[%add3A_431, %dma_wait3A_437] : memref<96x128xi32, #tpu.memory_space<vmem>> -> memref<1x128xi32, #tpu.memory_space<vmem>>
      %dma_wait3A_439 = tpu.memref_squeeze %dma_wait3A_438 : memref<1x128xi32, #tpu.memory_space<vmem>> -> memref<128xi32, #tpu.memory_space<vmem>>
      %dma_wait3A_440 = arith.constant 0 : i32
      %dma_wait3A_441 = arith.constant 0 : i32
      %dma_wait3A_442 = tpu.memref_slice %arg11[%dma_wait3A_440, %dma_wait3A_441] : memref<10112x8xf32, #tpu.memory_space<vmem_shared>> -> memref<10112x8xf32, #tpu.memory_space<vmem_shared>>
      tpu.wait_indirect_dma semaphore(%arg13 : memref<!tpu.dma_semaphore, #tpu.memory_space<semaphore_mem>>) src(%dma_wait3A_436 : memref<128x8xf32, #tpu.memory_space<vmem>>) dst(%dma_wait3A_442 : memref<10112x8xf32, #tpu.memory_space<vmem_shared>>)
      %add3A_443 = arith.constant 7 : i32
      %add3A_444 = arith.addi %mul3A_41, %add3A_443 : i32
      %dma_wait3A_445 = arith.constant 7 : i32
      %dma_wait3A_446 = arith.constant 0 : i32
      %dma_wait3A_447 = arith.constant 0 : i32
      %dma_wait3A_448 = tpu.memref_slice %arg9[%dma_wait3A_445, %dma_wait3A_446, %dma_wait3A_447] : memref<8x128x8xf32, #tpu.memory_space<vmem>> -> memref<1x128x8xf32, #tpu.memory_space<vmem>>
      %dma_wait3A_449 = tpu.memref_squeeze %dma_wait3A_448 : memref<1x128x8xf32, #tpu.memory_space<vmem>> -> memref<128x8xf32, #tpu.memory_space<vmem>>
      %dma_wait3A_450 = arith.constant 0 : i32
      %dma_wait3A_451 = tpu.memref_slice %arg8[%add3A_444, %dma_wait3A_450] : memref<96x128xi32, #tpu.memory_space<vmem>> -> memref<1x128xi32, #tpu.memory_space<vmem>>
      %dma_wait3A_452 = tpu.memref_squeeze %dma_wait3A_451 : memref<1x128xi32, #tpu.memory_space<vmem>> -> memref<128xi32, #tpu.memory_space<vmem>>
      %dma_wait3A_453 = arith.constant 0 : i32
      %dma_wait3A_454 = arith.constant 0 : i32
      %dma_wait3A_455 = tpu.memref_slice %arg11[%dma_wait3A_453, %dma_wait3A_454] : memref<10112x8xf32, #tpu.memory_space<vmem_shared>> -> memref<10112x8xf32, #tpu.memory_space<vmem_shared>>
      tpu.wait_indirect_dma semaphore(%arg13 : memref<!tpu.dma_semaphore, #tpu.memory_space<semaphore_mem>>) src(%dma_wait3A_449 : memref<128x8xf32, #tpu.memory_space<vmem>>) dst(%dma_wait3A_455 : memref<10112x8xf32, #tpu.memory_space<vmem_shared>>)
    }
    %while3A_37 = arith.constant 1 : i32
    scf.for %while3A_39 = %while3A_35 to %while3A_31 step %while3A_37  : i32 {
      %mul3A_40 = arith.constant 8 : i32
      %mul3A_41 = arith.muli %while3A_39, %mul3A_40 : i32
      %add3A_42 = arith.constant 0 : i32
      %add3A_43 = arith.addi %mul3A_41, %add3A_42 : i32
      %dma_start3A = arith.constant 0 : i32
      %dma_start3A_44 = arith.constant 0 : i32
      %dma_start3A_45 = arith.constant 0 : i32
      %dma_start3A_46 = tpu.memref_slice %arg9[%dma_start3A, %dma_start3A_44, %dma_start3A_45] : memref<8x128x8xf32, #tpu.memory_space<vmem>> -> memref<1x128x8xf32, #tpu.memory_space<vmem>>
      %dma_start3A_47 = tpu.memref_squeeze %dma_start3A_46 : memref<1x128x8xf32, #tpu.memory_space<vmem>> -> memref<128x8xf32, #tpu.memory_space<vmem>>
      %dma_start3A_48 = arith.constant 0 : i32
      %dma_start3A_49 = tpu.memref_slice %arg7[%add3A_43, %dma_start3A_48] : memref<96x128xi32, #tpu.memory_space<vmem>> -> memref<1x128xi32, #tpu.memory_space<vmem>>
      %dma_start3A_50 = tpu.memref_squeeze %dma_start3A_49 : memref<1x128xi32, #tpu.memory_space<vmem>> -> memref<128xi32, #tpu.memory_space<vmem>>
      %dma_start3A_51 = arith.constant 0 : i32
      %dma_start3A_52 = arith.constant 0 : i32
      %dma_start3A_53 = tpu.memref_slice %arg2[%dma_start3A_51, %dma_start3A_52] : memref<10112x8xf32, #tpu.memory_space<hbm>> -> memref<10112x8xf32, #tpu.memory_space<hbm>>
      tpu.enqueue_indirect_dma source(%dma_start3A_53 : memref<10112x8xf32, #tpu.memory_space<hbm>>) target(%dma_start3A_47 : memref<128x8xf32, #tpu.memory_space<vmem>>) offsets(%dma_start3A_50 : memref<128xi32, #tpu.memory_space<vmem>>) semaphore(%arg12 : memref<!tpu.dma_semaphore, #tpu.memory_space<semaphore_mem>>)
      %add3A_54 = arith.constant 1 : i32
      %add3A_55 = arith.addi %mul3A_41, %add3A_54 : i32
      %dma_start3A_56 = arith.constant 1 : i32
      %dma_start3A_57 = arith.constant 0 : i32
      %dma_start3A_58 = arith.constant 0 : i32
      %dma_start3A_59 = tpu.memref_slice %arg9[%dma_start3A_56, %dma_start3A_57, %dma_start3A_58] : memref<8x128x8xf32, #tpu.memory_space<vmem>> -> memref<1x128x8xf32, #tpu.memory_space<vmem>>
      %dma_start3A_60 = tpu.memref_squeeze %dma_start3A_59 : memref<1x128x8xf32, #tpu.memory_space<vmem>> -> memref<128x8xf32, #tpu.memory_space<vmem>>
      %dma_start3A_61 = arith.constant 0 : i32
      %dma_start3A_62 = tpu.memref_slice %arg7[%add3A_55, %dma_start3A_61] : memref<96x128xi32, #tpu.memory_space<vmem>> -> memref<1x128xi32, #tpu.memory_space<vmem>>
      %dma_start3A_63 = tpu.memref_squeeze %dma_start3A_62 : memref<1x128xi32, #tpu.memory_space<vmem>> -> memref<128xi32, #tpu.memory_space<vmem>>
      %dma_start3A_64 = arith.constant 0 : i32
      %dma_start3A_65 = arith.constant 0 : i32
      %dma_start3A_66 = tpu.memref_slice %arg2[%dma_start3A_64, %dma_start3A_65] : memref<10112x8xf32, #tpu.memory_space<hbm>> -> memref<10112x8xf32, #tpu.memory_space<hbm>>
      tpu.enqueue_indirect_dma source(%dma_start3A_66 : memref<10112x8xf32, #tpu.memory_space<hbm>>) target(%dma_start3A_60 : memref<128x8xf32, #tpu.memory_space<vmem>>) offsets(%dma_start3A_63 : memref<128xi32, #tpu.memory_space<vmem>>) semaphore(%arg12 : memref<!tpu.dma_semaphore, #tpu.memory_space<semaphore_mem>>)
      %add3A_67 = arith.constant 2 : i32
      %add3A_68 = arith.addi %mul3A_41, %add3A_67 : i32
      %dma_start3A_69 = arith.constant 2 : i32
      %dma_start3A_70 = arith.constant 0 : i32
      %dma_start3A_71 = arith.constant 0 : i32
      %dma_start3A_72 = tpu.memref_slice %arg9[%dma_start3A_69, %dma_start3A_70, %dma_start3A_71] : memref<8x128x8xf32, #tpu.memory_space<vmem>> -> memref<1x128x8xf32, #tpu.memory_space<vmem>>
      %dma_start3A_73 = tpu.memref_squeeze %dma_start3A_72 : memref<1x128x8xf32, #tpu.memory_space<vmem>> -> memref<128x8xf32, #tpu.memory_space<vmem>>
      %dma_start3A_74 = arith.constant 0 : i32
      %dma_start3A_75 = tpu.memref_slice %arg7[%add3A_68, %dma_start3A_74] : memref<96x128xi32, #tpu.memory_space<vmem>> -> memref<1x128xi32, #tpu.memory_space<vmem>>
      %dma_start3A_76 = tpu.memref_squeeze %dma_start3A_75 : memref<1x128xi32, #tpu.memory_space<vmem>> -> memref<128xi32, #tpu.memory_space<vmem>>
      %dma_start3A_77 = arith.constant 0 : i32
      %dma_start3A_78 = arith.constant 0 : i32
      %dma_start3A_79 = tpu.memref_slice %arg2[%dma_start3A_77, %dma_start3A_78] : memref<10112x8xf32, #tpu.memory_space<hbm>> -> memref<10112x8xf32, #tpu.memory_space<hbm>>
      tpu.enqueue_indirect_dma source(%dma_start3A_79 : memref<10112x8xf32, #tpu.memory_space<hbm>>) target(%dma_start3A_73 : memref<128x8xf32, #tpu.memory_space<vmem>>) offsets(%dma_start3A_76 : memref<128xi32, #tpu.memory_space<vmem>>) semaphore(%arg12 : memref<!tpu.dma_semaphore, #tpu.memory_space<semaphore_mem>>)
      %add3A_80 = arith.constant 3 : i32
      %add3A_81 = arith.addi %mul3A_41, %add3A_80 : i32
      %dma_start3A_82 = arith.constant 3 : i32
      %dma_start3A_83 = arith.constant 0 : i32
      %dma_start3A_84 = arith.constant 0 : i32
      %dma_start3A_85 = tpu.memref_slice %arg9[%dma_start3A_82, %dma_start3A_83, %dma_start3A_84] : memref<8x128x8xf32, #tpu.memory_space<vmem>> -> memref<1x128x8xf32, #tpu.memory_space<vmem>>
      %dma_start3A_86 = tpu.memref_squeeze %dma_start3A_85 : memref<1x128x8xf32, #tpu.memory_space<vmem>> -> memref<128x8xf32, #tpu.memory_space<vmem>>
      %dma_start3A_87 = arith.constant 0 : i32
      %dma_start3A_88 = tpu.memref_slice %arg7[%add3A_81, %dma_start3A_87] : memref<96x128xi32, #tpu.memory_space<vmem>> -> memref<1x128xi32, #tpu.memory_space<vmem>>
      %dma_start3A_89 = tpu.memref_squeeze %dma_start3A_88 : memref<1x128xi32, #tpu.memory_space<vmem>> -> memref<128xi32, #tpu.memory_space<vmem>>
      %dma_start3A_90 = arith.constant 0 : i32
      %dma_start3A_91 = arith.constant 0 : i32
      %dma_start3A_92 = tpu.memref_slice %arg2[%dma_start3A_90, %dma_start3A_91] : memref<10112x8xf32, #tpu.memory_space<hbm>> -> memref<10112x8xf32, #tpu.memory_space<hbm>>
      tpu.enqueue_indirect_dma source(%dma_start3A_92 : memref<10112x8xf32, #tpu.memory_space<hbm>>) target(%dma_start3A_86 : memref<128x8xf32, #tpu.memory_space<vmem>>) offsets(%dma_start3A_89 : memref<128xi32, #tpu.memory_space<vmem>>) semaphore(%arg12 : memref<!tpu.dma_semaphore, #tpu.memory_space<semaphore_mem>>)
      %add3A_93 = arith.constant 4 : i32
      %add3A_94 = arith.addi %mul3A_41, %add3A_93 : i32
      %dma_start3A_95 = arith.constant 4 : i32
      %dma_start3A_96 = arith.constant 0 : i32
      %dma_start3A_97 = arith.constant 0 : i32
      %dma_start3A_98 = tpu.memref_slice %arg9[%dma_start3A_95, %dma_start3A_96, %dma_start3A_97] : memref<8x128x8xf32, #tpu.memory_space<vmem>> -> memref<1x128x8xf32, #tpu.memory_space<vmem>>
      %dma_start3A_99 = tpu.memref_squeeze %dma_start3A_98 : memref<1x128x8xf32, #tpu.memory_space<vmem>> -> memref<128x8xf32, #tpu.memory_space<vmem>>
      %dma_start3A_100 = arith.constant 0 : i32
      %dma_start3A_101 = tpu.memref_slice %arg7[%add3A_94, %dma_start3A_100] : memref<96x128xi32, #tpu.memory_space<vmem>> -> memref<1x128xi32, #tpu.memory_space<vmem>>
      %dma_start3A_102 = tpu.memref_squeeze %dma_start3A_101 : memref<1x128xi32, #tpu.memory_space<vmem>> -> memref<128xi32, #tpu.memory_space<vmem>>
      %dma_start3A_103 = arith.constant 0 : i32
      %dma_start3A_104 = arith.constant 0 : i32
      %dma_start3A_105 = tpu.memref_slice %arg2[%dma_start3A_103, %dma_start3A_104] : memref<10112x8xf32, #tpu.memory_space<hbm>> -> memref<10112x8xf32, #tpu.memory_space<hbm>>
      tpu.enqueue_indirect_dma source(%dma_start3A_105 : memref<10112x8xf32, #tpu.memory_space<hbm>>) target(%dma_start3A_99 : memref<128x8xf32, #tpu.memory_space<vmem>>) offsets(%dma_start3A_102 : memref<128xi32, #tpu.memory_space<vmem>>) semaphore(%arg12 : memref<!tpu.dma_semaphore, #tpu.memory_space<semaphore_mem>>)
      %add3A_106 = arith.constant 5 : i32
      %add3A_107 = arith.addi %mul3A_41, %add3A_106 : i32
      %dma_start3A_108 = arith.constant 5 : i32
      %dma_start3A_109 = arith.constant 0 : i32
      %dma_start3A_110 = arith.constant 0 : i32
      %dma_start3A_111 = tpu.memref_slice %arg9[%dma_start3A_108, %dma_start3A_109, %dma_start3A_110] : memref<8x128x8xf32, #tpu.memory_space<vmem>> -> memref<1x128x8xf32, #tpu.memory_space<vmem>>
      %dma_start3A_112 = tpu.memref_squeeze %dma_start3A_111 : memref<1x128x8xf32, #tpu.memory_space<vmem>> -> memref<128x8xf32, #tpu.memory_space<vmem>>
      %dma_start3A_113 = arith.constant 0 : i32
      %dma_start3A_114 = tpu.memref_slice %arg7[%add3A_107, %dma_start3A_113] : memref<96x128xi32, #tpu.memory_space<vmem>> -> memref<1x128xi32, #tpu.memory_space<vmem>>
      %dma_start3A_115 = tpu.memref_squeeze %dma_start3A_114 : memref<1x128xi32, #tpu.memory_space<vmem>> -> memref<128xi32, #tpu.memory_space<vmem>>
      %dma_start3A_116 = arith.constant 0 : i32
      %dma_start3A_117 = arith.constant 0 : i32
      %dma_start3A_118 = tpu.memref_slice %arg2[%dma_start3A_116, %dma_start3A_117] : memref<10112x8xf32, #tpu.memory_space<hbm>> -> memref<10112x8xf32, #tpu.memory_space<hbm>>
      tpu.enqueue_indirect_dma source(%dma_start3A_118 : memref<10112x8xf32, #tpu.memory_space<hbm>>) target(%dma_start3A_112 : memref<128x8xf32, #tpu.memory_space<vmem>>) offsets(%dma_start3A_115 : memref<128xi32, #tpu.memory_space<vmem>>) semaphore(%arg12 : memref<!tpu.dma_semaphore, #tpu.memory_space<semaphore_mem>>)
      %add3A_119 = arith.constant 6 : i32
      %add3A_120 = arith.addi %mul3A_41, %add3A_119 : i32
      %dma_start3A_121 = arith.constant 6 : i32
      %dma_start3A_122 = arith.constant 0 : i32
      %dma_start3A_123 = arith.constant 0 : i32
      %dma_start3A_124 = tpu.memref_slice %arg9[%dma_start3A_121, %dma_start3A_122, %dma_start3A_123] : memref<8x128x8xf32, #tpu.memory_space<vmem>> -> memref<1x128x8xf32, #tpu.memory_space<vmem>>
      %dma_start3A_125 = tpu.memref_squeeze %dma_start3A_124 : memref<1x128x8xf32, #tpu.memory_space<vmem>> -> memref<128x8xf32, #tpu.memory_space<vmem>>
      %dma_start3A_126 = arith.constant 0 : i32
      %dma_start3A_127 = tpu.memref_slice %arg7[%add3A_120, %dma_start3A_126] : memref<96x128xi32, #tpu.memory_space<vmem>> -> memref<1x128xi32, #tpu.memory_space<vmem>>
      %dma_start3A_128 = tpu.memref_squeeze %dma_start3A_127 : memref<1x128xi32, #tpu.memory_space<vmem>> -> memref<128xi32, #tpu.memory_space<vmem>>
      %dma_start3A_129 = arith.constant 0 : i32
      %dma_start3A_130 = arith.constant 0 : i32
      %dma_start3A_131 = tpu.memref_slice %arg2[%dma_start3A_129, %dma_start3A_130] : memref<10112x8xf32, #tpu.memory_space<hbm>> -> memref<10112x8xf32, #tpu.memory_space<hbm>>
      tpu.enqueue_indirect_dma source(%dma_start3A_131 : memref<10112x8xf32, #tpu.memory_space<hbm>>) target(%dma_start3A_125 : memref<128x8xf32, #tpu.memory_space<vmem>>) offsets(%dma_start3A_128 : memref<128xi32, #tpu.memory_space<vmem>>) semaphore(%arg12 : memref<!tpu.dma_semaphore, #tpu.memory_space<semaphore_mem>>)
      %add3A_132 = arith.constant 7 : i32
      %add3A_133 = arith.addi %mul3A_41, %add3A_132 : i32
      %dma_start3A_134 = arith.constant 7 : i32
      %dma_start3A_135 = arith.constant 0 : i32
      %dma_start3A_136 = arith.constant 0 : i32
      %dma_start3A_137 = tpu.memref_slice %arg9[%dma_start3A_134, %dma_start3A_135, %dma_start3A_136] : memref<8x128x8xf32, #tpu.memory_space<vmem>> -> memref<1x128x8xf32, #tpu.memory_space<vmem>>
      %dma_start3A_138 = tpu.memref_squeeze %dma_start3A_137 : memref<1x128x8xf32, #tpu.memory_space<vmem>> -> memref<128x8xf32, #tpu.memory_space<vmem>>
      %dma_start3A_139 = arith.constant 0 : i32
      %dma_start3A_140 = tpu.memref_slice %arg7[%add3A_133, %dma_start3A_139] : memref<96x128xi32, #tpu.memory_space<vmem>> -> memref<1x128xi32, #tpu.memory_space<vmem>>
      %dma_start3A_141 = tpu.memref_squeeze %dma_start3A_140 : memref<1x128xi32, #tpu.memory_space<vmem>> -> memref<128xi32, #tpu.memory_space<vmem>>
      %dma_start3A_142 = arith.constant 0 : i32
      %dma_start3A_143 = arith.constant 0 : i32
      %dma_start3A_144 = tpu.memref_slice %arg2[%dma_start3A_142, %dma_start3A_143] : memref<10112x8xf32, #tpu.memory_space<hbm>> -> memref<10112x8xf32, #tpu.memory_space<hbm>>
      tpu.enqueue_indirect_dma source(%dma_start3A_144 : memref<10112x8xf32, #tpu.memory_space<hbm>>) target(%dma_start3A_138 : memref<128x8xf32, #tpu.memory_space<vmem>>) offsets(%dma_start3A_141 : memref<128xi32, #tpu.memory_space<vmem>>) semaphore(%arg12 : memref<!tpu.dma_semaphore, #tpu.memory_space<semaphore_mem>>)
      %add3A_145 = arith.constant 0 : i32
      %add3A_146 = arith.addi %mul3A_41, %add3A_145 : i32
      %dma_wait3A = arith.constant 0 : i32
      %dma_wait3A_147 = arith.constant 0 : i32
      %dma_wait3A_148 = arith.constant 0 : i32
      %dma_wait3A_149 = tpu.memref_slice %arg9[%dma_wait3A, %dma_wait3A_147, %dma_wait3A_148] : memref<8x128x8xf32, #tpu.memory_space<vmem>> -> memref<1x128x8xf32, #tpu.memory_space<vmem>>
      %dma_wait3A_150 = tpu.memref_squeeze %dma_wait3A_149 : memref<1x128x8xf32, #tpu.memory_space<vmem>> -> memref<128x8xf32, #tpu.memory_space<vmem>>
      %dma_wait3A_151 = arith.constant 0 : i32
      %dma_wait3A_152 = tpu.memref_slice %arg7[%add3A_146, %dma_wait3A_151] : memref<96x128xi32, #tpu.memory_space<vmem>> -> memref<1x128xi32, #tpu.memory_space<vmem>>
      %dma_wait3A_153 = tpu.memref_squeeze %dma_wait3A_152 : memref<1x128xi32, #tpu.memory_space<vmem>> -> memref<128xi32, #tpu.memory_space<vmem>>
      %dma_wait3A_154 = arith.constant 0 : i32
      %dma_wait3A_155 = arith.constant 0 : i32
      %dma_wait3A_156 = tpu.memref_slice %arg2[%dma_wait3A_154, %dma_wait3A_155] : memref<10112x8xf32, #tpu.memory_space<hbm>> -> memref<10112x8xf32, #tpu.memory_space<hbm>>
      tpu.wait_indirect_dma semaphore(%arg12 : memref<!tpu.dma_semaphore, #tpu.memory_space<semaphore_mem>>) src(%dma_wait3A_156 : memref<10112x8xf32, #tpu.memory_space<hbm>>) dst(%dma_wait3A_150 : memref<128x8xf32, #tpu.memory_space<vmem>>)
      %add3A_157 = arith.constant 1 : i32
      %add3A_158 = arith.addi %mul3A_41, %add3A_157 : i32
      %dma_wait3A_159 = arith.constant 1 : i32
      %dma_wait3A_160 = arith.constant 0 : i32
      %dma_wait3A_161 = arith.constant 0 : i32
      %dma_wait3A_162 = tpu.memref_slice %arg9[%dma_wait3A_159, %dma_wait3A_160, %dma_wait3A_161] : memref<8x128x8xf32, #tpu.memory_space<vmem>> -> memref<1x128x8xf32, #tpu.memory_space<vmem>>
      %dma_wait3A_163 = tpu.memref_squeeze %dma_wait3A_162 : memref<1x128x8xf32, #tpu.memory_space<vmem>> -> memref<128x8xf32, #tpu.memory_space<vmem>>
      %dma_wait3A_164 = arith.constant 0 : i32
      %dma_wait3A_165 = tpu.memref_slice %arg7[%add3A_158, %dma_wait3A_164] : memref<96x128xi32, #tpu.memory_space<vmem>> -> memref<1x128xi32, #tpu.memory_space<vmem>>
      %dma_wait3A_166 = tpu.memref_squeeze %dma_wait3A_165 : memref<1x128xi32, #tpu.memory_space<vmem>> -> memref<128xi32, #tpu.memory_space<vmem>>
      %dma_wait3A_167 = arith.constant 0 : i32
      %dma_wait3A_168 = arith.constant 0 : i32
      %dma_wait3A_169 = tpu.memref_slice %arg2[%dma_wait3A_167, %dma_wait3A_168] : memref<10112x8xf32, #tpu.memory_space<hbm>> -> memref<10112x8xf32, #tpu.memory_space<hbm>>
      tpu.wait_indirect_dma semaphore(%arg12 : memref<!tpu.dma_semaphore, #tpu.memory_space<semaphore_mem>>) src(%dma_wait3A_169 : memref<10112x8xf32, #tpu.memory_space<hbm>>) dst(%dma_wait3A_163 : memref<128x8xf32, #tpu.memory_space<vmem>>)
      %add3A_170 = arith.constant 2 : i32
      %add3A_171 = arith.addi %mul3A_41, %add3A_170 : i32
      %dma_wait3A_172 = arith.constant 2 : i32
      %dma_wait3A_173 = arith.constant 0 : i32
      %dma_wait3A_174 = arith.constant 0 : i32
      %dma_wait3A_175 = tpu.memref_slice %arg9[%dma_wait3A_172, %dma_wait3A_173, %dma_wait3A_174] : memref<8x128x8xf32, #tpu.memory_space<vmem>> -> memref<1x128x8xf32, #tpu.memory_space<vmem>>
      %dma_wait3A_176 = tpu.memref_squeeze %dma_wait3A_175 : memref<1x128x8xf32, #tpu.memory_space<vmem>> -> memref<128x8xf32, #tpu.memory_space<vmem>>
      %dma_wait3A_177 = arith.constant 0 : i32
      %dma_wait3A_178 = tpu.memref_slice %arg7[%add3A_171, %dma_wait3A_177] : memref<96x128xi32, #tpu.memory_space<vmem>> -> memref<1x128xi32, #tpu.memory_space<vmem>>
      %dma_wait3A_179 = tpu.memref_squeeze %dma_wait3A_178 : memref<1x128xi32, #tpu.memory_space<vmem>> -> memref<128xi32, #tpu.memory_space<vmem>>
      %dma_wait3A_180 = arith.constant 0 : i32
      %dma_wait3A_181 = arith.constant 0 : i32
      %dma_wait3A_182 = tpu.memref_slice %arg2[%dma_wait3A_180, %dma_wait3A_181] : memref<10112x8xf32, #tpu.memory_space<hbm>> -> memref<10112x8xf32, #tpu.memory_space<hbm>>
      tpu.wait_indirect_dma semaphore(%arg12 : memref<!tpu.dma_semaphore, #tpu.memory_space<semaphore_mem>>) src(%dma_wait3A_182 : memref<10112x8xf32, #tpu.memory_space<hbm>>) dst(%dma_wait3A_176 : memref<128x8xf32, #tpu.memory_space<vmem>>)
      %add3A_183 = arith.constant 3 : i32
      %add3A_184 = arith.addi %mul3A_41, %add3A_183 : i32
      %dma_wait3A_185 = arith.constant 3 : i32
      %dma_wait3A_186 = arith.constant 0 : i32
      %dma_wait3A_187 = arith.constant 0 : i32
      %dma_wait3A_188 = tpu.memref_slice %arg9[%dma_wait3A_185, %dma_wait3A_186, %dma_wait3A_187] : memref<8x128x8xf32, #tpu.memory_space<vmem>> -> memref<1x128x8xf32, #tpu.memory_space<vmem>>
      %dma_wait3A_189 = tpu.memref_squeeze %dma_wait3A_188 : memref<1x128x8xf32, #tpu.memory_space<vmem>> -> memref<128x8xf32, #tpu.memory_space<vmem>>
      %dma_wait3A_190 = arith.constant 0 : i32
      %dma_wait3A_191 = tpu.memref_slice %arg7[%add3A_184, %dma_wait3A_190] : memref<96x128xi32, #tpu.memory_space<vmem>> -> memref<1x128xi32, #tpu.memory_space<vmem>>
      %dma_wait3A_192 = tpu.memref_squeeze %dma_wait3A_191 : memref<1x128xi32, #tpu.memory_space<vmem>> -> memref<128xi32, #tpu.memory_space<vmem>>
      %dma_wait3A_193 = arith.constant 0 : i32
      %dma_wait3A_194 = arith.constant 0 : i32
      %dma_wait3A_195 = tpu.memref_slice %arg2[%dma_wait3A_193, %dma_wait3A_194] : memref<10112x8xf32, #tpu.memory_space<hbm>> -> memref<10112x8xf32, #tpu.memory_space<hbm>>
      tpu.wait_indirect_dma semaphore(%arg12 : memref<!tpu.dma_semaphore, #tpu.memory_space<semaphore_mem>>) src(%dma_wait3A_195 : memref<10112x8xf32, #tpu.memory_space<hbm>>) dst(%dma_wait3A_189 : memref<128x8xf32, #tpu.memory_space<vmem>>)
      %add3A_196 = arith.constant 4 : i32
      %add3A_197 = arith.addi %mul3A_41, %add3A_196 : i32
      %dma_wait3A_198 = arith.constant 4 : i32
      %dma_wait3A_199 = arith.constant 0 : i32
      %dma_wait3A_200 = arith.constant 0 : i32
      %dma_wait3A_201 = tpu.memref_slice %arg9[%dma_wait3A_198, %dma_wait3A_199, %dma_wait3A_200] : memref<8x128x8xf32, #tpu.memory_space<vmem>> -> memref<1x128x8xf32, #tpu.memory_space<vmem>>
      %dma_wait3A_202 = tpu.memref_squeeze %dma_wait3A_201 : memref<1x128x8xf32, #tpu.memory_space<vmem>> -> memref<128x8xf32, #tpu.memory_space<vmem>>
      %dma_wait3A_203 = arith.constant 0 : i32
      %dma_wait3A_204 = tpu.memref_slice %arg7[%add3A_197, %dma_wait3A_203] : memref<96x128xi32, #tpu.memory_space<vmem>> -> memref<1x128xi32, #tpu.memory_space<vmem>>
      %dma_wait3A_205 = tpu.memref_squeeze %dma_wait3A_204 : memref<1x128xi32, #tpu.memory_space<vmem>> -> memref<128xi32, #tpu.memory_space<vmem>>
      %dma_wait3A_206 = arith.constant 0 : i32
      %dma_wait3A_207 = arith.constant 0 : i32
      %dma_wait3A_208 = tpu.memref_slice %arg2[%dma_wait3A_206, %dma_wait3A_207] : memref<10112x8xf32, #tpu.memory_space<hbm>> -> memref<10112x8xf32, #tpu.memory_space<hbm>>
      tpu.wait_indirect_dma semaphore(%arg12 : memref<!tpu.dma_semaphore, #tpu.memory_space<semaphore_mem>>) src(%dma_wait3A_208 : memref<10112x8xf32, #tpu.memory_space<hbm>>) dst(%dma_wait3A_202 : memref<128x8xf32, #tpu.memory_space<vmem>>)
      %add3A_209 = arith.constant 5 : i32
      %add3A_210 = arith.addi %mul3A_41, %add3A_209 : i32
      %dma_wait3A_211 = arith.constant 5 : i32
      %dma_wait3A_212 = arith.constant 0 : i32
      %dma_wait3A_213 = arith.constant 0 : i32
      %dma_wait3A_214 = tpu.memref_slice %arg9[%dma_wait3A_211, %dma_wait3A_212, %dma_wait3A_213] : memref<8x128x8xf32, #tpu.memory_space<vmem>> -> memref<1x128x8xf32, #tpu.memory_space<vmem>>
      %dma_wait3A_215 = tpu.memref_squeeze %dma_wait3A_214 : memref<1x128x8xf32, #tpu.memory_space<vmem>> -> memref<128x8xf32, #tpu.memory_space<vmem>>
      %dma_wait3A_216 = arith.constant 0 : i32
      %dma_wait3A_217 = tpu.memref_slice %arg7[%add3A_210, %dma_wait3A_216] : memref<96x128xi32, #tpu.memory_space<vmem>> -> memref<1x128xi32, #tpu.memory_space<vmem>>
      %dma_wait3A_218 = tpu.memref_squeeze %dma_wait3A_217 : memref<1x128xi32, #tpu.memory_space<vmem>> -> memref<128xi32, #tpu.memory_space<vmem>>
      %dma_wait3A_219 = arith.constant 0 : i32
      %dma_wait3A_220 = arith.constant 0 : i32
      %dma_wait3A_221 = tpu.memref_slice %arg2[%dma_wait3A_219, %dma_wait3A_220] : memref<10112x8xf32, #tpu.memory_space<hbm>> -> memref<10112x8xf32, #tpu.memory_space<hbm>>
      tpu.wait_indirect_dma semaphore(%arg12 : memref<!tpu.dma_semaphore, #tpu.memory_space<semaphore_mem>>) src(%dma_wait3A_221 : memref<10112x8xf32, #tpu.memory_space<hbm>>) dst(%dma_wait3A_215 : memref<128x8xf32, #tpu.memory_space<vmem>>)
      %add3A_222 = arith.constant 6 : i32
      %add3A_223 = arith.addi %mul3A_41, %add3A_222 : i32
      %dma_wait3A_224 = arith.constant 6 : i32
      %dma_wait3A_225 = arith.constant 0 : i32
      %dma_wait3A_226 = arith.constant 0 : i32
      %dma_wait3A_227 = tpu.memref_slice %arg9[%dma_wait3A_224, %dma_wait3A_225, %dma_wait3A_226] : memref<8x128x8xf32, #tpu.memory_space<vmem>> -> memref<1x128x8xf32, #tpu.memory_space<vmem>>
      %dma_wait3A_228 = tpu.memref_squeeze %dma_wait3A_227 : memref<1x128x8xf32, #tpu.memory_space<vmem>> -> memref<128x8xf32, #tpu.memory_space<vmem>>
      %dma_wait3A_229 = arith.constant 0 : i32
      %dma_wait3A_230 = tpu.memref_slice %arg7[%add3A_223, %dma_wait3A_229] : memref<96x128xi32, #tpu.memory_space<vmem>> -> memref<1x128xi32, #tpu.memory_space<vmem>>
      %dma_wait3A_231 = tpu.memref_squeeze %dma_wait3A_230 : memref<1x128xi32, #tpu.memory_space<vmem>> -> memref<128xi32, #tpu.memory_space<vmem>>
      %dma_wait3A_232 = arith.constant 0 : i32
      %dma_wait3A_233 = arith.constant 0 : i32
      %dma_wait3A_234 = tpu.memref_slice %arg2[%dma_wait3A_232, %dma_wait3A_233] : memref<10112x8xf32, #tpu.memory_space<hbm>> -> memref<10112x8xf32, #tpu.memory_space<hbm>>
      tpu.wait_indirect_dma semaphore(%arg12 : memref<!tpu.dma_semaphore, #tpu.memory_space<semaphore_mem>>) src(%dma_wait3A_234 : memref<10112x8xf32, #tpu.memory_space<hbm>>) dst(%dma_wait3A_228 : memref<128x8xf32, #tpu.memory_space<vmem>>)
      %add3A_235 = arith.constant 7 : i32
      %add3A_236 = arith.addi %mul3A_41, %add3A_235 : i32
      %dma_wait3A_237 = arith.constant 7 : i32
      %dma_wait3A_238 = arith.constant 0 : i32
      %dma_wait3A_239 = arith.constant 0 : i32
      %dma_wait3A_240 = tpu.memref_slice %arg9[%dma_wait3A_237, %dma_wait3A_238, %dma_wait3A_239] : memref<8x128x8xf32, #tpu.memory_space<vmem>> -> memref<1x128x8xf32, #tpu.memory_space<vmem>>
      %dma_wait3A_241 = tpu.memref_squeeze %dma_wait3A_240 : memref<1x128x8xf32, #tpu.memory_space<vmem>> -> memref<128x8xf32, #tpu.memory_space<vmem>>
      %dma_wait3A_242 = arith.constant 0 : i32
      %dma_wait3A_243 = tpu.memref_slice %arg7[%add3A_236, %dma_wait3A_242] : memref<96x128xi32, #tpu.memory_space<vmem>> -> memref<1x128xi32, #tpu.memory_space<vmem>>
      %dma_wait3A_244 = tpu.memref_squeeze %dma_wait3A_243 : memref<1x128xi32, #tpu.memory_space<vmem>> -> memref<128xi32, #tpu.memory_space<vmem>>
      %dma_wait3A_245 = arith.constant 0 : i32
      %dma_wait3A_246 = arith.constant 0 : i32
      %dma_wait3A_247 = tpu.memref_slice %arg2[%dma_wait3A_245, %dma_wait3A_246] : memref<10112x8xf32, #tpu.memory_space<hbm>> -> memref<10112x8xf32, #tpu.memory_space<hbm>>
      tpu.wait_indirect_dma semaphore(%arg12 : memref<!tpu.dma_semaphore, #tpu.memory_space<semaphore_mem>>) src(%dma_wait3A_247 : memref<10112x8xf32, #tpu.memory_space<hbm>>) dst(%dma_wait3A_241 : memref<128x8xf32, #tpu.memory_space<vmem>>)
      %add3A_248 = arith.constant 0 : i32
      %add3A_249 = arith.addi %mul3A_41, %add3A_248 : i32
      %dma_start3A_250 = arith.constant 0 : i32
      %dma_start3A_251 = arith.constant 0 : i32
      %dma_start3A_252 = arith.constant 0 : i32
      %dma_start3A_253 = tpu.memref_slice %arg9[%dma_start3A_250, %dma_start3A_251, %dma_start3A_252] : memref<8x128x8xf32, #tpu.memory_space<vmem>> -> memref<1x128x8xf32, #tpu.memory_space<vmem>>
      %dma_start3A_254 = tpu.memref_squeeze %dma_start3A_253 : memref<1x128x8xf32, #tpu.memory_space<vmem>> -> memref<128x8xf32, #tpu.memory_space<vmem>>
      %dma_start3A_255 = arith.constant 0 : i32
      %dma_start3A_256 = tpu.memref_slice %arg8[%add3A_249, %dma_start3A_255] : memref<96x128xi32, #tpu.memory_space<vmem>> -> memref<1x128xi32, #tpu.memory_space<vmem>>
      %dma_start3A_257 = tpu.memref_squeeze %dma_start3A_256 : memref<1x128xi32, #tpu.memory_space<vmem>> -> memref<128xi32, #tpu.memory_space<vmem>>
      %dma_start3A_258 = arith.constant 0 : i32
      %dma_start3A_259 = arith.constant 0 : i32
      %dma_start3A_260 = tpu.memref_slice %arg11[%dma_start3A_258, %dma_start3A_259] : memref<10112x8xf32, #tpu.memory_space<vmem_shared>> -> memref<10112x8xf32, #tpu.memory_space<vmem_shared>>
      tpu.enqueue_indirect_dma source(%dma_start3A_254 : memref<128x8xf32, #tpu.memory_space<vmem>>) target(%dma_start3A_260 : memref<10112x8xf32, #tpu.memory_space<vmem_shared>>) offsets(%dma_start3A_257 : memref<128xi32, #tpu.memory_space<vmem>>) semaphore(%arg13 : memref<!tpu.dma_semaphore, #tpu.memory_space<semaphore_mem>>) {add = true}
      %add3A_261 = arith.constant 1 : i32
      %add3A_262 = arith.addi %mul3A_41, %add3A_261 : i32
      %dma_start3A_263 = arith.constant 1 : i32
      %dma_start3A_264 = arith.constant 0 : i32
      %dma_start3A_265 = arith.constant 0 : i32
      %dma_start3A_266 = tpu.memref_slice %arg9[%dma_start3A_263, %dma_start3A_264, %dma_start3A_265] : memref<8x128x8xf32, #tpu.memory_space<vmem>> -> memref<1x128x8xf32, #tpu.memory_space<vmem>>
      %dma_start3A_267 = tpu.memref_squeeze %dma_start3A_266 : memref<1x128x8xf32, #tpu.memory_space<vmem>> -> memref<128x8xf32, #tpu.memory_space<vmem>>
      %dma_start3A_268 = arith.constant 0 : i32
      %dma_start3A_269 = tpu.memref_slice %arg8[%add3A_262, %dma_start3A_268] : memref<96x128xi32, #tpu.memory_space<vmem>> -> memref<1x128xi32, #tpu.memory_space<vmem>>
      %dma_start3A_270 = tpu.memref_squeeze %dma_start3A_269 : memref<1x128xi32, #tpu.memory_space<vmem>> -> memref<128xi32, #tpu.memory_space<vmem>>
      %dma_start3A_271 = arith.constant 0 : i32
      %dma_start3A_272 = arith.constant 0 : i32
      %dma_start3A_273 = tpu.memref_slice %arg11[%dma_start3A_271, %dma_start3A_272] : memref<10112x8xf32, #tpu.memory_space<vmem_shared>> -> memref<10112x8xf32, #tpu.memory_space<vmem_shared>>
      tpu.enqueue_indirect_dma source(%dma_start3A_267 : memref<128x8xf32, #tpu.memory_space<vmem>>) target(%dma_start3A_273 : memref<10112x8xf32, #tpu.memory_space<vmem_shared>>) offsets(%dma_start3A_270 : memref<128xi32, #tpu.memory_space<vmem>>) semaphore(%arg13 : memref<!tpu.dma_semaphore, #tpu.memory_space<semaphore_mem>>) {add = true}
      %add3A_274 = arith.constant 2 : i32
      %add3A_275 = arith.addi %mul3A_41, %add3A_274 : i32
      %dma_start3A_276 = arith.constant 2 : i32
      %dma_start3A_277 = arith.constant 0 : i32
      %dma_start3A_278 = arith.constant 0 : i32
      %dma_start3A_279 = tpu.memref_slice %arg9[%dma_start3A_276, %dma_start3A_277, %dma_start3A_278] : memref<8x128x8xf32, #tpu.memory_space<vmem>> -> memref<1x128x8xf32, #tpu.memory_space<vmem>>
      %dma_start3A_280 = tpu.memref_squeeze %dma_start3A_279 : memref<1x128x8xf32, #tpu.memory_space<vmem>> -> memref<128x8xf32, #tpu.memory_space<vmem>>
      %dma_start3A_281 = arith.constant 0 : i32
      %dma_start3A_282 = tpu.memref_slice %arg8[%add3A_275, %dma_start3A_281] : memref<96x128xi32, #tpu.memory_space<vmem>> -> memref<1x128xi32, #tpu.memory_space<vmem>>
      %dma_start3A_283 = tpu.memref_squeeze %dma_start3A_282 : memref<1x128xi32, #tpu.memory_space<vmem>> -> memref<128xi32, #tpu.memory_space<vmem>>
      %dma_start3A_284 = arith.constant 0 : i32
      %dma_start3A_285 = arith.constant 0 : i32
      %dma_start3A_286 = tpu.memref_slice %arg11[%dma_start3A_284, %dma_start3A_285] : memref<10112x8xf32, #tpu.memory_space<vmem_shared>> -> memref<10112x8xf32, #tpu.memory_space<vmem_shared>>
      tpu.enqueue_indirect_dma source(%dma_start3A_280 : memref<128x8xf32, #tpu.memory_space<vmem>>) target(%dma_start3A_286 : memref<10112x8xf32, #tpu.memory_space<vmem_shared>>) offsets(%dma_start3A_283 : memref<128xi32, #tpu.memory_space<vmem>>) semaphore(%arg13 : memref<!tpu.dma_semaphore, #tpu.memory_space<semaphore_mem>>) {add = true}
      %add3A_287 = arith.constant 3 : i32
      %add3A_288 = arith.addi %mul3A_41, %add3A_287 : i32
      %dma_start3A_289 = arith.constant 3 : i32
      %dma_start3A_290 = arith.constant 0 : i32
      %dma_start3A_291 = arith.constant 0 : i32
      %dma_start3A_292 = tpu.memref_slice %arg9[%dma_start3A_289, %dma_start3A_290, %dma_start3A_291] : memref<8x128x8xf32, #tpu.memory_space<vmem>> -> memref<1x128x8xf32, #tpu.memory_space<vmem>>
      %dma_start3A_293 = tpu.memref_squeeze %dma_start3A_292 : memref<1x128x8xf32, #tpu.memory_space<vmem>> -> memref<128x8xf32, #tpu.memory_space<vmem>>
      %dma_start3A_294 = arith.constant 0 : i32
      %dma_start3A_295 = tpu.memref_slice %arg8[%add3A_288, %dma_start3A_294] : memref<96x128xi32, #tpu.memory_space<vmem>> -> memref<1x128xi32, #tpu.memory_space<vmem>>
      %dma_start3A_296 = tpu.memref_squeeze %dma_start3A_295 : memref<1x128xi32, #tpu.memory_space<vmem>> -> memref<128xi32, #tpu.memory_space<vmem>>
      %dma_start3A_297 = arith.constant 0 : i32
      %dma_start3A_298 = arith.constant 0 : i32
      %dma_start3A_299 = tpu.memref_slice %arg11[%dma_start3A_297, %dma_start3A_298] : memref<10112x8xf32, #tpu.memory_space<vmem_shared>> -> memref<10112x8xf32, #tpu.memory_space<vmem_shared>>
      tpu.enqueue_indirect_dma source(%dma_start3A_293 : memref<128x8xf32, #tpu.memory_space<vmem>>) target(%dma_start3A_299 : memref<10112x8xf32, #tpu.memory_space<vmem_shared>>) offsets(%dma_start3A_296 : memref<128xi32, #tpu.memory_space<vmem>>) semaphore(%arg13 : memref<!tpu.dma_semaphore, #tpu.memory_space<semaphore_mem>>) {add = true}
      %add3A_300 = arith.constant 4 : i32
      %add3A_301 = arith.addi %mul3A_41, %add3A_300 : i32
      %dma_start3A_302 = arith.constant 4 : i32
      %dma_start3A_303 = arith.constant 0 : i32
      %dma_start3A_304 = arith.constant 0 : i32
      %dma_start3A_305 = tpu.memref_slice %arg9[%dma_start3A_302, %dma_start3A_303, %dma_start3A_304] : memref<8x128x8xf32, #tpu.memory_space<vmem>> -> memref<1x128x8xf32, #tpu.memory_space<vmem>>
      %dma_start3A_306 = tpu.memref_squeeze %dma_start3A_305 : memref<1x128x8xf32, #tpu.memory_space<vmem>> -> memref<128x8xf32, #tpu.memory_space<vmem>>
      %dma_start3A_307 = arith.constant 0 : i32
      %dma_start3A_308 = tpu.memref_slice %arg8[%add3A_301, %dma_start3A_307] : memref<96x128xi32, #tpu.memory_space<vmem>> -> memref<1x128xi32, #tpu.memory_space<vmem>>
      %dma_start3A_309 = tpu.memref_squeeze %dma_start3A_308 : memref<1x128xi32, #tpu.memory_space<vmem>> -> memref<128xi32, #tpu.memory_space<vmem>>
      %dma_start3A_310 = arith.constant 0 : i32
      %dma_start3A_311 = arith.constant 0 : i32
      %dma_start3A_312 = tpu.memref_slice %arg11[%dma_start3A_310, %dma_start3A_311] : memref<10112x8xf32, #tpu.memory_space<vmem_shared>> -> memref<10112x8xf32, #tpu.memory_space<vmem_shared>>
      tpu.enqueue_indirect_dma source(%dma_start3A_306 : memref<128x8xf32, #tpu.memory_space<vmem>>) target(%dma_start3A_312 : memref<10112x8xf32, #tpu.memory_space<vmem_shared>>) offsets(%dma_start3A_309 : memref<128xi32, #tpu.memory_space<vmem>>) semaphore(%arg13 : memref<!tpu.dma_semaphore, #tpu.memory_space<semaphore_mem>>) {add = true}
      %add3A_313 = arith.constant 5 : i32
      %add3A_314 = arith.addi %mul3A_41, %add3A_313 : i32
      %dma_start3A_315 = arith.constant 5 : i32
      %dma_start3A_316 = arith.constant 0 : i32
      %dma_start3A_317 = arith.constant 0 : i32
      %dma_start3A_318 = tpu.memref_slice %arg9[%dma_start3A_315, %dma_start3A_316, %dma_start3A_317] : memref<8x128x8xf32, #tpu.memory_space<vmem>> -> memref<1x128x8xf32, #tpu.memory_space<vmem>>
      %dma_start3A_319 = tpu.memref_squeeze %dma_start3A_318 : memref<1x128x8xf32, #tpu.memory_space<vmem>> -> memref<128x8xf32, #tpu.memory_space<vmem>>
      %dma_start3A_320 = arith.constant 0 : i32
      %dma_start3A_321 = tpu.memref_slice %arg8[%add3A_314, %dma_start3A_320] : memref<96x128xi32, #tpu.memory_space<vmem>> -> memref<1x128xi32, #tpu.memory_space<vmem>>
      %dma_start3A_322 = tpu.memref_squeeze %dma_start3A_321 : memref<1x128xi32, #tpu.memory_space<vmem>> -> memref<128xi32, #tpu.memory_space<vmem>>
      %dma_start3A_323 = arith.constant 0 : i32
      %dma_start3A_324 = arith.constant 0 : i32
      %dma_start3A_325 = tpu.memref_slice %arg11[%dma_start3A_323, %dma_start3A_324] : memref<10112x8xf32, #tpu.memory_space<vmem_shared>> -> memref<10112x8xf32, #tpu.memory_space<vmem_shared>>
      tpu.enqueue_indirect_dma source(%dma_start3A_319 : memref<128x8xf32, #tpu.memory_space<vmem>>) target(%dma_start3A_325 : memref<10112x8xf32, #tpu.memory_space<vmem_shared>>) offsets(%dma_start3A_322 : memref<128xi32, #tpu.memory_space<vmem>>) semaphore(%arg13 : memref<!tpu.dma_semaphore, #tpu.memory_space<semaphore_mem>>) {add = true}
      %add3A_326 = arith.constant 6 : i32
      %add3A_327 = arith.addi %mul3A_41, %add3A_326 : i32
      %dma_start3A_328 = arith.constant 6 : i32
      %dma_start3A_329 = arith.constant 0 : i32
      %dma_start3A_330 = arith.constant 0 : i32
      %dma_start3A_331 = tpu.memref_slice %arg9[%dma_start3A_328, %dma_start3A_329, %dma_start3A_330] : memref<8x128x8xf32, #tpu.memory_space<vmem>> -> memref<1x128x8xf32, #tpu.memory_space<vmem>>
      %dma_start3A_332 = tpu.memref_squeeze %dma_start3A_331 : memref<1x128x8xf32, #tpu.memory_space<vmem>> -> memref<128x8xf32, #tpu.memory_space<vmem>>
      %dma_start3A_333 = arith.constant 0 : i32
      %dma_start3A_334 = tpu.memref_slice %arg8[%add3A_327, %dma_start3A_333] : memref<96x128xi32, #tpu.memory_space<vmem>> -> memref<1x128xi32, #tpu.memory_space<vmem>>
      %dma_start3A_335 = tpu.memref_squeeze %dma_start3A_334 : memref<1x128xi32, #tpu.memory_space<vmem>> -> memref<128xi32, #tpu.memory_space<vmem>>
      %dma_start3A_336 = arith.constant 0 : i32
      %dma_start3A_337 = arith.constant 0 : i32
      %dma_start3A_338 = tpu.memref_slice %arg11[%dma_start3A_336, %dma_start3A_337] : memref<10112x8xf32, #tpu.memory_space<vmem_shared>> -> memref<10112x8xf32, #tpu.memory_space<vmem_shared>>
      tpu.enqueue_indirect_dma source(%dma_start3A_332 : memref<128x8xf32, #tpu.memory_space<vmem>>) target(%dma_start3A_338 : memref<10112x8xf32, #tpu.memory_space<vmem_shared>>) offsets(%dma_start3A_335 : memref<128xi32, #tpu.memory_space<vmem>>) semaphore(%arg13 : memref<!tpu.dma_semaphore, #tpu.memory_space<semaphore_mem>>) {add = true}
      %add3A_339 = arith.constant 7 : i32
      %add3A_340 = arith.addi %mul3A_41, %add3A_339 : i32
      %dma_start3A_341 = arith.constant 7 : i32
      %dma_start3A_342 = arith.constant 0 : i32
      %dma_start3A_343 = arith.constant 0 : i32
      %dma_start3A_344 = tpu.memref_slice %arg9[%dma_start3A_341, %dma_start3A_342, %dma_start3A_343] : memref<8x128x8xf32, #tpu.memory_space<vmem>> -> memref<1x128x8xf32, #tpu.memory_space<vmem>>
      %dma_start3A_345 = tpu.memref_squeeze %dma_start3A_344 : memref<1x128x8xf32, #tpu.memory_space<vmem>> -> memref<128x8xf32, #tpu.memory_space<vmem>>
      %dma_start3A_346 = arith.constant 0 : i32
      %dma_start3A_347 = tpu.memref_slice %arg8[%add3A_340, %dma_start3A_346] : memref<96x128xi32, #tpu.memory_space<vmem>> -> memref<1x128xi32, #tpu.memory_space<vmem>>
      %dma_start3A_348 = tpu.memref_squeeze %dma_start3A_347 : memref<1x128xi32, #tpu.memory_space<vmem>> -> memref<128xi32, #tpu.memory_space<vmem>>
      %dma_start3A_349 = arith.constant 0 : i32
      %dma_start3A_350 = arith.constant 0 : i32
      %dma_start3A_351 = tpu.memref_slice %arg11[%dma_start3A_349, %dma_start3A_350] : memref<10112x8xf32, #tpu.memory_space<vmem_shared>> -> memref<10112x8xf32, #tpu.memory_space<vmem_shared>>
      tpu.enqueue_indirect_dma source(%dma_start3A_345 : memref<128x8xf32, #tpu.memory_space<vmem>>) target(%dma_start3A_351 : memref<10112x8xf32, #tpu.memory_space<vmem_shared>>) offsets(%dma_start3A_348 : memref<128xi32, #tpu.memory_space<vmem>>) semaphore(%arg13 : memref<!tpu.dma_semaphore, #tpu.memory_space<semaphore_mem>>) {add = true}
      %add3A_352 = arith.constant 0 : i32
      %add3A_353 = arith.addi %mul3A_41, %add3A_352 : i32
      %dma_wait3A_354 = arith.constant 0 : i32
      %dma_wait3A_355 = arith.constant 0 : i32
      %dma_wait3A_356 = arith.constant 0 : i32
      %dma_wait3A_357 = tpu.memref_slice %arg9[%dma_wait3A_354, %dma_wait3A_355, %dma_wait3A_356] : memref<8x128x8xf32, #tpu.memory_space<vmem>> -> memref<1x128x8xf32, #tpu.memory_space<vmem>>
      %dma_wait3A_358 = tpu.memref_squeeze %dma_wait3A_357 : memref<1x128x8xf32, #tpu.memory_space<vmem>> -> memref<128x8xf32, #tpu.memory_space<vmem>>
      %dma_wait3A_359 = arith.constant 0 : i32
      %dma_wait3A_360 = tpu.memref_slice %arg8[%add3A_353, %dma_wait3A_359] : memref<96x128xi32, #tpu.memory_space<vmem>> -> memref<1x128xi32, #tpu.memory_space<vmem>>
      %dma_wait3A_361 = tpu.memref_squeeze %dma_wait3A_360 : memref<1x128xi32, #tpu.memory_space<vmem>> -> memref<128xi32, #tpu.memory_space<vmem>>
      %dma_wait3A_362 = arith.constant 0 : i32
      %dma_wait3A_363 = arith.constant 0 : i32
      %dma_wait3A_364 = tpu.memref_slice %arg11[%dma_wait3A_362, %dma_wait3A_363] : memref<10112x8xf32, #tpu.memory_space<vmem_shared>> -> memref<10112x8xf32, #tpu.memory_space<vmem_shared>>
      tpu.wait_indirect_dma semaphore(%arg13 : memref<!tpu.dma_semaphore, #tpu.memory_space<semaphore_mem>>) src(%dma_wait3A_358 : memref<128x8xf32, #tpu.memory_space<vmem>>) dst(%dma_wait3A_364 : memref<10112x8xf32, #tpu.memory_space<vmem_shared>>)
      %add3A_365 = arith.constant 1 : i32
      %add3A_366 = arith.addi %mul3A_41, %add3A_365 : i32
      %dma_wait3A_367 = arith.constant 1 : i32
      %dma_wait3A_368 = arith.constant 0 : i32
      %dma_wait3A_369 = arith.constant 0 : i32
      %dma_wait3A_370 = tpu.memref_slice %arg9[%dma_wait3A_367, %dma_wait3A_368, %dma_wait3A_369] : memref<8x128x8xf32, #tpu.memory_space<vmem>> -> memref<1x128x8xf32, #tpu.memory_space<vmem>>
      %dma_wait3A_371 = tpu.memref_squeeze %dma_wait3A_370 : memref<1x128x8xf32, #tpu.memory_space<vmem>> -> memref<128x8xf32, #tpu.memory_space<vmem>>
      %dma_wait3A_372 = arith.constant 0 : i32
      %dma_wait3A_373 = tpu.memref_slice %arg8[%add3A_366, %dma_wait3A_372] : memref<96x128xi32, #tpu.memory_space<vmem>> -> memref<1x128xi32, #tpu.memory_space<vmem>>
      %dma_wait3A_374 = tpu.memref_squeeze %dma_wait3A_373 : memref<1x128xi32, #tpu.memory_space<vmem>> -> memref<128xi32, #tpu.memory_space<vmem>>
      %dma_wait3A_375 = arith.constant 0 : i32
      %dma_wait3A_376 = arith.constant 0 : i32
      %dma_wait3A_377 = tpu.memref_slice %arg11[%dma_wait3A_375, %dma_wait3A_376] : memref<10112x8xf32, #tpu.memory_space<vmem_shared>> -> memref<10112x8xf32, #tpu.memory_space<vmem_shared>>
      tpu.wait_indirect_dma semaphore(%arg13 : memref<!tpu.dma_semaphore, #tpu.memory_space<semaphore_mem>>) src(%dma_wait3A_371 : memref<128x8xf32, #tpu.memory_space<vmem>>) dst(%dma_wait3A_377 : memref<10112x8xf32, #tpu.memory_space<vmem_shared>>)
      %add3A_378 = arith.constant 2 : i32
      %add3A_379 = arith.addi %mul3A_41, %add3A_378 : i32
      %dma_wait3A_380 = arith.constant 2 : i32
      %dma_wait3A_381 = arith.constant 0 : i32
      %dma_wait3A_382 = arith.constant 0 : i32
      %dma_wait3A_383 = tpu.memref_slice %arg9[%dma_wait3A_380, %dma_wait3A_381, %dma_wait3A_382] : memref<8x128x8xf32, #tpu.memory_space<vmem>> -> memref<1x128x8xf32, #tpu.memory_space<vmem>>
      %dma_wait3A_384 = tpu.memref_squeeze %dma_wait3A_383 : memref<1x128x8xf32, #tpu.memory_space<vmem>> -> memref<128x8xf32, #tpu.memory_space<vmem>>
      %dma_wait3A_385 = arith.constant 0 : i32
      %dma_wait3A_386 = tpu.memref_slice %arg8[%add3A_379, %dma_wait3A_385] : memref<96x128xi32, #tpu.memory_space<vmem>> -> memref<1x128xi32, #tpu.memory_space<vmem>>
      %dma_wait3A_387 = tpu.memref_squeeze %dma_wait3A_386 : memref<1x128xi32, #tpu.memory_space<vmem>> -> memref<128xi32, #tpu.memory_space<vmem>>
      %dma_wait3A_388 = arith.constant 0 : i32
      %dma_wait3A_389 = arith.constant 0 : i32
      %dma_wait3A_390 = tpu.memref_slice %arg11[%dma_wait3A_388, %dma_wait3A_389] : memref<10112x8xf32, #tpu.memory_space<vmem_shared>> -> memref<10112x8xf32, #tpu.memory_space<vmem_shared>>
      tpu.wait_indirect_dma semaphore(%arg13 : memref<!tpu.dma_semaphore, #tpu.memory_space<semaphore_mem>>) src(%dma_wait3A_384 : memref<128x8xf32, #tpu.memory_space<vmem>>) dst(%dma_wait3A_390 : memref<10112x8xf32, #tpu.memory_space<vmem_shared>>)
      %add3A_391 = arith.constant 3 : i32
      %add3A_392 = arith.addi %mul3A_41, %add3A_391 : i32
      %dma_wait3A_393 = arith.constant 3 : i32
      %dma_wait3A_394 = arith.constant 0 : i32
      %dma_wait3A_395 = arith.constant 0 : i32
      %dma_wait3A_396 = tpu.memref_slice %arg9[%dma_wait3A_393, %dma_wait3A_394, %dma_wait3A_395] : memref<8x128x8xf32, #tpu.memory_space<vmem>> -> memref<1x128x8xf32, #tpu.memory_space<vmem>>
      %dma_wait3A_397 = tpu.memref_squeeze %dma_wait3A_396 : memref<1x128x8xf32, #tpu.memory_space<vmem>> -> memref<128x8xf32, #tpu.memory_space<vmem>>
      %dma_wait3A_398 = arith.constant 0 : i32
      %dma_wait3A_399 = tpu.memref_slice %arg8[%add3A_392, %dma_wait3A_398] : memref<96x128xi32, #tpu.memory_space<vmem>> -> memref<1x128xi32, #tpu.memory_space<vmem>>
      %dma_wait3A_400 = tpu.memref_squeeze %dma_wait3A_399 : memref<1x128xi32, #tpu.memory_space<vmem>> -> memref<128xi32, #tpu.memory_space<vmem>>
      %dma_wait3A_401 = arith.constant 0 : i32
      %dma_wait3A_402 = arith.constant 0 : i32
      %dma_wait3A_403 = tpu.memref_slice %arg11[%dma_wait3A_401, %dma_wait3A_402] : memref<10112x8xf32, #tpu.memory_space<vmem_shared>> -> memref<10112x8xf32, #tpu.memory_space<vmem_shared>>
      tpu.wait_indirect_dma semaphore(%arg13 : memref<!tpu.dma_semaphore, #tpu.memory_space<semaphore_mem>>) src(%dma_wait3A_397 : memref<128x8xf32, #tpu.memory_space<vmem>>) dst(%dma_wait3A_403 : memref<10112x8xf32, #tpu.memory_space<vmem_shared>>)
      %add3A_404 = arith.constant 4 : i32
      %add3A_405 = arith.addi %mul3A_41, %add3A_404 : i32
      %dma_wait3A_406 = arith.constant 4 : i32
      %dma_wait3A_407 = arith.constant 0 : i32
      %dma_wait3A_408 = arith.constant 0 : i32
      %dma_wait3A_409 = tpu.memref_slice %arg9[%dma_wait3A_406, %dma_wait3A_407, %dma_wait3A_408] : memref<8x128x8xf32, #tpu.memory_space<vmem>> -> memref<1x128x8xf32, #tpu.memory_space<vmem>>
      %dma_wait3A_410 = tpu.memref_squeeze %dma_wait3A_409 : memref<1x128x8xf32, #tpu.memory_space<vmem>> -> memref<128x8xf32, #tpu.memory_space<vmem>>
      %dma_wait3A_411 = arith.constant 0 : i32
      %dma_wait3A_412 = tpu.memref_slice %arg8[%add3A_405, %dma_wait3A_411] : memref<96x128xi32, #tpu.memory_space<vmem>> -> memref<1x128xi32, #tpu.memory_space<vmem>>
      %dma_wait3A_413 = tpu.memref_squeeze %dma_wait3A_412 : memref<1x128xi32, #tpu.memory_space<vmem>> -> memref<128xi32, #tpu.memory_space<vmem>>
      %dma_wait3A_414 = arith.constant 0 : i32
      %dma_wait3A_415 = arith.constant 0 : i32
      %dma_wait3A_416 = tpu.memref_slice %arg11[%dma_wait3A_414, %dma_wait3A_415] : memref<10112x8xf32, #tpu.memory_space<vmem_shared>> -> memref<10112x8xf32, #tpu.memory_space<vmem_shared>>
      tpu.wait_indirect_dma semaphore(%arg13 : memref<!tpu.dma_semaphore, #tpu.memory_space<semaphore_mem>>) src(%dma_wait3A_410 : memref<128x8xf32, #tpu.memory_space<vmem>>) dst(%dma_wait3A_416 : memref<10112x8xf32, #tpu.memory_space<vmem_shared>>)
      %add3A_417 = arith.constant 5 : i32
      %add3A_418 = arith.addi %mul3A_41, %add3A_417 : i32
      %dma_wait3A_419 = arith.constant 5 : i32
      %dma_wait3A_420 = arith.constant 0 : i32
      %dma_wait3A_421 = arith.constant 0 : i32
      %dma_wait3A_422 = tpu.memref_slice %arg9[%dma_wait3A_419, %dma_wait3A_420, %dma_wait3A_421] : memref<8x128x8xf32, #tpu.memory_space<vmem>> -> memref<1x128x8xf32, #tpu.memory_space<vmem>>
      %dma_wait3A_423 = tpu.memref_squeeze %dma_wait3A_422 : memref<1x128x8xf32, #tpu.memory_space<vmem>> -> memref<128x8xf32, #tpu.memory_space<vmem>>
      %dma_wait3A_424 = arith.constant 0 : i32
      %dma_wait3A_425 = tpu.memref_slice %arg8[%add3A_418, %dma_wait3A_424] : memref<96x128xi32, #tpu.memory_space<vmem>> -> memref<1x128xi32, #tpu.memory_space<vmem>>
      %dma_wait3A_426 = tpu.memref_squeeze %dma_wait3A_425 : memref<1x128xi32, #tpu.memory_space<vmem>> -> memref<128xi32, #tpu.memory_space<vmem>>
      %dma_wait3A_427 = arith.constant 0 : i32
      %dma_wait3A_428 = arith.constant 0 : i32
      %dma_wait3A_429 = tpu.memref_slice %arg11[%dma_wait3A_427, %dma_wait3A_428] : memref<10112x8xf32, #tpu.memory_space<vmem_shared>> -> memref<10112x8xf32, #tpu.memory_space<vmem_shared>>
      tpu.wait_indirect_dma semaphore(%arg13 : memref<!tpu.dma_semaphore, #tpu.memory_space<semaphore_mem>>) src(%dma_wait3A_423 : memref<128x8xf32, #tpu.memory_space<vmem>>) dst(%dma_wait3A_429 : memref<10112x8xf32, #tpu.memory_space<vmem_shared>>)
      %add3A_430 = arith.constant 6 : i32
      %add3A_431 = arith.addi %mul3A_41, %add3A_430 : i32
      %dma_wait3A_432 = arith.constant 6 : i32
      %dma_wait3A_433 = arith.constant 0 : i32
      %dma_wait3A_434 = arith.constant 0 : i32
      %dma_wait3A_435 = tpu.memref_slice %arg9[%dma_wait3A_432, %dma_wait3A_433, %dma_wait3A_434] : memref<8x128x8xf32, #tpu.memory_space<vmem>> -> memref<1x128x8xf32, #tpu.memory_space<vmem>>
      %dma_wait3A_436 = tpu.memref_squeeze %dma_wait3A_435 : memref<1x128x8xf32, #tpu.memory_space<vmem>> -> memref<128x8xf32, #tpu.memory_space<vmem>>
      %dma_wait3A_437 = arith.constant 0 : i32
      %dma_wait3A_438 = tpu.memref_slice %arg8[%add3A_431, %dma_wait3A_437] : memref<96x128xi32, #tpu.memory_space<vmem>> -> memref<1x128xi32, #tpu.memory_space<vmem>>
      %dma_wait3A_439 = tpu.memref_squeeze %dma_wait3A_438 : memref<1x128xi32, #tpu.memory_space<vmem>> -> memref<128xi32, #tpu.memory_space<vmem>>
      %dma_wait3A_440 = arith.constant 0 : i32
      %dma_wait3A_441 = arith.constant 0 : i32
      %dma_wait3A_442 = tpu.memref_slice %arg11[%dma_wait3A_440, %dma_wait3A_441] : memref<10112x8xf32, #tpu.memory_space<vmem_shared>> -> memref<10112x8xf32, #tpu.memory_space<vmem_shared>>
      tpu.wait_indirect_dma semaphore(%arg13 : memref<!tpu.dma_semaphore, #tpu.memory_space<semaphore_mem>>) src(%dma_wait3A_436 : memref<128x8xf32, #tpu.memory_space<vmem>>) dst(%dma_wait3A_442 : memref<10112x8xf32, #tpu.memory_space<vmem_shared>>)
      %add3A_443 = arith.constant 7 : i32
      %add3A_444 = arith.addi %mul3A_41, %add3A_443 : i32
      %dma_wait3A_445 = arith.constant 7 : i32
      %dma_wait3A_446 = arith.constant 0 : i32
      %dma_wait3A_447 = arith.constant 0 : i32
      %dma_wait3A_448 = tpu.memref_slice %arg9[%dma_wait3A_445, %dma_wait3A_446, %dma_wait3A_447] : memref<8x128x8xf32, #tpu.memory_space<vmem>> -> memref<1x128x8xf32, #tpu.memory_space<vmem>>
      %dma_wait3A_449 = tpu.memref_squeeze %dma_wait3A_448 : memref<1x128x8xf32, #tpu.memory_space<vmem>> -> memref<128x8xf32, #tpu.memory_space<vmem>>
      %dma_wait3A_450 = arith.constant 0 : i32
      %dma_wait3A_451 = tpu.memref_slice %arg8[%add3A_444, %dma_wait3A_450] : memref<96x128xi32, #tpu.memory_space<vmem>> -> memref<1x128xi32, #tpu.memory_space<vmem>>
      %dma_wait3A_452 = tpu.memref_squeeze %dma_wait3A_451 : memref<1x128xi32, #tpu.memory_space<vmem>> -> memref<128xi32, #tpu.memory_space<vmem>>
      %dma_wait3A_453 = arith.constant 0 : i32
      %dma_wait3A_454 = arith.constant 0 : i32
      %dma_wait3A_455 = tpu.memref_slice %arg11[%dma_wait3A_453, %dma_wait3A_454] : memref<10112x8xf32, #tpu.memory_space<vmem_shared>> -> memref<10112x8xf32, #tpu.memory_space<vmem_shared>>
      tpu.wait_indirect_dma semaphore(%arg13 : memref<!tpu.dma_semaphore, #tpu.memory_space<semaphore_mem>>) src(%dma_wait3A_449 : memref<128x8xf32, #tpu.memory_space<vmem>>) dst(%dma_wait3A_455 : memref<10112x8xf32, #tpu.memory_space<vmem_shared>>)
    }
    %barrier3A_38 = arith.constant 0 : index
    tpu.barrier barrier_id(%barrier3A_38)
    "tpu.region"() ({
      %run_scoped3A = tpu.sem_alloc : memref<!tpu.dma_semaphore, #tpu.memory_space<semaphore_mem>>
      %dma_start3A = arith.constant 0 : i32
      %dma_start3A_39 = tpu.memref_slice %arg6[%arg0, %mul3A_18, %dma_start3A] : memref<2x10112x8xf32, #tpu.memory_space<hbm>> -> memref<1x632x8xf32, #tpu.memory_space<hbm>>
      %dma_start3A_40 = tpu.memref_squeeze %dma_start3A_39 : memref<1x632x8xf32, #tpu.memory_space<hbm>> -> memref<632x8xf32, #tpu.memory_space<hbm>>
      %dma_start3A_41 = arith.constant 0 : i32
      %dma_start3A_42 = tpu.memref_slice %arg11[%mul3A_18, %dma_start3A_41] : memref<10112x8xf32, #tpu.memory_space<vmem_shared>> -> memref<632x8xf32, #tpu.memory_space<vmem_shared>>
      tpu.enqueue_dma source(%dma_start3A_42 : memref<632x8xf32, #tpu.memory_space<vmem_shared>>) target(%dma_start3A_40 : memref<632x8xf32, #tpu.memory_space<hbm>>) target_semaphore(%run_scoped3A : memref<!tpu.dma_semaphore, #tpu.memory_space<semaphore_mem>>)
      %dma_wait3A = arith.constant 0 : i32
      %dma_wait3A_43 = tpu.memref_slice %arg6[%arg0, %mul3A_18, %dma_wait3A] : memref<2x10112x8xf32, #tpu.memory_space<hbm>> -> memref<1x632x8xf32, #tpu.memory_space<hbm>>
      %dma_wait3A_44 = tpu.memref_squeeze %dma_wait3A_43 : memref<1x632x8xf32, #tpu.memory_space<hbm>> -> memref<632x8xf32, #tpu.memory_space<hbm>>
      %dma_wait3A_45 = arith.constant 0 : i32
      %dma_wait3A_46 = tpu.memref_slice %arg11[%mul3A_18, %dma_wait3A_45] : memref<10112x8xf32, #tpu.memory_space<vmem_shared>> -> memref<632x8xf32, #tpu.memory_space<vmem_shared>>
      tpu.wait_dma2 semaphore(%run_scoped3A : memref<!tpu.dma_semaphore, #tpu.memory_space<semaphore_mem>>) src(%dma_wait3A_46 : memref<632x8xf32, #tpu.memory_space<vmem_shared>>) dst(%dma_wait3A_44 : memref<632x8xf32, #tpu.memory_space<hbm>>)
      tpu.yield
    }) : () -> ()
    return
  }
}

module attributes {stable_mosaic.version = 14 : i64} {
  func.func @_mm1_body(%arg0: memref<10000x128xf32, #tpu.memory_space<vmem>>, %arg1: memref<128x48xf32, #tpu.memory_space<vmem>>, %arg2: memref<10112x32xf32, #tpu.memory_space<vmem>>, %arg3: memref<10112x48xf32, #tpu.memory_space<vmem>>, %arg4: memref<10112x1xf32, #tpu.memory_space<vmem>>) attributes {dimension_semantics = [], scalar_prefetch = 0 : i64, scratch_operands = 0 : i64, tpu.core_type = #tpu.core_type<tc>} {
    %get3A = arith.constant 0 : index
    %get3A_0 = arith.constant 0 : index
    %get3A_1 = vector.load %arg2[%get3A, %get3A_0] : memref<10112x32xf32, #tpu.memory_space<vmem>>, vector<10112x32xf32>
    %reduce_sum3A = arith.constant dense<0.000000e+00> : vector<10112xf32>
    %reduce_sum3A_2 = vector.multi_reduction <add>, %get3A_1, %reduce_sum3A [1] : vector<10112x32xf32> to vector<10112xf32>
    %broadcast_in_dim3A = vector.shape_cast %reduce_sum3A_2 : vector<10112xf32> to vector<10112x1xf32>
    %add3A = arith.constant 1.000000e+00 : f32
    %add3A_3 = vector.broadcast %add3A : f32 to vector<10112x1xf32>
    %add3A_4 = arith.addf %broadcast_in_dim3A, %add3A_3 : vector<10112x1xf32>
    %rsqrt3A = math.rsqrt %add3A_4 : vector<10112x1xf32>
    %get3A_5 = arith.constant 0 : index
    %get3A_6 = arith.constant 0 : index
    %get3A_7 = vector.load %arg0[%get3A_5, %get3A_6] : memref<10000x128xf32, #tpu.memory_space<vmem>>, vector<10000x128xf32>
    %get3A_8 = arith.constant 0 : index
    %get3A_9 = arith.constant 0 : index
    %get3A_10 = vector.load %arg1[%get3A_8, %get3A_9] : memref<128x48xf32, #tpu.memory_space<vmem>>, vector<128x48xf32>
    %dot_general3A = arith.constant dense<0.000000e+00> : vector<10000x48xf32>
    %dot_general3A_11 = tpu.matmul %get3A_7, %get3A_10, %dot_general3A {dimension_numbers = #tpu.dot_dimension_numbers<[1], [0], [0], [1], [0, 0, 1, 1], [], []>, transpose_lhs_hint = false} : vector<10000x128xf32>, vector<128x48xf32>, vector<10000x48xf32> -> vector<10000x48xf32>
    %slice3A = vector.extract_strided_slice %rsqrt3A {offsets = [0, 0], sizes = [10000, 1], strides = [1, 1]} : vector<10112x1xf32> to vector<10000x1xf32>
    %mul3A = vector.broadcast %slice3A : vector<10000x1xf32> to vector<10000x48xf32>
    %mul3A_12 = arith.mulf %dot_general3A_11, %mul3A : vector<10000x48xf32>
    %swap3A = arith.constant 0 : index
    %swap3A_13 = arith.constant 0 : index
    %swap3A_14 = vector.load %arg3[%swap3A, %swap3A_13] : memref<10112x48xf32, #tpu.memory_space<vmem>>, vector<10000x48xf32>
    tpu.vector_store %arg3[%swap3A, %swap3A_13], %mul3A_12 {strides = array<i32>} : memref<10112x48xf32, #tpu.memory_space<vmem>>, vector<10000x48xf32>,
    %broadcast_in_dim3A_15 = arith.constant 0.000000e+00 : f32
    %broadcast_in_dim3A_16 = vector.broadcast %broadcast_in_dim3A_15 : f32 to vector<112x48xf32>
    %swap3A_17 = arith.constant 10000 : index
    %swap3A_18 = arith.constant 0 : index
    %swap3A_19 = vector.load %arg3[%swap3A_17, %swap3A_18] : memref<10112x48xf32, #tpu.memory_space<vmem>>, vector<112x48xf32>
    tpu.vector_store %arg3[%swap3A_17, %swap3A_18], %broadcast_in_dim3A_16 {strides = array<i32>} : memref<10112x48xf32, #tpu.memory_space<vmem>>, vector<112x48xf32>,
    %swap3A_20 = arith.constant 0 : index
    %swap3A_21 = arith.constant 0 : index
    %swap3A_22 = vector.load %arg4[%swap3A_20, %swap3A_21] : memref<10112x1xf32, #tpu.memory_space<vmem>>, vector<10112x1xf32>
    tpu.vector_store %arg4[%swap3A_20, %swap3A_21], %rsqrt3A {strides = array<i32>} : memref<10112x1xf32, #tpu.memory_space<vmem>>, vector<10112x1xf32>,
    return
  }
}

module attributes {stable_mosaic.version = 14 : i64} {
  func.func @_mm2_body(%arg0: memref<2x10112x48xf32, #tpu.memory_space<vmem>>, %arg1: memref<10112x48xf32, #tpu.memory_space<vmem>>, %arg2: memref<10112x1xf32, #tpu.memory_space<vmem>>, %arg3: memref<48x8xf32, #tpu.memory_space<vmem>>, %arg4: memref<1x48xf32, #tpu.memory_space<vmem>>, %arg5: memref<10112x8xf32, #tpu.memory_space<vmem>>) attributes {dimension_semantics = [], scalar_prefetch = 0 : i64, scratch_operands = 0 : i64, tpu.core_type = #tpu.core_type<tc>} {
    %get3A = arith.constant 0 : index
    %get3A_0 = arith.constant 0 : index
    %get3A_1 = arith.constant 0 : index
    %get3A_2 = vector.load %arg0[%get3A, %get3A_0, %get3A_1] : memref<2x10112x48xf32, #tpu.memory_space<vmem>>, vector<1x10112x48xf32>
    %get3A_3 = vector.shape_cast %get3A_2 : vector<1x10112x48xf32> to vector<10112x48xf32>
    %get3A_4 = arith.constant 1 : index
    %get3A_5 = arith.constant 0 : index
    %get3A_6 = arith.constant 0 : index
    %get3A_7 = vector.load %arg0[%get3A_4, %get3A_5, %get3A_6] : memref<2x10112x48xf32, #tpu.memory_space<vmem>>, vector<1x10112x48xf32>
    %get3A_8 = vector.shape_cast %get3A_7 : vector<1x10112x48xf32> to vector<10112x48xf32>
    %add3A = arith.addf %get3A_3, %get3A_8 : vector<10112x48xf32>
    %get3A_9 = arith.constant 0 : index
    %get3A_10 = arith.constant 0 : index
    %get3A_11 = vector.load %arg2[%get3A_9, %get3A_10] : memref<10112x1xf32, #tpu.memory_space<vmem>>, vector<10112x1xf32>
    %get3A_12 = arith.constant 0 : index
    %get3A_13 = arith.constant 0 : index
    %get3A_14 = vector.load %arg1[%get3A_12, %get3A_13] : memref<10112x48xf32, #tpu.memory_space<vmem>>, vector<10112x48xf32>
    %add3A_15 = arith.addf %add3A, %get3A_14 : vector<10112x48xf32>
    %mul3A = vector.broadcast %get3A_11 : vector<10112x1xf32> to vector<10112x48xf32>
    %mul3A_16 = arith.mulf %mul3A, %add3A_15 : vector<10112x48xf32>
    %get3A_17 = arith.constant 0 : index
    %get3A_18 = arith.constant 0 : index
    %get3A_19 = vector.load %arg4[%get3A_17, %get3A_18] : memref<1x48xf32, #tpu.memory_space<vmem>>, vector<1x48xf32>
    %add3A_20 = vector.broadcast %get3A_19 : vector<1x48xf32> to vector<10112x48xf32>
    %add3A_21 = arith.addf %mul3A_16, %add3A_20 : vector<10112x48xf32>
    %max3A = arith.constant 0.000000e+00 : f32
    %max3A_22 = vector.broadcast %max3A : f32 to vector<10112x48xf32>
    %max3A_23 = arith.maximumf %add3A_21, %max3A_22 : vector<10112x48xf32>
    %get3A_24 = arith.constant 0 : index
    %get3A_25 = arith.constant 0 : index
    %get3A_26 = vector.load %arg3[%get3A_24, %get3A_25] : memref<48x8xf32, #tpu.memory_space<vmem>>, vector<48x8xf32>
    %dot_general3A = arith.constant dense<0.000000e+00> : vector<10112x8xf32>
    %dot_general3A_27 = tpu.matmul %max3A_23, %get3A_26, %dot_general3A {dimension_numbers = #tpu.dot_dimension_numbers<[1], [0], [0], [1], [0, 0, 1, 1], [], []>, transpose_lhs_hint = false} : vector<10112x48xf32>, vector<48x8xf32>, vector<10112x8xf32> -> vector<10112x8xf32>
    %mul3A_28 = vector.broadcast %get3A_11 : vector<10112x1xf32> to vector<10112x8xf32>
    %mul3A_29 = arith.mulf %dot_general3A_27, %mul3A_28 : vector<10112x8xf32>
    %swap3A = arith.constant 0 : index
    %swap3A_30 = arith.constant 0 : index
    %swap3A_31 = vector.load %arg5[%swap3A, %swap3A_30] : memref<10112x8xf32, #tpu.memory_space<vmem>>, vector<10112x8xf32>
    tpu.vector_store %arg5[%swap3A, %swap3A_30], %mul3A_29 {strides = array<i32>} : memref<10112x8xf32, #tpu.memory_space<vmem>>, vector<10112x8xf32>,
    return
  }
}

module attributes {stable_mosaic.version = 14 : i64} {
  func.func @_fin_body(%arg0: memref<2x10112x8xf32, #tpu.memory_space<vmem>>, %arg1: memref<10112x8xf32, #tpu.memory_space<vmem>>, %arg2: memref<10112x1xf32, #tpu.memory_space<vmem>>, %arg3: memref<1x8xf32, #tpu.memory_space<vmem>>, %arg4: memref<10112x8xf32, #tpu.memory_space<vmem>>) attributes {dimension_semantics = [], scalar_prefetch = 0 : i64, scratch_operands = 0 : i64, tpu.core_type = #tpu.core_type<tc>} {
    %get3A = arith.constant 0 : index
    %get3A_0 = arith.constant 0 : index
    %get3A_1 = arith.constant 0 : index
    %get3A_2 = vector.load %arg0[%get3A, %get3A_0, %get3A_1] : memref<2x10112x8xf32, #tpu.memory_space<vmem>>, vector<1x10112x8xf32>
    %get3A_3 = vector.shape_cast %get3A_2 : vector<1x10112x8xf32> to vector<10112x8xf32>
    %get3A_4 = arith.constant 1 : index
    %get3A_5 = arith.constant 0 : index
    %get3A_6 = arith.constant 0 : index
    %get3A_7 = vector.load %arg0[%get3A_4, %get3A_5, %get3A_6] : memref<2x10112x8xf32, #tpu.memory_space<vmem>>, vector<1x10112x8xf32>
    %get3A_8 = vector.shape_cast %get3A_7 : vector<1x10112x8xf32> to vector<10112x8xf32>
    %add3A = arith.addf %get3A_3, %get3A_8 : vector<10112x8xf32>
    %get3A_9 = arith.constant 0 : index
    %get3A_10 = arith.constant 0 : index
    %get3A_11 = vector.load %arg2[%get3A_9, %get3A_10] : memref<10112x1xf32, #tpu.memory_space<vmem>>, vector<10112x1xf32>
    %get3A_12 = arith.constant 0 : index
    %get3A_13 = arith.constant 0 : index
    %get3A_14 = vector.load %arg1[%get3A_12, %get3A_13] : memref<10112x8xf32, #tpu.memory_space<vmem>>, vector<10112x8xf32>
    %add3A_15 = arith.addf %add3A, %get3A_14 : vector<10112x8xf32>
    %mul3A = vector.broadcast %get3A_11 : vector<10112x1xf32> to vector<10112x8xf32>
    %mul3A_16 = arith.mulf %mul3A, %add3A_15 : vector<10112x8xf32>
    %get3A_17 = arith.constant 0 : index
    %get3A_18 = arith.constant 0 : index
    %get3A_19 = vector.load %arg3[%get3A_17, %get3A_18] : memref<1x8xf32, #tpu.memory_space<vmem>>, vector<1x8xf32>
    %add3A_20 = vector.broadcast %get3A_19 : vector<1x8xf32> to vector<10112x8xf32>
    %add3A_21 = arith.addf %mul3A_16, %add3A_20 : vector<10112x8xf32>
    %slice3A = vector.extract_strided_slice %add3A_21 {offsets = [0, 0], sizes = [10112, 1], strides = [1, 1]} : vector<10112x8xf32> to vector<10112x1xf32>
    %slice3A_22 = vector.extract_strided_slice %add3A_21 {offsets = [0, 1], sizes = [10112, 1], strides = [1, 1]} : vector<10112x8xf32> to vector<10112x1xf32>
    %max3A = arith.maximumf %slice3A, %slice3A_22 : vector<10112x1xf32>
    %sub3A = arith.subf %slice3A, %max3A : vector<10112x1xf32>
    %exp3A = math.exp %sub3A : vector<10112x1xf32>
    %sub3A_23 = arith.subf %slice3A_22, %max3A : vector<10112x1xf32>
    %exp3A_24 = math.exp %sub3A_23 : vector<10112x1xf32>
    %add3A_25 = arith.addf %exp3A, %exp3A_24 : vector<10112x1xf32>
    %log3A = math.log %add3A_25 : vector<10112x1xf32>
    %add3A_26 = arith.addf %max3A, %log3A : vector<10112x1xf32>
    %sub3A_27 = vector.broadcast %add3A_26 : vector<10112x1xf32> to vector<10112x8xf32>
    %sub3A_28 = arith.subf %add3A_21, %sub3A_27 : vector<10112x8xf32>
    %swap3A = arith.constant 0 : index
    %swap3A_29 = arith.constant 0 : index
    %swap3A_30 = vector.load %arg4[%swap3A, %swap3A_29] : memref<10112x8xf32, #tpu.memory_space<vmem>>, vector<10112x8xf32>
    tpu.vector_store %arg4[%swap3A, %swap3A_29], %sub3A_28 {strides = array<i32>} : memref<10112x8xf32, #tpu.memory_space<vmem>>, vector<10112x8xf32>,
    return
  }
}

</mosaic_0001>

<sc_bundles>
// kernel: kernel.11.cloned.1.call-start
scs
__scs_entry_jumppad:
0x0: {  	(pc) =	sbr.rel $0x88, $3  }
0x1: {  	(tag) =	ssettag $0x0;
	lr =	simm.s32 $0x1  }
0x2: {  	[smem:$0x3F9B] =	sst lr;
	_ =	strace $0xD0000000  }
0x3: {  	_ = 	snop  }
0x4: {  	_ = 	snop  }
0x5: {  	_ = 	snop  }
0x6: {  	_ = 	snop  }
0x7: {  	_ = 	snop  }
__scs_overlays_trampoline_lowered:
0x8: {  	[smem:$0x3FAA] =	sst s0  }
0x9: {  	[smem:$0x3FAB] =	sst s1  }
0xa: {  	[smem:$0x3FAC] =	sst s2  }
0xb: {  	[smem:$0x3FAD] =	sst s3  }
0xc: {  	[smem:$0x3FAE] =	sst s4  }
0xd: {  	[smem:$0x3FAF] =	sst s5  }
0xe: {  	[smem:$0x3FB0] =	sst s6  }
0xf: {  	[smem:$0x3FB1] =	sst s7  }
0x10: {  	[smem:$0x3FB2] =	sst s8  }
0x11: {  	[smem:$0x3FB3] =	sst s9;
	s0 =	simm.s32 @!p0 $0x0  }
0x12: {  	s1 =	sld [smem:$0x3F99];
	s0 =	simm.s32 @p0 $0x1  }
0x13: {  	[smem:$0x3FB4] =	sst s0;
	s0 =	simm.s32 @!p1 $0x0  }
0x14: {  	s2 =	sld [smem:$0x3F98];
	s0 =	simm.s32 @p1 $0x1  }
0x15: {  	[smem:$0x3FB5] =	sst s0;
	s0 =	simm.s32 @!p2 $0x0  }
0x16: {  	s3 =	sld [smem:$0x3FDB];
	s0 =	simm.s32 @p2 $0x1  }
0x17: {  	s4 =	simm.s32 $0x1BF5;
	[smem:$0x3FB7] =	sst s0  }
0x18: {  	s0 =	sld [smem:$0x3F9A];
	_ =	swait.ge [sflag:s4], $0x0  }
0x19: {  	s7 =	sld [smem:$0x3F9B]  }
0x1a: {  	s8 =	sadd.s32 $0xFFFFE003, lr  }
0x1b: {  	s9 =	sadd.s32 $0xFFFFFEF7, lr;
	s5 =	simm.s32 $0xFFFFFFFF;
	p2 =	slt.u32 s8, $0xFFFFF086  }
0x1c: {  	p1 =	slt.u32 s9, $0xF7A;
	s5 =	simm.s32 @!p2 $0x0  }
0x1d: {  	s5 =	simm.s32 @p1 $0x1;
	p0 =	seq.s32 s7, s2  }
0x1e: {  	s7 =	smul.u32 @!p0 $0xF7A, s2;
	p2 =	seq.s32 @!p0 s5, $0x0  }
0x1f: {  	s9 =	smul.u32 $0xF7A, s1;
	s8 =	simm.s32 @!p0 $0x1BF5;
	p2 =	por !p2, p0  }
0x20: {  	[sflag:s8] =	ssyncset.s32 @!p0 $0xFFFFF086;
	s6 =	sadd.s32 @!p0 s3, s7;
	s7 =	simm.s32 @!p0 $0x108  }
0x21: {  	s3 =	sadd.s32 s3, s9;
	s6 =	sadd.s32 @!p0 $0x88, s6;
	s7 =	simm.s32 @p2 $0x1082  }
0x22: {  	[simem:s7], [sflag:s8] =	dma.local @!p0 [hbm:s6], $0xF7A  }
0x23: {  	s9 =	sor.u32 $0xD0000000, s2;
	s6 =	simm.s32 $0x108;
	_ =	swait.ge @!p0 [sflag:s8], $0x0  }
0x24: {  	s3 =	sadd.s32 $0x88, s3;
	s6 =	simm.s32 @!p1 $0x1082;
	[sflag:s4] =	ssyncset.s32 $0xFFFFF086  }
0x25: {  	[simem:s6], [sflag:s4] =	dma.local [hbm:s3], $0xF7A  }
0x26: {  	[smem:$0x3F9B] =	sst s1;
	(tag) =	ssettag s2;
	_ =	strace s9  }
0x27: {  	s1 =	sld [smem:$0x3FAB]  }
0x28: {  	s2 =	sld [smem:$0x3FAC]  }
0x29: {  	s4 =	sld [smem:$0x3FAE]  }
0x2a: {  	p0 =	seq.s32 s5, $0x0;
	s5 =	sld [smem:$0x3FAF]  }
0x2b: {  	s6 =	sld [smem:$0x3FB0]  }
0x2c: {  	s7 =	sld [smem:$0x3FB1]  }
0x2d: {  	s3 =	simm.s32 $0x108;
	s8 =	sld [smem:$0x3FB2]  }
0x2e: {  	s3 =	simm.s32 @!p0 $0x1082;
	s9 =	sld [smem:$0x3FB3]  }
0x2f: {  	lr =	sadd.s32 s0, s3;
	s0 =	sld [smem:$0x3FAA]  }
0x30: {  	s3 =	sld [smem:$0x3FAD]  }
0x31: {  	[smem:$0x3FB6] =	sst s10  }
0x32: {  	s10 =	sld [smem:$0x3FB4];
	_ =	sdelay $0x3  }
0x33: {  	p0 =	seq.s32 s10, $0x1;
	s10 =	sld [smem:$0x3FB6];
	_ =	sdelay $0x3  }
0x34: {  	[smem:$0x3FB6] =	sst s10  }
0x35: {  	s10 =	sld [smem:$0x3FB5];
	_ =	sdelay $0x3  }
0x36: {  	p1 =	seq.s32 s10, $0x1;
	s10 =	sld [smem:$0x3FB6];
	_ =	sdelay $0x3  }
0x37: {  	[smem:$0x3FB6] =	sst s10  }
0x38: {  	s10 =	sld [smem:$0x3FB7]  }
0x39: {  	_ = 	snop;
	(pc) =	sbr.ind lr, $3  }
0x3a: {  	_ = 	snop  }
0x3b: {  	_ = 	snop  }
0x3c: {  	p2 =	seq.s32 s10, $0x1;
	s10 =	sld [smem:$0x3FB6]  }
0x3d: {  	_ =	shalt  }
0x3e: {  	_ =	shalt  }
0x3f: {  	_ =	shalt  }
0x40: {  	_ =	shalt  }
0x41: {  	_ =	shalt  }
0x42: {  	_ =	shalt  }
0x43: {  	_ =	shalt  }
0x44: {  	_ =	shalt  }
0x45: {  	_ =	shalt  }
0x46: {  	_ =	shalt  }
0x47: {  	_ =	shalt  }
0x48: {  	_ =	shalt  }
0x49: {  	_ =	shalt  }
0x4a: {  	_ =	shalt  }
0x4b: {  	_ =	shalt  }
0x4c: {  	_ =	shalt  }
0x4d: {  	_ =	shalt  }
0x4e: {  	_ =	shalt  }
0x4f: {  	_ =	shalt  }
0x50: {  	_ =	shalt  }
0x51: {  	_ =	shalt  }
0x52: {  	_ =	shalt  }
0x53: {  	_ =	shalt  }
0x54: {  	_ =	shalt  }
0x55: {  	_ =	shalt  }
0x56: {  	_ =	shalt  }
0x57: {  	_ =	shalt  }
0x58: {  	_ =	shalt  }
0x59: {  	_ =	shalt  }
0x5a: {  	_ =	shalt  }
0x5b: {  	_ =	shalt  }
0x5c: {  	_ =	shalt  }
0x5d: {  	_ =	shalt  }
0x5e: {  	_ =	shalt  }
0x5f: {  	_ =	shalt  }
0x60: {  	_ =	shalt  }
0x61: {  	_ =	shalt  }
0x62: {  	_ =	shalt  }
0x63: {  	_ =	shalt  }
0x64: {  	_ =	shalt  }
0x65: {  	_ =	shalt  }
0x66: {  	_ =	shalt  }
0x67: {  	_ =	shalt  }
0x68: {  	_ =	shalt  }
0x69: {  	_ =	shalt  }
0x6a: {  	_ =	shalt  }
0x6b: {  	_ =	shalt  }
0x6c: {  	_ =	shalt  }
0x6d: {  	_ =	shalt  }
0x6e: {  	_ =	shalt  }
0x6f: {  	_ =	shalt  }
0x70: {  	_ =	shalt  }
0x71: {  	_ =	shalt  }
0x72: {  	_ =	shalt  }
0x73: {  	_ =	shalt  }
0x74: {  	_ =	shalt  }
0x75: {  	_ =	shalt  }
0x76: {  	_ =	shalt  }
0x77: {  	_ =	shalt  }
0x78: {  	_ =	shalt  }
0x79: {  	_ =	shalt  }
0x7a: {  	_ =	shalt  }
0x7b: {  	_ =	shalt  }
0x7c: {  	_ =	shalt  }
0x7d: {  	_ =	shalt  }
0x7e: {  	_ =	shalt  }
0x7f: {  	_ =	shalt  }
0x80: {  	_ =	shalt  }
0x81: {  	_ =	shalt  }
0x82: {  	_ =	shalt  }
0x83: {  	_ =	shalt  }
0x84: {  	_ =	shalt  }
0x85: {  	_ =	shalt  }
0x86: {  	_ =	shalt  }
0x87: {  	_ =	shalt  }
.Lfunc_end0:
.L_simem_size_0:
called_computation.1_lowered:
.L_overlay_start_0:
0x88: {  	s2 =	sld [smem:$0x3FD9]  }
0x89: {  	s3 =	sld [smem:$0x3FFE];
	_ =	sdelay $0x1  }
0x8a: {  	s1 =	srdreg.scid  }
0x8b: {  	s0 =	sand.u32 $0x1, s1  }
0x8c: {  	s17 =	sshll.u32 s0, $0xA;
	s2 =	sadd.s32 s3, s2  }
0x8d: {  	s2 =	sadd.s32 s2, s17  }
0x8e: {  	[smem:$0x3FC2] =	sst s2  }
0x8f: {  	_ = 	snop  }
0x90: {  	s2 =	sld [smem:$0x3FD0];
	(tm) =	ssettm $0x1  }
0x91: {  	s18 =	sld [smem:$0x3FFB];
	_ =	sdelay $0x3  }
0x92: {  	_ =	strace s18  }
0x93: {  	s3 =	sld [smem:$0x3FFC];
	_ =	sdelay $0x3  }
0x94: {  	_ =	strace s3  }
0x95: {  	s3 =	sld [smem:$0x3FFD];
	_ =	sdelay $0x3  }
0x96: {  	_ =	strace s3  }
0x97: {  	_ =	strace $0x8FFFFFFF  }
0x98: {  	s19 =	sld [smem:$0x3FDB];
	_ =	sdelay $0x1  }
0x99: {  	s4 =	simm.s32 $_scs_section_size  }
0x9a: {  	s5 =	simm.s32 $_size__tile_overlayer_lowered;
	s6 =	simm.s32 $_tile_overlayer_lowered  }
0x9b: {  	s22 =	simm.s32 $0x1BFF;
	s21 =	sshll.u32 s6, $0x1;
	s3 =	sadd.s32 s4, s19  }
0x9c: {  	s7 =	simm.s32 $0x0;
	s20 =	sshll.u32 s5, $0x1;
	s5 =	sadd.s32 s21, s3  }
0x9d: {  	[timem:s7], [sflag:s22] =	dma.local [hbm:s5], s20  }
0x9e: {  	_ =	swait.ge [sflag:s22], s20  }
0x9f: {  	s4 =	ssub.s32 $0x0, s20;
	[sflag:s22] =	ssyncset.done $0x0  }
0xa0: {  	[sflag:s22] =	ssyncadd.s32 s4;
	_ =	sdelay $0x1  }
0xa1: {  	s23 =	simm.s32 $0x1B8B  }
0xa2: {  	_ =	swait.ge [sflag:s23], $0x1  }
0xa3: {  	[sflag:s23] =	ssyncset.done $0x0  }
0xa4: {  	s25 =	simm.s32 $0x1B8E;
	s24 =	sld [smem:$0x3FFE];
	[sflag:s23] =	ssyncadd.s32 $0xFFFFFFFF  }
0xa5: {  	s26 =	simm.s32 $execute0_lowered;
	[smem:$0x3FD2] =	sst s25  }
0xa6: {  	s5 =	sshll.u32 s26, $0x1;
	_ =	strace $0x80000049;
	[dreg:$0x1] =	wrdreg $0xFFFFFFFF  }
0xa7: {  	s28 =	simm.s32 $_size_execute0_lowered;
	s3 =	sadd.s32 s3, s5;
	[dreg:$0x0] =	wrdreg $0x0  }
0xa8: {  	s5 =	sshll.u32 s28, $0x1;
	[dreg:$0x2] =	wrdreg s3  }
0xa9: {  	[dreg:$0x3] =	wrdreg s5  }
0xaa: {  	[dreg:$0x4] =	wrdreg $0xC0  }
0xab: {  	_ =	task [dreg:s7], $0x5FFFF  }
0xac: {  	[dreg:$0x1] =	wrdreg $0xFFFFFFFF  }
0xad: {  	[dreg:$0x0] =	wrdreg $0x60  }
0xae: {  	[dreg:$0x2] =	wrdreg s24  }
0xaf: {  	[dreg:$0x3] =	wrdreg s2  }
0xb0: {  	[dreg:$0x4] =	wrdreg $0x138000  }
0xb1: {  	[dreg:$0x5] =	wrdreg $0x9  }
0xb2: {  	_ =	task.clear_ibuf [dreg:s7], $0x6FFFF;
	_ =	strace $0x90000049  }
0xb3: {  	s29 =	simm.s32 $0x9;
	_ =	strace $0x8000004B  }
0xb4: {  	_ =	swait.ge [sflag:s29], $0x1  }
0xb5: {  	[sflag:s29] =	ssyncadd.s32 $0xFFFFFFFF  }
0xb6: {  	_ =	strace $0x9000004B  }
0xb7: {  	_ =	sfence  }
0xb8: {  	s30 =	sld [smem:$0x0];
	_ =	sdelay $0x2  }
0xb9: {  	s31 =	sshll.u32 s1, $0xD;
	s1 =	sshrl.u32 s1, $0x2  }
0xba: {  	s3 =	sand.u32 $0x4000, s31;
	s1 =	sadd.s32 s1, s30  }
0xbb: {  	s0 =	sor.u32 s3, s0;
	s1 =	sshll.u32 s1, $0x11  }
0xbc: {  	s0 =	sor.u32 s1, s0  }
0xbd: {  	s0 =	sadd.s32 $0x8F2B, s0  }
0xbe: {  	[sflag:s0] =	ssyncadd.remote.s32 $0x1  }
0xbf: {  	_ =	sfence.sel $0xFFFF  }
0xc0: {  	[dreg:$0x0] =	wrdreg $0xFFFFFFFF;
	(pc) =	sbr.abs _section_cstart, $3  }
0xc1: {  	[dreg:$0x1] =	wrdreg $0xFFFFFFFF  }
0xc2: {  	_ =	task.clear_ibuf [dreg:s7], $0x2FFFF;
	_ =	strace $0x9FFFFFFF  }
0xc3: {  	(tm) =	ssettm $0x7FFFFFFF  }
tec
execute0_lowered:
.L_overlay_start_1:
0x0: {  	(tag) =	ssettag $0x1  }
0x1: {  	s0 =	rddreg [dreg:$0x0]  }
0x2: {  	s3 =	rddreg [dreg:$0x2]  }
0x3: {  	s1 =	srdreg.scid;
	s12 =	stileid.u32  }
0x4: {  	s4 =	simm.s32 $0x0;
	s18 =	simm.s32 $0x12000;
	s19 =	simm.s32 $0x3  }
0x5: {  	s20 =	simm.s32 $0x80;
	s21 =	simm.s32 $0x6000;
	s22 =	simm.s32 $0x7800  }
0x6: {  	s28 =	simm.s32 $0xF000;
	s29 =	simm.s32 $0x10800;
	s30 =	simm.s32 $0x1  }
0x7: {  	s31 =	simm.s32 $0x2;
	s1 =	sand.u32 $0x1, s1;
	s2 =	smul.u32 $0x7680, s12  }
0x8: {  	[smem:$0x7FF] =	sst s4;
	s5 =	sadd.s32 $0x1F400, s0;
	s8 =	smul.u32 $0x600, s12  }
0x9: {  	s9 =	sadd.s32 $0x15400, s0;
	s10 =	sadd.s32 $0x1600, s0;
	s11 =	smul.u32 $0x1DA00, s12  }
0xa: {  	s12 =	sshll.u32 s12, $0xA;
	s23 =	smul.u32 $0x76800, s1;
	s6 =	ssub.s32 $0x2, s1  }
0xb: {  	_ =	strace $0x8000004A;
	p0 =	seq.s32 s1, $0x0;
	s7 =	sshrl.u32 s6, $0x1  }
0xc: {  	s8 =	sadd.s32 $0x4000, s8;
	s13 =	sshrl.u32 s11, $0x2;
	s11 =	sadd.s32 s2, s3  }
0xd: {  	s4 =	sadd.s32 s2, s23;
	s24 =	ssub.s32 s6, s7;
	s6 =	simm.s32 $0x8000  }
0xe: {  	s25 =	sadd.s32 s9, s8;
	s8 =	sadd.s32 s10, s8;
	s9 =	sadd.s32 s9, s12  }
0xf: {  	s10 =	sadd.s32 s10, s12;
	s26 =	sadd.s32 s13, s3;
	s23 =	simm.s32 $0x9000  }
0x10: {  	s4 =	sshrl.u32 s4, $0x3;
	s6 =	simm.s32 @!p0 $0xC000;
	[dreg:$0x4] =	wrdreg s25  }
0x11: {  	s12 =	sadd.s32 $0x1800, s26;
	s13 =	sadd.s32 $0x3000, s26;
	s14 =	sadd.s32 $0x4800, s26  }
0x12: {  	s15 =	sadd.s32 $0x6000, s26;
	s17 =	smax.u32 s24, $0x1;
	p0 =	sne.s32 s1, $0x0  }
0x13: {  	s24 =	simm.s32 $0xA800;
	s25 =	simm.s32 $0xC000;
	s0 =	sadd.s32 s4, s0  }
0x14: {  	s26 =	simm.s32 $0xD800;
	s16 =	sadd.s32 $0x2E200, s0;
	s0 =	simm.s32 $0x0  }
.LBB2_1:
0x15: {  	s1 =	simm.s32 @p0 $0x0;
	s2 =	rddreg [dreg:$0x4]  }
0x16: {  	[tilespmem:s1], [sflag:$0x3] =	stream.linear.gather @p0 [hbm4b:s2+s1], $0x3000, $0x38;
	[tilespmem:$0x1AE80] =	vst v63  }
0x17: {  	s2 =	simm.s32 @p0 $0x3  }
0x18: {  	_ =	swait.ge @p0 [sflag:s2], $0x3000  }
0x19: {  	[sflag:s2] =	ssyncset.done @p0 $0x0  }
0x1a: {  	s4 =	simm.s32 @p0 $0x3000;
	[sflag:s2] =	ssyncadd.s32 @p0 $0xFFFFD000  }
0x1b: {  	[tilespmem:s4], [sflag:$0x3] =	stream.linear.gather @p0 [hbm4b:s8+s1], $0x3000, $0x38;
	[tilespmem:$0x1AE80] =	vst v63  }
0x1c: {  	_ =	swait.ge @p0 [sflag:s2], $0x3000  }
0x1d: {  	[sflag:s2] =	ssyncset.done @p0 $0x0  }
0x1e: {  	s1 =	simm.s32 @!p0 $0x0;
	[sflag:s2] =	ssyncadd.s32 @p0 $0xFFFFD000;
	s2 =	simm.s32 @!p0 $0x3  }
0x1f: {  	[tilespmem:s1], [sflag:$0x3] =	stream.linear.gather @!p0 [hbm4b:s9+s1], $0x2000, $0x38;
	[tilespmem:$0x1AE80] =	vst v63  }
0x20: {  	_ =	swait.ge @!p0 [sflag:s2], $0x2000  }
0x21: {  	[sflag:s2] =	ssyncset.done @!p0 $0x0  }
0x22: {  	s4 =	simm.s32 @!p0 $0x3000;
	[sflag:s2] =	ssyncadd.s32 @!p0 $0xFFFFE000  }
0x23: {  	[tilespmem:s4], [sflag:$0x3] =	stream.linear.gather @!p0 [hbm4b:s10+s1], $0x2000, $0x38;
	[tilespmem:$0x1AE80] =	vst v63  }
0x24: {  	_ =	swait.ge @!p0 [sflag:s2], $0x2000  }
0x25: {  	[sflag:s2] =	ssyncset.done @!p0 $0x0  }
0x26: {  	[sflag:s2] =	ssyncadd.s32 @!p0 $0xFFFFE000  }
0x27: {  	s7 =	simm.s32 $0x0;
	s4 =	rddreg [dreg:$0x1]  }
0x28: {  	[tilespmem:s18], [sflag:$0x3] =	stream.linear.gather [hbm4b:s4+s7], $0x1800, $0x38;
	[tilespmem:$0x1AE80] =	vst v63  }
0x29: {  	_ =	swait.ge [sflag:s19], $0x1800  }
0x2a: {  	[sflag:s19] =	ssyncset.done $0x0  }
0x2b: {  	[sflag:s19] =	ssyncadd.s32 $0xFFFFE800  }
0x2c: {  	[spmem:s11] =	stream.linear.scatter [tilespmem:s18], [sflag:$0x3], $0x1800, $0x38;
	[tilespmem:$0x1AE80] =	vst v63  }
0x2d: {  	_ =	swait.ge [sflag:s19], $0x1800  }
0x2e: {  	[sflag:s19] =	ssyncset.done $0x0  }
0x2f: {  	[sflag:s19] =	ssyncadd.s32 $0xFFFFE800  }
0x30: {  	[spmem:s12] =	stream.linear.scatter [tilespmem:s18], [sflag:$0x3], $0x1800, $0x38;
	[tilespmem:$0x1AE80] =	vst v63  }
0x31: {  	_ =	swait.ge [sflag:s19], $0x1800  }
0x32: {  	[sflag:s19] =	ssyncset.done $0x0  }
0x33: {  	[sflag:s19] =	ssyncadd.s32 $0xFFFFE800  }
0x34: {  	[spmem:s13] =	stream.linear.scatter [tilespmem:s18], [sflag:$0x3], $0x1800, $0x38;
	[tilespmem:$0x1AE80] =	vst v63  }
0x35: {  	_ =	swait.ge [sflag:s19], $0x1800  }
0x36: {  	[sflag:s19] =	ssyncset.done $0x0  }
0x37: {  	[sflag:s19] =	ssyncadd.s32 $0xFFFFE800  }
0x38: {  	[spmem:s14] =	stream.linear.scatter [tilespmem:s18], [sflag:$0x3], $0x1800, $0x38;
	[tilespmem:$0x1AE80] =	vst v63  }
0x39: {  	_ =	swait.ge [sflag:s19], $0x1800  }
0x3a: {  	[sflag:s19] =	ssyncset.done $0x0  }
0x3b: {  	p2 =	sne.s32 s6, $0x1000;
	[sflag:s19] =	ssyncadd.s32 $0xFFFFE800  }
0x3c: {  	[spmem:s15] =	stream.linear.scatter [tilespmem:s18], [sflag:$0x3], $0x1680, $0x38;
	[tilespmem:$0x1AE80] =	vst v63  }
.Ltmp0:
0x3d: {  	_ =	swait.ge [sflag:s19], $0x1680;
	(pc) =	sbr.rel @!p2 .LBB2_6-.Ltmp0, $4  }
0x3e: {  	[sflag:s19] =	ssyncset.done $0x0  }
0x3f: {  	[sflag:s19] =	ssyncadd.s32 $0xFFFFE980  }
0x40: {  	[bflag:$0x0] =	sbarrier.arrive $0xFFFF  }
0x41: {  	p1 =	por $0x0, $0x0;
	s1 =	simm.s32 $0x0;
	s2 =	simm.s32 $0x1000  }
0x42: {  	s1 =	simm.s32 $0x0  }
0x43: {  	[tilespmem:s21], [sflag:$0x1] =	stream.indirect.gather [hbm4b:s5+s20], $0x30, s1, s20, $0xb8;
	[tilespmem:$0x1AE80] =	vst v63  }
0x44: {  	s7 =	simm.s32 $0x80  }
0x45: {  	[tilespmem:s22], [sflag:$0x1] =	stream.indirect.gather [hbm4b:s5+s20], $0x30, s7, s20, $0xb8;
	[tilespmem:$0x1AE80] =	vst v63  }
0x46: {  	s4 =	simm.s32 $0x100  }
0x47: {  	[tilespmem:s23], [sflag:$0x1] =	stream.indirect.gather [hbm4b:s5+s20], $0x30, s4, s20, $0xb8;
	[tilespmem:$0x1AE80] =	vst v63  }
0x48: {  	s7 =	simm.s32 $0x180  }
0x49: {  	[tilespmem:s24], [sflag:$0x1] =	stream.indirect.gather [hbm4b:s5+s20], $0x30, s7, s20, $0xb8;
	[tilespmem:$0x1AE80] =	vst v63  }
0x4a: {  	s4 =	simm.s32 $0x200  }
0x4b: {  	[tilespmem:s25], [sflag:$0x1] =	stream.indirect.gather [hbm4b:s5+s20], $0x30, s4, s20, $0xb8;
	[tilespmem:$0x1AE80] =	vst v63  }
0x4c: {  	s7 =	simm.s32 $0x280  }
0x4d: {  	[tilespmem:s26], [sflag:$0x1] =	stream.indirect.gather [hbm4b:s5+s20], $0x30, s7, s20, $0xb8;
	[tilespmem:$0x1AE80] =	vst v63  }
0x4e: {  	s4 =	simm.s32 $0x300  }
0x4f: {  	[tilespmem:s28], [sflag:$0x1] =	stream.indirect.gather [hbm4b:s5+s20], $0x30, s4, s20, $0xb8;
	[tilespmem:$0x1AE80] =	vst v63  }
0x50: {  	s7 =	simm.s32 $0x380  }
0x51: {  	[tilespmem:s29], [sflag:$0x1] =	stream.indirect.gather [hbm4b:s5+s20], $0x30, s7, s20, $0xb8;
	[tilespmem:$0x1AE80] =	vst v63  }
0x52: {  	_ =	swait.ge [sflag:s30], $0x1800  }
0x53: {  	[sflag:s30] =	ssyncset.done $0x0  }
0x54: {  	[sflag:s30] =	ssyncadd.s32 $0xFFFFE800  }
0x55: {  	_ =	swait.ge [sflag:s30], $0x1800  }
0x56: {  	[sflag:s30] =	ssyncset.done $0x0  }
0x57: {  	[sflag:s30] =	ssyncadd.s32 $0xFFFFE800  }
0x58: {  	_ =	swait.ge [sflag:s30], $0x1800  }
0x59: {  	[sflag:s30] =	ssyncset.done $0x0  }
0x5a: {  	[sflag:s30] =	ssyncadd.s32 $0xFFFFE800  }
0x5b: {  	_ =	swait.ge [sflag:s30], $0x1800  }
0x5c: {  	[sflag:s30] =	ssyncset.done $0x0  }
0x5d: {  	[sflag:s30] =	ssyncadd.s32 $0xFFFFE800  }
0x5e: {  	_ =	swait.ge [sflag:s30], $0x1800  }
0x5f: {  	[sflag:s30] =	ssyncset.done $0x0  }
0x60: {  	[sflag:s30] =	ssyncadd.s32 $0xFFFFE800  }
0x61: {  	_ =	swait.ge [sflag:s30], $0x1800  }
0x62: {  	[sflag:s30] =	ssyncset.done $0x0  }
0x63: {  	[sflag:s30] =	ssyncadd.s32 $0xFFFFE800  }
0x64: {  	_ =	swait.ge [sflag:s30], $0x1800  }
0x65: {  	[sflag:s30] =	ssyncset.done $0x0  }
0x66: {  	[sflag:s30] =	ssyncadd.s32 $0xFFFFE800  }
0x67: {  	_ =	swait.ge [sflag:s30], $0x1800  }
0x68: {  	[sflag:s30] =	ssyncset.done $0x0  }
0x69: {  	s4 =	simm.s32 $0x3000;
	[sflag:s30] =	ssyncadd.s32 $0xFFFFE800  }
0x6a: {  	[spmem:s3] =	stream.indirect.scatter.add.f32 [tilespmem:s21], [sflag:$0x2], $0x30, s4, s20, $0xb8;
	[tilespmem:$0x1AE80] =	vst v63  }
0x6b: {  	s7 =	simm.s32 $0x3080  }
0x6c: {  	[spmem:s3] =	stream.indirect.scatter.add.f32 [tilespmem:s22], [sflag:$0x2], $0x30, s7, s20, $0xb8;
	[tilespmem:$0x1AE80] =	vst v63  }
0x6d: {  	s4 =	simm.s32 $0x3100  }
0x6e: {  	[spmem:s3] =	stream.indirect.scatter.add.f32 [tilespmem:s23], [sflag:$0x2], $0x30, s4, s20, $0xb8;
	[tilespmem:$0x1AE80] =	vst v63  }
0x6f: {  	s7 =	simm.s32 $0x3180  }
0x70: {  	[spmem:s3] =	stream.indirect.scatter.add.f32 [tilespmem:s24], [sflag:$0x2], $0x30, s7, s20, $0xb8;
	[tilespmem:$0x1AE80] =	vst v63  }
0x71: {  	s4 =	simm.s32 $0x3200  }
0x72: {  	[spmem:s3] =	stream.indirect.scatter.add.f32 [tilespmem:s25], [sflag:$0x2], $0x30, s4, s20, $0xb8;
	[tilespmem:$0x1AE80] =	vst v63  }
0x73: {  	s7 =	simm.s32 $0x3280  }
0x74: {  	[spmem:s3] =	stream.indirect.scatter.add.f32 [tilespmem:s26], [sflag:$0x2], $0x30, s7, s20, $0xb8;
	[tilespmem:$0x1AE80] =	vst v63  }
0x75: {  	s4 =	simm.s32 $0x3300  }
0x76: {  	[spmem:s3] =	stream.indirect.scatter.add.f32 [tilespmem:s28], [sflag:$0x2], $0x30, s4, s20, $0xb8;
	[tilespmem:$0x1AE80] =	vst v63  }
0x77: {  	s7 =	simm.s32 $0x3380  }
0x78: {  	[spmem:s3] =	stream.indirect.scatter.add.f32 [tilespmem:s29], [sflag:$0x2], $0x30, s7, s20, $0xb8;
	[tilespmem:$0x1AE80] =	vst v63  }
0x79: {  	_ =	swait.ge [sflag:s31], $0x1800  }
0x7a: {  	[sflag:s31] =	ssyncset.done $0x0  }
0x7b: {  	[sflag:s31] =	ssyncadd.s32 $0xFFFFE800  }
0x7c: {  	_ =	swait.ge [sflag:s31], $0x1800  }
0x7d: {  	[sflag:s31] =	ssyncset.done $0x0  }
0x7e: {  	[sflag:s31] =	ssyncadd.s32 $0xFFFFE800  }
0x7f: {  	_ =	swait.ge [sflag:s31], $0x1800  }
0x80: {  	[sflag:s31] =	ssyncset.done $0x0  }
0x81: {  	[sflag:s31] =	ssyncadd.s32 $0xFFFFE800  }
0x82: {  	_ =	swait.ge [sflag:s31], $0x1800  }
0x83: {  	[sflag:s31] =	ssyncset.done $0x0  }
0x84: {  	[sflag:s31] =	ssyncadd.s32 $0xFFFFE800  }
0x85: {  	_ =	swait.ge [sflag:s31], $0x1800  }
0x86: {  	[sflag:s31] =	ssyncset.done $0x0  }
0x87: {  	[sflag:s31] =	ssyncadd.s32 $0xFFFFE800  }
0x88: {  	_ =	swait.ge [sflag:s31], $0x1800  }
0x89: {  	[sflag:s31] =	ssyncset.done $0x0  }
0x8a: {  	p2 =	sne.s32 s6, $0x2000;
	[sflag:s31] =	ssyncadd.s32 $0xFFFFE800  }
.Ltmp1:
0x8b: {  	_ =	swait.ge [sflag:s31], $0x1800;
	(pc) =	sbr.rel @!p2 .LBB2_3-.Ltmp1, $4  }
0x8c: {  	[sflag:s31] =	ssyncset.done $0x0  }
0x8d: {  	[sflag:s31] =	ssyncadd.s32 $0xFFFFE800  }
0x8e: {  	_ =	swait.ge [sflag:s31], $0x1800  }
0x8f: {  	p1 =	por $0x1, $0x1;
	s4 =	simm.s32 $0x2000;
	[sflag:s31] =	ssyncset.done $0x0  }
.LBB2_4:
0x90: {  	s1 =	sshra.s32 s2, $0x2  }
0x91: {  	[sflag:s31] =	ssyncadd.s32 $0xFFFFE800;
	s2 =	smov.u32 s4;
	s4 =	sadd.s32 $0x1000, s4  }
0x92: {  	[tilespmem:s21], [sflag:$0x1] =	stream.indirect.gather [hbm4b:s5+s20], $0x30, s1, s20, $0xb8;
	[tilespmem:$0x1AE80] =	vst v63  }
0x93: {  	p2 =	sne.s32 s6, s4;
	s7 =	sadd.s32 $0x80, s1  }
0x94: {  	[tilespmem:s22], [sflag:$0x1] =	stream.indirect.gather [hbm4b:s5+s20], $0x30, s7, s20, $0xb8;
	[tilespmem:$0x1AE80] =	vst v63  }
0x95: {  	s7 =	sadd.s32 $0x100, s1  }
0x96: {  	[tilespmem:s23], [sflag:$0x1] =	stream.indirect.gather [hbm4b:s5+s20], $0x30, s7, s20, $0xb8;
	[tilespmem:$0x1AE80] =	vst v63  }
0x97: {  	s7 =	sadd.s32 $0x180, s1  }
0x98: {  	[tilespmem:s24], [sflag:$0x1] =	stream.indirect.gather [hbm4b:s5+s20], $0x30, s7, s20, $0xb8;
	[tilespmem:$0x1AE80] =	vst v63  }
0x99: {  	s7 =	sadd.s32 $0x200, s1  }
0x9a: {  	[tilespmem:s25], [sflag:$0x1] =	stream.indirect.gather [hbm4b:s5+s20], $0x30, s7, s20, $0xb8;
	[tilespmem:$0x1AE80] =	vst v63  }
0x9b: {  	s7 =	sadd.s32 $0x280, s1  }
0x9c: {  	[tilespmem:s26], [sflag:$0x1] =	stream.indirect.gather [hbm4b:s5+s20], $0x30, s7, s20, $0xb8;
	[tilespmem:$0x1AE80] =	vst v63  }
0x9d: {  	s7 =	sadd.s32 $0x300, s1  }
0x9e: {  	[tilespmem:s28], [sflag:$0x1] =	stream.indirect.gather [hbm4b:s5+s20], $0x30, s7, s20, $0xb8;
	[tilespmem:$0x1AE80] =	vst v63  }
0x9f: {  	s7 =	sadd.s32 $0x380, s1  }
0xa0: {  	[tilespmem:s29], [sflag:$0x1] =	stream.indirect.gather [hbm4b:s5+s20], $0x30, s7, s20, $0xb8;
	[tilespmem:$0x1AE80] =	vst v63  }
0xa1: {  	_ =	swait.ge [sflag:s30], $0x1800  }
0xa2: {  	[sflag:s30] =	ssyncset.done $0x0  }
0xa3: {  	[sflag:s30] =	ssyncadd.s32 $0xFFFFE800  }
0xa4: {  	_ =	swait.ge [sflag:s30], $0x1800  }
0xa5: {  	[sflag:s30] =	ssyncset.done $0x0  }
0xa6: {  	[sflag:s30] =	ssyncadd.s32 $0xFFFFE800  }
0xa7: {  	_ =	swait.ge [sflag:s30], $0x1800  }
0xa8: {  	[sflag:s30] =	ssyncset.done $0x0  }
0xa9: {  	[sflag:s30] =	ssyncadd.s32 $0xFFFFE800  }
0xaa: {  	_ =	swait.ge [sflag:s30], $0x1800  }
0xab: {  	[sflag:s30] =	ssyncset.done $0x0  }
0xac: {  	[sflag:s30] =	ssyncadd.s32 $0xFFFFE800  }
0xad: {  	_ =	swait.ge [sflag:s30], $0x1800  }
0xae: {  	[sflag:s30] =	ssyncset.done $0x0  }
0xaf: {  	[sflag:s30] =	ssyncadd.s32 $0xFFFFE800  }
0xb0: {  	_ =	swait.ge [sflag:s30], $0x1800  }
0xb1: {  	[sflag:s30] =	ssyncset.done $0x0  }
0xb2: {  	[sflag:s30] =	ssyncadd.s32 $0xFFFFE800  }
0xb3: {  	_ =	swait.ge [sflag:s30], $0x1800  }
0xb4: {  	[sflag:s30] =	ssyncset.done $0x0  }
0xb5: {  	[sflag:s30] =	ssyncadd.s32 $0xFFFFE800  }
0xb6: {  	_ =	swait.ge [sflag:s30], $0x1800  }
0xb7: {  	[sflag:s30] =	ssyncset.done $0x0  }
0xb8: {  	s7 =	sadd.s32 $0x3000, s1;
	[sflag:s30] =	ssyncadd.s32 $0xFFFFE800  }
0xb9: {  	[spmem:s3] =	stream.indirect.scatter.add.f32 [tilespmem:s21], [sflag:$0x2], $0x30, s7, s20, $0xb8;
	[tilespmem:$0x1AE80] =	vst v63  }
0xba: {  	s7 =	sadd.s32 $0x3080, s1  }
0xbb: {  	[spmem:s3] =	stream.indirect.scatter.add.f32 [tilespmem:s22], [sflag:$0x2], $0x30, s7, s20, $0xb8;
	[tilespmem:$0x1AE80] =	vst v63  }
0xbc: {  	s7 =	sadd.s32 $0x3100, s1  }
0xbd: {  	[spmem:s3] =	stream.indirect.scatter.add.f32 [tilespmem:s23], [sflag:$0x2], $0x30, s7, s20, $0xb8;
	[tilespmem:$0x1AE80] =	vst v63  }
0xbe: {  	s7 =	sadd.s32 $0x3180, s1  }
0xbf: {  	[spmem:s3] =	stream.indirect.scatter.add.f32 [tilespmem:s24], [sflag:$0x2], $0x30, s7, s20, $0xb8;
	[tilespmem:$0x1AE80] =	vst v63  }
0xc0: {  	s7 =	sadd.s32 $0x3200, s1  }
0xc1: {  	[spmem:s3] =	stream.indirect.scatter.add.f32 [tilespmem:s25], [sflag:$0x2], $0x30, s7, s20, $0xb8;
	[tilespmem:$0x1AE80] =	vst v63  }
0xc2: {  	s7 =	sadd.s32 $0x3280, s1  }
0xc3: {  	[spmem:s3] =	stream.indirect.scatter.add.f32 [tilespmem:s26], [sflag:$0x2], $0x30, s7, s20, $0xb8;
	[tilespmem:$0x1AE80] =	vst v63  }
0xc4: {  	s7 =	sadd.s32 $0x3300, s1  }
0xc5: {  	[spmem:s3] =	stream.indirect.scatter.add.f32 [tilespmem:s28], [sflag:$0x2], $0x30, s7, s20, $0xb8;
	[tilespmem:$0x1AE80] =	vst v63  }
0xc6: {  	s1 =	sadd.s32 $0x3380, s1  }
0xc7: {  	[spmem:s3] =	stream.indirect.scatter.add.f32 [tilespmem:s29], [sflag:$0x2], $0x30, s1, s20, $0xb8;
	[tilespmem:$0x1AE80] =	vst v63  }
0xc8: {  	_ =	swait.ge [sflag:s31], $0x1800  }
0xc9: {  	[sflag:s31] =	ssyncset.done $0x0  }
0xca: {  	[sflag:s31] =	ssyncadd.s32 $0xFFFFE800  }
0xcb: {  	_ =	swait.ge [sflag:s31], $0x1800  }
0xcc: {  	[sflag:s31] =	ssyncset.done $0x0  }
0xcd: {  	[sflag:s31] =	ssyncadd.s32 $0xFFFFE800  }
0xce: {  	_ =	swait.ge [sflag:s31], $0x1800  }
0xcf: {  	[sflag:s31] =	ssyncset.done $0x0  }
0xd0: {  	[sflag:s31] =	ssyncadd.s32 $0xFFFFE800  }
0xd1: {  	_ =	swait.ge [sflag:s31], $0x1800  }
0xd2: {  	[sflag:s31] =	ssyncset.done $0x0  }
0xd3: {  	[sflag:s31] =	ssyncadd.s32 $0xFFFFE800  }
0xd4: {  	_ =	swait.ge [sflag:s31], $0x1800  }
0xd5: {  	[sflag:s31] =	ssyncset.done $0x0  }
0xd6: {  	[sflag:s31] =	ssyncadd.s32 $0xFFFFE800  }
0xd7: {  	_ =	swait.ge [sflag:s31], $0x1800  }
0xd8: {  	[sflag:s31] =	ssyncset.done $0x0  }
0xd9: {  	[sflag:s31] =	ssyncadd.s32 $0xFFFFE800  }
.Ltmp2:
0xda: {  	_ =	swait.ge [sflag:s31], $0x1800;
	(pc) =	sbr.rel @p2 .LBB2_4-.Ltmp2, $4  }
0xdb: {  	[sflag:s31] =	ssyncset.done $0x0  }
0xdc: {  	[sflag:s31] =	ssyncadd.s32 $0xFFFFE800  }
0xdd: {  	_ =	swait.ge [sflag:s31], $0x1800  }
0xde: {  	[sflag:s31] =	ssyncset.done $0x0  }
0xdf: {  	s1 =	smov.u32 s2  }
.LBB2_6:
0xe0: {  	s1 =	sshra.s32 s1, $0x2;
	[sflag:s31] =	ssyncadd.s32 @p1 $0xFFFFE800  }
0xe1: {  	[tilespmem:s21], [sflag:$0x1] =	stream.indirect.gather [hbm4b:s5+s20], $0x30, s1, s20, $0xb8;
	[tilespmem:$0x1AE80] =	vst v63  }
0xe2: {  	s2 =	sadd.s32 $0x80, s1  }
0xe3: {  	[tilespmem:s22], [sflag:$0x1] =	stream.indirect.gather [hbm4b:s5+s20], $0x30, s2, s20, $0xb8;
	[tilespmem:$0x1AE80] =	vst v63  }
0xe4: {  	s7 =	sadd.s32 $0x100, s1  }
0xe5: {  	[tilespmem:s23], [sflag:$0x1] =	stream.indirect.gather [hbm4b:s5+s20], $0x30, s7, s20, $0xb8;
	[tilespmem:$0x1AE80] =	vst v63  }
0xe6: {  	s4 =	sadd.s32 $0x180, s1  }
0xe7: {  	[tilespmem:s24], [sflag:$0x1] =	stream.indirect.gather [hbm4b:s5+s20], $0x30, s4, s20, $0xb8;
	[tilespmem:$0x1AE80] =	vst v63  }
0xe8: {  	s7 =	sadd.s32 $0x200, s1  }
0xe9: {  	[tilespmem:s25], [sflag:$0x1] =	stream.indirect.gather [hbm4b:s5+s20], $0x30, s7, s20, $0xb8;
	[tilespmem:$0x1AE80] =	vst v63  }
0xea: {  	s4 =	sadd.s32 $0x280, s1  }
0xeb: {  	[tilespmem:s26], [sflag:$0x1] =	stream.indirect.gather [hbm4b:s5+s20], $0x30, s4, s20, $0xb8;
	[tilespmem:$0x1AE80] =	vst v63  }
0xec: {  	s7 =	sadd.s32 $0x300, s1  }
0xed: {  	[tilespmem:s28], [sflag:$0x1] =	stream.indirect.gather [hbm4b:s5+s20], $0x30, s7, s20, $0xb8;
	[tilespmem:$0x1AE80] =	vst v63  }
0xee: {  	s4 =	sadd.s32 $0x380, s1  }
0xef: {  	[tilespmem:s29], [sflag:$0x1] =	stream.indirect.gather [hbm4b:s5+s20], $0x30, s4, s20, $0xb8;
	[tilespmem:$0x1AE80] =	vst v63  }
0xf0: {  	_ =	swait.ge [sflag:s30], $0x1800  }
0xf1: {  	[sflag:s30] =	ssyncset.done $0x0  }
0xf2: {  	[sflag:s30] =	ssyncadd.s32 $0xFFFFE800  }
0xf3: {  	_ =	swait.ge [sflag:s30], $0x1800  }
0xf4: {  	[sflag:s30] =	ssyncset.done $0x0  }
0xf5: {  	[sflag:s30] =	ssyncadd.s32 $0xFFFFE800  }
0xf6: {  	_ =	swait.ge [sflag:s30], $0x1800  }
0xf7: {  	[sflag:s30] =	ssyncset.done $0x0  }
0xf8: {  	[sflag:s30] =	ssyncadd.s32 $0xFFFFE800  }
0xf9: {  	_ =	swait.ge [sflag:s30], $0x1800  }
0xfa: {  	[sflag:s30] =	ssyncset.done $0x0  }
0xfb: {  	[sflag:s30] =	ssyncadd.s32 $0xFFFFE800  }
0xfc: {  	_ =	swait.ge [sflag:s30], $0x1800  }
0xfd: {  	[sflag:s30] =	ssyncset.done $0x0  }
0xfe: {  	[sflag:s30] =	ssyncadd.s32 $0xFFFFE800  }
0xff: {  	_ =	swait.ge [sflag:s30], $0x1800  }
0x100: {  	[sflag:s30] =	ssyncset.done $0x0  }
0x101: {  	[sflag:s30] =	ssyncadd.s32 $0xFFFFE800  }
0x102: {  	_ =	swait.ge [sflag:s30], $0x1800  }
0x103: {  	[sflag:s30] =	ssyncset.done $0x0  }
0x104: {  	[sflag:s30] =	ssyncadd.s32 $0xFFFFE800  }
0x105: {  	_ =	swait.ge [sflag:s30], $0x1800  }
0x106: {  	[sflag:s30] =	ssyncset.done $0x0  }
0x107: {  	s7 =	sadd.s32 $0x3000, s1;
	[sflag:s30] =	ssyncadd.s32 $0xFFFFE800  }
0x108: {  	[spmem:s3] =	stream.indirect.scatter.add.f32 [tilespmem:s21], [sflag:$0x2], $0x30, s7, s20, $0xb8;
	[tilespmem:$0x1AE80] =	vst v63  }
0x109: {  	s4 =	sadd.s32 $0x3080, s1  }
0x10a: {  	[spmem:s3] =	stream.indirect.scatter.add.f32 [tilespmem:s22], [sflag:$0x2], $0x30, s4, s20, $0xb8;
	[tilespmem:$0x1AE80] =	vst v63  }
0x10b: {  	s7 =	sadd.s32 $0x3100, s1  }
0x10c: {  	[spmem:s3] =	stream.indirect.scatter.add.f32 [tilespmem:s23], [sflag:$0x2], $0x30, s7, s20, $0xb8;
	[tilespmem:$0x1AE80] =	vst v63  }
0x10d: {  	s4 =	sadd.s32 $0x3180, s1  }
0x10e: {  	[spmem:s3] =	stream.indirect.scatter.add.f32 [tilespmem:s24], [sflag:$0x2], $0x30, s4, s20, $0xb8;
	[tilespmem:$0x1AE80] =	vst v63  }
0x10f: {  	s7 =	sadd.s32 $0x3200, s1  }
0x110: {  	[spmem:s3] =	stream.indirect.scatter.add.f32 [tilespmem:s25], [sflag:$0x2], $0x30, s7, s20, $0xb8;
	[tilespmem:$0x1AE80] =	vst v63  }
0x111: {  	s4 =	sadd.s32 $0x3280, s1  }
0x112: {  	[spmem:s3] =	stream.indirect.scatter.add.f32 [tilespmem:s26], [sflag:$0x2], $0x30, s4, s20, $0xb8;
	[tilespmem:$0x1AE80] =	vst v63  }
0x113: {  	s7 =	sadd.s32 $0x3300, s1  }
0x114: {  	[spmem:s3] =	stream.indirect.scatter.add.f32 [tilespmem:s28], [sflag:$0x2], $0x30, s7, s20, $0xb8;
	[tilespmem:$0x1AE80] =	vst v63  }
0x115: {  	s1 =	sadd.s32 $0x3380, s1  }
0x116: {  	[spmem:s3] =	stream.indirect.scatter.add.f32 [tilespmem:s29], [sflag:$0x2], $0x30, s1, s20, $0xb8;
	[tilespmem:$0x1AE80] =	vst v63  }
0x117: {  	_ =	swait.ge [sflag:s31], $0x1800  }
0x118: {  	[sflag:s31] =	ssyncset.done $0x0  }
0x119: {  	[sflag:s31] =	ssyncadd.s32 $0xFFFFE800  }
0x11a: {  	_ =	swait.ge [sflag:s31], $0x1800  }
0x11b: {  	[sflag:s31] =	ssyncset.done $0x0  }
0x11c: {  	[sflag:s31] =	ssyncadd.s32 $0xFFFFE800  }
0x11d: {  	_ =	swait.ge [sflag:s31], $0x1800  }
0x11e: {  	[sflag:s31] =	ssyncset.done $0x0  }
0x11f: {  	[sflag:s31] =	ssyncadd.s32 $0xFFFFE800  }
0x120: {  	_ =	swait.ge [sflag:s31], $0x1800  }
0x121: {  	[sflag:s31] =	ssyncset.done $0x0  }
0x122: {  	[sflag:s31] =	ssyncadd.s32 $0xFFFFE800  }
0x123: {  	_ =	swait.ge [sflag:s31], $0x1800  }
0x124: {  	[sflag:s31] =	ssyncset.done $0x0  }
0x125: {  	[sflag:s31] =	ssyncadd.s32 $0xFFFFE800  }
0x126: {  	_ =	swait.ge [sflag:s31], $0x1800  }
0x127: {  	[sflag:s31] =	ssyncset.done $0x0  }
0x128: {  	[sflag:s31] =	ssyncadd.s32 $0xFFFFE800  }
0x129: {  	_ =	swait.ge [sflag:s31], $0x1800  }
0x12a: {  	[sflag:s31] =	ssyncset.done $0x0  }
0x12b: {  	[sflag:s31] =	ssyncadd.s32 $0xFFFFE800  }
0x12c: {  	_ =	swait.ge [sflag:s31], $0x1800  }
0x12d: {  	s0 =	sadd.s32 $0x1, s0;
	s4 =	stileid.u32;
	[sflag:s31] =	ssyncset.done $0x0  }
0x12e: {  	p1 =	sne.s32 s0, s17;
	s1 =	sshll.u32 s4, $0x6;
	[sflag:s31] =	ssyncadd.s32 $0xFFFFE800  }
0x12f: {  	s7 =	sshrl.u32 s11, $0x3;
	s1 =	sor.u32 $0x1C03, s1;
	[bflag:$0x0] =	sbarrier.arrive $0xFFFF  }
0x130: {  	[hbm:s16], [sflag:s1] =	dma.local [spmem:s7], $0xED0  }
.Ltmp3:
0x131: {  	_ = 	snop;
	(pc) =	sbr.rel @p1 .LBB2_1-.Ltmp3, $4  }
.Ltmp4:
0x132: {  	_ = 	snop;
	(pc) =	sbr.rel @!p1 .LBB2_7-.Ltmp4, $4  }
0x133: {  	_ =	swait.ge [sflag:s19], $0xED0  }
0x134: {  	[sflag:s19] =	ssyncset.done $0x0  }
0x135: {  	[sflag:s19] =	ssyncadd.s32 $0xFFFFF130  }
0x136: {  	_ = 	snop  }
.LBB2_3:
.Ltmp5:
0x137: {  	(pc) =	sbr.rel .LBB2_6-.Ltmp5, $2  }
0x138: {  	_ =	sdelay $0x2  }
0x139: {  	s1 =	simm.s32 $0x1000  }
.LBB2_7:
0x13a: {  	_ =	sfence.sel $0x180000  }
0x13b: {  	[bflag:$0x0] =	sbarrier.arrive $0xFFFF  }
0x13c: {  	_ =	strace $0x9000004A  }
0x13d: {  	s0 =	stileid.u32;
	[bflag:$0x2] =	sbarrier.arrive $0xFFFF  }
0x13e: {  	p0 =	sne.s32 s0, $0x0;
	s0 =	rddreg [dreg:$0x3]  }
0x13f: {  	s0 =	sadd.s32 @!p0 $0x100000, s0  }
0x140: {  	[sflag:s0] =	ssyncadd.tile.s32 @!p0 $0x1;
	_ =	shalt  }
.Lfunc_end2:
_tile_overlayer_lowered:
.L_overlay_start_2:
0x141: {  	(tag) =	ssettag $0x2  }
0x142: {  	s0 =	rddreg [dreg:$0x0];
	s2 =	stileid.u32  }
0x143: {  	s1 =	rddreg [dreg:$0x1];
	p0 =	sne.s32 s2, $0x0  }
0x144: {  	s3 =	rddreg [dreg:$0x2];
	[bflag:$0x3] =	sbarrier.arrive $0xFFFF;
	s2 =	simm.s32 @!p0 $0x1C03  }
0x145: {  	[timem:s3], [sflag:s2] =	dma.local @!p0 [hbm:s0], s1  }
0x146: {  	s0 =	simm.s32 @!p0 $0x3  }
0x147: {  	_ =	swait.ge @!p0 [sflag:s0], s1  }
0x148: {  	s1 =	ssub.s32 @!p0 $0x0, s1;
	[sflag:s0] =	ssyncset.done @!p0 $0x0  }
0x149: {  	[sflag:s0] =	ssyncadd.s32 @!p0 s1  }
0x14a: {  	[bflag:$0x3] =	sbarrier.arrive $0xFFFF  }
0x14b: {  	_ =	shalt  }

// kernel: kernel.14.cloned.1.call-start
scs
__scs_entry_jumppad:
0x0: {  	(pc) =	sbr.rel $0x88, $3  }
0x1: {  	(tag) =	ssettag $0x0;
	lr =	simm.s32 $0x1  }
0x2: {  	[smem:$0x3F9B] =	sst lr;
	_ =	strace $0xD0000000  }
0x3: {  	_ = 	snop  }
0x4: {  	_ = 	snop  }
0x5: {  	_ = 	snop  }
0x6: {  	_ = 	snop  }
0x7: {  	_ = 	snop  }
__scs_overlays_trampoline_lowered:
0x8: {  	[smem:$0x3FAA] =	sst s0  }
0x9: {  	[smem:$0x3FAB] =	sst s1  }
0xa: {  	[smem:$0x3FAC] =	sst s2  }
0xb: {  	[smem:$0x3FAD] =	sst s3  }
0xc: {  	[smem:$0x3FAE] =	sst s4  }
0xd: {  	[smem:$0x3FAF] =	sst s5  }
0xe: {  	[smem:$0x3FB0] =	sst s6  }
0xf: {  	[smem:$0x3FB1] =	sst s7  }
0x10: {  	[smem:$0x3FB2] =	sst s8  }
0x11: {  	[smem:$0x3FB3] =	sst s9;
	s0 =	simm.s32 @!p0 $0x0  }
0x12: {  	s1 =	sld [smem:$0x3F99];
	s0 =	simm.s32 @p0 $0x1  }
0x13: {  	[smem:$0x3FB4] =	sst s0;
	s0 =	simm.s32 @!p1 $0x0  }
0x14: {  	s2 =	sld [smem:$0x3F98];
	s0 =	simm.s32 @p1 $0x1  }
0x15: {  	[smem:$0x3FB5] =	sst s0;
	s0 =	simm.s32 @!p2 $0x0  }
0x16: {  	s3 =	sld [smem:$0x3FDB];
	s0 =	simm.s32 @p2 $0x1  }
0x17: {  	s4 =	simm.s32 $0x1BF5;
	[smem:$0x3FB7] =	sst s0  }
0x18: {  	s0 =	sld [smem:$0x3F9A];
	_ =	swait.ge [sflag:s4], $0x0  }
0x19: {  	s7 =	sld [smem:$0x3F9B]  }
0x1a: {  	s8 =	sadd.s32 $0xFFFFE003, lr  }
0x1b: {  	s9 =	sadd.s32 $0xFFFFFEF7, lr;
	s5 =	simm.s32 $0xFFFFFFFF;
	p2 =	slt.u32 s8, $0xFFFFF086  }
0x1c: {  	p1 =	slt.u32 s9, $0xF7A;
	s5 =	simm.s32 @!p2 $0x0  }
0x1d: {  	s5 =	simm.s32 @p1 $0x1;
	p0 =	seq.s32 s7, s2  }
0x1e: {  	s7 =	smul.u32 @!p0 $0xF7A, s2;
	p2 =	seq.s32 @!p0 s5, $0x0  }
0x1f: {  	s9 =	smul.u32 $0xF7A, s1;
	s8 =	simm.s32 @!p0 $0x1BF5;
	p2 =	por !p2, p0  }
0x20: {  	[sflag:s8] =	ssyncset.s32 @!p0 $0xFFFFF086;
	s6 =	sadd.s32 @!p0 s3, s7;
	s7 =	simm.s32 @!p0 $0x108  }
0x21: {  	s3 =	sadd.s32 s3, s9;
	s6 =	sadd.s32 @!p0 $0x88, s6;
	s7 =	simm.s32 @p2 $0x1082  }
0x22: {  	[simem:s7], [sflag:s8] =	dma.local @!p0 [hbm:s6], $0xF7A  }
0x23: {  	s9 =	sor.u32 $0xD0000000, s2;
	s6 =	simm.s32 $0x108;
	_ =	swait.ge @!p0 [sflag:s8], $0x0  }
0x24: {  	s3 =	sadd.s32 $0x88, s3;
	s6 =	simm.s32 @!p1 $0x1082;
	[sflag:s4] =	ssyncset.s32 $0xFFFFF086  }
0x25: {  	[simem:s6], [sflag:s4] =	dma.local [hbm:s3], $0xF7A  }
0x26: {  	[smem:$0x3F9B] =	sst s1;
	(tag) =	ssettag s2;
	_ =	strace s9  }
0x27: {  	s1 =	sld [smem:$0x3FAB]  }
0x28: {  	s2 =	sld [smem:$0x3FAC]  }
0x29: {  	s4 =	sld [smem:$0x3FAE]  }
0x2a: {  	p0 =	seq.s32 s5, $0x0;
	s5 =	sld [smem:$0x3FAF]  }
0x2b: {  	s6 =	sld [smem:$0x3FB0]  }
0x2c: {  	s7 =	sld [smem:$0x3FB1]  }
0x2d: {  	s3 =	simm.s32 $0x108;
	s8 =	sld [smem:$0x3FB2]  }
0x2e: {  	s3 =	simm.s32 @!p0 $0x1082;
	s9 =	sld [smem:$0x3FB3]  }
0x2f: {  	lr =	sadd.s32 s0, s3;
	s0 =	sld [smem:$0x3FAA]  }
0x30: {  	s3 =	sld [smem:$0x3FAD]  }
0x31: {  	[smem:$0x3FB6] =	sst s10  }
0x32: {  	s10 =	sld [smem:$0x3FB4];
	_ =	sdelay $0x3  }
0x33: {  	p0 =	seq.s32 s10, $0x1;
	s10 =	sld [smem:$0x3FB6];
	_ =	sdelay $0x3  }
0x34: {  	[smem:$0x3FB6] =	sst s10  }
0x35: {  	s10 =	sld [smem:$0x3FB5];
	_ =	sdelay $0x3  }
0x36: {  	p1 =	seq.s32 s10, $0x1;
	s10 =	sld [smem:$0x3FB6];
	_ =	sdelay $0x3  }
0x37: {  	[smem:$0x3FB6] =	sst s10  }
0x38: {  	s10 =	sld [smem:$0x3FB7]  }
0x39: {  	_ = 	snop;
	(pc) =	sbr.ind lr, $3  }
0x3a: {  	_ = 	snop  }
0x3b: {  	_ = 	snop  }
0x3c: {  	p2 =	seq.s32 s10, $0x1;
	s10 =	sld [smem:$0x3FB6]  }
0x3d: {  	_ =	shalt  }
0x3e: {  	_ =	shalt  }
0x3f: {  	_ =	shalt  }
0x40: {  	_ =	shalt  }
0x41: {  	_ =	shalt  }
0x42: {  	_ =	shalt  }
0x43: {  	_ =	shalt  }
0x44: {  	_ =	shalt  }
0x45: {  	_ =	shalt  }
0x46: {  	_ =	shalt  }
0x47: {  	_ =	shalt  }
0x48: {  	_ =	shalt  }
0x49: {  	_ =	shalt  }
0x4a: {  	_ =	shalt  }
0x4b: {  	_ =	shalt  }
0x4c: {  	_ =	shalt  }
0x4d: {  	_ =	shalt  }
0x4e: {  	_ =	shalt  }
0x4f: {  	_ =	shalt  }
0x50: {  	_ =	shalt  }
0x51: {  	_ =	shalt  }
0x52: {  	_ =	shalt  }
0x53: {  	_ =	shalt  }
0x54: {  	_ =	shalt  }
0x55: {  	_ =	shalt  }
0x56: {  	_ =	shalt  }
0x57: {  	_ =	shalt  }
0x58: {  	_ =	shalt  }
0x59: {  	_ =	shalt  }
0x5a: {  	_ =	shalt  }
0x5b: {  	_ =	shalt  }
0x5c: {  	_ =	shalt  }
0x5d: {  	_ =	shalt  }
0x5e: {  	_ =	shalt  }
0x5f: {  	_ =	shalt  }
0x60: {  	_ =	shalt  }
0x61: {  	_ =	shalt  }
0x62: {  	_ =	shalt  }
0x63: {  	_ =	shalt  }
0x64: {  	_ =	shalt  }
0x65: {  	_ =	shalt  }
0x66: {  	_ =	shalt  }
0x67: {  	_ =	shalt  }
0x68: {  	_ =	shalt  }
0x69: {  	_ =	shalt  }
0x6a: {  	_ =	shalt  }
0x6b: {  	_ =	shalt  }
0x6c: {  	_ =	shalt  }
0x6d: {  	_ =	shalt  }
0x6e: {  	_ =	shalt  }
0x6f: {  	_ =	shalt  }
0x70: {  	_ =	shalt  }
0x71: {  	_ =	shalt  }
0x72: {  	_ =	shalt  }
0x73: {  	_ =	shalt  }
0x74: {  	_ =	shalt  }
0x75: {  	_ =	shalt  }
0x76: {  	_ =	shalt  }
0x77: {  	_ =	shalt  }
0x78: {  	_ =	shalt  }
0x79: {  	_ =	shalt  }
0x7a: {  	_ =	shalt  }
0x7b: {  	_ =	shalt  }
0x7c: {  	_ =	shalt  }
0x7d: {  	_ =	shalt  }
0x7e: {  	_ =	shalt  }
0x7f: {  	_ =	shalt  }
0x80: {  	_ =	shalt  }
0x81: {  	_ =	shalt  }
0x82: {  	_ =	shalt  }
0x83: {  	_ =	shalt  }
0x84: {  	_ =	shalt  }
0x85: {  	_ =	shalt  }
0x86: {  	_ =	shalt  }
0x87: {  	_ =	shalt  }
.Lfunc_end0:
.L_simem_size_0:
called_computation.2_lowered:
.L_overlay_start_0:
0x88: {  	s2 =	sld [smem:$0x3FD9]  }
0x89: {  	s3 =	sld [smem:$0x3FFE];
	_ =	sdelay $0x1  }
0x8a: {  	s1 =	srdreg.scid  }
0x8b: {  	s0 =	sand.u32 $0x1, s1  }
0x8c: {  	s17 =	sshll.u32 s0, $0xA;
	s2 =	sadd.s32 s3, s2  }
0x8d: {  	s2 =	sadd.s32 s2, s17  }
0x8e: {  	[smem:$0x3FC2] =	sst s2  }
0x8f: {  	_ = 	snop  }
0x90: {  	s2 =	sld [smem:$0x3FD0];
	(tm) =	ssettm $0x1  }
0x91: {  	s18 =	sld [smem:$0x3FFB];
	_ =	sdelay $0x3  }
0x92: {  	_ =	strace s18  }
0x93: {  	s3 =	sld [smem:$0x3FFC];
	_ =	sdelay $0x3  }
0x94: {  	_ =	strace s3  }
0x95: {  	s3 =	sld [smem:$0x3FFD];
	_ =	sdelay $0x3  }
0x96: {  	_ =	strace s3  }
0x97: {  	_ =	strace $0x8FFFFFFF  }
0x98: {  	s19 =	sld [smem:$0x3FDB];
	_ =	sdelay $0x1  }
0x99: {  	s4 =	simm.s32 $_scs_section_size  }
0x9a: {  	s5 =	simm.s32 $_size__tile_overlayer_lowered;
	s6 =	simm.s32 $_tile_overlayer_lowered  }
0x9b: {  	s22 =	simm.s32 $0x1BFF;
	s21 =	sshll.u32 s6, $0x1;
	s3 =	sadd.s32 s4, s19  }
0x9c: {  	s7 =	simm.s32 $0x0;
	s20 =	sshll.u32 s5, $0x1;
	s5 =	sadd.s32 s21, s3  }
0x9d: {  	[timem:s7], [sflag:s22] =	dma.local [hbm:s5], s20  }
0x9e: {  	_ =	swait.ge [sflag:s22], s20  }
0x9f: {  	s4 =	ssub.s32 $0x0, s20;
	[sflag:s22] =	ssyncset.done $0x0  }
0xa0: {  	[sflag:s22] =	ssyncadd.s32 s4;
	_ =	sdelay $0x1  }
0xa1: {  	s23 =	simm.s32 $0x1B8B  }
0xa2: {  	_ =	swait.ge [sflag:s23], $0x1  }
0xa3: {  	[sflag:s23] =	ssyncset.done $0x0  }
0xa4: {  	s25 =	simm.s32 $0x1B8E;
	s24 =	sld [smem:$0x3FFE];
	[sflag:s23] =	ssyncadd.s32 $0xFFFFFFFF  }
0xa5: {  	s26 =	simm.s32 $execute0_lowered;
	[smem:$0x3FD2] =	sst s25  }
0xa6: {  	s5 =	sshll.u32 s26, $0x1;
	_ =	strace $0x8000004C;
	[dreg:$0x1] =	wrdreg $0xFFFFFFFF  }
0xa7: {  	s28 =	simm.s32 $_size_execute0_lowered;
	s3 =	sadd.s32 s3, s5;
	[dreg:$0x0] =	wrdreg $0x0  }
0xa8: {  	s5 =	sshll.u32 s28, $0x1;
	[dreg:$0x2] =	wrdreg s3  }
0xa9: {  	[dreg:$0x3] =	wrdreg s5  }
0xaa: {  	[dreg:$0x4] =	wrdreg $0xC0  }
0xab: {  	_ =	task [dreg:s7], $0x5FFFF  }
0xac: {  	[dreg:$0x1] =	wrdreg $0xFFFFFFFF  }
0xad: {  	[dreg:$0x0] =	wrdreg $0x60  }
0xae: {  	[dreg:$0x2] =	wrdreg s24  }
0xaf: {  	[dreg:$0x3] =	wrdreg s2  }
0xb0: {  	[dreg:$0x4] =	wrdreg $0x84000  }
0xb1: {  	[dreg:$0x5] =	wrdreg $0x9  }
0xb2: {  	_ =	task.clear_ibuf [dreg:s7], $0x6FFFF;
	_ =	strace $0x9000004C  }
0xb3: {  	s29 =	simm.s32 $0x9;
	_ =	strace $0x8000004E  }
0xb4: {  	_ =	swait.ge [sflag:s29], $0x1  }
0xb5: {  	[sflag:s29] =	ssyncadd.s32 $0xFFFFFFFF  }
0xb6: {  	_ =	strace $0x9000004E  }
0xb7: {  	_ =	sfence  }
0xb8: {  	s30 =	sld [smem:$0x0];
	_ =	sdelay $0x2  }
0xb9: {  	s31 =	sshll.u32 s1, $0xD;
	s1 =	sshrl.u32 s1, $0x2  }
0xba: {  	s3 =	sand.u32 $0x4000, s31;
	s1 =	sadd.s32 s1, s30  }
0xbb: {  	s0 =	sor.u32 s3, s0;
	s1 =	sshll.u32 s1, $0x11  }
0xbc: {  	s0 =	sor.u32 s1, s0  }
0xbd: {  	s0 =	sadd.s32 $0x8F2B, s0  }
0xbe: {  	[sflag:s0] =	ssyncadd.remote.s32 $0x1  }
0xbf: {  	_ =	sfence.sel $0xFFFF  }
0xc0: {  	[dreg:$0x0] =	wrdreg $0xFFFFFFFF;
	(pc) =	sbr.abs _section_cstart, $3  }
0xc1: {  	[dreg:$0x1] =	wrdreg $0xFFFFFFFF  }
0xc2: {  	_ =	task.clear_ibuf [dreg:s7], $0x2FFFF;
	_ =	strace $0x9FFFFFFF  }
0xc3: {  	(tm) =	ssettm $0x7FFFFFFF  }
tec
execute0_lowered:
.L_overlay_start_1:
0x0: {  	(tag) =	ssettag $0x1  }
0x1: {  	s0 =	rddreg [dreg:$0x0]  }
0x2: {  	s3 =	rddreg [dreg:$0x2]  }
0x3: {  	s1 =	srdreg.scid;
	s13 =	stileid.u32  }
0x4: {  	s4 =	simm.s32 $0x0;
	s19 =	simm.s32 $0x3;
	s20 =	simm.s32 $0x80  }
0x5: {  	s21 =	simm.s32 $0x6000;
	s22 =	simm.s32 $0x6400;
	s23 =	simm.s32 $0x6800  }
0x6: {  	s24 =	simm.s32 $0x6C00;
	s28 =	simm.s32 $0x7800;
	s29 =	simm.s32 $0x7C00  }
0x7: {  	s30 =	simm.s32 $0x1;
	s31 =	simm.s32 $0x2;
	s2 =	smul.u32 $0x13C0, s13  }
0x8: {  	s1 =	sand.u32 $0x1, s1;
	[smem:$0x7FF] =	sst s4;
	s8 =	smul.u32 $0x600, s13  }
0x9: {  	s5 =	sadd.s32 $0xB600, s0;
	s10 =	sadd.s32 $0x15400, s0;
	s12 =	smul.u32 $0x4F00, s13  }
0xa: {  	s11 =	sadd.s32 $0x1600, s0;
	s13 =	sshll.u32 s13, $0xA;
	s25 =	smul.u32 $0x13C00, s1  }
0xb: {  	_ =	strace $0x8000004D;
	s6 =	ssub.s32 $0x2, s1;
	p0 =	seq.s32 s1, $0x0  }
0xc: {  	s7 =	sshrl.u32 s6, $0x1;
	s9 =	sadd.s32 $0x4000, s8;
	s12 =	sshrl.u32 s12, $0x2  }
0xd: {  	s4 =	sadd.s32 s2, s25;
	s26 =	ssub.s32 s6, s7;
	s6 =	simm.s32 $0x8000  }
0xe: {  	s7 =	simm.s32 $0x8000;
	s8 =	sadd.s32 s10, s9;
	s9 =	sadd.s32 s11, s9  }
0xf: {  	s10 =	sadd.s32 s10, s13;
	s11 =	sadd.s32 s11, s13;
	s16 =	sadd.s32 s12, s3  }
0x10: {  	s12 =	sadd.s32 s2, s3;
	s25 =	simm.s32 $0x7000;
	s4 =	sshrl.u32 s4, $0x3  }
0x11: {  	s6 =	simm.s32 @!p0 $0xC000;
	[dreg:$0x4] =	wrdreg s8;
	s13 =	sadd.s32 $0x400, s16  }
0x12: {  	s14 =	sadd.s32 $0x800, s16;
	s15 =	sadd.s32 $0xC00, s16;
	s16 =	sadd.s32 $0x1000, s16  }
0x13: {  	s18 =	smax.u32 s26, $0x1;
	p0 =	sne.s32 s1, $0x0;
	s0 =	sadd.s32 s4, s0  }
0x14: {  	s26 =	simm.s32 $0x7400;
	s17 =	sadd.s32 $0xDE00, s0;
	s0 =	simm.s32 $0x0  }
.LBB2_1:
0x15: {  	s1 =	simm.s32 @p0 $0x0;
	s2 =	rddreg [dreg:$0x4]  }
0x16: {  	[tilespmem:s1], [sflag:$0x3] =	stream.linear.gather @p0 [hbm4b:s2+s1], $0x3000, $0x38;
	[tilespmem:$0x97C0] =	vst v63  }
0x17: {  	s2 =	simm.s32 @p0 $0x3  }
0x18: {  	_ =	swait.ge @p0 [sflag:s2], $0x3000  }
0x19: {  	[sflag:s2] =	ssyncset.done @p0 $0x0  }
0x1a: {  	s4 =	simm.s32 @p0 $0x3000;
	[sflag:s2] =	ssyncadd.s32 @p0 $0xFFFFD000  }
0x1b: {  	[tilespmem:s4], [sflag:$0x3] =	stream.linear.gather @p0 [hbm4b:s9+s1], $0x3000, $0x38;
	[tilespmem:$0x97C0] =	vst v63  }
0x1c: {  	_ =	swait.ge @p0 [sflag:s2], $0x3000  }
0x1d: {  	[sflag:s2] =	ssyncset.done @p0 $0x0  }
0x1e: {  	s1 =	simm.s32 @!p0 $0x0;
	[sflag:s2] =	ssyncadd.s32 @p0 $0xFFFFD000;
	s2 =	simm.s32 @!p0 $0x3  }
0x1f: {  	[tilespmem:s1], [sflag:$0x3] =	stream.linear.gather @!p0 [hbm4b:s10+s1], $0x2000, $0x38;
	[tilespmem:$0x97C0] =	vst v63  }
0x20: {  	_ =	swait.ge @!p0 [sflag:s2], $0x2000  }
0x21: {  	[sflag:s2] =	ssyncset.done @!p0 $0x0  }
0x22: {  	s4 =	simm.s32 @!p0 $0x3000;
	[sflag:s2] =	ssyncadd.s32 @!p0 $0xFFFFE000  }
0x23: {  	[tilespmem:s4], [sflag:$0x3] =	stream.linear.gather @!p0 [hbm4b:s11+s1], $0x2000, $0x38;
	[tilespmem:$0x97C0] =	vst v63  }
0x24: {  	_ =	swait.ge @!p0 [sflag:s2], $0x2000  }
0x25: {  	[sflag:s2] =	ssyncset.done @!p0 $0x0  }
0x26: {  	[sflag:s2] =	ssyncadd.s32 @!p0 $0xFFFFE000  }
0x27: {  	s8 =	simm.s32 $0x0;
	s4 =	rddreg [dreg:$0x1]  }
0x28: {  	[tilespmem:s7], [sflag:$0x3] =	stream.linear.gather [hbm4b:s4+s8], $0x400, $0x38;
	[tilespmem:$0x97C0] =	vst v63  }
0x29: {  	_ =	swait.ge [sflag:s19], $0x400  }
0x2a: {  	[sflag:s19] =	ssyncset.done $0x0  }
0x2b: {  	[sflag:s19] =	ssyncadd.s32 $0xFFFFFC00  }
0x2c: {  	[spmem:s12] =	stream.linear.scatter [tilespmem:s7], [sflag:$0x3], $0x400, $0x38;
	[tilespmem:$0x97C0] =	vst v63  }
0x2d: {  	_ =	swait.ge [sflag:s19], $0x400  }
0x2e: {  	[sflag:s19] =	ssyncset.done $0x0  }
0x2f: {  	[sflag:s19] =	ssyncadd.s32 $0xFFFFFC00  }
0x30: {  	[spmem:s13] =	stream.linear.scatter [tilespmem:s7], [sflag:$0x3], $0x400, $0x38;
	[tilespmem:$0x97C0] =	vst v63  }
0x31: {  	_ =	swait.ge [sflag:s19], $0x400  }
0x32: {  	[sflag:s19] =	ssyncset.done $0x0  }
0x33: {  	[sflag:s19] =	ssyncadd.s32 $0xFFFFFC00  }
0x34: {  	[spmem:s14] =	stream.linear.scatter [tilespmem:s7], [sflag:$0x3], $0x400, $0x38;
	[tilespmem:$0x97C0] =	vst v63  }
0x35: {  	_ =	swait.ge [sflag:s19], $0x400  }
0x36: {  	[sflag:s19] =	ssyncset.done $0x0  }
0x37: {  	[sflag:s19] =	ssyncadd.s32 $0xFFFFFC00  }
0x38: {  	[spmem:s15] =	stream.linear.scatter [tilespmem:s7], [sflag:$0x3], $0x400, $0x38;
	[tilespmem:$0x97C0] =	vst v63  }
0x39: {  	_ =	swait.ge [sflag:s19], $0x400  }
0x3a: {  	[sflag:s19] =	ssyncset.done $0x0  }
0x3b: {  	p2 =	sne.s32 s6, $0x1000;
	[sflag:s19] =	ssyncadd.s32 $0xFFFFFC00  }
0x3c: {  	[spmem:s16] =	stream.linear.scatter [tilespmem:s7], [sflag:$0x3], $0x3C0, $0x38;
	[tilespmem:$0x97C0] =	vst v63  }
.Ltmp0:
0x3d: {  	_ =	swait.ge [sflag:s19], $0x3C0;
	(pc) =	sbr.rel @!p2 .LBB2_6-.Ltmp0, $4  }
0x3e: {  	[sflag:s19] =	ssyncset.done $0x0  }
0x3f: {  	[sflag:s19] =	ssyncadd.s32 $0xFFFFFC40  }
0x40: {  	[bflag:$0x0] =	sbarrier.arrive $0xFFFF  }
0x41: {  	p1 =	por $0x0, $0x0;
	s1 =	simm.s32 $0x0;
	s2 =	simm.s32 $0x1000  }
0x42: {  	s1 =	simm.s32 $0x0  }
0x43: {  	[tilespmem:s21], [sflag:$0x1] =	stream.indirect.gather [hbm4b:s5+s20], $0x8, s1, s20, $0xb8;
	[tilespmem:$0x97C0] =	vst v63  }
0x44: {  	s8 =	simm.s32 $0x80  }
0x45: {  	[tilespmem:s22], [sflag:$0x1] =	stream.indirect.gather [hbm4b:s5+s20], $0x8, s8, s20, $0xb8;
	[tilespmem:$0x97C0] =	vst v63  }
0x46: {  	s4 =	simm.s32 $0x100  }
0x47: {  	[tilespmem:s23], [sflag:$0x1] =	stream.indirect.gather [hbm4b:s5+s20], $0x8, s4, s20, $0xb8;
	[tilespmem:$0x97C0] =	vst v63  }
0x48: {  	s8 =	simm.s32 $0x180  }
0x49: {  	[tilespmem:s24], [sflag:$0x1] =	stream.indirect.gather [hbm4b:s5+s20], $0x8, s8, s20, $0xb8;
	[tilespmem:$0x97C0] =	vst v63  }
0x4a: {  	s4 =	simm.s32 $0x200  }
0x4b: {  	[tilespmem:s25], [sflag:$0x1] =	stream.indirect.gather [hbm4b:s5+s20], $0x8, s4, s20, $0xb8;
	[tilespmem:$0x97C0] =	vst v63  }
0x4c: {  	s8 =	simm.s32 $0x280  }
0x4d: {  	[tilespmem:s26], [sflag:$0x1] =	stream.indirect.gather [hbm4b:s5+s20], $0x8, s8, s20, $0xb8;
	[tilespmem:$0x97C0] =	vst v63  }
0x4e: {  	s4 =	simm.s32 $0x300  }
0x4f: {  	[tilespmem:s28], [sflag:$0x1] =	stream.indirect.gather [hbm4b:s5+s20], $0x8, s4, s20, $0xb8;
	[tilespmem:$0x97C0] =	vst v63  }
0x50: {  	s8 =	simm.s32 $0x380  }
0x51: {  	[tilespmem:s29], [sflag:$0x1] =	stream.indirect.gather [hbm4b:s5+s20], $0x8, s8, s20, $0xb8;
	[tilespmem:$0x97C0] =	vst v63  }
0x52: {  	_ =	swait.ge [sflag:s30], $0x400  }
0x53: {  	[sflag:s30] =	ssyncset.done $0x0  }
0x54: {  	[sflag:s30] =	ssyncadd.s32 $0xFFFFFC00  }
0x55: {  	_ =	swait.ge [sflag:s30], $0x400  }
0x56: {  	[sflag:s30] =	ssyncset.done $0x0  }
0x57: {  	[sflag:s30] =	ssyncadd.s32 $0xFFFFFC00  }
0x58: {  	_ =	swait.ge [sflag:s30], $0x400  }
0x59: {  	[sflag:s30] =	ssyncset.done $0x0  }
0x5a: {  	[sflag:s30] =	ssyncadd.s32 $0xFFFFFC00  }
0x5b: {  	_ =	swait.ge [sflag:s30], $0x400  }
0x5c: {  	[sflag:s30] =	ssyncset.done $0x0  }
0x5d: {  	[sflag:s30] =	ssyncadd.s32 $0xFFFFFC00  }
0x5e: {  	_ =	swait.ge [sflag:s30], $0x400  }
0x5f: {  	[sflag:s30] =	ssyncset.done $0x0  }
0x60: {  	[sflag:s30] =	ssyncadd.s32 $0xFFFFFC00  }
0x61: {  	_ =	swait.ge [sflag:s30], $0x400  }
0x62: {  	[sflag:s30] =	ssyncset.done $0x0  }
0x63: {  	[sflag:s30] =	ssyncadd.s32 $0xFFFFFC00  }
0x64: {  	_ =	swait.ge [sflag:s30], $0x400  }
0x65: {  	[sflag:s30] =	ssyncset.done $0x0  }
0x66: {  	[sflag:s30] =	ssyncadd.s32 $0xFFFFFC00  }
0x67: {  	_ =	swait.ge [sflag:s30], $0x400  }
0x68: {  	[sflag:s30] =	ssyncset.done $0x0  }
0x69: {  	s4 =	simm.s32 $0x3000;
	[sflag:s30] =	ssyncadd.s32 $0xFFFFFC00  }
0x6a: {  	[spmem:s3] =	stream.indirect.scatter.add.f32 [tilespmem:s21], [sflag:$0x2], $0x8, s4, s20, $0xb8;
	[tilespmem:$0x97C0] =	vst v63  }
0x6b: {  	s8 =	simm.s32 $0x3080  }
0x6c: {  	[spmem:s3] =	stream.indirect.scatter.add.f32 [tilespmem:s22], [sflag:$0x2], $0x8, s8, s20, $0xb8;
	[tilespmem:$0x97C0] =	vst v63  }
0x6d: {  	s4 =	simm.s32 $0x3100  }
0x6e: {  	[spmem:s3] =	stream.indirect.scatter.add.f32 [tilespmem:s23], [sflag:$0x2], $0x8, s4, s20, $0xb8;
	[tilespmem:$0x97C0] =	vst v63  }
0x6f: {  	s8 =	simm.s32 $0x3180  }
0x70: {  	[spmem:s3] =	stream.indirect.scatter.add.f32 [tilespmem:s24], [sflag:$0x2], $0x8, s8, s20, $0xb8;
	[tilespmem:$0x97C0] =	vst v63  }
0x71: {  	s4 =	simm.s32 $0x3200  }
0x72: {  	[spmem:s3] =	stream.indirect.scatter.add.f32 [tilespmem:s25], [sflag:$0x2], $0x8, s4, s20, $0xb8;
	[tilespmem:$0x97C0] =	vst v63  }
0x73: {  	s8 =	simm.s32 $0x3280  }
0x74: {  	[spmem:s3] =	stream.indirect.scatter.add.f32 [tilespmem:s26], [sflag:$0x2], $0x8, s8, s20, $0xb8;
	[tilespmem:$0x97C0] =	vst v63  }
0x75: {  	s4 =	simm.s32 $0x3300  }
0x76: {  	[spmem:s3] =	stream.indirect.scatter.add.f32 [tilespmem:s28], [sflag:$0x2], $0x8, s4, s20, $0xb8;
	[tilespmem:$0x97C0] =	vst v63  }
0x77: {  	s8 =	simm.s32 $0x3380  }
0x78: {  	[spmem:s3] =	stream.indirect.scatter.add.f32 [tilespmem:s29], [sflag:$0x2], $0x8, s8, s20, $0xb8;
	[tilespmem:$0x97C0] =	vst v63  }
0x79: {  	_ =	swait.ge [sflag:s31], $0x400  }
0x7a: {  	[sflag:s31] =	ssyncset.done $0x0  }
0x7b: {  	[sflag:s31] =	ssyncadd.s32 $0xFFFFFC00  }
0x7c: {  	_ =	swait.ge [sflag:s31], $0x400  }
0x7d: {  	[sflag:s31] =	ssyncset.done $0x0  }
0x7e: {  	[sflag:s31] =	ssyncadd.s32 $0xFFFFFC00  }
0x7f: {  	_ =	swait.ge [sflag:s31], $0x400  }
0x80: {  	[sflag:s31] =	ssyncset.done $0x0  }
0x81: {  	[sflag:s31] =	ssyncadd.s32 $0xFFFFFC00  }
0x82: {  	_ =	swait.ge [sflag:s31], $0x400  }
0x83: {  	[sflag:s31] =	ssyncset.done $0x0  }
0x84: {  	[sflag:s31] =	ssyncadd.s32 $0xFFFFFC00  }
0x85: {  	_ =	swait.ge [sflag:s31], $0x400  }
0x86: {  	[sflag:s31] =	ssyncset.done $0x0  }
0x87: {  	[sflag:s31] =	ssyncadd.s32 $0xFFFFFC00  }
0x88: {  	_ =	swait.ge [sflag:s31], $0x400  }
0x89: {  	[sflag:s31] =	ssyncset.done $0x0  }
0x8a: {  	p2 =	sne.s32 s6, $0x2000;
	[sflag:s31] =	ssyncadd.s32 $0xFFFFFC00  }
.Ltmp1:
0x8b: {  	_ =	swait.ge [sflag:s31], $0x400;
	(pc) =	sbr.rel @!p2 .LBB2_3-.Ltmp1, $4  }
0x8c: {  	[sflag:s31] =	ssyncset.done $0x0  }
0x8d: {  	[sflag:s31] =	ssyncadd.s32 $0xFFFFFC00  }
0x8e: {  	_ =	swait.ge [sflag:s31], $0x400  }
0x8f: {  	p1 =	por $0x1, $0x1;
	s4 =	simm.s32 $0x2000;
	[sflag:s31] =	ssyncset.done $0x0  }
.LBB2_4:
0x90: {  	s1 =	sshra.s32 s2, $0x2  }
0x91: {  	[sflag:s31] =	ssyncadd.s32 $0xFFFFFC00;
	s2 =	smov.u32 s4;
	s4 =	sadd.s32 $0x1000, s4  }
0x92: {  	[tilespmem:s21], [sflag:$0x1] =	stream.indirect.gather [hbm4b:s5+s20], $0x8, s1, s20, $0xb8;
	[tilespmem:$0x97C0] =	vst v63  }
0x93: {  	p2 =	sne.s32 s6, s4;
	s8 =	sadd.s32 $0x80, s1  }
0x94: {  	[tilespmem:s22], [sflag:$0x1] =	stream.indirect.gather [hbm4b:s5+s20], $0x8, s8, s20, $0xb8;
	[tilespmem:$0x97C0] =	vst v63  }
0x95: {  	s8 =	sadd.s32 $0x100, s1  }
0x96: {  	[tilespmem:s23], [sflag:$0x1] =	stream.indirect.gather [hbm4b:s5+s20], $0x8, s8, s20, $0xb8;
	[tilespmem:$0x97C0] =	vst v63  }
0x97: {  	s8 =	sadd.s32 $0x180, s1  }
0x98: {  	[tilespmem:s24], [sflag:$0x1] =	stream.indirect.gather [hbm4b:s5+s20], $0x8, s8, s20, $0xb8;
	[tilespmem:$0x97C0] =	vst v63  }
0x99: {  	s8 =	sadd.s32 $0x200, s1  }
0x9a: {  	[tilespmem:s25], [sflag:$0x1] =	stream.indirect.gather [hbm4b:s5+s20], $0x8, s8, s20, $0xb8;
	[tilespmem:$0x97C0] =	vst v63  }
0x9b: {  	s8 =	sadd.s32 $0x280, s1  }
0x9c: {  	[tilespmem:s26], [sflag:$0x1] =	stream.indirect.gather [hbm4b:s5+s20], $0x8, s8, s20, $0xb8;
	[tilespmem:$0x97C0] =	vst v63  }
0x9d: {  	s8 =	sadd.s32 $0x300, s1  }
0x9e: {  	[tilespmem:s28], [sflag:$0x1] =	stream.indirect.gather [hbm4b:s5+s20], $0x8, s8, s20, $0xb8;
	[tilespmem:$0x97C0] =	vst v63  }
0x9f: {  	s8 =	sadd.s32 $0x380, s1  }
0xa0: {  	[tilespmem:s29], [sflag:$0x1] =	stream.indirect.gather [hbm4b:s5+s20], $0x8, s8, s20, $0xb8;
	[tilespmem:$0x97C0] =	vst v63  }
0xa1: {  	_ =	swait.ge [sflag:s30], $0x400  }
0xa2: {  	[sflag:s30] =	ssyncset.done $0x0  }
0xa3: {  	[sflag:s30] =	ssyncadd.s32 $0xFFFFFC00  }
0xa4: {  	_ =	swait.ge [sflag:s30], $0x400  }
0xa5: {  	[sflag:s30] =	ssyncset.done $0x0  }
0xa6: {  	[sflag:s30] =	ssyncadd.s32 $0xFFFFFC00  }
0xa7: {  	_ =	swait.ge [sflag:s30], $0x400  }
0xa8: {  	[sflag:s30] =	ssyncset.done $0x0  }
0xa9: {  	[sflag:s30] =	ssyncadd.s32 $0xFFFFFC00  }
0xaa: {  	_ =	swait.ge [sflag:s30], $0x400  }
0xab: {  	[sflag:s30] =	ssyncset.done $0x0  }
0xac: {  	[sflag:s30] =	ssyncadd.s32 $0xFFFFFC00  }
0xad: {  	_ =	swait.ge [sflag:s30], $0x400  }
0xae: {  	[sflag:s30] =	ssyncset.done $0x0  }
0xaf: {  	[sflag:s30] =	ssyncadd.s32 $0xFFFFFC00  }
0xb0: {  	_ =	swait.ge [sflag:s30], $0x400  }
0xb1: {  	[sflag:s30] =	ssyncset.done $0x0  }
0xb2: {  	[sflag:s30] =	ssyncadd.s32 $0xFFFFFC00  }
0xb3: {  	_ =	swait.ge [sflag:s30], $0x400  }
0xb4: {  	[sflag:s30] =	ssyncset.done $0x0  }
0xb5: {  	[sflag:s30] =	ssyncadd.s32 $0xFFFFFC00  }
0xb6: {  	_ =	swait.ge [sflag:s30], $0x400  }
0xb7: {  	[sflag:s30] =	ssyncset.done $0x0  }
0xb8: {  	s8 =	sadd.s32 $0x3000, s1;
	[sflag:s30] =	ssyncadd.s32 $0xFFFFFC00  }
0xb9: {  	[spmem:s3] =	stream.indirect.scatter.add.f32 [tilespmem:s21], [sflag:$0x2], $0x8, s8, s20, $0xb8;
	[tilespmem:$0x97C0] =	vst v63  }
0xba: {  	s8 =	sadd.s32 $0x3080, s1  }
0xbb: {  	[spmem:s3] =	stream.indirect.scatter.add.f32 [tilespmem:s22], [sflag:$0x2], $0x8, s8, s20, $0xb8;
	[tilespmem:$0x97C0] =	vst v63  }
0xbc: {  	s8 =	sadd.s32 $0x3100, s1  }
0xbd: {  	[spmem:s3] =	stream.indirect.scatter.add.f32 [tilespmem:s23], [sflag:$0x2], $0x8, s8, s20, $0xb8;
	[tilespmem:$0x97C0] =	vst v63  }
0xbe: {  	s8 =	sadd.s32 $0x3180, s1  }
0xbf: {  	[spmem:s3] =	stream.indirect.scatter.add.f32 [tilespmem:s24], [sflag:$0x2], $0x8, s8, s20, $0xb8;
	[tilespmem:$0x97C0] =	vst v63  }
0xc0: {  	s8 =	sadd.s32 $0x3200, s1  }
0xc1: {  	[spmem:s3] =	stream.indirect.scatter.add.f32 [tilespmem:s25], [sflag:$0x2], $0x8, s8, s20, $0xb8;
	[tilespmem:$0x97C0] =	vst v63  }
0xc2: {  	s8 =	sadd.s32 $0x3280, s1  }
0xc3: {  	[spmem:s3] =	stream.indirect.scatter.add.f32 [tilespmem:s26], [sflag:$0x2], $0x8, s8, s20, $0xb8;
	[tilespmem:$0x97C0] =	vst v63  }
0xc4: {  	s8 =	sadd.s32 $0x3300, s1  }
0xc5: {  	[spmem:s3] =	stream.indirect.scatter.add.f32 [tilespmem:s28], [sflag:$0x2], $0x8, s8, s20, $0xb8;
	[tilespmem:$0x97C0] =	vst v63  }
0xc6: {  	s1 =	sadd.s32 $0x3380, s1  }
0xc7: {  	[spmem:s3] =	stream.indirect.scatter.add.f32 [tilespmem:s29], [sflag:$0x2], $0x8, s1, s20, $0xb8;
	[tilespmem:$0x97C0] =	vst v63  }
0xc8: {  	_ =	swait.ge [sflag:s31], $0x400  }
0xc9: {  	[sflag:s31] =	ssyncset.done $0x0  }
0xca: {  	[sflag:s31] =	ssyncadd.s32 $0xFFFFFC00  }
0xcb: {  	_ =	swait.ge [sflag:s31], $0x400  }
0xcc: {  	[sflag:s31] =	ssyncset.done $0x0  }
0xcd: {  	[sflag:s31] =	ssyncadd.s32 $0xFFFFFC00  }
0xce: {  	_ =	swait.ge [sflag:s31], $0x400  }
0xcf: {  	[sflag:s31] =	ssyncset.done $0x0  }
0xd0: {  	[sflag:s31] =	ssyncadd.s32 $0xFFFFFC00  }
0xd1: {  	_ =	swait.ge [sflag:s31], $0x400  }
0xd2: {  	[sflag:s31] =	ssyncset.done $0x0  }
0xd3: {  	[sflag:s31] =	ssyncadd.s32 $0xFFFFFC00  }
0xd4: {  	_ =	swait.ge [sflag:s31], $0x400  }
0xd5: {  	[sflag:s31] =	ssyncset.done $0x0  }
0xd6: {  	[sflag:s31] =	ssyncadd.s32 $0xFFFFFC00  }
0xd7: {  	_ =	swait.ge [sflag:s31], $0x400  }
0xd8: {  	[sflag:s31] =	ssyncset.done $0x0  }
0xd9: {  	[sflag:s31] =	ssyncadd.s32 $0xFFFFFC00  }
.Ltmp2:
0xda: {  	_ =	swait.ge [sflag:s31], $0x400;
	(pc) =	sbr.rel @p2 .LBB2_4-.Ltmp2, $4  }
0xdb: {  	[sflag:s31] =	ssyncset.done $0x0  }
0xdc: {  	[sflag:s31] =	ssyncadd.s32 $0xFFFFFC00  }
0xdd: {  	_ =	swait.ge [sflag:s31], $0x400  }
0xde: {  	[sflag:s31] =	ssyncset.done $0x0  }
0xdf: {  	s1 =	smov.u32 s2  }
.LBB2_6:
0xe0: {  	s1 =	sshra.s32 s1, $0x2;
	[sflag:s31] =	ssyncadd.s32 @p1 $0xFFFFFC00  }
0xe1: {  	[tilespmem:s21], [sflag:$0x1] =	stream.indirect.gather [hbm4b:s5+s20], $0x8, s1, s20, $0xb8;
	[tilespmem:$0x97C0] =	vst v63  }
0xe2: {  	s2 =	sadd.s32 $0x80, s1  }
0xe3: {  	[tilespmem:s22], [sflag:$0x1] =	stream.indirect.gather [hbm4b:s5+s20], $0x8, s2, s20, $0xb8;
	[tilespmem:$0x97C0] =	vst v63  }
0xe4: {  	s8 =	sadd.s32 $0x100, s1  }
0xe5: {  	[tilespmem:s23], [sflag:$0x1] =	stream.indirect.gather [hbm4b:s5+s20], $0x8, s8, s20, $0xb8;
	[tilespmem:$0x97C0] =	vst v63  }
0xe6: {  	s4 =	sadd.s32 $0x180, s1  }
0xe7: {  	[tilespmem:s24], [sflag:$0x1] =	stream.indirect.gather [hbm4b:s5+s20], $0x8, s4, s20, $0xb8;
	[tilespmem:$0x97C0] =	vst v63  }
0xe8: {  	s8 =	sadd.s32 $0x200, s1  }
0xe9: {  	[tilespmem:s25], [sflag:$0x1] =	stream.indirect.gather [hbm4b:s5+s20], $0x8, s8, s20, $0xb8;
	[tilespmem:$0x97C0] =	vst v63  }
0xea: {  	s4 =	sadd.s32 $0x280, s1  }
0xeb: {  	[tilespmem:s26], [sflag:$0x1] =	stream.indirect.gather [hbm4b:s5+s20], $0x8, s4, s20, $0xb8;
	[tilespmem:$0x97C0] =	vst v63  }
0xec: {  	s8 =	sadd.s32 $0x300, s1  }
0xed: {  	[tilespmem:s28], [sflag:$0x1] =	stream.indirect.gather [hbm4b:s5+s20], $0x8, s8, s20, $0xb8;
	[tilespmem:$0x97C0] =	vst v63  }
0xee: {  	s4 =	sadd.s32 $0x380, s1  }
0xef: {  	[tilespmem:s29], [sflag:$0x1] =	stream.indirect.gather [hbm4b:s5+s20], $0x8, s4, s20, $0xb8;
	[tilespmem:$0x97C0] =	vst v63  }
0xf0: {  	_ =	swait.ge [sflag:s30], $0x400  }
0xf1: {  	[sflag:s30] =	ssyncset.done $0x0  }
0xf2: {  	[sflag:s30] =	ssyncadd.s32 $0xFFFFFC00  }
0xf3: {  	_ =	swait.ge [sflag:s30], $0x400  }
0xf4: {  	[sflag:s30] =	ssyncset.done $0x0  }
0xf5: {  	[sflag:s30] =	ssyncadd.s32 $0xFFFFFC00  }
0xf6: {  	_ =	swait.ge [sflag:s30], $0x400  }
0xf7: {  	[sflag:s30] =	ssyncset.done $0x0  }
0xf8: {  	[sflag:s30] =	ssyncadd.s32 $0xFFFFFC00  }
0xf9: {  	_ =	swait.ge [sflag:s30], $0x400  }
0xfa: {  	[sflag:s30] =	ssyncset.done $0x0  }
0xfb: {  	[sflag:s30] =	ssyncadd.s32 $0xFFFFFC00  }
0xfc: {  	_ =	swait.ge [sflag:s30], $0x400  }
0xfd: {  	[sflag:s30] =	ssyncset.done $0x0  }
0xfe: {  	[sflag:s30] =	ssyncadd.s32 $0xFFFFFC00  }
0xff: {  	_ =	swait.ge [sflag:s30], $0x400  }
0x100: {  	[sflag:s30] =	ssyncset.done $0x0  }
0x101: {  	[sflag:s30] =	ssyncadd.s32 $0xFFFFFC00  }
0x102: {  	_ =	swait.ge [sflag:s30], $0x400  }
0x103: {  	[sflag:s30] =	ssyncset.done $0x0  }
0x104: {  	[sflag:s30] =	ssyncadd.s32 $0xFFFFFC00  }
0x105: {  	_ =	swait.ge [sflag:s30], $0x400  }
0x106: {  	[sflag:s30] =	ssyncset.done $0x0  }
0x107: {  	s8 =	sadd.s32 $0x3000, s1;
	[sflag:s30] =	ssyncadd.s32 $0xFFFFFC00  }
0x108: {  	[spmem:s3] =	stream.indirect.scatter.add.f32 [tilespmem:s21], [sflag:$0x2], $0x8, s8, s20, $0xb8;
	[tilespmem:$0x97C0] =	vst v63  }
0x109: {  	s4 =	sadd.s32 $0x3080, s1  }
0x10a: {  	[spmem:s3] =	stream.indirect.scatter.add.f32 [tilespmem:s22], [sflag:$0x2], $0x8, s4, s20, $0xb8;
	[tilespmem:$0x97C0] =	vst v63  }
0x10b: {  	s8 =	sadd.s32 $0x3100, s1  }
0x10c: {  	[spmem:s3] =	stream.indirect.scatter.add.f32 [tilespmem:s23], [sflag:$0x2], $0x8, s8, s20, $0xb8;
	[tilespmem:$0x97C0] =	vst v63  }
0x10d: {  	s4 =	sadd.s32 $0x3180, s1  }
0x10e: {  	[spmem:s3] =	stream.indirect.scatter.add.f32 [tilespmem:s24], [sflag:$0x2], $0x8, s4, s20, $0xb8;
	[tilespmem:$0x97C0] =	vst v63  }
0x10f: {  	s8 =	sadd.s32 $0x3200, s1  }
0x110: {  	[spmem:s3] =	stream.indirect.scatter.add.f32 [tilespmem:s25], [sflag:$0x2], $0x8, s8, s20, $0xb8;
	[tilespmem:$0x97C0] =	vst v63  }
0x111: {  	s4 =	sadd.s32 $0x3280, s1  }
0x112: {  	[spmem:s3] =	stream.indirect.scatter.add.f32 [tilespmem:s26], [sflag:$0x2], $0x8, s4, s20, $0xb8;
	[tilespmem:$0x97C0] =	vst v63  }
0x113: {  	s8 =	sadd.s32 $0x3300, s1  }
0x114: {  	[spmem:s3] =	stream.indirect.scatter.add.f32 [tilespmem:s28], [sflag:$0x2], $0x8, s8, s20, $0xb8;
	[tilespmem:$0x97C0] =	vst v63  }
0x115: {  	s1 =	sadd.s32 $0x3380, s1  }
0x116: {  	[spmem:s3] =	stream.indirect.scatter.add.f32 [tilespmem:s29], [sflag:$0x2], $0x8, s1, s20, $0xb8;
	[tilespmem:$0x97C0] =	vst v63  }
0x117: {  	_ =	swait.ge [sflag:s31], $0x400  }
0x118: {  	[sflag:s31] =	ssyncset.done $0x0  }
0x119: {  	[sflag:s31] =	ssyncadd.s32 $0xFFFFFC00  }
0x11a: {  	_ =	swait.ge [sflag:s31], $0x400  }
0x11b: {  	[sflag:s31] =	ssyncset.done $0x0  }
0x11c: {  	[sflag:s31] =	ssyncadd.s32 $0xFFFFFC00  }
0x11d: {  	_ =	swait.ge [sflag:s31], $0x400  }
0x11e: {  	[sflag:s31] =	ssyncset.done $0x0  }
0x11f: {  	[sflag:s31] =	ssyncadd.s32 $0xFFFFFC00  }
0x120: {  	_ =	swait.ge [sflag:s31], $0x400  }
0x121: {  	[sflag:s31] =	ssyncset.done $0x0  }
0x122: {  	[sflag:s31] =	ssyncadd.s32 $0xFFFFFC00  }
0x123: {  	_ =	swait.ge [sflag:s31], $0x400  }
0x124: {  	[sflag:s31] =	ssyncset.done $0x0  }
0x125: {  	[sflag:s31] =	ssyncadd.s32 $0xFFFFFC00  }
0x126: {  	_ =	swait.ge [sflag:s31], $0x400  }
0x127: {  	[sflag:s31] =	ssyncset.done $0x0  }
0x128: {  	[sflag:s31] =	ssyncadd.s32 $0xFFFFFC00  }
0x129: {  	_ =	swait.ge [sflag:s31], $0x400  }
0x12a: {  	[sflag:s31] =	ssyncset.done $0x0  }
0x12b: {  	[sflag:s31] =	ssyncadd.s32 $0xFFFFFC00  }
0x12c: {  	_ =	swait.ge [sflag:s31], $0x400  }
0x12d: {  	s0 =	sadd.s32 $0x1, s0;
	s4 =	stileid.u32;
	[sflag:s31] =	ssyncset.done $0x0  }
0x12e: {  	p1 =	sne.s32 s0, s18;
	s1 =	sshll.u32 s4, $0x6;
	[sflag:s31] =	ssyncadd.s32 $0xFFFFFC00  }
0x12f: {  	s8 =	sshrl.u32 s12, $0x3;
	s1 =	sor.u32 $0x1C03, s1;
	[bflag:$0x0] =	sbarrier.arrive $0xFFFF  }
0x130: {  	[hbm:s17], [sflag:s1] =	dma.local [spmem:s8], $0x278  }
.Ltmp3:
0x131: {  	_ = 	snop;
	(pc) =	sbr.rel @p1 .LBB2_1-.Ltmp3, $4  }
.Ltmp4:
0x132: {  	_ = 	snop;
	(pc) =	sbr.rel @!p1 .LBB2_7-.Ltmp4, $4  }
0x133: {  	_ =	swait.ge [sflag:s19], $0x278  }
0x134: {  	[sflag:s19] =	ssyncset.done $0x0  }
0x135: {  	[sflag:s19] =	ssyncadd.s32 $0xFFFFFD88  }
0x136: {  	_ = 	snop  }
.LBB2_3:
.Ltmp5:
0x137: {  	(pc) =	sbr.rel .LBB2_6-.Ltmp5, $2  }
0x138: {  	_ =	sdelay $0x2  }
0x139: {  	s1 =	simm.s32 $0x1000  }
.LBB2_7:
0x13a: {  	_ =	sfence.sel $0x180000  }
0x13b: {  	[bflag:$0x0] =	sbarrier.arrive $0xFFFF  }
0x13c: {  	_ =	strace $0x9000004D  }
0x13d: {  	s0 =	stileid.u32;
	[bflag:$0x2] =	sbarrier.arrive $0xFFFF  }
0x13e: {  	p0 =	sne.s32 s0, $0x0;
	s0 =	rddreg [dreg:$0x3]  }
0x13f: {  	s0 =	sadd.s32 @!p0 $0x100000, s0  }
0x140: {  	[sflag:s0] =	ssyncadd.tile.s32 @!p0 $0x1;
	_ =	shalt  }
.Lfunc_end2:
_tile_overlayer_lowered:
.L_overlay_start_2:
0x141: {  	(tag) =	ssettag $0x2  }
0x142: {  	s0 =	rddreg [dreg:$0x0];
	s2 =	stileid.u32  }
0x143: {  	s1 =	rddreg [dreg:$0x1];
	p0 =	sne.s32 s2, $0x0  }
0x144: {  	s3 =	rddreg [dreg:$0x2];
	[bflag:$0x3] =	sbarrier.arrive $0xFFFF;
	s2 =	simm.s32 @!p0 $0x1C03  }
0x145: {  	[timem:s3], [sflag:s2] =	dma.local @!p0 [hbm:s0], s1  }
0x146: {  	s0 =	simm.s32 @!p0 $0x3  }
0x147: {  	_ =	swait.ge @!p0 [sflag:s0], s1  }
0x148: {  	s1 =	ssub.s32 @!p0 $0x0, s1;
	[sflag:s0] =	ssyncset.done @!p0 $0x0  }
0x149: {  	[sflag:s0] =	ssyncadd.s32 @!p0 s1  }
0x14a: {  	[bflag:$0x3] =	sbarrier.arrive $0xFFFF  }
0x14b: {  	_ =	shalt  }

// kernel: kernel.8.cloned.1.call-start
scs
__scs_entry_jumppad:
0x0: {  	(pc) =	sbr.rel $0x88, $3  }
0x1: {  	(tag) =	ssettag $0x0;
	lr =	simm.s32 $0x1  }
0x2: {  	[smem:$0x3F9B] =	sst lr;
	_ =	strace $0xD0000000  }
0x3: {  	_ = 	snop  }
0x4: {  	_ = 	snop  }
0x5: {  	_ = 	snop  }
0x6: {  	_ = 	snop  }
0x7: {  	_ = 	snop  }
__scs_overlays_trampoline_lowered:
0x8: {  	[smem:$0x3FAA] =	sst s0  }
0x9: {  	[smem:$0x3FAB] =	sst s1  }
0xa: {  	[smem:$0x3FAC] =	sst s2  }
0xb: {  	[smem:$0x3FAD] =	sst s3  }
0xc: {  	[smem:$0x3FAE] =	sst s4  }
0xd: {  	[smem:$0x3FAF] =	sst s5  }
0xe: {  	[smem:$0x3FB0] =	sst s6  }
0xf: {  	[smem:$0x3FB1] =	sst s7  }
0x10: {  	[smem:$0x3FB2] =	sst s8  }
0x11: {  	[smem:$0x3FB3] =	sst s9;
	s0 =	simm.s32 @!p0 $0x0  }
0x12: {  	s1 =	sld [smem:$0x3F99];
	s0 =	simm.s32 @p0 $0x1  }
0x13: {  	[smem:$0x3FB4] =	sst s0;
	s0 =	simm.s32 @!p1 $0x0  }
0x14: {  	s2 =	sld [smem:$0x3F98];
	s0 =	simm.s32 @p1 $0x1  }
0x15: {  	[smem:$0x3FB5] =	sst s0;
	s0 =	simm.s32 @!p2 $0x0  }
0x16: {  	s3 =	sld [smem:$0x3FDB];
	s0 =	simm.s32 @p2 $0x1  }
0x17: {  	s4 =	simm.s32 $0x1BF5;
	[smem:$0x3FB7] =	sst s0  }
0x18: {  	s0 =	sld [smem:$0x3F9A];
	_ =	swait.ge [sflag:s4], $0x0  }
0x19: {  	s7 =	sld [smem:$0x3F9B]  }
0x1a: {  	s8 =	sadd.s32 $0xFFFFE003, lr  }
0x1b: {  	s9 =	sadd.s32 $0xFFFFFEF7, lr;
	s5 =	simm.s32 $0xFFFFFFFF;
	p2 =	slt.u32 s8, $0xFFFFF086  }
0x1c: {  	p1 =	slt.u32 s9, $0xF7A;
	s5 =	simm.s32 @!p2 $0x0  }
0x1d: {  	s5 =	simm.s32 @p1 $0x1;
	p0 =	seq.s32 s7, s2  }
0x1e: {  	s7 =	smul.u32 @!p0 $0xF7A, s2;
	p2 =	seq.s32 @!p0 s5, $0x0  }
0x1f: {  	s9 =	smul.u32 $0xF7A, s1;
	s8 =	simm.s32 @!p0 $0x1BF5;
	p2 =	por !p2, p0  }
0x20: {  	[sflag:s8] =	ssyncset.s32 @!p0 $0xFFFFF086;
	s6 =	sadd.s32 @!p0 s3, s7;
	s7 =	simm.s32 @!p0 $0x108  }
0x21: {  	s3 =	sadd.s32 s3, s9;
	s6 =	sadd.s32 @!p0 $0x88, s6;
	s7 =	simm.s32 @p2 $0x1082  }
0x22: {  	[simem:s7], [sflag:s8] =	dma.local @!p0 [hbm:s6], $0xF7A  }
0x23: {  	s9 =	sor.u32 $0xD0000000, s2;
	s6 =	simm.s32 $0x108;
	_ =	swait.ge @!p0 [sflag:s8], $0x0  }
0x24: {  	s3 =	sadd.s32 $0x88, s3;
	s6 =	simm.s32 @!p1 $0x1082;
	[sflag:s4] =	ssyncset.s32 $0xFFFFF086  }
0x25: {  	[simem:s6], [sflag:s4] =	dma.local [hbm:s3], $0xF7A  }
0x26: {  	[smem:$0x3F9B] =	sst s1;
	(tag) =	ssettag s2;
	_ =	strace s9  }
0x27: {  	s1 =	sld [smem:$0x3FAB]  }
0x28: {  	s2 =	sld [smem:$0x3FAC]  }
0x29: {  	s4 =	sld [smem:$0x3FAE]  }
0x2a: {  	p0 =	seq.s32 s5, $0x0;
	s5 =	sld [smem:$0x3FAF]  }
0x2b: {  	s6 =	sld [smem:$0x3FB0]  }
0x2c: {  	s7 =	sld [smem:$0x3FB1]  }
0x2d: {  	s3 =	simm.s32 $0x108;
	s8 =	sld [smem:$0x3FB2]  }
0x2e: {  	s3 =	simm.s32 @!p0 $0x1082;
	s9 =	sld [smem:$0x3FB3]  }
0x2f: {  	lr =	sadd.s32 s0, s3;
	s0 =	sld [smem:$0x3FAA]  }
0x30: {  	s3 =	sld [smem:$0x3FAD]  }
0x31: {  	[smem:$0x3FB6] =	sst s10  }
0x32: {  	s10 =	sld [smem:$0x3FB4];
	_ =	sdelay $0x3  }
0x33: {  	p0 =	seq.s32 s10, $0x1;
	s10 =	sld [smem:$0x3FB6];
	_ =	sdelay $0x3  }
0x34: {  	[smem:$0x3FB6] =	sst s10  }
0x35: {  	s10 =	sld [smem:$0x3FB5];
	_ =	sdelay $0x3  }
0x36: {  	p1 =	seq.s32 s10, $0x1;
	s10 =	sld [smem:$0x3FB6];
	_ =	sdelay $0x3  }
0x37: {  	[smem:$0x3FB6] =	sst s10  }
0x38: {  	s10 =	sld [smem:$0x3FB7]  }
0x39: {  	_ = 	snop;
	(pc) =	sbr.ind lr, $3  }
0x3a: {  	_ = 	snop  }
0x3b: {  	_ = 	snop  }
0x3c: {  	p2 =	seq.s32 s10, $0x1;
	s10 =	sld [smem:$0x3FB6]  }
0x3d: {  	_ =	shalt  }
0x3e: {  	_ =	shalt  }
0x3f: {  	_ =	shalt  }
0x40: {  	_ =	shalt  }
0x41: {  	_ =	shalt  }
0x42: {  	_ =	shalt  }
0x43: {  	_ =	shalt  }
0x44: {  	_ =	shalt  }
0x45: {  	_ =	shalt  }
0x46: {  	_ =	shalt  }
0x47: {  	_ =	shalt  }
0x48: {  	_ =	shalt  }
0x49: {  	_ =	shalt  }
0x4a: {  	_ =	shalt  }
0x4b: {  	_ =	shalt  }
0x4c: {  	_ =	shalt  }
0x4d: {  	_ =	shalt  }
0x4e: {  	_ =	shalt  }
0x4f: {  	_ =	shalt  }
0x50: {  	_ =	shalt  }
0x51: {  	_ =	shalt  }
0x52: {  	_ =	shalt  }
0x53: {  	_ =	shalt  }
0x54: {  	_ =	shalt  }
0x55: {  	_ =	shalt  }
0x56: {  	_ =	shalt  }
0x57: {  	_ =	shalt  }
0x58: {  	_ =	shalt  }
0x59: {  	_ =	shalt  }
0x5a: {  	_ =	shalt  }
0x5b: {  	_ =	shalt  }
0x5c: {  	_ =	shalt  }
0x5d: {  	_ =	shalt  }
0x5e: {  	_ =	shalt  }
0x5f: {  	_ =	shalt  }
0x60: {  	_ =	shalt  }
0x61: {  	_ =	shalt  }
0x62: {  	_ =	shalt  }
0x63: {  	_ =	shalt  }
0x64: {  	_ =	shalt  }
0x65: {  	_ =	shalt  }
0x66: {  	_ =	shalt  }
0x67: {  	_ =	shalt  }
0x68: {  	_ =	shalt  }
0x69: {  	_ =	shalt  }
0x6a: {  	_ =	shalt  }
0x6b: {  	_ =	shalt  }
0x6c: {  	_ =	shalt  }
0x6d: {  	_ =	shalt  }
0x6e: {  	_ =	shalt  }
0x6f: {  	_ =	shalt  }
0x70: {  	_ =	shalt  }
0x71: {  	_ =	shalt  }
0x72: {  	_ =	shalt  }
0x73: {  	_ =	shalt  }
0x74: {  	_ =	shalt  }
0x75: {  	_ =	shalt  }
0x76: {  	_ =	shalt  }
0x77: {  	_ =	shalt  }
0x78: {  	_ =	shalt  }
0x79: {  	_ =	shalt  }
0x7a: {  	_ =	shalt  }
0x7b: {  	_ =	shalt  }
0x7c: {  	_ =	shalt  }
0x7d: {  	_ =	shalt  }
0x7e: {  	_ =	shalt  }
0x7f: {  	_ =	shalt  }
0x80: {  	_ =	shalt  }
0x81: {  	_ =	shalt  }
0x82: {  	_ =	shalt  }
0x83: {  	_ =	shalt  }
0x84: {  	_ =	shalt  }
0x85: {  	_ =	shalt  }
0x86: {  	_ =	shalt  }
0x87: {  	_ =	shalt  }
.Lfunc_end0:
.L_simem_size_0:
called_computation_lowered:
.L_overlay_start_0:
0x88: {  	s2 =	sld [smem:$0x3FD9]  }
0x89: {  	s3 =	sld [smem:$0x3FFE];
	_ =	sdelay $0x1  }
0x8a: {  	s1 =	srdreg.scid  }
0x8b: {  	s0 =	sand.u32 $0x1, s1  }
0x8c: {  	s16 =	sshll.u32 s0, $0xA;
	s2 =	sadd.s32 s3, s2  }
0x8d: {  	s2 =	sadd.s32 s2, s16  }
0x8e: {  	[smem:$0x3FC2] =	sst s2  }
0x8f: {  	_ = 	snop  }
0x90: {  	(tm) =	ssettm $0x1  }
0x91: {  	s17 =	sld [smem:$0x3FFB];
	_ =	sdelay $0x3  }
0x92: {  	_ =	strace s17  }
0x93: {  	s2 =	sld [smem:$0x3FFC];
	_ =	sdelay $0x3  }
0x94: {  	_ =	strace s2  }
0x95: {  	s2 =	sld [smem:$0x3FFD];
	_ =	sdelay $0x3  }
0x96: {  	_ =	strace s2  }
0x97: {  	_ =	strace $0x8FFFFFFF  }
0x98: {  	s18 =	sld [smem:$0x3FDB];
	_ =	sdelay $0x1  }
0x99: {  	s19 =	simm.s32 $_scs_section_size  }
0x9a: {  	s4 =	simm.s32 $_size__tile_overlayer_lowered;
	s5 =	simm.s32 $_tile_overlayer_lowered  }
0x9b: {  	s22 =	simm.s32 $0x1BFF;
	s21 =	sshll.u32 s5, $0x1;
	s2 =	sadd.s32 s19, s18  }
0x9c: {  	s6 =	simm.s32 $0x0;
	s20 =	sshll.u32 s4, $0x1;
	s4 =	sadd.s32 s21, s2  }
0x9d: {  	[timem:s6], [sflag:s22] =	dma.local [hbm:s4], s20  }
0x9e: {  	_ =	swait.ge [sflag:s22], s20  }
0x9f: {  	s3 =	ssub.s32 $0x0, s20;
	[sflag:s22] =	ssyncset.done $0x0  }
0xa0: {  	[sflag:s22] =	ssyncadd.s32 s3;
	_ =	sdelay $0x1  }
0xa1: {  	s23 =	simm.s32 $0x1B8B  }
0xa2: {  	_ =	swait.ge [sflag:s23], $0x1  }
0xa3: {  	[sflag:s23] =	ssyncset.done $0x0  }
0xa4: {  	s25 =	simm.s32 $0x1B8E;
	s24 =	sld [smem:$0x3FFE];
	[sflag:s23] =	ssyncadd.s32 $0xFFFFFFFF  }
0xa5: {  	s26 =	simm.s32 $execute0_lowered;
	[smem:$0x3FD2] =	sst s25  }
0xa6: {  	s4 =	sshll.u32 s26, $0x1;
	_ =	strace $0x80000046;
	[dreg:$0x1] =	wrdreg $0xFFFFFFFF  }
0xa7: {  	s28 =	simm.s32 $_size_execute0_lowered;
	s2 =	sadd.s32 s2, s4;
	[dreg:$0x0] =	wrdreg $0x0  }
0xa8: {  	s4 =	sshll.u32 s28, $0x1;
	[dreg:$0x2] =	wrdreg s2  }
0xa9: {  	[dreg:$0x3] =	wrdreg s4  }
0xaa: {  	[dreg:$0x4] =	wrdreg $0xC0  }
0xab: {  	_ =	task [dreg:s6], $0x5FFFF  }
0xac: {  	[dreg:$0x1] =	wrdreg $0xFFFFFFFF  }
0xad: {  	[dreg:$0x0] =	wrdreg $0x60  }
0xae: {  	[dreg:$0x2] =	wrdreg s24  }
0xaf: {  	[dreg:$0x3] =	wrdreg $0x9  }
0xb0: {  	_ =	task.clear_ibuf [dreg:s6], $0x4FFFF;
	_ =	strace $0x90000046  }
0xb1: {  	s29 =	simm.s32 $0x9;
	_ =	strace $0x80000048  }
0xb2: {  	_ =	swait.ge [sflag:s29], $0x1  }
0xb3: {  	[sflag:s29] =	ssyncadd.s32 $0xFFFFFFFF  }
0xb4: {  	_ =	strace $0x90000048  }
0xb5: {  	_ =	sfence  }
0xb6: {  	s30 =	sld [smem:$0x0];
	_ =	sdelay $0x2  }
0xb7: {  	s31 =	sshll.u32 s1, $0xD;
	s1 =	sshrl.u32 s1, $0x2  }
0xb8: {  	s3 =	sand.u32 $0x4000, s31;
	s1 =	sadd.s32 s1, s30  }
0xb9: {  	s0 =	sor.u32 s3, s0;
	s1 =	sshll.u32 s1, $0x11  }
0xba: {  	s0 =	sor.u32 s1, s0  }
0xbb: {  	s0 =	sadd.s32 $0x8F2B, s0  }
0xbc: {  	[sflag:s0] =	ssyncadd.remote.s32 $0x1  }
0xbd: {  	_ =	sfence.sel $0xFFFF  }
0xbe: {  	[dreg:$0x0] =	wrdreg $0xFFFFFFFF;
	(pc) =	sbr.abs _section_cstart, $3  }
0xbf: {  	[dreg:$0x1] =	wrdreg $0xFFFFFFFF  }
0xc0: {  	_ =	task.clear_ibuf [dreg:s6], $0x2FFFF;
	_ =	strace $0x9FFFFFFF  }
0xc1: {  	(tm) =	ssettm $0x7FFFFFFF  }
tec
execute0_lowered:
.L_overlay_start_1:
0x0: {  	(tag) =	ssettag $0x1  }
0x1: {  	s0 =	srdreg.scid  }
0x2: {  	s3 =	sand.u32 $0x1, s0  }
0x3: {  	s4 =	rddreg [dreg:$0x0];
	s0 =	stileid.u32;
	s1 =	sshll.u32 s3, $0x4  }
0x4: {  	s2 =	simm.s32 $0x0;
	s8 =	simm.s32 $0x0;
	s5 =	sor.u32 s0, s1  }
0x5: {  	[smem:$0x7FF] =	sst s2;
	s3 =	ssub.s32 $0x2, s3;
	s6 =	smul.u32 $0x500, s5  }
0x6: {  	s1 =	rddreg [dreg:$0x1];
	s7 =	sshrl.u32 s3, $0x1;
	s5 =	smul.u32 $0x4F0, s5  }
0x7: {  	_ =	strace $0x80000047;
	s31 =	ssub.s32 s3, s7;
	s7 =	simm.s32 $0x2800  }
0x8: {  	s6 =	sadd.s32 s6, s4;
	s4 =	sadd.s32 s5, s4;
	s5 =	smax.u32 s31, $0x1  }
0x9: {  	v0 =	vimm.f32 $0.0e+00;
	v1 =	vimm.f32 $1.000000000e+00;
	s3 =	sadd.s32 $0x1600, s6;
	s4 =	sadd.s32 $0xB600, s4;
	s6 =	simm.s32 $0x1  }
.LBB2_1:
0xa: {  	[tilespmem:s2], [sflag:$0x1] =	stream.linear.gather [hbm4b:s3+s2], $0x2800, $0x38;
	[tilespmem:$0x4F80] =	vst v63  }
0xb: {  	_ =	swait.ge [sflag:s6], $0x2800  }
0xc: {  	[sflag:s6] =	ssyncset.done $0x0  }
0xd: {  	s9 =	simm.s32 $0x0;
	[sflag:s6] =	ssyncadd.s32 $0xFFFFD800  }
.LBB2_2:
0xe: {  	p0 =	sne.s32 s9, $0x9DC0  }
.Ltmp0:
0xf: {  	_ = 	snop;
	(pc) =	sbr.rel @p0 .LBB2_2-.Ltmp0, $3  }
0x10: {  	_ =	sdelay $0x1  }
0x11: {  	s10 =	sshra.s32 s9, $0x2  }
0x12: {  	s9 =	sadd.s32 $0x40, s9;
	[tilespmem:s10+$0x2800] =	vst v0  }
0x13: {  	s9 =	simm.s32 $0x0  }
0x14: {  	s10 =	sand.u32 $0xFE00, s9  }
0x15: {  	s9 =	sand.u32 $0x70, s9;
	s10 =	sshrl.u32 s10, $0x2  }
0x16: {  	s9 =	sor.u32 s9, s10  }
0x17: {  	v2 =	vld [tilespmem:s9+$0x0];
	_ =	sdelay $0x4  }
0x18: {  	s11 =	simm.s32 $0x40  }
0x19: {  	s11 =	sand.u32 $0xFE00, s11;
	s10 =	simm.s32 $0x80;
	s9 =	simm.s32 $0x10  }
.LBB2_4:
0x1a: {  	p0 =	sne.s32 s10, $0x9FC0;
	s12 =	sand.u32 $0x70, s9;
	s11 =	sshrl.u32 s11, $0x2  }
0x1b: {  	s11 =	sor.u32 s12, s11;
	[tilespmem:v2+s7+$0x0] =	vst.idx.add.f32.msk $0xffff, v1  }
0x1c: {  	v2 =	vld [tilespmem:s11+$0x0];
	_ =	sdelay $0x1  }
.Ltmp1:
0x1d: {  	(pc) =	sbr.rel @p0 .LBB2_4-.Ltmp1, $2  }
0x1e: {  	_ =	sdelay $0x2  }
0x1f: {  	s9 =	sadd.s32 $0x10, s9;
	s11 =	sand.u32 $0xFE00, s10;
	s10 =	sadd.s32 $0x40, s10  }
0x20: {  	_ =	sdelay $0x2  }
0x21: {  	s9 =	sand.u32 $0x70, s9;
	s10 =	sshrl.u32 s11, $0x2  }
0x22: {  	[tilespmem:v2+s7+$0x0] =	vst.idx.add.f32.msk $0xffff, v1;
	s9 =	sor.u32 s9, s10  }
0x23: {  	v2 =	vld [tilespmem:s9+$0x0];
	_ =	sdelay $0x5  }
0x24: {  	s8 =	sadd.s32 $0x1, s8  }
0x25: {  	p0 =	sne.s32 s8, s5  }
.Ltmp2:
0x26: {  	[tilespmem:v2+s7+$0x0] =	vst.idx.add.f32.msk $0xffff, v1;
	(pc) =	sbr.rel @p0 .LBB2_1-.Ltmp2, $4  }
0x27: {  	[hbm4b:s4+s2] =	stream.linear.scatter [tilespmem:s7], [sflag:$0x1], $0x2780, $0x38;
	[tilespmem:$0x4F80] =	vst v63  }
0x28: {  	_ =	swait.ge [sflag:s6], $0x2780  }
0x29: {  	[sflag:s6] =	ssyncset.done $0x0  }
0x2a: {  	[sflag:s6] =	ssyncadd.s32 $0xFFFFD880  }
0x2b: {  	_ =	sfence.sel $0x180000  }
0x2c: {  	[bflag:$0x0] =	sbarrier.arrive $0xFFFF  }
0x2d: {  	p0 =	sne.s32 s0, $0x0;
	_ =	strace $0x90000047  }
0x2e: {  	s0 =	sadd.s32 @!p0 $0x100000, s1;
	[bflag:$0x2] =	sbarrier.arrive $0xFFFF  }
0x2f: {  	[sflag:s0] =	ssyncadd.tile.s32 @!p0 $0x1;
	_ =	shalt  }
.Lfunc_end2:
_tile_overlayer_lowered:
.L_overlay_start_2:
0x30: {  	(tag) =	ssettag $0x2  }
0x31: {  	s0 =	rddreg [dreg:$0x0];
	s2 =	stileid.u32  }
0x32: {  	s1 =	rddreg [dreg:$0x1];
	p0 =	sne.s32 s2, $0x0  }
0x33: {  	s3 =	rddreg [dreg:$0x2];
	[bflag:$0x3] =	sbarrier.arrive $0xFFFF;
	s2 =	simm.s32 @!p0 $0x1C01  }
0x34: {  	[timem:s3], [sflag:s2] =	dma.local @!p0 [hbm:s0], s1  }
0x35: {  	s0 =	simm.s32 @!p0 $0x1  }
0x36: {  	_ =	swait.ge @!p0 [sflag:s0], s1  }
0x37: {  	s1 =	ssub.s32 @!p0 $0x0, s1;
	[sflag:s0] =	ssyncset.done @!p0 $0x0  }
0x38: {  	[sflag:s0] =	ssyncadd.s32 @!p0 s1  }
0x39: {  	[bflag:$0x3] =	sbarrier.arrive $0xFFFF  }
0x3a: {  	_ =	shalt  }

</sc_bundles>
